<compile_context>
chip_gen: v7x
topology: tpu7x:2x2x1
jax: 0.10.2.dev20260603
libtpu: 0.0.44.dev20260713+nightly
codegen_flags: <defaults>
</compile_context>

<pallas_src>
import functools

import jax
import jax.numpy as jnp
from jax import lax
from jax.experimental import pallas as pl
from jax.experimental.pallas import tpu as pltpu
from jax.experimental.pallas import tpu_sc as plsc

MAX_RANKS = 200
BATCH = 16384
LIST_LEN = 200

NUM_CORES = 2
NUM_SUBCORES = 16
LANES = 16

NW = NUM_CORES * NUM_SUBCORES
COLS_PER = BATCH // NW
ROW_CHUNK = 40
N_CHUNKS = LIST_LEN // ROW_CHUNK
COL_VECS = COLS_PER // LANES

_mesh = plsc.VectorSubcoreMesh(
    core_axis_name="c",
    subcore_axis_name="s",
    num_cores=NUM_CORES,
    num_subcores=NUM_SUBCORES,
)


@functools.partial(
    pl.kernel,
    out_type=jax.ShapeDtypeStruct((LIST_LEN, 1, BATCH), jnp.float32),
    mesh=_mesh,
    compiler_params=pltpu.CompilerParams(needs_layout_passes=False),
    scratch_types=[
        pltpu.VMEM((MAX_RANKS + 8,), jnp.float32),
        pltpu.VMEM((MAX_RANKS,), jnp.float32),
        pltpu.VMEM((ROW_CHUNK, COLS_PER), jnp.int32),
        pltpu.VMEM((ROW_CHUNK, COLS_PER), jnp.int32),
        pltpu.VMEM((ROW_CHUNK, COLS_PER), jnp.float32),
        pltpu.VMEM((ROW_CHUNK, COLS_PER), jnp.float32),
        pltpu.SemaphoreType.DMA,
        pltpu.SemaphoreType.DMA,
    ],
)
def _positional_bias_kernel(
    idx_hbm, w_hbm, out_hbm, t_v, w_v, idx_v0, idx_v1, out_v0, out_v1,
    in_sem, out_sem,
):
    wid = lax.axis_index("s") * NUM_CORES + lax.axis_index("c")
    col0 = wid * COLS_PER

    idx_bufs = (idx_v0, idx_v1)
    out_bufs = (out_v0, out_v1)

    in_copies = [None] * N_CHUNKS
    out_copies = [None] * N_CHUNKS

    in_copies[0] = pltpu.async_copy(
        idx_hbm.at[pl.ds(0, ROW_CHUNK), pl.ds(col0, COLS_PER)],
        idx_bufs[0], in_sem)

    pltpu.sync_copy(w_hbm, w_v)
    for k in range(0, MAX_RANKS, LANES):
        ii = lax.iota(jnp.int32, LANES) + (k - 1)
        safe = jnp.clip(ii, 0, MAX_RANKS - 1)
        g = plsc.load_gather(w_v, [safe])
        t_v[pl.ds(k, LANES)] = jnp.where(ii >= 0, g, 0.0)

    for c in range(N_CHUNKS):
        idx_v = idx_bufs[c % 2]
        out_v = out_bufs[c % 2]

        if c + 1 < N_CHUNKS:
            in_copies[c + 1] = pltpu.async_copy(
                idx_hbm.at[pl.ds((c + 1) * ROW_CHUNK, ROW_CHUNK),
                           pl.ds(col0, COLS_PER)],
                idx_bufs[(c + 1) % 2], in_sem)

        in_copies[c].wait()
        if c >= 2:
            out_copies[c - 2].wait()

        @plsc.parallel_loop(0, ROW_CHUNK, step=1, unroll=8)
        def _gather_body(r):
            for cc in range(COL_VECS):
                raw = idx_v[r, pl.ds(cc * LANES, LANES)]
                out_v[r, pl.ds(cc * LANES, LANES)] = plsc.load_gather(
                    t_v, [raw])

        out_copies[c] = pltpu.async_copy(
            out_v,
            out_hbm.at[pl.ds(c * ROW_CHUNK, ROW_CHUNK), 0,
                       pl.ds(col0, COLS_PER)],
            out_sem)

    out_copies[N_CHUNKS - 2].wait()
    out_copies[N_CHUNKS - 1].wait()


def kernel(inputs, W):
    out3 = _positional_bias_kernel(inputs.T, W.reshape(-1))
    return out3.transpose(2, 0, 1)

# --- scband reference (transcript-rebuilt; emitter-appended) ---
"""Pipeline reference for scband-fixed-additive-positional-bias-28690381537578 (READ-ONLY COPY).

The authoritative reference and input builder live on the scoring server;
editing this copy changes nothing except your own understanding.
"""

import jax, jax.numpy as jnp
import numpy as np

MAX_RANKS = 200
BATCH = 16384
LIST_LEN = 200


def setup_inputs(seed: int = 0) -> dict:
    key = jax.random.key(seed)
    k1, k2 = jax.random.split(key)
    # rank indices; original layer computes one_hot(inputs - 1, depth=max_ranks)
    inputs = jax.random.randint(k1, (BATCH, LIST_LEN), 0, MAX_RANKS, dtype=jnp.int32)
    # Dense(1, use_bias=False) kernel: [max_ranks, 1]
    W = (jax.random.normal(k2, (MAX_RANKS, 1), dtype=jnp.float32) * 0.05)
    return {"inputs": inputs, "W": W}


def reference(inputs, W):
    # Faithful translation of the training=True path:
    #   features = one_hot(inputs - 1, depth=max_ranks)  # [B, L, max_ranks]
    #   out = features @ W                                # [B, L, 1]
    # one_hot(idx) @ W is mathematically identical to a masked embedding gather
    # (out-of-range idx, e.g. inputs==0 -> idx==-1, yields an all-zero one-hot row,
    #  hence a zero output), which maps to SparseCore gather.
    idx = inputs - 1
    valid = (idx >= 0) & (idx < MAX_RANKS)
    safe_idx = jnp.clip(idx, 0, MAX_RANKS - 1)
    gathered = jnp.take(W, safe_idx, axis=0)            # [B, L, 1]
    out = jnp.where(valid[..., None], gathered, 0.0)    # [B, L, 1]
    return out

if __name__ == "__main__":
    import jax
    _d = setup_inputs()
    print(jax.jit(kernel)(*tuple(_d.values())))

</pallas_src>

<mosaic_0001>
#map = affine_map<(d0, d1) -> (0, 0)>
#map1 = affine_map<(d0, d1) -> (0)>
#map2 = affine_map<(d0, d1) -> (0, 0, 0)>
module attributes {stable_mosaic.version = 14 : i64} {
  func.func @_positional_bias_kernel(%arg0: i32, %arg1: i32, %arg2: memref<200x16384xi32, #tpu.memory_space<hbm>>, %arg3: memref<200xf32, #tpu.memory_space<hbm>>, %arg4: memref<200x1x16384xf32, #tpu.memory_space<hbm>>, %arg5: memref<208xf32, #tpu.memory_space<vmem>>, %arg6: memref<200xf32, #tpu.memory_space<vmem>>, %arg7: memref<40x512xi32, #tpu.memory_space<vmem>>, %arg8: memref<40x512xi32, #tpu.memory_space<vmem>>, %arg9: memref<40x512xf32, #tpu.memory_space<vmem>>, %arg10: memref<40x512xf32, #tpu.memory_space<vmem>>, %arg11: memref<!tpu.dma_semaphore, #tpu.memory_space<semaphore_mem>>, %arg12: memref<!tpu.dma_semaphore, #tpu.memory_space<semaphore_mem>>) attributes {dimension_semantics = [#tpu.dimension_semantics<core_parallel>, #tpu.dimension_semantics<subcore_parallel>], iteration_bounds = array<i64: 2, 16>, scalar_prefetch = 0 : i64, scratch_operands = 8 : i64, tpu.core_type = #tpu.core_type<sc_vector_subcore>, window_params = [{transform_indices = #map}, {transform_indices = #map1}, {transform_indices = #map2}]} {
    %mul3A = arith.constant 2 : i32
    %mul3A_0 = arith.muli %arg1, %mul3A : i32
    %add3A = arith.addi %mul3A_0, %arg0 : i32
    %mul3A_1 = arith.constant 512 : i32
    %mul3A_2 = arith.muli %add3A, %mul3A_1 : i32
    %dma_start3A = arith.constant 0 : i32
    %dma_start3A_3 = tpu.memref_slice %arg2[%dma_start3A, %mul3A_2] : memref<200x16384xi32, #tpu.memory_space<hbm>> -> memref<40x512xi32, #tpu.memory_space<hbm>>
    %dma_start3A_4 = arith.constant 0 : i32
    %dma_start3A_5 = tpu.memref_slice %arg2[%dma_start3A_4, %mul3A_2] : memref<200x16384xi32, #tpu.memory_space<hbm>> -> memref<40x512xi32, #tpu.memory_space<hbm>>
    tpu.enqueue_dma source(%dma_start3A_5 : memref<40x512xi32, #tpu.memory_space<hbm>>) target(%arg7 : memref<40x512xi32, #tpu.memory_space<vmem>>) target_semaphore(%arg11 : memref<!tpu.dma_semaphore, #tpu.memory_space<semaphore_mem>>)
    "tpu.region"() ({
      %run_scoped3A = tpu.sem_alloc : memref<!tpu.dma_semaphore, #tpu.memory_space<semaphore_mem>>
      tpu.enqueue_dma source(%arg3 : memref<200xf32, #tpu.memory_space<hbm>>) target(%arg6 : memref<200xf32, #tpu.memory_space<vmem>>) target_semaphore(%run_scoped3A : memref<!tpu.dma_semaphore, #tpu.memory_space<semaphore_mem>>)
      tpu.wait_dma2 semaphore(%run_scoped3A : memref<!tpu.dma_semaphore, #tpu.memory_space<semaphore_mem>>) src(%arg3 : memref<200xf32, #tpu.memory_space<hbm>>) dst(%arg6 : memref<200xf32, #tpu.memory_space<vmem>>)
      tpu.yield
    }) : () -> ()
    %iota3A = tpu.iota {dimensions = array<i32: 0>} : vector<16xi32>
    %add3A_6 = arith.constant -1 : i32
    %add3A_7 = vector.broadcast %add3A_6 : i32 to vector<16xi32>
    %add3A_8 = arith.addi %iota3A, %add3A_7 : vector<16xi32>
    %jit3A = arith.constant 0 : i32
    %jit3A_9 = arith.constant 199 : i32
    %max3A = vector.broadcast %jit3A : i32 to vector<16xi32>
    %max3A_10 = arith.maxsi %max3A, %add3A_8 : vector<16xi32>
    %min3A = vector.broadcast %jit3A_9 : i32 to vector<16xi32>
    %min3A_11 = arith.minsi %min3A, %max3A_10 : vector<16xi32>
    %gather3A = tpu.vector_load_idx %arg6[%min3A_11] : memref<200xf32, #tpu.memory_space<vmem>>[vector<16xi32>], vector<16xf32>,
    %ge3A = arith.constant 0 : i32
    %ge3A_12 = vector.broadcast %ge3A : i32 to vector<16xi32>
    %ge3A_13 = arith.cmpi sge, %add3A_8, %ge3A_12 : vector<16xi32>
    %jit3A_14 = arith.constant 0.000000e+00 : f32
    %broadcast_in_dim3A = vector.broadcast %jit3A_14 : f32 to vector<16xf32>
    %select_n3A = arith.select %ge3A_13, %gather3A, %broadcast_in_dim3A : vector<16xi1>, vector<16xf32>
    %swap3A = arith.constant 0 : index
    %swap3A_15 = tpu.vector_load %arg5[%swap3A] {strides = array<i32>} : memref<208xf32, #tpu.memory_space<vmem>>, vector<16xf32>,
    tpu.vector_store %arg5[%swap3A], %select_n3A {strides = array<i32>} : memref<208xf32, #tpu.memory_space<vmem>>, vector<16xf32>,
    %iota3A_16 = tpu.iota {dimensions = array<i32: 0>} : vector<16xi32>
    %add3A_17 = arith.constant 15 : i32
    %add3A_18 = vector.broadcast %add3A_17 : i32 to vector<16xi32>
    %add3A_19 = arith.addi %iota3A_16, %add3A_18 : vector<16xi32>
    %jit3A_20 = arith.constant 0 : i32
    %jit3A_21 = arith.constant 199 : i32
    %max3A_22 = vector.broadcast %jit3A_20 : i32 to vector<16xi32>
    %max3A_23 = arith.maxsi %max3A_22, %add3A_19 : vector<16xi32>
    %min3A_24 = vector.broadcast %jit3A_21 : i32 to vector<16xi32>
    %min3A_25 = arith.minsi %min3A_24, %max3A_23 : vector<16xi32>
    %gather3A_26 = tpu.vector_load_idx %arg6[%min3A_25] : memref<200xf32, #tpu.memory_space<vmem>>[vector<16xi32>], vector<16xf32>,
    %ge3A_27 = arith.constant 0 : i32
    %ge3A_28 = vector.broadcast %ge3A_27 : i32 to vector<16xi32>
    %ge3A_29 = arith.cmpi sge, %add3A_19, %ge3A_28 : vector<16xi32>
    %jit3A_30 = arith.constant 0.000000e+00 : f32
    %broadcast_in_dim3A_31 = vector.broadcast %jit3A_30 : f32 to vector<16xf32>
    %select_n3A_32 = arith.select %ge3A_29, %gather3A_26, %broadcast_in_dim3A_31 : vector<16xi1>, vector<16xf32>
    %swap3A_33 = arith.constant 16 : index
    %swap3A_34 = tpu.vector_load %arg5[%swap3A_33] {strides = array<i32>} : memref<208xf32, #tpu.memory_space<vmem>>, vector<16xf32>,
    tpu.vector_store %arg5[%swap3A_33], %select_n3A_32 {strides = array<i32>} : memref<208xf32, #tpu.memory_space<vmem>>, vector<16xf32>,
    %iota3A_35 = tpu.iota {dimensions = array<i32: 0>} : vector<16xi32>
    %add3A_36 = arith.constant 31 : i32
    %add3A_37 = vector.broadcast %add3A_36 : i32 to vector<16xi32>
    %add3A_38 = arith.addi %iota3A_35, %add3A_37 : vector<16xi32>
    %jit3A_39 = arith.constant 0 : i32
    %jit3A_40 = arith.constant 199 : i32
    %max3A_41 = vector.broadcast %jit3A_39 : i32 to vector<16xi32>
    %max3A_42 = arith.maxsi %max3A_41, %add3A_38 : vector<16xi32>
    %min3A_43 = vector.broadcast %jit3A_40 : i32 to vector<16xi32>
    %min3A_44 = arith.minsi %min3A_43, %max3A_42 : vector<16xi32>
    %gather3A_45 = tpu.vector_load_idx %arg6[%min3A_44] : memref<200xf32, #tpu.memory_space<vmem>>[vector<16xi32>], vector<16xf32>,
    %ge3A_46 = arith.constant 0 : i32
    %ge3A_47 = vector.broadcast %ge3A_46 : i32 to vector<16xi32>
    %ge3A_48 = arith.cmpi sge, %add3A_38, %ge3A_47 : vector<16xi32>
    %jit3A_49 = arith.constant 0.000000e+00 : f32
    %broadcast_in_dim3A_50 = vector.broadcast %jit3A_49 : f32 to vector<16xf32>
    %select_n3A_51 = arith.select %ge3A_48, %gather3A_45, %broadcast_in_dim3A_50 : vector<16xi1>, vector<16xf32>
    %swap3A_52 = arith.constant 32 : index
    %swap3A_53 = tpu.vector_load %arg5[%swap3A_52] {strides = array<i32>} : memref<208xf32, #tpu.memory_space<vmem>>, vector<16xf32>,
    tpu.vector_store %arg5[%swap3A_52], %select_n3A_51 {strides = array<i32>} : memref<208xf32, #tpu.memory_space<vmem>>, vector<16xf32>,
    %iota3A_54 = tpu.iota {dimensions = array<i32: 0>} : vector<16xi32>
    %add3A_55 = arith.constant 47 : i32
    %add3A_56 = vector.broadcast %add3A_55 : i32 to vector<16xi32>
    %add3A_57 = arith.addi %iota3A_54, %add3A_56 : vector<16xi32>
    %jit3A_58 = arith.constant 0 : i32
    %jit3A_59 = arith.constant 199 : i32
    %max3A_60 = vector.broadcast %jit3A_58 : i32 to vector<16xi32>
    %max3A_61 = arith.maxsi %max3A_60, %add3A_57 : vector<16xi32>
    %min3A_62 = vector.broadcast %jit3A_59 : i32 to vector<16xi32>
    %min3A_63 = arith.minsi %min3A_62, %max3A_61 : vector<16xi32>
    %gather3A_64 = tpu.vector_load_idx %arg6[%min3A_63] : memref<200xf32, #tpu.memory_space<vmem>>[vector<16xi32>], vector<16xf32>,
    %ge3A_65 = arith.constant 0 : i32
    %ge3A_66 = vector.broadcast %ge3A_65 : i32 to vector<16xi32>
    %ge3A_67 = arith.cmpi sge, %add3A_57, %ge3A_66 : vector<16xi32>
    %jit3A_68 = arith.constant 0.000000e+00 : f32
    %broadcast_in_dim3A_69 = vector.broadcast %jit3A_68 : f32 to vector<16xf32>
    %select_n3A_70 = arith.select %ge3A_67, %gather3A_64, %broadcast_in_dim3A_69 : vector<16xi1>, vector<16xf32>
    %swap3A_71 = arith.constant 48 : index
    %swap3A_72 = tpu.vector_load %arg5[%swap3A_71] {strides = array<i32>} : memref<208xf32, #tpu.memory_space<vmem>>, vector<16xf32>,
    tpu.vector_store %arg5[%swap3A_71], %select_n3A_70 {strides = array<i32>} : memref<208xf32, #tpu.memory_space<vmem>>, vector<16xf32>,
    %iota3A_73 = tpu.iota {dimensions = array<i32: 0>} : vector<16xi32>
    %add3A_74 = arith.constant 63 : i32
    %add3A_75 = vector.broadcast %add3A_74 : i32 to vector<16xi32>
    %add3A_76 = arith.addi %iota3A_73, %add3A_75 : vector<16xi32>
    %jit3A_77 = arith.constant 0 : i32
    %jit3A_78 = arith.constant 199 : i32
    %max3A_79 = vector.broadcast %jit3A_77 : i32 to vector<16xi32>
    %max3A_80 = arith.maxsi %max3A_79, %add3A_76 : vector<16xi32>
    %min3A_81 = vector.broadcast %jit3A_78 : i32 to vector<16xi32>
    %min3A_82 = arith.minsi %min3A_81, %max3A_80 : vector<16xi32>
    %gather3A_83 = tpu.vector_load_idx %arg6[%min3A_82] : memref<200xf32, #tpu.memory_space<vmem>>[vector<16xi32>], vector<16xf32>,
    %ge3A_84 = arith.constant 0 : i32
    %ge3A_85 = vector.broadcast %ge3A_84 : i32 to vector<16xi32>
    %ge3A_86 = arith.cmpi sge, %add3A_76, %ge3A_85 : vector<16xi32>
    %jit3A_87 = arith.constant 0.000000e+00 : f32
    %broadcast_in_dim3A_88 = vector.broadcast %jit3A_87 : f32 to vector<16xf32>
    %select_n3A_89 = arith.select %ge3A_86, %gather3A_83, %broadcast_in_dim3A_88 : vector<16xi1>, vector<16xf32>
    %swap3A_90 = arith.constant 64 : index
    %swap3A_91 = tpu.vector_load %arg5[%swap3A_90] {strides = array<i32>} : memref<208xf32, #tpu.memory_space<vmem>>, vector<16xf32>,
    tpu.vector_store %arg5[%swap3A_90], %select_n3A_89 {strides = array<i32>} : memref<208xf32, #tpu.memory_space<vmem>>, vector<16xf32>,
    %iota3A_92 = tpu.iota {dimensions = array<i32: 0>} : vector<16xi32>
    %add3A_93 = arith.constant 79 : i32
    %add3A_94 = vector.broadcast %add3A_93 : i32 to vector<16xi32>
    %add3A_95 = arith.addi %iota3A_92, %add3A_94 : vector<16xi32>
    %jit3A_96 = arith.constant 0 : i32
    %jit3A_97 = arith.constant 199 : i32
    %max3A_98 = vector.broadcast %jit3A_96 : i32 to vector<16xi32>
    %max3A_99 = arith.maxsi %max3A_98, %add3A_95 : vector<16xi32>
    %min3A_100 = vector.broadcast %jit3A_97 : i32 to vector<16xi32>
    %min3A_101 = arith.minsi %min3A_100, %max3A_99 : vector<16xi32>
    %gather3A_102 = tpu.vector_load_idx %arg6[%min3A_101] : memref<200xf32, #tpu.memory_space<vmem>>[vector<16xi32>], vector<16xf32>,
    %ge3A_103 = arith.constant 0 : i32
    %ge3A_104 = vector.broadcast %ge3A_103 : i32 to vector<16xi32>
    %ge3A_105 = arith.cmpi sge, %add3A_95, %ge3A_104 : vector<16xi32>
    %jit3A_106 = arith.constant 0.000000e+00 : f32
    %broadcast_in_dim3A_107 = vector.broadcast %jit3A_106 : f32 to vector<16xf32>
    %select_n3A_108 = arith.select %ge3A_105, %gather3A_102, %broadcast_in_dim3A_107 : vector<16xi1>, vector<16xf32>
    %swap3A_109 = arith.constant 80 : index
    %swap3A_110 = tpu.vector_load %arg5[%swap3A_109] {strides = array<i32>} : memref<208xf32, #tpu.memory_space<vmem>>, vector<16xf32>,
    tpu.vector_store %arg5[%swap3A_109], %select_n3A_108 {strides = array<i32>} : memref<208xf32, #tpu.memory_space<vmem>>, vector<16xf32>,
    %iota3A_111 = tpu.iota {dimensions = array<i32: 0>} : vector<16xi32>
    %add3A_112 = arith.constant 95 : i32
    %add3A_113 = vector.broadcast %add3A_112 : i32 to vector<16xi32>
    %add3A_114 = arith.addi %iota3A_111, %add3A_113 : vector<16xi32>
    %jit3A_115 = arith.constant 0 : i32
    %jit3A_116 = arith.constant 199 : i32
    %max3A_117 = vector.broadcast %jit3A_115 : i32 to vector<16xi32>
    %max3A_118 = arith.maxsi %max3A_117, %add3A_114 : vector<16xi32>
    %min3A_119 = vector.broadcast %jit3A_116 : i32 to vector<16xi32>
    %min3A_120 = arith.minsi %min3A_119, %max3A_118 : vector<16xi32>
    %gather3A_121 = tpu.vector_load_idx %arg6[%min3A_120] : memref<200xf32, #tpu.memory_space<vmem>>[vector<16xi32>], vector<16xf32>,
    %ge3A_122 = arith.constant 0 : i32
    %ge3A_123 = vector.broadcast %ge3A_122 : i32 to vector<16xi32>
    %ge3A_124 = arith.cmpi sge, %add3A_114, %ge3A_123 : vector<16xi32>
    %jit3A_125 = arith.constant 0.000000e+00 : f32
    %broadcast_in_dim3A_126 = vector.broadcast %jit3A_125 : f32 to vector<16xf32>
    %select_n3A_127 = arith.select %ge3A_124, %gather3A_121, %broadcast_in_dim3A_126 : vector<16xi1>, vector<16xf32>
    %swap3A_128 = arith.constant 96 : index
    %swap3A_129 = tpu.vector_load %arg5[%swap3A_128] {strides = array<i32>} : memref<208xf32, #tpu.memory_space<vmem>>, vector<16xf32>,
    tpu.vector_store %arg5[%swap3A_128], %select_n3A_127 {strides = array<i32>} : memref<208xf32, #tpu.memory_space<vmem>>, vector<16xf32>,
    %iota3A_130 = tpu.iota {dimensions = array<i32: 0>} : vector<16xi32>
    %add3A_131 = arith.constant 111 : i32
    %add3A_132 = vector.broadcast %add3A_131 : i32 to vector<16xi32>
    %add3A_133 = arith.addi %iota3A_130, %add3A_132 : vector<16xi32>
    %jit3A_134 = arith.constant 0 : i32
    %jit3A_135 = arith.constant 199 : i32
    %max3A_136 = vector.broadcast %jit3A_134 : i32 to vector<16xi32>
    %max3A_137 = arith.maxsi %max3A_136, %add3A_133 : vector<16xi32>
    %min3A_138 = vector.broadcast %jit3A_135 : i32 to vector<16xi32>
    %min3A_139 = arith.minsi %min3A_138, %max3A_137 : vector<16xi32>
    %gather3A_140 = tpu.vector_load_idx %arg6[%min3A_139] : memref<200xf32, #tpu.memory_space<vmem>>[vector<16xi32>], vector<16xf32>,
    %ge3A_141 = arith.constant 0 : i32
    %ge3A_142 = vector.broadcast %ge3A_141 : i32 to vector<16xi32>
    %ge3A_143 = arith.cmpi sge, %add3A_133, %ge3A_142 : vector<16xi32>
    %jit3A_144 = arith.constant 0.000000e+00 : f32
    %broadcast_in_dim3A_145 = vector.broadcast %jit3A_144 : f32 to vector<16xf32>
    %select_n3A_146 = arith.select %ge3A_143, %gather3A_140, %broadcast_in_dim3A_145 : vector<16xi1>, vector<16xf32>
    %swap3A_147 = arith.constant 112 : index
    %swap3A_148 = tpu.vector_load %arg5[%swap3A_147] {strides = array<i32>} : memref<208xf32, #tpu.memory_space<vmem>>, vector<16xf32>,
    tpu.vector_store %arg5[%swap3A_147], %select_n3A_146 {strides = array<i32>} : memref<208xf32, #tpu.memory_space<vmem>>, vector<16xf32>,
    %iota3A_149 = tpu.iota {dimensions = array<i32: 0>} : vector<16xi32>
    %add3A_150 = arith.constant 127 : i32
    %add3A_151 = vector.broadcast %add3A_150 : i32 to vector<16xi32>
    %add3A_152 = arith.addi %iota3A_149, %add3A_151 : vector<16xi32>
    %jit3A_153 = arith.constant 0 : i32
    %jit3A_154 = arith.constant 199 : i32
    %max3A_155 = vector.broadcast %jit3A_153 : i32 to vector<16xi32>
    %max3A_156 = arith.maxsi %max3A_155, %add3A_152 : vector<16xi32>
    %min3A_157 = vector.broadcast %jit3A_154 : i32 to vector<16xi32>
    %min3A_158 = arith.minsi %min3A_157, %max3A_156 : vector<16xi32>
    %gather3A_159 = tpu.vector_load_idx %arg6[%min3A_158] : memref<200xf32, #tpu.memory_space<vmem>>[vector<16xi32>], vector<16xf32>,
    %ge3A_160 = arith.constant 0 : i32
    %ge3A_161 = vector.broadcast %ge3A_160 : i32 to vector<16xi32>
    %ge3A_162 = arith.cmpi sge, %add3A_152, %ge3A_161 : vector<16xi32>
    %jit3A_163 = arith.constant 0.000000e+00 : f32
    %broadcast_in_dim3A_164 = vector.broadcast %jit3A_163 : f32 to vector<16xf32>
    %select_n3A_165 = arith.select %ge3A_162, %gather3A_159, %broadcast_in_dim3A_164 : vector<16xi1>, vector<16xf32>
    %swap3A_166 = arith.constant 128 : index
    %swap3A_167 = tpu.vector_load %arg5[%swap3A_166] {strides = array<i32>} : memref<208xf32, #tpu.memory_space<vmem>>, vector<16xf32>,
    tpu.vector_store %arg5[%swap3A_166], %select_n3A_165 {strides = array<i32>} : memref<208xf32, #tpu.memory_space<vmem>>, vector<16xf32>,
    %iota3A_168 = tpu.iota {dimensions = array<i32: 0>} : vector<16xi32>
    %add3A_169 = arith.constant 143 : i32
    %add3A_170 = vector.broadcast %add3A_169 : i32 to vector<16xi32>
    %add3A_171 = arith.addi %iota3A_168, %add3A_170 : vector<16xi32>
    %jit3A_172 = arith.constant 0 : i32
    %jit3A_173 = arith.constant 199 : i32
    %max3A_174 = vector.broadcast %jit3A_172 : i32 to vector<16xi32>
    %max3A_175 = arith.maxsi %max3A_174, %add3A_171 : vector<16xi32>
    %min3A_176 = vector.broadcast %jit3A_173 : i32 to vector<16xi32>
    %min3A_177 = arith.minsi %min3A_176, %max3A_175 : vector<16xi32>
    %gather3A_178 = tpu.vector_load_idx %arg6[%min3A_177] : memref<200xf32, #tpu.memory_space<vmem>>[vector<16xi32>], vector<16xf32>,
    %ge3A_179 = arith.constant 0 : i32
    %ge3A_180 = vector.broadcast %ge3A_179 : i32 to vector<16xi32>
    %ge3A_181 = arith.cmpi sge, %add3A_171, %ge3A_180 : vector<16xi32>
    %jit3A_182 = arith.constant 0.000000e+00 : f32
    %broadcast_in_dim3A_183 = vector.broadcast %jit3A_182 : f32 to vector<16xf32>
    %select_n3A_184 = arith.select %ge3A_181, %gather3A_178, %broadcast_in_dim3A_183 : vector<16xi1>, vector<16xf32>
    %swap3A_185 = arith.constant 144 : index
    %swap3A_186 = tpu.vector_load %arg5[%swap3A_185] {strides = array<i32>} : memref<208xf32, #tpu.memory_space<vmem>>, vector<16xf32>,
    tpu.vector_store %arg5[%swap3A_185], %select_n3A_184 {strides = array<i32>} : memref<208xf32, #tpu.memory_space<vmem>>, vector<16xf32>,
    %iota3A_187 = tpu.iota {dimensions = array<i32: 0>} : vector<16xi32>
    %add3A_188 = arith.constant 159 : i32
    %add3A_189 = vector.broadcast %add3A_188 : i32 to vector<16xi32>
    %add3A_190 = arith.addi %iota3A_187, %add3A_189 : vector<16xi32>
    %jit3A_191 = arith.constant 0 : i32
    %jit3A_192 = arith.constant 199 : i32
    %max3A_193 = vector.broadcast %jit3A_191 : i32 to vector<16xi32>
    %max3A_194 = arith.maxsi %max3A_193, %add3A_190 : vector<16xi32>
    %min3A_195 = vector.broadcast %jit3A_192 : i32 to vector<16xi32>
    %min3A_196 = arith.minsi %min3A_195, %max3A_194 : vector<16xi32>
    %gather3A_197 = tpu.vector_load_idx %arg6[%min3A_196] : memref<200xf32, #tpu.memory_space<vmem>>[vector<16xi32>], vector<16xf32>,
    %ge3A_198 = arith.constant 0 : i32
    %ge3A_199 = vector.broadcast %ge3A_198 : i32 to vector<16xi32>
    %ge3A_200 = arith.cmpi sge, %add3A_190, %ge3A_199 : vector<16xi32>
    %jit3A_201 = arith.constant 0.000000e+00 : f32
    %broadcast_in_dim3A_202 = vector.broadcast %jit3A_201 : f32 to vector<16xf32>
    %select_n3A_203 = arith.select %ge3A_200, %gather3A_197, %broadcast_in_dim3A_202 : vector<16xi1>, vector<16xf32>
    %swap3A_204 = arith.constant 160 : index
    %swap3A_205 = tpu.vector_load %arg5[%swap3A_204] {strides = array<i32>} : memref<208xf32, #tpu.memory_space<vmem>>, vector<16xf32>,
    tpu.vector_store %arg5[%swap3A_204], %select_n3A_203 {strides = array<i32>} : memref<208xf32, #tpu.memory_space<vmem>>, vector<16xf32>,
    %iota3A_206 = tpu.iota {dimensions = array<i32: 0>} : vector<16xi32>
    %add3A_207 = arith.constant 175 : i32
    %add3A_208 = vector.broadcast %add3A_207 : i32 to vector<16xi32>
    %add3A_209 = arith.addi %iota3A_206, %add3A_208 : vector<16xi32>
    %jit3A_210 = arith.constant 0 : i32
    %jit3A_211 = arith.constant 199 : i32
    %max3A_212 = vector.broadcast %jit3A_210 : i32 to vector<16xi32>
    %max3A_213 = arith.maxsi %max3A_212, %add3A_209 : vector<16xi32>
    %min3A_214 = vector.broadcast %jit3A_211 : i32 to vector<16xi32>
    %min3A_215 = arith.minsi %min3A_214, %max3A_213 : vector<16xi32>
    %gather3A_216 = tpu.vector_load_idx %arg6[%min3A_215] : memref<200xf32, #tpu.memory_space<vmem>>[vector<16xi32>], vector<16xf32>,
    %ge3A_217 = arith.constant 0 : i32
    %ge3A_218 = vector.broadcast %ge3A_217 : i32 to vector<16xi32>
    %ge3A_219 = arith.cmpi sge, %add3A_209, %ge3A_218 : vector<16xi32>
    %jit3A_220 = arith.constant 0.000000e+00 : f32
    %broadcast_in_dim3A_221 = vector.broadcast %jit3A_220 : f32 to vector<16xf32>
    %select_n3A_222 = arith.select %ge3A_219, %gather3A_216, %broadcast_in_dim3A_221 : vector<16xi1>, vector<16xf32>
    %swap3A_223 = arith.constant 176 : index
    %swap3A_224 = tpu.vector_load %arg5[%swap3A_223] {strides = array<i32>} : memref<208xf32, #tpu.memory_space<vmem>>, vector<16xf32>,
    tpu.vector_store %arg5[%swap3A_223], %select_n3A_222 {strides = array<i32>} : memref<208xf32, #tpu.memory_space<vmem>>, vector<16xf32>,
    %iota3A_225 = tpu.iota {dimensions = array<i32: 0>} : vector<16xi32>
    %add3A_226 = arith.constant 191 : i32
    %add3A_227 = vector.broadcast %add3A_226 : i32 to vector<16xi32>
    %add3A_228 = arith.addi %iota3A_225, %add3A_227 : vector<16xi32>
    %jit3A_229 = arith.constant 0 : i32
    %jit3A_230 = arith.constant 199 : i32
    %max3A_231 = vector.broadcast %jit3A_229 : i32 to vector<16xi32>
    %max3A_232 = arith.maxsi %max3A_231, %add3A_228 : vector<16xi32>
    %min3A_233 = vector.broadcast %jit3A_230 : i32 to vector<16xi32>
    %min3A_234 = arith.minsi %min3A_233, %max3A_232 : vector<16xi32>
    %gather3A_235 = tpu.vector_load_idx %arg6[%min3A_234] : memref<200xf32, #tpu.memory_space<vmem>>[vector<16xi32>], vector<16xf32>,
    %ge3A_236 = arith.constant 0 : i32
    %ge3A_237 = vector.broadcast %ge3A_236 : i32 to vector<16xi32>
    %ge3A_238 = arith.cmpi sge, %add3A_228, %ge3A_237 : vector<16xi32>
    %jit3A_239 = arith.constant 0.000000e+00 : f32
    %broadcast_in_dim3A_240 = vector.broadcast %jit3A_239 : f32 to vector<16xf32>
    %select_n3A_241 = arith.select %ge3A_238, %gather3A_235, %broadcast_in_dim3A_240 : vector<16xi1>, vector<16xf32>
    %swap3A_242 = arith.constant 192 : index
    %swap3A_243 = tpu.vector_load %arg5[%swap3A_242] {strides = array<i32>} : memref<208xf32, #tpu.memory_space<vmem>>, vector<16xf32>,
    tpu.vector_store %arg5[%swap3A_242], %select_n3A_241 {strides = array<i32>} : memref<208xf32, #tpu.memory_space<vmem>>, vector<16xf32>,
    %dma_start3A_244 = arith.constant 40 : i32
    %dma_start3A_245 = tpu.memref_slice %arg2[%dma_start3A_244, %mul3A_2] : memref<200x16384xi32, #tpu.memory_space<hbm>> -> memref<40x512xi32, #tpu.memory_space<hbm>>
    %dma_start3A_246 = arith.constant 40 : i32
    %dma_start3A_247 = tpu.memref_slice %arg2[%dma_start3A_246, %mul3A_2] : memref<200x16384xi32, #tpu.memory_space<hbm>> -> memref<40x512xi32, #tpu.memory_space<hbm>>
    tpu.enqueue_dma source(%dma_start3A_247 : memref<40x512xi32, #tpu.memory_space<hbm>>) target(%arg8 : memref<40x512xi32, #tpu.memory_space<vmem>>) target_semaphore(%arg11 : memref<!tpu.dma_semaphore, #tpu.memory_space<semaphore_mem>>)
    %dma_wait3A = arith.constant 0 : i32
    %dma_wait3A_248 = tpu.memref_slice %arg2[%dma_wait3A, %mul3A_2] : memref<200x16384xi32, #tpu.memory_space<hbm>> -> memref<40x512xi32, #tpu.memory_space<hbm>>
    %dma_wait3A_249 = arith.constant 0 : i32
    %dma_wait3A_250 = tpu.memref_slice %arg2[%dma_wait3A_249, %mul3A_2] : memref<200x16384xi32, #tpu.memory_space<hbm>> -> memref<40x512xi32, #tpu.memory_space<hbm>>
    tpu.wait_dma2 semaphore(%arg11 : memref<!tpu.dma_semaphore, #tpu.memory_space<semaphore_mem>>) src(%dma_wait3A_250 : memref<40x512xi32, #tpu.memory_space<hbm>>) dst(%arg7 : memref<40x512xi32, #tpu.memory_space<vmem>>)
    %parallel_loop3A = arith.constant 0 : i32
    %parallel_loop3A_251 = arith.constant 40 : i32
    %parallel_loop3A_252 = arith.constant 1 : i32
    scf.for %parallel_loop3A_363 = %parallel_loop3A to %parallel_loop3A_251 step %parallel_loop3A_252  : i32 {
      %parallel_loop3A_364 = arith.index_cast %parallel_loop3A_363 : i32 to index
      %parallel_loop3A_365 = arith.constant 0 : index
      %parallel_loop3A_366 = tpu.vector_load %arg7[%parallel_loop3A_364, %parallel_loop3A_365] {strides = array<i32>} : memref<40x512xi32, #tpu.memory_space<vmem>>, vector<16xi32>,
      %parallel_loop3A_367 = tpu.vector_load_idx %arg5[%parallel_loop3A_366] : memref<208xf32, #tpu.memory_space<vmem>>[vector<16xi32>], vector<16xf32>,
      %parallel_loop3A_368 = arith.index_cast %parallel_loop3A_363 : i32 to index
      %parallel_loop3A_369 = arith.constant 0 : index
      %parallel_loop3A_370 = tpu.vector_load %arg9[%parallel_loop3A_368, %parallel_loop3A_369] {strides = array<i32>} : memref<40x512xf32, #tpu.memory_space<vmem>>, vector<16xf32>,
      tpu.vector_store %arg9[%parallel_loop3A_368, %parallel_loop3A_369], %parallel_loop3A_367 {strides = array<i32>} : memref<40x512xf32, #tpu.memory_space<vmem>>, vector<16xf32>,
      %parallel_loop3A_371 = arith.index_cast %parallel_loop3A_363 : i32 to index
      %parallel_loop3A_372 = arith.constant 16 : index
      %parallel_loop3A_373 = tpu.vector_load %arg7[%parallel_loop3A_371, %parallel_loop3A_372] {strides = array<i32>} : memref<40x512xi32, #tpu.memory_space<vmem>>, vector<16xi32>,
      %parallel_loop3A_374 = tpu.vector_load_idx %arg5[%parallel_loop3A_373] : memref<208xf32, #tpu.memory_space<vmem>>[vector<16xi32>], vector<16xf32>,
      %parallel_loop3A_375 = arith.index_cast %parallel_loop3A_363 : i32 to index
      %parallel_loop3A_376 = arith.constant 16 : index
      %parallel_loop3A_377 = tpu.vector_load %arg9[%parallel_loop3A_375, %parallel_loop3A_376] {strides = array<i32>} : memref<40x512xf32, #tpu.memory_space<vmem>>, vector<16xf32>,
      tpu.vector_store %arg9[%parallel_loop3A_375, %parallel_loop3A_376], %parallel_loop3A_374 {strides = array<i32>} : memref<40x512xf32, #tpu.memory_space<vmem>>, vector<16xf32>,
      %parallel_loop3A_378 = arith.index_cast %parallel_loop3A_363 : i32 to index
      %parallel_loop3A_379 = arith.constant 32 : index
      %parallel_loop3A_380 = tpu.vector_load %arg7[%parallel_loop3A_378, %parallel_loop3A_379] {strides = array<i32>} : memref<40x512xi32, #tpu.memory_space<vmem>>, vector<16xi32>,
      %parallel_loop3A_381 = tpu.vector_load_idx %arg5[%parallel_loop3A_380] : memref<208xf32, #tpu.memory_space<vmem>>[vector<16xi32>], vector<16xf32>,
      %parallel_loop3A_382 = arith.index_cast %parallel_loop3A_363 : i32 to index
      %parallel_loop3A_383 = arith.constant 32 : index
      %parallel_loop3A_384 = tpu.vector_load %arg9[%parallel_loop3A_382, %parallel_loop3A_383] {strides = array<i32>} : memref<40x512xf32, #tpu.memory_space<vmem>>, vector<16xf32>,
      tpu.vector_store %arg9[%parallel_loop3A_382, %parallel_loop3A_383], %parallel_loop3A_381 {strides = array<i32>} : memref<40x512xf32, #tpu.memory_space<vmem>>, vector<16xf32>,
      %parallel_loop3A_385 = arith.index_cast %parallel_loop3A_363 : i32 to index
      %parallel_loop3A_386 = arith.constant 48 : index
      %parallel_loop3A_387 = tpu.vector_load %arg7[%parallel_loop3A_385, %parallel_loop3A_386] {strides = array<i32>} : memref<40x512xi32, #tpu.memory_space<vmem>>, vector<16xi32>,
      %parallel_loop3A_388 = tpu.vector_load_idx %arg5[%parallel_loop3A_387] : memref<208xf32, #tpu.memory_space<vmem>>[vector<16xi32>], vector<16xf32>,
      %parallel_loop3A_389 = arith.index_cast %parallel_loop3A_363 : i32 to index
      %parallel_loop3A_390 = arith.constant 48 : index
      %parallel_loop3A_391 = tpu.vector_load %arg9[%parallel_loop3A_389, %parallel_loop3A_390] {strides = array<i32>} : memref<40x512xf32, #tpu.memory_space<vmem>>, vector<16xf32>,
      tpu.vector_store %arg9[%parallel_loop3A_389, %parallel_loop3A_390], %parallel_loop3A_388 {strides = array<i32>} : memref<40x512xf32, #tpu.memory_space<vmem>>, vector<16xf32>,
      %parallel_loop3A_392 = arith.index_cast %parallel_loop3A_363 : i32 to index
      %parallel_loop3A_393 = arith.constant 64 : index
      %parallel_loop3A_394 = tpu.vector_load %arg7[%parallel_loop3A_392, %parallel_loop3A_393] {strides = array<i32>} : memref<40x512xi32, #tpu.memory_space<vmem>>, vector<16xi32>,
      %parallel_loop3A_395 = tpu.vector_load_idx %arg5[%parallel_loop3A_394] : memref<208xf32, #tpu.memory_space<vmem>>[vector<16xi32>], vector<16xf32>,
      %parallel_loop3A_396 = arith.index_cast %parallel_loop3A_363 : i32 to index
      %parallel_loop3A_397 = arith.constant 64 : index
      %parallel_loop3A_398 = tpu.vector_load %arg9[%parallel_loop3A_396, %parallel_loop3A_397] {strides = array<i32>} : memref<40x512xf32, #tpu.memory_space<vmem>>, vector<16xf32>,
      tpu.vector_store %arg9[%parallel_loop3A_396, %parallel_loop3A_397], %parallel_loop3A_395 {strides = array<i32>} : memref<40x512xf32, #tpu.memory_space<vmem>>, vector<16xf32>,
      %parallel_loop3A_399 = arith.index_cast %parallel_loop3A_363 : i32 to index
      %parallel_loop3A_400 = arith.constant 80 : index
      %parallel_loop3A_401 = tpu.vector_load %arg7[%parallel_loop3A_399, %parallel_loop3A_400] {strides = array<i32>} : memref<40x512xi32, #tpu.memory_space<vmem>>, vector<16xi32>,
      %parallel_loop3A_402 = tpu.vector_load_idx %arg5[%parallel_loop3A_401] : memref<208xf32, #tpu.memory_space<vmem>>[vector<16xi32>], vector<16xf32>,
      %parallel_loop3A_403 = arith.index_cast %parallel_loop3A_363 : i32 to index
      %parallel_loop3A_404 = arith.constant 80 : index
      %parallel_loop3A_405 = tpu.vector_load %arg9[%parallel_loop3A_403, %parallel_loop3A_404] {strides = array<i32>} : memref<40x512xf32, #tpu.memory_space<vmem>>, vector<16xf32>,
      tpu.vector_store %arg9[%parallel_loop3A_403, %parallel_loop3A_404], %parallel_loop3A_402 {strides = array<i32>} : memref<40x512xf32, #tpu.memory_space<vmem>>, vector<16xf32>,
      %parallel_loop3A_406 = arith.index_cast %parallel_loop3A_363 : i32 to index
      %parallel_loop3A_407 = arith.constant 96 : index
      %parallel_loop3A_408 = tpu.vector_load %arg7[%parallel_loop3A_406, %parallel_loop3A_407] {strides = array<i32>} : memref<40x512xi32, #tpu.memory_space<vmem>>, vector<16xi32>,
      %parallel_loop3A_409 = tpu.vector_load_idx %arg5[%parallel_loop3A_408] : memref<208xf32, #tpu.memory_space<vmem>>[vector<16xi32>], vector<16xf32>,
      %parallel_loop3A_410 = arith.index_cast %parallel_loop3A_363 : i32 to index
      %parallel_loop3A_411 = arith.constant 96 : index
      %parallel_loop3A_412 = tpu.vector_load %arg9[%parallel_loop3A_410, %parallel_loop3A_411] {strides = array<i32>} : memref<40x512xf32, #tpu.memory_space<vmem>>, vector<16xf32>,
      tpu.vector_store %arg9[%parallel_loop3A_410, %parallel_loop3A_411], %parallel_loop3A_409 {strides = array<i32>} : memref<40x512xf32, #tpu.memory_space<vmem>>, vector<16xf32>,
      %parallel_loop3A_413 = arith.index_cast %parallel_loop3A_363 : i32 to index
      %parallel_loop3A_414 = arith.constant 112 : index
      %parallel_loop3A_415 = tpu.vector_load %arg7[%parallel_loop3A_413, %parallel_loop3A_414] {strides = array<i32>} : memref<40x512xi32, #tpu.memory_space<vmem>>, vector<16xi32>,
      %parallel_loop3A_416 = tpu.vector_load_idx %arg5[%parallel_loop3A_415] : memref<208xf32, #tpu.memory_space<vmem>>[vector<16xi32>], vector<16xf32>,
      %parallel_loop3A_417 = arith.index_cast %parallel_loop3A_363 : i32 to index
      %parallel_loop3A_418 = arith.constant 112 : index
      %parallel_loop3A_419 = tpu.vector_load %arg9[%parallel_loop3A_417, %parallel_loop3A_418] {strides = array<i32>} : memref<40x512xf32, #tpu.memory_space<vmem>>, vector<16xf32>,
      tpu.vector_store %arg9[%parallel_loop3A_417, %parallel_loop3A_418], %parallel_loop3A_416 {strides = array<i32>} : memref<40x512xf32, #tpu.memory_space<vmem>>, vector<16xf32>,
      %parallel_loop3A_420 = arith.index_cast %parallel_loop3A_363 : i32 to index
      %parallel_loop3A_421 = arith.constant 128 : index
      %parallel_loop3A_422 = tpu.vector_load %arg7[%parallel_loop3A_420, %parallel_loop3A_421] {strides = array<i32>} : memref<40x512xi32, #tpu.memory_space<vmem>>, vector<16xi32>,
      %parallel_loop3A_423 = tpu.vector_load_idx %arg5[%parallel_loop3A_422] : memref<208xf32, #tpu.memory_space<vmem>>[vector<16xi32>], vector<16xf32>,
      %parallel_loop3A_424 = arith.index_cast %parallel_loop3A_363 : i32 to index
      %parallel_loop3A_425 = arith.constant 128 : index
      %parallel_loop3A_426 = tpu.vector_load %arg9[%parallel_loop3A_424, %parallel_loop3A_425] {strides = array<i32>} : memref<40x512xf32, #tpu.memory_space<vmem>>, vector<16xf32>,
      tpu.vector_store %arg9[%parallel_loop3A_424, %parallel_loop3A_425], %parallel_loop3A_423 {strides = array<i32>} : memref<40x512xf32, #tpu.memory_space<vmem>>, vector<16xf32>,
      %parallel_loop3A_427 = arith.index_cast %parallel_loop3A_363 : i32 to index
      %parallel_loop3A_428 = arith.constant 144 : index
      %parallel_loop3A_429 = tpu.vector_load %arg7[%parallel_loop3A_427, %parallel_loop3A_428] {strides = array<i32>} : memref<40x512xi32, #tpu.memory_space<vmem>>, vector<16xi32>,
      %parallel_loop3A_430 = tpu.vector_load_idx %arg5[%parallel_loop3A_429] : memref<208xf32, #tpu.memory_space<vmem>>[vector<16xi32>], vector<16xf32>,
      %parallel_loop3A_431 = arith.index_cast %parallel_loop3A_363 : i32 to index
      %parallel_loop3A_432 = arith.constant 144 : index
      %parallel_loop3A_433 = tpu.vector_load %arg9[%parallel_loop3A_431, %parallel_loop3A_432] {strides = array<i32>} : memref<40x512xf32, #tpu.memory_space<vmem>>, vector<16xf32>,
      tpu.vector_store %arg9[%parallel_loop3A_431, %parallel_loop3A_432], %parallel_loop3A_430 {strides = array<i32>} : memref<40x512xf32, #tpu.memory_space<vmem>>, vector<16xf32>,
      %parallel_loop3A_434 = arith.index_cast %parallel_loop3A_363 : i32 to index
      %parallel_loop3A_435 = arith.constant 160 : index
      %parallel_loop3A_436 = tpu.vector_load %arg7[%parallel_loop3A_434, %parallel_loop3A_435] {strides = array<i32>} : memref<40x512xi32, #tpu.memory_space<vmem>>, vector<16xi32>,
      %parallel_loop3A_437 = tpu.vector_load_idx %arg5[%parallel_loop3A_436] : memref<208xf32, #tpu.memory_space<vmem>>[vector<16xi32>], vector<16xf32>,
      %parallel_loop3A_438 = arith.index_cast %parallel_loop3A_363 : i32 to index
      %parallel_loop3A_439 = arith.constant 160 : index
      %parallel_loop3A_440 = tpu.vector_load %arg9[%parallel_loop3A_438, %parallel_loop3A_439] {strides = array<i32>} : memref<40x512xf32, #tpu.memory_space<vmem>>, vector<16xf32>,
      tpu.vector_store %arg9[%parallel_loop3A_438, %parallel_loop3A_439], %parallel_loop3A_437 {strides = array<i32>} : memref<40x512xf32, #tpu.memory_space<vmem>>, vector<16xf32>,
      %parallel_loop3A_441 = arith.index_cast %parallel_loop3A_363 : i32 to index
      %parallel_loop3A_442 = arith.constant 176 : index
      %parallel_loop3A_443 = tpu.vector_load %arg7[%parallel_loop3A_441, %parallel_loop3A_442] {strides = array<i32>} : memref<40x512xi32, #tpu.memory_space<vmem>>, vector<16xi32>,
      %parallel_loop3A_444 = tpu.vector_load_idx %arg5[%parallel_loop3A_443] : memref<208xf32, #tpu.memory_space<vmem>>[vector<16xi32>], vector<16xf32>,
      %parallel_loop3A_445 = arith.index_cast %parallel_loop3A_363 : i32 to index
      %parallel_loop3A_446 = arith.constant 176 : index
      %parallel_loop3A_447 = tpu.vector_load %arg9[%parallel_loop3A_445, %parallel_loop3A_446] {strides = array<i32>} : memref<40x512xf32, #tpu.memory_space<vmem>>, vector<16xf32>,
      tpu.vector_store %arg9[%parallel_loop3A_445, %parallel_loop3A_446], %parallel_loop3A_444 {strides = array<i32>} : memref<40x512xf32, #tpu.memory_space<vmem>>, vector<16xf32>,
      %parallel_loop3A_448 = arith.index_cast %parallel_loop3A_363 : i32 to index
      %parallel_loop3A_449 = arith.constant 192 : index
      %parallel_loop3A_450 = tpu.vector_load %arg7[%parallel_loop3A_448, %parallel_loop3A_449] {strides = array<i32>} : memref<40x512xi32, #tpu.memory_space<vmem>>, vector<16xi32>,
      %parallel_loop3A_451 = tpu.vector_load_idx %arg5[%parallel_loop3A_450] : memref<208xf32, #tpu.memory_space<vmem>>[vector<16xi32>], vector<16xf32>,
      %parallel_loop3A_452 = arith.index_cast %parallel_loop3A_363 : i32 to index
      %parallel_loop3A_453 = arith.constant 192 : index
      %parallel_loop3A_454 = tpu.vector_load %arg9[%parallel_loop3A_452, %parallel_loop3A_453] {strides = array<i32>} : memref<40x512xf32, #tpu.memory_space<vmem>>, vector<16xf32>,
      tpu.vector_store %arg9[%parallel_loop3A_452, %parallel_loop3A_453], %parallel_loop3A_451 {strides = array<i32>} : memref<40x512xf32, #tpu.memory_space<vmem>>, vector<16xf32>,
      %parallel_loop3A_455 = arith.index_cast %parallel_loop3A_363 : i32 to index
      %parallel_loop3A_456 = arith.constant 208 : index
      %parallel_loop3A_457 = tpu.vector_load %arg7[%parallel_loop3A_455, %parallel_loop3A_456] {strides = array<i32>} : memref<40x512xi32, #tpu.memory_space<vmem>>, vector<16xi32>,
      %parallel_loop3A_458 = tpu.vector_load_idx %arg5[%parallel_loop3A_457] : memref<208xf32, #tpu.memory_space<vmem>>[vector<16xi32>], vector<16xf32>,
      %parallel_loop3A_459 = arith.index_cast %parallel_loop3A_363 : i32 to index
      %parallel_loop3A_460 = arith.constant 208 : index
      %parallel_loop3A_461 = tpu.vector_load %arg9[%parallel_loop3A_459, %parallel_loop3A_460] {strides = array<i32>} : memref<40x512xf32, #tpu.memory_space<vmem>>, vector<16xf32>,
      tpu.vector_store %arg9[%parallel_loop3A_459, %parallel_loop3A_460], %parallel_loop3A_458 {strides = array<i32>} : memref<40x512xf32, #tpu.memory_space<vmem>>, vector<16xf32>,
      %parallel_loop3A_462 = arith.index_cast %parallel_loop3A_363 : i32 to index
      %parallel_loop3A_463 = arith.constant 224 : index
      %parallel_loop3A_464 = tpu.vector_load %arg7[%parallel_loop3A_462, %parallel_loop3A_463] {strides = array<i32>} : memref<40x512xi32, #tpu.memory_space<vmem>>, vector<16xi32>,
      %parallel_loop3A_465 = tpu.vector_load_idx %arg5[%parallel_loop3A_464] : memref<208xf32, #tpu.memory_space<vmem>>[vector<16xi32>], vector<16xf32>,
      %parallel_loop3A_466 = arith.index_cast %parallel_loop3A_363 : i32 to index
      %parallel_loop3A_467 = arith.constant 224 : index
      %parallel_loop3A_468 = tpu.vector_load %arg9[%parallel_loop3A_466, %parallel_loop3A_467] {strides = array<i32>} : memref<40x512xf32, #tpu.memory_space<vmem>>, vector<16xf32>,
      tpu.vector_store %arg9[%parallel_loop3A_466, %parallel_loop3A_467], %parallel_loop3A_465 {strides = array<i32>} : memref<40x512xf32, #tpu.memory_space<vmem>>, vector<16xf32>,
      %parallel_loop3A_469 = arith.index_cast %parallel_loop3A_363 : i32 to index
      %parallel_loop3A_470 = arith.constant 240 : index
      %parallel_loop3A_471 = tpu.vector_load %arg7[%parallel_loop3A_469, %parallel_loop3A_470] {strides = array<i32>} : memref<40x512xi32, #tpu.memory_space<vmem>>, vector<16xi32>,
      %parallel_loop3A_472 = tpu.vector_load_idx %arg5[%parallel_loop3A_471] : memref<208xf32, #tpu.memory_space<vmem>>[vector<16xi32>], vector<16xf32>,
      %parallel_loop3A_473 = arith.index_cast %parallel_loop3A_363 : i32 to index
      %parallel_loop3A_474 = arith.constant 240 : index
      %parallel_loop3A_475 = tpu.vector_load %arg9[%parallel_loop3A_473, %parallel_loop3A_474] {strides = array<i32>} : memref<40x512xf32, #tpu.memory_space<vmem>>, vector<16xf32>,
      tpu.vector_store %arg9[%parallel_loop3A_473, %parallel_loop3A_474], %parallel_loop3A_472 {strides = array<i32>} : memref<40x512xf32, #tpu.memory_space<vmem>>, vector<16xf32>,
      %parallel_loop3A_476 = arith.index_cast %parallel_loop3A_363 : i32 to index
      %parallel_loop3A_477 = arith.constant 256 : index
      %parallel_loop3A_478 = tpu.vector_load %arg7[%parallel_loop3A_476, %parallel_loop3A_477] {strides = array<i32>} : memref<40x512xi32, #tpu.memory_space<vmem>>, vector<16xi32>,
      %parallel_loop3A_479 = tpu.vector_load_idx %arg5[%parallel_loop3A_478] : memref<208xf32, #tpu.memory_space<vmem>>[vector<16xi32>], vector<16xf32>,
      %parallel_loop3A_480 = arith.index_cast %parallel_loop3A_363 : i32 to index
      %parallel_loop3A_481 = arith.constant 256 : index
      %parallel_loop3A_482 = tpu.vector_load %arg9[%parallel_loop3A_480, %parallel_loop3A_481] {strides = array<i32>} : memref<40x512xf32, #tpu.memory_space<vmem>>, vector<16xf32>,
      tpu.vector_store %arg9[%parallel_loop3A_480, %parallel_loop3A_481], %parallel_loop3A_479 {strides = array<i32>} : memref<40x512xf32, #tpu.memory_space<vmem>>, vector<16xf32>,
      %parallel_loop3A_483 = arith.index_cast %parallel_loop3A_363 : i32 to index
      %parallel_loop3A_484 = arith.constant 272 : index
      %parallel_loop3A_485 = tpu.vector_load %arg7[%parallel_loop3A_483, %parallel_loop3A_484] {strides = array<i32>} : memref<40x512xi32, #tpu.memory_space<vmem>>, vector<16xi32>,
      %parallel_loop3A_486 = tpu.vector_load_idx %arg5[%parallel_loop3A_485] : memref<208xf32, #tpu.memory_space<vmem>>[vector<16xi32>], vector<16xf32>,
      %parallel_loop3A_487 = arith.index_cast %parallel_loop3A_363 : i32 to index
      %parallel_loop3A_488 = arith.constant 272 : index
      %parallel_loop3A_489 = tpu.vector_load %arg9[%parallel_loop3A_487, %parallel_loop3A_488] {strides = array<i32>} : memref<40x512xf32, #tpu.memory_space<vmem>>, vector<16xf32>,
      tpu.vector_store %arg9[%parallel_loop3A_487, %parallel_loop3A_488], %parallel_loop3A_486 {strides = array<i32>} : memref<40x512xf32, #tpu.memory_space<vmem>>, vector<16xf32>,
      %parallel_loop3A_490 = arith.index_cast %parallel_loop3A_363 : i32 to index
      %parallel_loop3A_491 = arith.constant 288 : index
      %parallel_loop3A_492 = tpu.vector_load %arg7[%parallel_loop3A_490, %parallel_loop3A_491] {strides = array<i32>} : memref<40x512xi32, #tpu.memory_space<vmem>>, vector<16xi32>,
      %parallel_loop3A_493 = tpu.vector_load_idx %arg5[%parallel_loop3A_492] : memref<208xf32, #tpu.memory_space<vmem>>[vector<16xi32>], vector<16xf32>,
      %parallel_loop3A_494 = arith.index_cast %parallel_loop3A_363 : i32 to index
      %parallel_loop3A_495 = arith.constant 288 : index
      %parallel_loop3A_496 = tpu.vector_load %arg9[%parallel_loop3A_494, %parallel_loop3A_495] {strides = array<i32>} : memref<40x512xf32, #tpu.memory_space<vmem>>, vector<16xf32>,
      tpu.vector_store %arg9[%parallel_loop3A_494, %parallel_loop3A_495], %parallel_loop3A_493 {strides = array<i32>} : memref<40x512xf32, #tpu.memory_space<vmem>>, vector<16xf32>,
      %parallel_loop3A_497 = arith.index_cast %parallel_loop3A_363 : i32 to index
      %parallel_loop3A_498 = arith.constant 304 : index
      %parallel_loop3A_499 = tpu.vector_load %arg7[%parallel_loop3A_497, %parallel_loop3A_498] {strides = array<i32>} : memref<40x512xi32, #tpu.memory_space<vmem>>, vector<16xi32>,
      %parallel_loop3A_500 = tpu.vector_load_idx %arg5[%parallel_loop3A_499] : memref<208xf32, #tpu.memory_space<vmem>>[vector<16xi32>], vector<16xf32>,
      %parallel_loop3A_501 = arith.index_cast %parallel_loop3A_363 : i32 to index
      %parallel_loop3A_502 = arith.constant 304 : index
      %parallel_loop3A_503 = tpu.vector_load %arg9[%parallel_loop3A_501, %parallel_loop3A_502] {strides = array<i32>} : memref<40x512xf32, #tpu.memory_space<vmem>>, vector<16xf32>,
      tpu.vector_store %arg9[%parallel_loop3A_501, %parallel_loop3A_502], %parallel_loop3A_500 {strides = array<i32>} : memref<40x512xf32, #tpu.memory_space<vmem>>, vector<16xf32>,
      %parallel_loop3A_504 = arith.index_cast %parallel_loop3A_363 : i32 to index
      %parallel_loop3A_505 = arith.constant 320 : index
      %parallel_loop3A_506 = tpu.vector_load %arg7[%parallel_loop3A_504, %parallel_loop3A_505] {strides = array<i32>} : memref<40x512xi32, #tpu.memory_space<vmem>>, vector<16xi32>,
      %parallel_loop3A_507 = tpu.vector_load_idx %arg5[%parallel_loop3A_506] : memref<208xf32, #tpu.memory_space<vmem>>[vector<16xi32>], vector<16xf32>,
      %parallel_loop3A_508 = arith.index_cast %parallel_loop3A_363 : i32 to index
      %parallel_loop3A_509 = arith.constant 320 : index
      %parallel_loop3A_510 = tpu.vector_load %arg9[%parallel_loop3A_508, %parallel_loop3A_509] {strides = array<i32>} : memref<40x512xf32, #tpu.memory_space<vmem>>, vector<16xf32>,
      tpu.vector_store %arg9[%parallel_loop3A_508, %parallel_loop3A_509], %parallel_loop3A_507 {strides = array<i32>} : memref<40x512xf32, #tpu.memory_space<vmem>>, vector<16xf32>,
      %parallel_loop3A_511 = arith.index_cast %parallel_loop3A_363 : i32 to index
      %parallel_loop3A_512 = arith.constant 336 : index
      %parallel_loop3A_513 = tpu.vector_load %arg7[%parallel_loop3A_511, %parallel_loop3A_512] {strides = array<i32>} : memref<40x512xi32, #tpu.memory_space<vmem>>, vector<16xi32>,
      %parallel_loop3A_514 = tpu.vector_load_idx %arg5[%parallel_loop3A_513] : memref<208xf32, #tpu.memory_space<vmem>>[vector<16xi32>], vector<16xf32>,
      %parallel_loop3A_515 = arith.index_cast %parallel_loop3A_363 : i32 to index
      %parallel_loop3A_516 = arith.constant 336 : index
      %parallel_loop3A_517 = tpu.vector_load %arg9[%parallel_loop3A_515, %parallel_loop3A_516] {strides = array<i32>} : memref<40x512xf32, #tpu.memory_space<vmem>>, vector<16xf32>,
      tpu.vector_store %arg9[%parallel_loop3A_515, %parallel_loop3A_516], %parallel_loop3A_514 {strides = array<i32>} : memref<40x512xf32, #tpu.memory_space<vmem>>, vector<16xf32>,
      %parallel_loop3A_518 = arith.index_cast %parallel_loop3A_363 : i32 to index
      %parallel_loop3A_519 = arith.constant 352 : index
      %parallel_loop3A_520 = tpu.vector_load %arg7[%parallel_loop3A_518, %parallel_loop3A_519] {strides = array<i32>} : memref<40x512xi32, #tpu.memory_space<vmem>>, vector<16xi32>,
      %parallel_loop3A_521 = tpu.vector_load_idx %arg5[%parallel_loop3A_520] : memref<208xf32, #tpu.memory_space<vmem>>[vector<16xi32>], vector<16xf32>,
      %parallel_loop3A_522 = arith.index_cast %parallel_loop3A_363 : i32 to index
      %parallel_loop3A_523 = arith.constant 352 : index
      %parallel_loop3A_524 = tpu.vector_load %arg9[%parallel_loop3A_522, %parallel_loop3A_523] {strides = array<i32>} : memref<40x512xf32, #tpu.memory_space<vmem>>, vector<16xf32>,
      tpu.vector_store %arg9[%parallel_loop3A_522, %parallel_loop3A_523], %parallel_loop3A_521 {strides = array<i32>} : memref<40x512xf32, #tpu.memory_space<vmem>>, vector<16xf32>,
      %parallel_loop3A_525 = arith.index_cast %parallel_loop3A_363 : i32 to index
      %parallel_loop3A_526 = arith.constant 368 : index
      %parallel_loop3A_527 = tpu.vector_load %arg7[%parallel_loop3A_525, %parallel_loop3A_526] {strides = array<i32>} : memref<40x512xi32, #tpu.memory_space<vmem>>, vector<16xi32>,
      %parallel_loop3A_528 = tpu.vector_load_idx %arg5[%parallel_loop3A_527] : memref<208xf32, #tpu.memory_space<vmem>>[vector<16xi32>], vector<16xf32>,
      %parallel_loop3A_529 = arith.index_cast %parallel_loop3A_363 : i32 to index
      %parallel_loop3A_530 = arith.constant 368 : index
      %parallel_loop3A_531 = tpu.vector_load %arg9[%parallel_loop3A_529, %parallel_loop3A_530] {strides = array<i32>} : memref<40x512xf32, #tpu.memory_space<vmem>>, vector<16xf32>,
      tpu.vector_store %arg9[%parallel_loop3A_529, %parallel_loop3A_530], %parallel_loop3A_528 {strides = array<i32>} : memref<40x512xf32, #tpu.memory_space<vmem>>, vector<16xf32>,
      %parallel_loop3A_532 = arith.index_cast %parallel_loop3A_363 : i32 to index
      %parallel_loop3A_533 = arith.constant 384 : index
      %parallel_loop3A_534 = tpu.vector_load %arg7[%parallel_loop3A_532, %parallel_loop3A_533] {strides = array<i32>} : memref<40x512xi32, #tpu.memory_space<vmem>>, vector<16xi32>,
      %parallel_loop3A_535 = tpu.vector_load_idx %arg5[%parallel_loop3A_534] : memref<208xf32, #tpu.memory_space<vmem>>[vector<16xi32>], vector<16xf32>,
      %parallel_loop3A_536 = arith.index_cast %parallel_loop3A_363 : i32 to index
      %parallel_loop3A_537 = arith.constant 384 : index
      %parallel_loop3A_538 = tpu.vector_load %arg9[%parallel_loop3A_536, %parallel_loop3A_537] {strides = array<i32>} : memref<40x512xf32, #tpu.memory_space<vmem>>, vector<16xf32>,
      tpu.vector_store %arg9[%parallel_loop3A_536, %parallel_loop3A_537], %parallel_loop3A_535 {strides = array<i32>} : memref<40x512xf32, #tpu.memory_space<vmem>>, vector<16xf32>,
      %parallel_loop3A_539 = arith.index_cast %parallel_loop3A_363 : i32 to index
      %parallel_loop3A_540 = arith.constant 400 : index
      %parallel_loop3A_541 = tpu.vector_load %arg7[%parallel_loop3A_539, %parallel_loop3A_540] {strides = array<i32>} : memref<40x512xi32, #tpu.memory_space<vmem>>, vector<16xi32>,
      %parallel_loop3A_542 = tpu.vector_load_idx %arg5[%parallel_loop3A_541] : memref<208xf32, #tpu.memory_space<vmem>>[vector<16xi32>], vector<16xf32>,
      %parallel_loop3A_543 = arith.index_cast %parallel_loop3A_363 : i32 to index
      %parallel_loop3A_544 = arith.constant 400 : index
      %parallel_loop3A_545 = tpu.vector_load %arg9[%parallel_loop3A_543, %parallel_loop3A_544] {strides = array<i32>} : memref<40x512xf32, #tpu.memory_space<vmem>>, vector<16xf32>,
      tpu.vector_store %arg9[%parallel_loop3A_543, %parallel_loop3A_544], %parallel_loop3A_542 {strides = array<i32>} : memref<40x512xf32, #tpu.memory_space<vmem>>, vector<16xf32>,
      %parallel_loop3A_546 = arith.index_cast %parallel_loop3A_363 : i32 to index
      %parallel_loop3A_547 = arith.constant 416 : index
      %parallel_loop3A_548 = tpu.vector_load %arg7[%parallel_loop3A_546, %parallel_loop3A_547] {strides = array<i32>} : memref<40x512xi32, #tpu.memory_space<vmem>>, vector<16xi32>,
      %parallel_loop3A_549 = tpu.vector_load_idx %arg5[%parallel_loop3A_548] : memref<208xf32, #tpu.memory_space<vmem>>[vector<16xi32>], vector<16xf32>,
      %parallel_loop3A_550 = arith.index_cast %parallel_loop3A_363 : i32 to index
      %parallel_loop3A_551 = arith.constant 416 : index
      %parallel_loop3A_552 = tpu.vector_load %arg9[%parallel_loop3A_550, %parallel_loop3A_551] {strides = array<i32>} : memref<40x512xf32, #tpu.memory_space<vmem>>, vector<16xf32>,
      tpu.vector_store %arg9[%parallel_loop3A_550, %parallel_loop3A_551], %parallel_loop3A_549 {strides = array<i32>} : memref<40x512xf32, #tpu.memory_space<vmem>>, vector<16xf32>,
      %parallel_loop3A_553 = arith.index_cast %parallel_loop3A_363 : i32 to index
      %parallel_loop3A_554 = arith.constant 432 : index
      %parallel_loop3A_555 = tpu.vector_load %arg7[%parallel_loop3A_553, %parallel_loop3A_554] {strides = array<i32>} : memref<40x512xi32, #tpu.memory_space<vmem>>, vector<16xi32>,
      %parallel_loop3A_556 = tpu.vector_load_idx %arg5[%parallel_loop3A_555] : memref<208xf32, #tpu.memory_space<vmem>>[vector<16xi32>], vector<16xf32>,
      %parallel_loop3A_557 = arith.index_cast %parallel_loop3A_363 : i32 to index
      %parallel_loop3A_558 = arith.constant 432 : index
      %parallel_loop3A_559 = tpu.vector_load %arg9[%parallel_loop3A_557, %parallel_loop3A_558] {strides = array<i32>} : memref<40x512xf32, #tpu.memory_space<vmem>>, vector<16xf32>,
      tpu.vector_store %arg9[%parallel_loop3A_557, %parallel_loop3A_558], %parallel_loop3A_556 {strides = array<i32>} : memref<40x512xf32, #tpu.memory_space<vmem>>, vector<16xf32>,
      %parallel_loop3A_560 = arith.index_cast %parallel_loop3A_363 : i32 to index
      %parallel_loop3A_561 = arith.constant 448 : index
      %parallel_loop3A_562 = tpu.vector_load %arg7[%parallel_loop3A_560, %parallel_loop3A_561] {strides = array<i32>} : memref<40x512xi32, #tpu.memory_space<vmem>>, vector<16xi32>,
      %parallel_loop3A_563 = tpu.vector_load_idx %arg5[%parallel_loop3A_562] : memref<208xf32, #tpu.memory_space<vmem>>[vector<16xi32>], vector<16xf32>,
      %parallel_loop3A_564 = arith.index_cast %parallel_loop3A_363 : i32 to index
      %parallel_loop3A_565 = arith.constant 448 : index
      %parallel_loop3A_566 = tpu.vector_load %arg9[%parallel_loop3A_564, %parallel_loop3A_565] {strides = array<i32>} : memref<40x512xf32, #tpu.memory_space<vmem>>, vector<16xf32>,
      tpu.vector_store %arg9[%parallel_loop3A_564, %parallel_loop3A_565], %parallel_loop3A_563 {strides = array<i32>} : memref<40x512xf32, #tpu.memory_space<vmem>>, vector<16xf32>,
      %parallel_loop3A_567 = arith.index_cast %parallel_loop3A_363 : i32 to index
      %parallel_loop3A_568 = arith.constant 464 : index
      %parallel_loop3A_569 = tpu.vector_load %arg7[%parallel_loop3A_567, %parallel_loop3A_568] {strides = array<i32>} : memref<40x512xi32, #tpu.memory_space<vmem>>, vector<16xi32>,
      %parallel_loop3A_570 = tpu.vector_load_idx %arg5[%parallel_loop3A_569] : memref<208xf32, #tpu.memory_space<vmem>>[vector<16xi32>], vector<16xf32>,
      %parallel_loop3A_571 = arith.index_cast %parallel_loop3A_363 : i32 to index
      %parallel_loop3A_572 = arith.constant 464 : index
      %parallel_loop3A_573 = tpu.vector_load %arg9[%parallel_loop3A_571, %parallel_loop3A_572] {strides = array<i32>} : memref<40x512xf32, #tpu.memory_space<vmem>>, vector<16xf32>,
      tpu.vector_store %arg9[%parallel_loop3A_571, %parallel_loop3A_572], %parallel_loop3A_570 {strides = array<i32>} : memref<40x512xf32, #tpu.memory_space<vmem>>, vector<16xf32>,
      %parallel_loop3A_574 = arith.index_cast %parallel_loop3A_363 : i32 to index
      %parallel_loop3A_575 = arith.constant 480 : index
      %parallel_loop3A_576 = tpu.vector_load %arg7[%parallel_loop3A_574, %parallel_loop3A_575] {strides = array<i32>} : memref<40x512xi32, #tpu.memory_space<vmem>>, vector<16xi32>,
      %parallel_loop3A_577 = tpu.vector_load_idx %arg5[%parallel_loop3A_576] : memref<208xf32, #tpu.memory_space<vmem>>[vector<16xi32>], vector<16xf32>,
      %parallel_loop3A_578 = arith.index_cast %parallel_loop3A_363 : i32 to index
      %parallel_loop3A_579 = arith.constant 480 : index
      %parallel_loop3A_580 = tpu.vector_load %arg9[%parallel_loop3A_578, %parallel_loop3A_579] {strides = array<i32>} : memref<40x512xf32, #tpu.memory_space<vmem>>, vector<16xf32>,
      tpu.vector_store %arg9[%parallel_loop3A_578, %parallel_loop3A_579], %parallel_loop3A_577 {strides = array<i32>} : memref<40x512xf32, #tpu.memory_space<vmem>>, vector<16xf32>,
      %parallel_loop3A_581 = arith.index_cast %parallel_loop3A_363 : i32 to index
      %parallel_loop3A_582 = arith.constant 496 : index
      %parallel_loop3A_583 = tpu.vector_load %arg7[%parallel_loop3A_581, %parallel_loop3A_582] {strides = array<i32>} : memref<40x512xi32, #tpu.memory_space<vmem>>, vector<16xi32>,
      %parallel_loop3A_584 = tpu.vector_load_idx %arg5[%parallel_loop3A_583] : memref<208xf32, #tpu.memory_space<vmem>>[vector<16xi32>], vector<16xf32>,
      %parallel_loop3A_585 = arith.index_cast %parallel_loop3A_363 : i32 to index
      %parallel_loop3A_586 = arith.constant 496 : index
      %parallel_loop3A_587 = tpu.vector_load %arg9[%parallel_loop3A_585, %parallel_loop3A_586] {strides = array<i32>} : memref<40x512xf32, #tpu.memory_space<vmem>>, vector<16xf32>,
      tpu.vector_store %arg9[%parallel_loop3A_585, %parallel_loop3A_586], %parallel_loop3A_584 {strides = array<i32>} : memref<40x512xf32, #tpu.memory_space<vmem>>, vector<16xf32>,
    } {sc.loop_unroll_factor = 8 : i64, sc.parallel_access}
    %dma_start3A_253 = arith.constant 0 : i32
    %dma_start3A_254 = arith.constant 0 : i32
    %dma_start3A_255 = tpu.memref_slice %arg4[%dma_start3A_254, %dma_start3A_253, %mul3A_2] : memref<200x1x16384xf32, #tpu.memory_space<hbm>> -> memref<40x1x512xf32, #tpu.memory_space<hbm>>
    %dma_start3A_256 = tpu.memref_squeeze %dma_start3A_255 : memref<40x1x512xf32, #tpu.memory_space<hbm>> -> memref<40x512xf32, #tpu.memory_space<hbm>>
    %dma_start3A_257 = arith.constant 0 : i32
    %dma_start3A_258 = tpu.memref_slice %arg4[%dma_start3A_257, %dma_start3A_253, %mul3A_2] : memref<200x1x16384xf32, #tpu.memory_space<hbm>> -> memref<40x1x512xf32, #tpu.memory_space<hbm>>
    %dma_start3A_259 = tpu.memref_squeeze %dma_start3A_258 : memref<40x1x512xf32, #tpu.memory_space<hbm>> -> memref<40x512xf32, #tpu.memory_space<hbm>>
    tpu.enqueue_dma source(%arg9 : memref<40x512xf32, #tpu.memory_space<vmem>>) target(%dma_start3A_259 : memref<40x512xf32, #tpu.memory_space<hbm>>) target_semaphore(%arg12 : memref<!tpu.dma_semaphore, #tpu.memory_space<semaphore_mem>>)
    %dma_start3A_260 = arith.constant 80 : i32
    %dma_start3A_261 = tpu.memref_slice %arg2[%dma_start3A_260, %mul3A_2] : memref<200x16384xi32, #tpu.memory_space<hbm>> -> memref<40x512xi32, #tpu.memory_space<hbm>>
    %dma_start3A_262 = arith.constant 80 : i32
    %dma_start3A_263 = tpu.memref_slice %arg2[%dma_start3A_262, %mul3A_2] : memref<200x16384xi32, #tpu.memory_space<hbm>> -> memref<40x512xi32, #tpu.memory_space<hbm>>
    tpu.enqueue_dma source(%dma_start3A_263 : memref<40x512xi32, #tpu.memory_space<hbm>>) target(%arg7 : memref<40x512xi32, #tpu.memory_space<vmem>>) target_semaphore(%arg11 : memref<!tpu.dma_semaphore, #tpu.memory_space<semaphore_mem>>)
    %dma_wait3A_264 = arith.constant 40 : i32
    %dma_wait3A_265 = tpu.memref_slice %arg2[%dma_wait3A_264, %mul3A_2] : memref<200x16384xi32, #tpu.memory_space<hbm>> -> memref<40x512xi32, #tpu.memory_space<hbm>>
    %dma_wait3A_266 = arith.constant 40 : i32
    %dma_wait3A_267 = tpu.memref_slice %arg2[%dma_wait3A_266, %mul3A_2] : memref<200x16384xi32, #tpu.memory_space<hbm>> -> memref<40x512xi32, #tpu.memory_space<hbm>>
    tpu.wait_dma2 semaphore(%arg11 : memref<!tpu.dma_semaphore, #tpu.memory_space<semaphore_mem>>) src(%dma_wait3A_267 : memref<40x512xi32, #tpu.memory_space<hbm>>) dst(%arg8 : memref<40x512xi32, #tpu.memory_space<vmem>>)
    %parallel_loop3A_268 = arith.constant 0 : i32
    %parallel_loop3A_269 = arith.constant 40 : i32
    %parallel_loop3A_270 = arith.constant 1 : i32
    scf.for %parallel_loop3A_363 = %parallel_loop3A_268 to %parallel_loop3A_269 step %parallel_loop3A_270  : i32 {
      %parallel_loop3A_364 = arith.index_cast %parallel_loop3A_363 : i32 to index
      %parallel_loop3A_365 = arith.constant 0 : index
      %parallel_loop3A_366 = tpu.vector_load %arg8[%parallel_loop3A_364, %parallel_loop3A_365] {strides = array<i32>} : memref<40x512xi32, #tpu.memory_space<vmem>>, vector<16xi32>,
      %parallel_loop3A_367 = tpu.vector_load_idx %arg5[%parallel_loop3A_366] : memref<208xf32, #tpu.memory_space<vmem>>[vector<16xi32>], vector<16xf32>,
      %parallel_loop3A_368 = arith.index_cast %parallel_loop3A_363 : i32 to index
      %parallel_loop3A_369 = arith.constant 0 : index
      %parallel_loop3A_370 = tpu.vector_load %arg10[%parallel_loop3A_368, %parallel_loop3A_369] {strides = array<i32>} : memref<40x512xf32, #tpu.memory_space<vmem>>, vector<16xf32>,
      tpu.vector_store %arg10[%parallel_loop3A_368, %parallel_loop3A_369], %parallel_loop3A_367 {strides = array<i32>} : memref<40x512xf32, #tpu.memory_space<vmem>>, vector<16xf32>,
      %parallel_loop3A_371 = arith.index_cast %parallel_loop3A_363 : i32 to index
      %parallel_loop3A_372 = arith.constant 16 : index
      %parallel_loop3A_373 = tpu.vector_load %arg8[%parallel_loop3A_371, %parallel_loop3A_372] {strides = array<i32>} : memref<40x512xi32, #tpu.memory_space<vmem>>, vector<16xi32>,
      %parallel_loop3A_374 = tpu.vector_load_idx %arg5[%parallel_loop3A_373] : memref<208xf32, #tpu.memory_space<vmem>>[vector<16xi32>], vector<16xf32>,
      %parallel_loop3A_375 = arith.index_cast %parallel_loop3A_363 : i32 to index
      %parallel_loop3A_376 = arith.constant 16 : index
      %parallel_loop3A_377 = tpu.vector_load %arg10[%parallel_loop3A_375, %parallel_loop3A_376] {strides = array<i32>} : memref<40x512xf32, #tpu.memory_space<vmem>>, vector<16xf32>,
      tpu.vector_store %arg10[%parallel_loop3A_375, %parallel_loop3A_376], %parallel_loop3A_374 {strides = array<i32>} : memref<40x512xf32, #tpu.memory_space<vmem>>, vector<16xf32>,
      %parallel_loop3A_378 = arith.index_cast %parallel_loop3A_363 : i32 to index
      %parallel_loop3A_379 = arith.constant 32 : index
      %parallel_loop3A_380 = tpu.vector_load %arg8[%parallel_loop3A_378, %parallel_loop3A_379] {strides = array<i32>} : memref<40x512xi32, #tpu.memory_space<vmem>>, vector<16xi32>,
      %parallel_loop3A_381 = tpu.vector_load_idx %arg5[%parallel_loop3A_380] : memref<208xf32, #tpu.memory_space<vmem>>[vector<16xi32>], vector<16xf32>,
      %parallel_loop3A_382 = arith.index_cast %parallel_loop3A_363 : i32 to index
      %parallel_loop3A_383 = arith.constant 32 : index
      %parallel_loop3A_384 = tpu.vector_load %arg10[%parallel_loop3A_382, %parallel_loop3A_383] {strides = array<i32>} : memref<40x512xf32, #tpu.memory_space<vmem>>, vector<16xf32>,
      tpu.vector_store %arg10[%parallel_loop3A_382, %parallel_loop3A_383], %parallel_loop3A_381 {strides = array<i32>} : memref<40x512xf32, #tpu.memory_space<vmem>>, vector<16xf32>,
      %parallel_loop3A_385 = arith.index_cast %parallel_loop3A_363 : i32 to index
      %parallel_loop3A_386 = arith.constant 48 : index
      %parallel_loop3A_387 = tpu.vector_load %arg8[%parallel_loop3A_385, %parallel_loop3A_386] {strides = array<i32>} : memref<40x512xi32, #tpu.memory_space<vmem>>, vector<16xi32>,
      %parallel_loop3A_388 = tpu.vector_load_idx %arg5[%parallel_loop3A_387] : memref<208xf32, #tpu.memory_space<vmem>>[vector<16xi32>], vector<16xf32>,
      %parallel_loop3A_389 = arith.index_cast %parallel_loop3A_363 : i32 to index
      %parallel_loop3A_390 = arith.constant 48 : index
      %parallel_loop3A_391 = tpu.vector_load %arg10[%parallel_loop3A_389, %parallel_loop3A_390] {strides = array<i32>} : memref<40x512xf32, #tpu.memory_space<vmem>>, vector<16xf32>,
      tpu.vector_store %arg10[%parallel_loop3A_389, %parallel_loop3A_390], %parallel_loop3A_388 {strides = array<i32>} : memref<40x512xf32, #tpu.memory_space<vmem>>, vector<16xf32>,
      %parallel_loop3A_392 = arith.index_cast %parallel_loop3A_363 : i32 to index
      %parallel_loop3A_393 = arith.constant 64 : index
      %parallel_loop3A_394 = tpu.vector_load %arg8[%parallel_loop3A_392, %parallel_loop3A_393] {strides = array<i32>} : memref<40x512xi32, #tpu.memory_space<vmem>>, vector<16xi32>,
      %parallel_loop3A_395 = tpu.vector_load_idx %arg5[%parallel_loop3A_394] : memref<208xf32, #tpu.memory_space<vmem>>[vector<16xi32>], vector<16xf32>,
      %parallel_loop3A_396 = arith.index_cast %parallel_loop3A_363 : i32 to index
      %parallel_loop3A_397 = arith.constant 64 : index
      %parallel_loop3A_398 = tpu.vector_load %arg10[%parallel_loop3A_396, %parallel_loop3A_397] {strides = array<i32>} : memref<40x512xf32, #tpu.memory_space<vmem>>, vector<16xf32>,
      tpu.vector_store %arg10[%parallel_loop3A_396, %parallel_loop3A_397], %parallel_loop3A_395 {strides = array<i32>} : memref<40x512xf32, #tpu.memory_space<vmem>>, vector<16xf32>,
      %parallel_loop3A_399 = arith.index_cast %parallel_loop3A_363 : i32 to index
      %parallel_loop3A_400 = arith.constant 80 : index
      %parallel_loop3A_401 = tpu.vector_load %arg8[%parallel_loop3A_399, %parallel_loop3A_400] {strides = array<i32>} : memref<40x512xi32, #tpu.memory_space<vmem>>, vector<16xi32>,
      %parallel_loop3A_402 = tpu.vector_load_idx %arg5[%parallel_loop3A_401] : memref<208xf32, #tpu.memory_space<vmem>>[vector<16xi32>], vector<16xf32>,
      %parallel_loop3A_403 = arith.index_cast %parallel_loop3A_363 : i32 to index
      %parallel_loop3A_404 = arith.constant 80 : index
      %parallel_loop3A_405 = tpu.vector_load %arg10[%parallel_loop3A_403, %parallel_loop3A_404] {strides = array<i32>} : memref<40x512xf32, #tpu.memory_space<vmem>>, vector<16xf32>,
      tpu.vector_store %arg10[%parallel_loop3A_403, %parallel_loop3A_404], %parallel_loop3A_402 {strides = array<i32>} : memref<40x512xf32, #tpu.memory_space<vmem>>, vector<16xf32>,
      %parallel_loop3A_406 = arith.index_cast %parallel_loop3A_363 : i32 to index
      %parallel_loop3A_407 = arith.constant 96 : index
      %parallel_loop3A_408 = tpu.vector_load %arg8[%parallel_loop3A_406, %parallel_loop3A_407] {strides = array<i32>} : memref<40x512xi32, #tpu.memory_space<vmem>>, vector<16xi32>,
      %parallel_loop3A_409 = tpu.vector_load_idx %arg5[%parallel_loop3A_408] : memref<208xf32, #tpu.memory_space<vmem>>[vector<16xi32>], vector<16xf32>,
      %parallel_loop3A_410 = arith.index_cast %parallel_loop3A_363 : i32 to index
      %parallel_loop3A_411 = arith.constant 96 : index
      %parallel_loop3A_412 = tpu.vector_load %arg10[%parallel_loop3A_410, %parallel_loop3A_411] {strides = array<i32>} : memref<40x512xf32, #tpu.memory_space<vmem>>, vector<16xf32>,
      tpu.vector_store %arg10[%parallel_loop3A_410, %parallel_loop3A_411], %parallel_loop3A_409 {strides = array<i32>} : memref<40x512xf32, #tpu.memory_space<vmem>>, vector<16xf32>,
      %parallel_loop3A_413 = arith.index_cast %parallel_loop3A_363 : i32 to index
      %parallel_loop3A_414 = arith.constant 112 : index
      %parallel_loop3A_415 = tpu.vector_load %arg8[%parallel_loop3A_413, %parallel_loop3A_414] {strides = array<i32>} : memref<40x512xi32, #tpu.memory_space<vmem>>, vector<16xi32>,
      %parallel_loop3A_416 = tpu.vector_load_idx %arg5[%parallel_loop3A_415] : memref<208xf32, #tpu.memory_space<vmem>>[vector<16xi32>], vector<16xf32>,
      %parallel_loop3A_417 = arith.index_cast %parallel_loop3A_363 : i32 to index
      %parallel_loop3A_418 = arith.constant 112 : index
      %parallel_loop3A_419 = tpu.vector_load %arg10[%parallel_loop3A_417, %parallel_loop3A_418] {strides = array<i32>} : memref<40x512xf32, #tpu.memory_space<vmem>>, vector<16xf32>,
      tpu.vector_store %arg10[%parallel_loop3A_417, %parallel_loop3A_418], %parallel_loop3A_416 {strides = array<i32>} : memref<40x512xf32, #tpu.memory_space<vmem>>, vector<16xf32>,
      %parallel_loop3A_420 = arith.index_cast %parallel_loop3A_363 : i32 to index
      %parallel_loop3A_421 = arith.constant 128 : index
      %parallel_loop3A_422 = tpu.vector_load %arg8[%parallel_loop3A_420, %parallel_loop3A_421] {strides = array<i32>} : memref<40x512xi32, #tpu.memory_space<vmem>>, vector<16xi32>,
      %parallel_loop3A_423 = tpu.vector_load_idx %arg5[%parallel_loop3A_422] : memref<208xf32, #tpu.memory_space<vmem>>[vector<16xi32>], vector<16xf32>,
      %parallel_loop3A_424 = arith.index_cast %parallel_loop3A_363 : i32 to index
      %parallel_loop3A_425 = arith.constant 128 : index
      %parallel_loop3A_426 = tpu.vector_load %arg10[%parallel_loop3A_424, %parallel_loop3A_425] {strides = array<i32>} : memref<40x512xf32, #tpu.memory_space<vmem>>, vector<16xf32>,
      tpu.vector_store %arg10[%parallel_loop3A_424, %parallel_loop3A_425], %parallel_loop3A_423 {strides = array<i32>} : memref<40x512xf32, #tpu.memory_space<vmem>>, vector<16xf32>,
      %parallel_loop3A_427 = arith.index_cast %parallel_loop3A_363 : i32 to index
      %parallel_loop3A_428 = arith.constant 144 : index
      %parallel_loop3A_429 = tpu.vector_load %arg8[%parallel_loop3A_427, %parallel_loop3A_428] {strides = array<i32>} : memref<40x512xi32, #tpu.memory_space<vmem>>, vector<16xi32>,
      %parallel_loop3A_430 = tpu.vector_load_idx %arg5[%parallel_loop3A_429] : memref<208xf32, #tpu.memory_space<vmem>>[vector<16xi32>], vector<16xf32>,
      %parallel_loop3A_431 = arith.index_cast %parallel_loop3A_363 : i32 to index
      %parallel_loop3A_432 = arith.constant 144 : index
      %parallel_loop3A_433 = tpu.vector_load %arg10[%parallel_loop3A_431, %parallel_loop3A_432] {strides = array<i32>} : memref<40x512xf32, #tpu.memory_space<vmem>>, vector<16xf32>,
      tpu.vector_store %arg10[%parallel_loop3A_431, %parallel_loop3A_432], %parallel_loop3A_430 {strides = array<i32>} : memref<40x512xf32, #tpu.memory_space<vmem>>, vector<16xf32>,
      %parallel_loop3A_434 = arith.index_cast %parallel_loop3A_363 : i32 to index
      %parallel_loop3A_435 = arith.constant 160 : index
      %parallel_loop3A_436 = tpu.vector_load %arg8[%parallel_loop3A_434, %parallel_loop3A_435] {strides = array<i32>} : memref<40x512xi32, #tpu.memory_space<vmem>>, vector<16xi32>,
      %parallel_loop3A_437 = tpu.vector_load_idx %arg5[%parallel_loop3A_436] : memref<208xf32, #tpu.memory_space<vmem>>[vector<16xi32>], vector<16xf32>,
      %parallel_loop3A_438 = arith.index_cast %parallel_loop3A_363 : i32 to index
      %parallel_loop3A_439 = arith.constant 160 : index
      %parallel_loop3A_440 = tpu.vector_load %arg10[%parallel_loop3A_438, %parallel_loop3A_439] {strides = array<i32>} : memref<40x512xf32, #tpu.memory_space<vmem>>, vector<16xf32>,
      tpu.vector_store %arg10[%parallel_loop3A_438, %parallel_loop3A_439], %parallel_loop3A_437 {strides = array<i32>} : memref<40x512xf32, #tpu.memory_space<vmem>>, vector<16xf32>,
      %parallel_loop3A_441 = arith.index_cast %parallel_loop3A_363 : i32 to index
      %parallel_loop3A_442 = arith.constant 176 : index
      %parallel_loop3A_443 = tpu.vector_load %arg8[%parallel_loop3A_441, %parallel_loop3A_442] {strides = array<i32>} : memref<40x512xi32, #tpu.memory_space<vmem>>, vector<16xi32>,
      %parallel_loop3A_444 = tpu.vector_load_idx %arg5[%parallel_loop3A_443] : memref<208xf32, #tpu.memory_space<vmem>>[vector<16xi32>], vector<16xf32>,
      %parallel_loop3A_445 = arith.index_cast %parallel_loop3A_363 : i32 to index
      %parallel_loop3A_446 = arith.constant 176 : index
      %parallel_loop3A_447 = tpu.vector_load %arg10[%parallel_loop3A_445, %parallel_loop3A_446] {strides = array<i32>} : memref<40x512xf32, #tpu.memory_space<vmem>>, vector<16xf32>,
      tpu.vector_store %arg10[%parallel_loop3A_445, %parallel_loop3A_446], %parallel_loop3A_444 {strides = array<i32>} : memref<40x512xf32, #tpu.memory_space<vmem>>, vector<16xf32>,
      %parallel_loop3A_448 = arith.index_cast %parallel_loop3A_363 : i32 to index
      %parallel_loop3A_449 = arith.constant 192 : index
      %parallel_loop3A_450 = tpu.vector_load %arg8[%parallel_loop3A_448, %parallel_loop3A_449] {strides = array<i32>} : memref<40x512xi32, #tpu.memory_space<vmem>>, vector<16xi32>,
      %parallel_loop3A_451 = tpu.vector_load_idx %arg5[%parallel_loop3A_450] : memref<208xf32, #tpu.memory_space<vmem>>[vector<16xi32>], vector<16xf32>,
      %parallel_loop3A_452 = arith.index_cast %parallel_loop3A_363 : i32 to index
      %parallel_loop3A_453 = arith.constant 192 : index
      %parallel_loop3A_454 = tpu.vector_load %arg10[%parallel_loop3A_452, %parallel_loop3A_453] {strides = array<i32>} : memref<40x512xf32, #tpu.memory_space<vmem>>, vector<16xf32>,
      tpu.vector_store %arg10[%parallel_loop3A_452, %parallel_loop3A_453], %parallel_loop3A_451 {strides = array<i32>} : memref<40x512xf32, #tpu.memory_space<vmem>>, vector<16xf32>,
      %parallel_loop3A_455 = arith.index_cast %parallel_loop3A_363 : i32 to index
      %parallel_loop3A_456 = arith.constant 208 : index
      %parallel_loop3A_457 = tpu.vector_load %arg8[%parallel_loop3A_455, %parallel_loop3A_456] {strides = array<i32>} : memref<40x512xi32, #tpu.memory_space<vmem>>, vector<16xi32>,
      %parallel_loop3A_458 = tpu.vector_load_idx %arg5[%parallel_loop3A_457] : memref<208xf32, #tpu.memory_space<vmem>>[vector<16xi32>], vector<16xf32>,
      %parallel_loop3A_459 = arith.index_cast %parallel_loop3A_363 : i32 to index
      %parallel_loop3A_460 = arith.constant 208 : index
      %parallel_loop3A_461 = tpu.vector_load %arg10[%parallel_loop3A_459, %parallel_loop3A_460] {strides = array<i32>} : memref<40x512xf32, #tpu.memory_space<vmem>>, vector<16xf32>,
      tpu.vector_store %arg10[%parallel_loop3A_459, %parallel_loop3A_460], %parallel_loop3A_458 {strides = array<i32>} : memref<40x512xf32, #tpu.memory_space<vmem>>, vector<16xf32>,
      %parallel_loop3A_462 = arith.index_cast %parallel_loop3A_363 : i32 to index
      %parallel_loop3A_463 = arith.constant 224 : index
      %parallel_loop3A_464 = tpu.vector_load %arg8[%parallel_loop3A_462, %parallel_loop3A_463] {strides = array<i32>} : memref<40x512xi32, #tpu.memory_space<vmem>>, vector<16xi32>,
      %parallel_loop3A_465 = tpu.vector_load_idx %arg5[%parallel_loop3A_464] : memref<208xf32, #tpu.memory_space<vmem>>[vector<16xi32>], vector<16xf32>,
      %parallel_loop3A_466 = arith.index_cast %parallel_loop3A_363 : i32 to index
      %parallel_loop3A_467 = arith.constant 224 : index
      %parallel_loop3A_468 = tpu.vector_load %arg10[%parallel_loop3A_466, %parallel_loop3A_467] {strides = array<i32>} : memref<40x512xf32, #tpu.memory_space<vmem>>, vector<16xf32>,
      tpu.vector_store %arg10[%parallel_loop3A_466, %parallel_loop3A_467], %parallel_loop3A_465 {strides = array<i32>} : memref<40x512xf32, #tpu.memory_space<vmem>>, vector<16xf32>,
      %parallel_loop3A_469 = arith.index_cast %parallel_loop3A_363 : i32 to index
      %parallel_loop3A_470 = arith.constant 240 : index
      %parallel_loop3A_471 = tpu.vector_load %arg8[%parallel_loop3A_469, %parallel_loop3A_470] {strides = array<i32>} : memref<40x512xi32, #tpu.memory_space<vmem>>, vector<16xi32>,
      %parallel_loop3A_472 = tpu.vector_load_idx %arg5[%parallel_loop3A_471] : memref<208xf32, #tpu.memory_space<vmem>>[vector<16xi32>], vector<16xf32>,
      %parallel_loop3A_473 = arith.index_cast %parallel_loop3A_363 : i32 to index
      %parallel_loop3A_474 = arith.constant 240 : index
      %parallel_loop3A_475 = tpu.vector_load %arg10[%parallel_loop3A_473, %parallel_loop3A_474] {strides = array<i32>} : memref<40x512xf32, #tpu.memory_space<vmem>>, vector<16xf32>,
      tpu.vector_store %arg10[%parallel_loop3A_473, %parallel_loop3A_474], %parallel_loop3A_472 {strides = array<i32>} : memref<40x512xf32, #tpu.memory_space<vmem>>, vector<16xf32>,
      %parallel_loop3A_476 = arith.index_cast %parallel_loop3A_363 : i32 to index
      %parallel_loop3A_477 = arith.constant 256 : index
      %parallel_loop3A_478 = tpu.vector_load %arg8[%parallel_loop3A_476, %parallel_loop3A_477] {strides = array<i32>} : memref<40x512xi32, #tpu.memory_space<vmem>>, vector<16xi32>,
      %parallel_loop3A_479 = tpu.vector_load_idx %arg5[%parallel_loop3A_478] : memref<208xf32, #tpu.memory_space<vmem>>[vector<16xi32>], vector<16xf32>,
      %parallel_loop3A_480 = arith.index_cast %parallel_loop3A_363 : i32 to index
      %parallel_loop3A_481 = arith.constant 256 : index
      %parallel_loop3A_482 = tpu.vector_load %arg10[%parallel_loop3A_480, %parallel_loop3A_481] {strides = array<i32>} : memref<40x512xf32, #tpu.memory_space<vmem>>, vector<16xf32>,
      tpu.vector_store %arg10[%parallel_loop3A_480, %parallel_loop3A_481], %parallel_loop3A_479 {strides = array<i32>} : memref<40x512xf32, #tpu.memory_space<vmem>>, vector<16xf32>,
      %parallel_loop3A_483 = arith.index_cast %parallel_loop3A_363 : i32 to index
      %parallel_loop3A_484 = arith.constant 272 : index
      %parallel_loop3A_485 = tpu.vector_load %arg8[%parallel_loop3A_483, %parallel_loop3A_484] {strides = array<i32>} : memref<40x512xi32, #tpu.memory_space<vmem>>, vector<16xi32>,
      %parallel_loop3A_486 = tpu.vector_load_idx %arg5[%parallel_loop3A_485] : memref<208xf32, #tpu.memory_space<vmem>>[vector<16xi32>], vector<16xf32>,
      %parallel_loop3A_487 = arith.index_cast %parallel_loop3A_363 : i32 to index
      %parallel_loop3A_488 = arith.constant 272 : index
      %parallel_loop3A_489 = tpu.vector_load %arg10[%parallel_loop3A_487, %parallel_loop3A_488] {strides = array<i32>} : memref<40x512xf32, #tpu.memory_space<vmem>>, vector<16xf32>,
      tpu.vector_store %arg10[%parallel_loop3A_487, %parallel_loop3A_488], %parallel_loop3A_486 {strides = array<i32>} : memref<40x512xf32, #tpu.memory_space<vmem>>, vector<16xf32>,
      %parallel_loop3A_490 = arith.index_cast %parallel_loop3A_363 : i32 to index
      %parallel_loop3A_491 = arith.constant 288 : index
      %parallel_loop3A_492 = tpu.vector_load %arg8[%parallel_loop3A_490, %parallel_loop3A_491] {strides = array<i32>} : memref<40x512xi32, #tpu.memory_space<vmem>>, vector<16xi32>,
      %parallel_loop3A_493 = tpu.vector_load_idx %arg5[%parallel_loop3A_492] : memref<208xf32, #tpu.memory_space<vmem>>[vector<16xi32>], vector<16xf32>,
      %parallel_loop3A_494 = arith.index_cast %parallel_loop3A_363 : i32 to index
      %parallel_loop3A_495 = arith.constant 288 : index
      %parallel_loop3A_496 = tpu.vector_load %arg10[%parallel_loop3A_494, %parallel_loop3A_495] {strides = array<i32>} : memref<40x512xf32, #tpu.memory_space<vmem>>, vector<16xf32>,
      tpu.vector_store %arg10[%parallel_loop3A_494, %parallel_loop3A_495], %parallel_loop3A_493 {strides = array<i32>} : memref<40x512xf32, #tpu.memory_space<vmem>>, vector<16xf32>,
      %parallel_loop3A_497 = arith.index_cast %parallel_loop3A_363 : i32 to index
      %parallel_loop3A_498 = arith.constant 304 : index
      %parallel_loop3A_499 = tpu.vector_load %arg8[%parallel_loop3A_497, %parallel_loop3A_498] {strides = array<i32>} : memref<40x512xi32, #tpu.memory_space<vmem>>, vector<16xi32>,
      %parallel_loop3A_500 = tpu.vector_load_idx %arg5[%parallel_loop3A_499] : memref<208xf32, #tpu.memory_space<vmem>>[vector<16xi32>], vector<16xf32>,
      %parallel_loop3A_501 = arith.index_cast %parallel_loop3A_363 : i32 to index
      %parallel_loop3A_502 = arith.constant 304 : index
      %parallel_loop3A_503 = tpu.vector_load %arg10[%parallel_loop3A_501, %parallel_loop3A_502] {strides = array<i32>} : memref<40x512xf32, #tpu.memory_space<vmem>>, vector<16xf32>,
      tpu.vector_store %arg10[%parallel_loop3A_501, %parallel_loop3A_502], %parallel_loop3A_500 {strides = array<i32>} : memref<40x512xf32, #tpu.memory_space<vmem>>, vector<16xf32>,
      %parallel_loop3A_504 = arith.index_cast %parallel_loop3A_363 : i32 to index
      %parallel_loop3A_505 = arith.constant 320 : index
      %parallel_loop3A_506 = tpu.vector_load %arg8[%parallel_loop3A_504, %parallel_loop3A_505] {strides = array<i32>} : memref<40x512xi32, #tpu.memory_space<vmem>>, vector<16xi32>,
      %parallel_loop3A_507 = tpu.vector_load_idx %arg5[%parallel_loop3A_506] : memref<208xf32, #tpu.memory_space<vmem>>[vector<16xi32>], vector<16xf32>,
      %parallel_loop3A_508 = arith.index_cast %parallel_loop3A_363 : i32 to index
      %parallel_loop3A_509 = arith.constant 320 : index
      %parallel_loop3A_510 = tpu.vector_load %arg10[%parallel_loop3A_508, %parallel_loop3A_509] {strides = array<i32>} : memref<40x512xf32, #tpu.memory_space<vmem>>, vector<16xf32>,
      tpu.vector_store %arg10[%parallel_loop3A_508, %parallel_loop3A_509], %parallel_loop3A_507 {strides = array<i32>} : memref<40x512xf32, #tpu.memory_space<vmem>>, vector<16xf32>,
      %parallel_loop3A_511 = arith.index_cast %parallel_loop3A_363 : i32 to index
      %parallel_loop3A_512 = arith.constant 336 : index
      %parallel_loop3A_513 = tpu.vector_load %arg8[%parallel_loop3A_511, %parallel_loop3A_512] {strides = array<i32>} : memref<40x512xi32, #tpu.memory_space<vmem>>, vector<16xi32>,
      %parallel_loop3A_514 = tpu.vector_load_idx %arg5[%parallel_loop3A_513] : memref<208xf32, #tpu.memory_space<vmem>>[vector<16xi32>], vector<16xf32>,
      %parallel_loop3A_515 = arith.index_cast %parallel_loop3A_363 : i32 to index
      %parallel_loop3A_516 = arith.constant 336 : index
      %parallel_loop3A_517 = tpu.vector_load %arg10[%parallel_loop3A_515, %parallel_loop3A_516] {strides = array<i32>} : memref<40x512xf32, #tpu.memory_space<vmem>>, vector<16xf32>,
      tpu.vector_store %arg10[%parallel_loop3A_515, %parallel_loop3A_516], %parallel_loop3A_514 {strides = array<i32>} : memref<40x512xf32, #tpu.memory_space<vmem>>, vector<16xf32>,
      %parallel_loop3A_518 = arith.index_cast %parallel_loop3A_363 : i32 to index
      %parallel_loop3A_519 = arith.constant 352 : index
      %parallel_loop3A_520 = tpu.vector_load %arg8[%parallel_loop3A_518, %parallel_loop3A_519] {strides = array<i32>} : memref<40x512xi32, #tpu.memory_space<vmem>>, vector<16xi32>,
      %parallel_loop3A_521 = tpu.vector_load_idx %arg5[%parallel_loop3A_520] : memref<208xf32, #tpu.memory_space<vmem>>[vector<16xi32>], vector<16xf32>,
      %parallel_loop3A_522 = arith.index_cast %parallel_loop3A_363 : i32 to index
      %parallel_loop3A_523 = arith.constant 352 : index
      %parallel_loop3A_524 = tpu.vector_load %arg10[%parallel_loop3A_522, %parallel_loop3A_523] {strides = array<i32>} : memref<40x512xf32, #tpu.memory_space<vmem>>, vector<16xf32>,
      tpu.vector_store %arg10[%parallel_loop3A_522, %parallel_loop3A_523], %parallel_loop3A_521 {strides = array<i32>} : memref<40x512xf32, #tpu.memory_space<vmem>>, vector<16xf32>,
      %parallel_loop3A_525 = arith.index_cast %parallel_loop3A_363 : i32 to index
      %parallel_loop3A_526 = arith.constant 368 : index
      %parallel_loop3A_527 = tpu.vector_load %arg8[%parallel_loop3A_525, %parallel_loop3A_526] {strides = array<i32>} : memref<40x512xi32, #tpu.memory_space<vmem>>, vector<16xi32>,
      %parallel_loop3A_528 = tpu.vector_load_idx %arg5[%parallel_loop3A_527] : memref<208xf32, #tpu.memory_space<vmem>>[vector<16xi32>], vector<16xf32>,
      %parallel_loop3A_529 = arith.index_cast %parallel_loop3A_363 : i32 to index
      %parallel_loop3A_530 = arith.constant 368 : index
      %parallel_loop3A_531 = tpu.vector_load %arg10[%parallel_loop3A_529, %parallel_loop3A_530] {strides = array<i32>} : memref<40x512xf32, #tpu.memory_space<vmem>>, vector<16xf32>,
      tpu.vector_store %arg10[%parallel_loop3A_529, %parallel_loop3A_530], %parallel_loop3A_528 {strides = array<i32>} : memref<40x512xf32, #tpu.memory_space<vmem>>, vector<16xf32>,
      %parallel_loop3A_532 = arith.index_cast %parallel_loop3A_363 : i32 to index
      %parallel_loop3A_533 = arith.constant 384 : index
      %parallel_loop3A_534 = tpu.vector_load %arg8[%parallel_loop3A_532, %parallel_loop3A_533] {strides = array<i32>} : memref<40x512xi32, #tpu.memory_space<vmem>>, vector<16xi32>,
      %parallel_loop3A_535 = tpu.vector_load_idx %arg5[%parallel_loop3A_534] : memref<208xf32, #tpu.memory_space<vmem>>[vector<16xi32>], vector<16xf32>,
      %parallel_loop3A_536 = arith.index_cast %parallel_loop3A_363 : i32 to index
      %parallel_loop3A_537 = arith.constant 384 : index
      %parallel_loop3A_538 = tpu.vector_load %arg10[%parallel_loop3A_536, %parallel_loop3A_537] {strides = array<i32>} : memref<40x512xf32, #tpu.memory_space<vmem>>, vector<16xf32>,
      tpu.vector_store %arg10[%parallel_loop3A_536, %parallel_loop3A_537], %parallel_loop3A_535 {strides = array<i32>} : memref<40x512xf32, #tpu.memory_space<vmem>>, vector<16xf32>,
      %parallel_loop3A_539 = arith.index_cast %parallel_loop3A_363 : i32 to index
      %parallel_loop3A_540 = arith.constant 400 : index
      %parallel_loop3A_541 = tpu.vector_load %arg8[%parallel_loop3A_539, %parallel_loop3A_540] {strides = array<i32>} : memref<40x512xi32, #tpu.memory_space<vmem>>, vector<16xi32>,
      %parallel_loop3A_542 = tpu.vector_load_idx %arg5[%parallel_loop3A_541] : memref<208xf32, #tpu.memory_space<vmem>>[vector<16xi32>], vector<16xf32>,
      %parallel_loop3A_543 = arith.index_cast %parallel_loop3A_363 : i32 to index
      %parallel_loop3A_544 = arith.constant 400 : index
      %parallel_loop3A_545 = tpu.vector_load %arg10[%parallel_loop3A_543, %parallel_loop3A_544] {strides = array<i32>} : memref<40x512xf32, #tpu.memory_space<vmem>>, vector<16xf32>,
      tpu.vector_store %arg10[%parallel_loop3A_543, %parallel_loop3A_544], %parallel_loop3A_542 {strides = array<i32>} : memref<40x512xf32, #tpu.memory_space<vmem>>, vector<16xf32>,
      %parallel_loop3A_546 = arith.index_cast %parallel_loop3A_363 : i32 to index
      %parallel_loop3A_547 = arith.constant 416 : index
      %parallel_loop3A_548 = tpu.vector_load %arg8[%parallel_loop3A_546, %parallel_loop3A_547] {strides = array<i32>} : memref<40x512xi32, #tpu.memory_space<vmem>>, vector<16xi32>,
      %parallel_loop3A_549 = tpu.vector_load_idx %arg5[%parallel_loop3A_548] : memref<208xf32, #tpu.memory_space<vmem>>[vector<16xi32>], vector<16xf32>,
      %parallel_loop3A_550 = arith.index_cast %parallel_loop3A_363 : i32 to index
      %parallel_loop3A_551 = arith.constant 416 : index
      %parallel_loop3A_552 = tpu.vector_load %arg10[%parallel_loop3A_550, %parallel_loop3A_551] {strides = array<i32>} : memref<40x512xf32, #tpu.memory_space<vmem>>, vector<16xf32>,
      tpu.vector_store %arg10[%parallel_loop3A_550, %parallel_loop3A_551], %parallel_loop3A_549 {strides = array<i32>} : memref<40x512xf32, #tpu.memory_space<vmem>>, vector<16xf32>,
      %parallel_loop3A_553 = arith.index_cast %parallel_loop3A_363 : i32 to index
      %parallel_loop3A_554 = arith.constant 432 : index
      %parallel_loop3A_555 = tpu.vector_load %arg8[%parallel_loop3A_553, %parallel_loop3A_554] {strides = array<i32>} : memref<40x512xi32, #tpu.memory_space<vmem>>, vector<16xi32>,
      %parallel_loop3A_556 = tpu.vector_load_idx %arg5[%parallel_loop3A_555] : memref<208xf32, #tpu.memory_space<vmem>>[vector<16xi32>], vector<16xf32>,
      %parallel_loop3A_557 = arith.index_cast %parallel_loop3A_363 : i32 to index
      %parallel_loop3A_558 = arith.constant 432 : index
      %parallel_loop3A_559 = tpu.vector_load %arg10[%parallel_loop3A_557, %parallel_loop3A_558] {strides = array<i32>} : memref<40x512xf32, #tpu.memory_space<vmem>>, vector<16xf32>,
      tpu.vector_store %arg10[%parallel_loop3A_557, %parallel_loop3A_558], %parallel_loop3A_556 {strides = array<i32>} : memref<40x512xf32, #tpu.memory_space<vmem>>, vector<16xf32>,
      %parallel_loop3A_560 = arith.index_cast %parallel_loop3A_363 : i32 to index
      %parallel_loop3A_561 = arith.constant 448 : index
      %parallel_loop3A_562 = tpu.vector_load %arg8[%parallel_loop3A_560, %parallel_loop3A_561] {strides = array<i32>} : memref<40x512xi32, #tpu.memory_space<vmem>>, vector<16xi32>,
      %parallel_loop3A_563 = tpu.vector_load_idx %arg5[%parallel_loop3A_562] : memref<208xf32, #tpu.memory_space<vmem>>[vector<16xi32>], vector<16xf32>,
      %parallel_loop3A_564 = arith.index_cast %parallel_loop3A_363 : i32 to index
      %parallel_loop3A_565 = arith.constant 448 : index
      %parallel_loop3A_566 = tpu.vector_load %arg10[%parallel_loop3A_564, %parallel_loop3A_565] {strides = array<i32>} : memref<40x512xf32, #tpu.memory_space<vmem>>, vector<16xf32>,
      tpu.vector_store %arg10[%parallel_loop3A_564, %parallel_loop3A_565], %parallel_loop3A_563 {strides = array<i32>} : memref<40x512xf32, #tpu.memory_space<vmem>>, vector<16xf32>,
      %parallel_loop3A_567 = arith.index_cast %parallel_loop3A_363 : i32 to index
      %parallel_loop3A_568 = arith.constant 464 : index
      %parallel_loop3A_569 = tpu.vector_load %arg8[%parallel_loop3A_567, %parallel_loop3A_568] {strides = array<i32>} : memref<40x512xi32, #tpu.memory_space<vmem>>, vector<16xi32>,
      %parallel_loop3A_570 = tpu.vector_load_idx %arg5[%parallel_loop3A_569] : memref<208xf32, #tpu.memory_space<vmem>>[vector<16xi32>], vector<16xf32>,
      %parallel_loop3A_571 = arith.index_cast %parallel_loop3A_363 : i32 to index
      %parallel_loop3A_572 = arith.constant 464 : index
      %parallel_loop3A_573 = tpu.vector_load %arg10[%parallel_loop3A_571, %parallel_loop3A_572] {strides = array<i32>} : memref<40x512xf32, #tpu.memory_space<vmem>>, vector<16xf32>,
      tpu.vector_store %arg10[%parallel_loop3A_571, %parallel_loop3A_572], %parallel_loop3A_570 {strides = array<i32>} : memref<40x512xf32, #tpu.memory_space<vmem>>, vector<16xf32>,
      %parallel_loop3A_574 = arith.index_cast %parallel_loop3A_363 : i32 to index
      %parallel_loop3A_575 = arith.constant 480 : index
      %parallel_loop3A_576 = tpu.vector_load %arg8[%parallel_loop3A_574, %parallel_loop3A_575] {strides = array<i32>} : memref<40x512xi32, #tpu.memory_space<vmem>>, vector<16xi32>,
      %parallel_loop3A_577 = tpu.vector_load_idx %arg5[%parallel_loop3A_576] : memref<208xf32, #tpu.memory_space<vmem>>[vector<16xi32>], vector<16xf32>,
      %parallel_loop3A_578 = arith.index_cast %parallel_loop3A_363 : i32 to index
      %parallel_loop3A_579 = arith.constant 480 : index
      %parallel_loop3A_580 = tpu.vector_load %arg10[%parallel_loop3A_578, %parallel_loop3A_579] {strides = array<i32>} : memref<40x512xf32, #tpu.memory_space<vmem>>, vector<16xf32>,
      tpu.vector_store %arg10[%parallel_loop3A_578, %parallel_loop3A_579], %parallel_loop3A_577 {strides = array<i32>} : memref<40x512xf32, #tpu.memory_space<vmem>>, vector<16xf32>,
      %parallel_loop3A_581 = arith.index_cast %parallel_loop3A_363 : i32 to index
      %parallel_loop3A_582 = arith.constant 496 : index
      %parallel_loop3A_583 = tpu.vector_load %arg8[%parallel_loop3A_581, %parallel_loop3A_582] {strides = array<i32>} : memref<40x512xi32, #tpu.memory_space<vmem>>, vector<16xi32>,
      %parallel_loop3A_584 = tpu.vector_load_idx %arg5[%parallel_loop3A_583] : memref<208xf32, #tpu.memory_space<vmem>>[vector<16xi32>], vector<16xf32>,
      %parallel_loop3A_585 = arith.index_cast %parallel_loop3A_363 : i32 to index
      %parallel_loop3A_586 = arith.constant 496 : index
      %parallel_loop3A_587 = tpu.vector_load %arg10[%parallel_loop3A_585, %parallel_loop3A_586] {strides = array<i32>} : memref<40x512xf32, #tpu.memory_space<vmem>>, vector<16xf32>,
      tpu.vector_store %arg10[%parallel_loop3A_585, %parallel_loop3A_586], %parallel_loop3A_584 {strides = array<i32>} : memref<40x512xf32, #tpu.memory_space<vmem>>, vector<16xf32>,
    } {sc.loop_unroll_factor = 8 : i64, sc.parallel_access}
    %dma_start3A_271 = arith.constant 0 : i32
    %dma_start3A_272 = arith.constant 40 : i32
    %dma_start3A_273 = tpu.memref_slice %arg4[%dma_start3A_272, %dma_start3A_271, %mul3A_2] : memref<200x1x16384xf32, #tpu.memory_space<hbm>> -> memref<40x1x512xf32, #tpu.memory_space<hbm>>
    %dma_start3A_274 = tpu.memref_squeeze %dma_start3A_273 : memref<40x1x512xf32, #tpu.memory_space<hbm>> -> memref<40x512xf32, #tpu.memory_space<hbm>>
    %dma_start3A_275 = arith.constant 40 : i32
    %dma_start3A_276 = tpu.memref_slice %arg4[%dma_start3A_275, %dma_start3A_271, %mul3A_2] : memref<200x1x16384xf32, #tpu.memory_space<hbm>> -> memref<40x1x512xf32, #tpu.memory_space<hbm>>
    %dma_start3A_277 = tpu.memref_squeeze %dma_start3A_276 : memref<40x1x512xf32, #tpu.memory_space<hbm>> -> memref<40x512xf32, #tpu.memory_space<hbm>>
    tpu.enqueue_dma source(%arg10 : memref<40x512xf32, #tpu.memory_space<vmem>>) target(%dma_start3A_277 : memref<40x512xf32, #tpu.memory_space<hbm>>) target_semaphore(%arg12 : memref<!tpu.dma_semaphore, #tpu.memory_space<semaphore_mem>>)
    %dma_start3A_278 = arith.constant 120 : i32
    %dma_start3A_279 = tpu.memref_slice %arg2[%dma_start3A_278, %mul3A_2] : memref<200x16384xi32, #tpu.memory_space<hbm>> -> memref<40x512xi32, #tpu.memory_space<hbm>>
    %dma_start3A_280 = arith.constant 120 : i32
    %dma_start3A_281 = tpu.memref_slice %arg2[%dma_start3A_280, %mul3A_2] : memref<200x16384xi32, #tpu.memory_space<hbm>> -> memref<40x512xi32, #tpu.memory_space<hbm>>
    tpu.enqueue_dma source(%dma_start3A_281 : memref<40x512xi32, #tpu.memory_space<hbm>>) target(%arg8 : memref<40x512xi32, #tpu.memory_space<vmem>>) target_semaphore(%arg11 : memref<!tpu.dma_semaphore, #tpu.memory_space<semaphore_mem>>)
    %dma_wait3A_282 = arith.constant 80 : i32
    %dma_wait3A_283 = tpu.memref_slice %arg2[%dma_wait3A_282, %mul3A_2] : memref<200x16384xi32, #tpu.memory_space<hbm>> -> memref<40x512xi32, #tpu.memory_space<hbm>>
    %dma_wait3A_284 = arith.constant 80 : i32
    %dma_wait3A_285 = tpu.memref_slice %arg2[%dma_wait3A_284, %mul3A_2] : memref<200x16384xi32, #tpu.memory_space<hbm>> -> memref<40x512xi32, #tpu.memory_space<hbm>>
    tpu.wait_dma2 semaphore(%arg11 : memref<!tpu.dma_semaphore, #tpu.memory_space<semaphore_mem>>) src(%dma_wait3A_285 : memref<40x512xi32, #tpu.memory_space<hbm>>) dst(%arg7 : memref<40x512xi32, #tpu.memory_space<vmem>>)
    %dma_wait3A_286 = arith.constant 0 : i32
    %dma_wait3A_287 = arith.constant 0 : i32
    %dma_wait3A_288 = tpu.memref_slice %arg4[%dma_wait3A_287, %dma_wait3A_286, %mul3A_2] : memref<200x1x16384xf32, #tpu.memory_space<hbm>> -> memref<40x1x512xf32, #tpu.memory_space<hbm>>
    %dma_wait3A_289 = tpu.memref_squeeze %dma_wait3A_288 : memref<40x1x512xf32, #tpu.memory_space<hbm>> -> memref<40x512xf32, #tpu.memory_space<hbm>>
    %dma_wait3A_290 = arith.constant 0 : i32
    %dma_wait3A_291 = tpu.memref_slice %arg4[%dma_wait3A_290, %dma_wait3A_286, %mul3A_2] : memref<200x1x16384xf32, #tpu.memory_space<hbm>> -> memref<40x1x512xf32, #tpu.memory_space<hbm>>
    %dma_wait3A_292 = tpu.memref_squeeze %dma_wait3A_291 : memref<40x1x512xf32, #tpu.memory_space<hbm>> -> memref<40x512xf32, #tpu.memory_space<hbm>>
    tpu.wait_dma2 semaphore(%arg12 : memref<!tpu.dma_semaphore, #tpu.memory_space<semaphore_mem>>) src(%arg9 : memref<40x512xf32, #tpu.memory_space<vmem>>) dst(%dma_wait3A_292 : memref<40x512xf32, #tpu.memory_space<hbm>>)
    %parallel_loop3A_293 = arith.constant 0 : i32
    %parallel_loop3A_294 = arith.constant 40 : i32
    %parallel_loop3A_295 = arith.constant 1 : i32
    scf.for %parallel_loop3A_363 = %parallel_loop3A_293 to %parallel_loop3A_294 step %parallel_loop3A_295  : i32 {
      %parallel_loop3A_364 = arith.index_cast %parallel_loop3A_363 : i32 to index
      %parallel_loop3A_365 = arith.constant 0 : index
      %parallel_loop3A_366 = tpu.vector_load %arg7[%parallel_loop3A_364, %parallel_loop3A_365] {strides = array<i32>} : memref<40x512xi32, #tpu.memory_space<vmem>>, vector<16xi32>,
      %parallel_loop3A_367 = tpu.vector_load_idx %arg5[%parallel_loop3A_366] : memref<208xf32, #tpu.memory_space<vmem>>[vector<16xi32>], vector<16xf32>,
      %parallel_loop3A_368 = arith.index_cast %parallel_loop3A_363 : i32 to index
      %parallel_loop3A_369 = arith.constant 0 : index
      %parallel_loop3A_370 = tpu.vector_load %arg9[%parallel_loop3A_368, %parallel_loop3A_369] {strides = array<i32>} : memref<40x512xf32, #tpu.memory_space<vmem>>, vector<16xf32>,
      tpu.vector_store %arg9[%parallel_loop3A_368, %parallel_loop3A_369], %parallel_loop3A_367 {strides = array<i32>} : memref<40x512xf32, #tpu.memory_space<vmem>>, vector<16xf32>,
      %parallel_loop3A_371 = arith.index_cast %parallel_loop3A_363 : i32 to index
      %parallel_loop3A_372 = arith.constant 16 : index
      %parallel_loop3A_373 = tpu.vector_load %arg7[%parallel_loop3A_371, %parallel_loop3A_372] {strides = array<i32>} : memref<40x512xi32, #tpu.memory_space<vmem>>, vector<16xi32>,
      %parallel_loop3A_374 = tpu.vector_load_idx %arg5[%parallel_loop3A_373] : memref<208xf32, #tpu.memory_space<vmem>>[vector<16xi32>], vector<16xf32>,
      %parallel_loop3A_375 = arith.index_cast %parallel_loop3A_363 : i32 to index
      %parallel_loop3A_376 = arith.constant 16 : index
      %parallel_loop3A_377 = tpu.vector_load %arg9[%parallel_loop3A_375, %parallel_loop3A_376] {strides = array<i32>} : memref<40x512xf32, #tpu.memory_space<vmem>>, vector<16xf32>,
      tpu.vector_store %arg9[%parallel_loop3A_375, %parallel_loop3A_376], %parallel_loop3A_374 {strides = array<i32>} : memref<40x512xf32, #tpu.memory_space<vmem>>, vector<16xf32>,
      %parallel_loop3A_378 = arith.index_cast %parallel_loop3A_363 : i32 to index
      %parallel_loop3A_379 = arith.constant 32 : index
      %parallel_loop3A_380 = tpu.vector_load %arg7[%parallel_loop3A_378, %parallel_loop3A_379] {strides = array<i32>} : memref<40x512xi32, #tpu.memory_space<vmem>>, vector<16xi32>,
      %parallel_loop3A_381 = tpu.vector_load_idx %arg5[%parallel_loop3A_380] : memref<208xf32, #tpu.memory_space<vmem>>[vector<16xi32>], vector<16xf32>,
      %parallel_loop3A_382 = arith.index_cast %parallel_loop3A_363 : i32 to index
      %parallel_loop3A_383 = arith.constant 32 : index
      %parallel_loop3A_384 = tpu.vector_load %arg9[%parallel_loop3A_382, %parallel_loop3A_383] {strides = array<i32>} : memref<40x512xf32, #tpu.memory_space<vmem>>, vector<16xf32>,
      tpu.vector_store %arg9[%parallel_loop3A_382, %parallel_loop3A_383], %parallel_loop3A_381 {strides = array<i32>} : memref<40x512xf32, #tpu.memory_space<vmem>>, vector<16xf32>,
      %parallel_loop3A_385 = arith.index_cast %parallel_loop3A_363 : i32 to index
      %parallel_loop3A_386 = arith.constant 48 : index
      %parallel_loop3A_387 = tpu.vector_load %arg7[%parallel_loop3A_385, %parallel_loop3A_386] {strides = array<i32>} : memref<40x512xi32, #tpu.memory_space<vmem>>, vector<16xi32>,
      %parallel_loop3A_388 = tpu.vector_load_idx %arg5[%parallel_loop3A_387] : memref<208xf32, #tpu.memory_space<vmem>>[vector<16xi32>], vector<16xf32>,
      %parallel_loop3A_389 = arith.index_cast %parallel_loop3A_363 : i32 to index
      %parallel_loop3A_390 = arith.constant 48 : index
      %parallel_loop3A_391 = tpu.vector_load %arg9[%parallel_loop3A_389, %parallel_loop3A_390] {strides = array<i32>} : memref<40x512xf32, #tpu.memory_space<vmem>>, vector<16xf32>,
      tpu.vector_store %arg9[%parallel_loop3A_389, %parallel_loop3A_390], %parallel_loop3A_388 {strides = array<i32>} : memref<40x512xf32, #tpu.memory_space<vmem>>, vector<16xf32>,
      %parallel_loop3A_392 = arith.index_cast %parallel_loop3A_363 : i32 to index
      %parallel_loop3A_393 = arith.constant 64 : index
      %parallel_loop3A_394 = tpu.vector_load %arg7[%parallel_loop3A_392, %parallel_loop3A_393] {strides = array<i32>} : memref<40x512xi32, #tpu.memory_space<vmem>>, vector<16xi32>,
      %parallel_loop3A_395 = tpu.vector_load_idx %arg5[%parallel_loop3A_394] : memref<208xf32, #tpu.memory_space<vmem>>[vector<16xi32>], vector<16xf32>,
      %parallel_loop3A_396 = arith.index_cast %parallel_loop3A_363 : i32 to index
      %parallel_loop3A_397 = arith.constant 64 : index
      %parallel_loop3A_398 = tpu.vector_load %arg9[%parallel_loop3A_396, %parallel_loop3A_397] {strides = array<i32>} : memref<40x512xf32, #tpu.memory_space<vmem>>, vector<16xf32>,
      tpu.vector_store %arg9[%parallel_loop3A_396, %parallel_loop3A_397], %parallel_loop3A_395 {strides = array<i32>} : memref<40x512xf32, #tpu.memory_space<vmem>>, vector<16xf32>,
      %parallel_loop3A_399 = arith.index_cast %parallel_loop3A_363 : i32 to index
      %parallel_loop3A_400 = arith.constant 80 : index
      %parallel_loop3A_401 = tpu.vector_load %arg7[%parallel_loop3A_399, %parallel_loop3A_400] {strides = array<i32>} : memref<40x512xi32, #tpu.memory_space<vmem>>, vector<16xi32>,
      %parallel_loop3A_402 = tpu.vector_load_idx %arg5[%parallel_loop3A_401] : memref<208xf32, #tpu.memory_space<vmem>>[vector<16xi32>], vector<16xf32>,
      %parallel_loop3A_403 = arith.index_cast %parallel_loop3A_363 : i32 to index
      %parallel_loop3A_404 = arith.constant 80 : index
      %parallel_loop3A_405 = tpu.vector_load %arg9[%parallel_loop3A_403, %parallel_loop3A_404] {strides = array<i32>} : memref<40x512xf32, #tpu.memory_space<vmem>>, vector<16xf32>,
      tpu.vector_store %arg9[%parallel_loop3A_403, %parallel_loop3A_404], %parallel_loop3A_402 {strides = array<i32>} : memref<40x512xf32, #tpu.memory_space<vmem>>, vector<16xf32>,
      %parallel_loop3A_406 = arith.index_cast %parallel_loop3A_363 : i32 to index
      %parallel_loop3A_407 = arith.constant 96 : index
      %parallel_loop3A_408 = tpu.vector_load %arg7[%parallel_loop3A_406, %parallel_loop3A_407] {strides = array<i32>} : memref<40x512xi32, #tpu.memory_space<vmem>>, vector<16xi32>,
      %parallel_loop3A_409 = tpu.vector_load_idx %arg5[%parallel_loop3A_408] : memref<208xf32, #tpu.memory_space<vmem>>[vector<16xi32>], vector<16xf32>,
      %parallel_loop3A_410 = arith.index_cast %parallel_loop3A_363 : i32 to index
      %parallel_loop3A_411 = arith.constant 96 : index
      %parallel_loop3A_412 = tpu.vector_load %arg9[%parallel_loop3A_410, %parallel_loop3A_411] {strides = array<i32>} : memref<40x512xf32, #tpu.memory_space<vmem>>, vector<16xf32>,
      tpu.vector_store %arg9[%parallel_loop3A_410, %parallel_loop3A_411], %parallel_loop3A_409 {strides = array<i32>} : memref<40x512xf32, #tpu.memory_space<vmem>>, vector<16xf32>,
      %parallel_loop3A_413 = arith.index_cast %parallel_loop3A_363 : i32 to index
      %parallel_loop3A_414 = arith.constant 112 : index
      %parallel_loop3A_415 = tpu.vector_load %arg7[%parallel_loop3A_413, %parallel_loop3A_414] {strides = array<i32>} : memref<40x512xi32, #tpu.memory_space<vmem>>, vector<16xi32>,
      %parallel_loop3A_416 = tpu.vector_load_idx %arg5[%parallel_loop3A_415] : memref<208xf32, #tpu.memory_space<vmem>>[vector<16xi32>], vector<16xf32>,
      %parallel_loop3A_417 = arith.index_cast %parallel_loop3A_363 : i32 to index
      %parallel_loop3A_418 = arith.constant 112 : index
      %parallel_loop3A_419 = tpu.vector_load %arg9[%parallel_loop3A_417, %parallel_loop3A_418] {strides = array<i32>} : memref<40x512xf32, #tpu.memory_space<vmem>>, vector<16xf32>,
      tpu.vector_store %arg9[%parallel_loop3A_417, %parallel_loop3A_418], %parallel_loop3A_416 {strides = array<i32>} : memref<40x512xf32, #tpu.memory_space<vmem>>, vector<16xf32>,
      %parallel_loop3A_420 = arith.index_cast %parallel_loop3A_363 : i32 to index
      %parallel_loop3A_421 = arith.constant 128 : index
      %parallel_loop3A_422 = tpu.vector_load %arg7[%parallel_loop3A_420, %parallel_loop3A_421] {strides = array<i32>} : memref<40x512xi32, #tpu.memory_space<vmem>>, vector<16xi32>,
      %parallel_loop3A_423 = tpu.vector_load_idx %arg5[%parallel_loop3A_422] : memref<208xf32, #tpu.memory_space<vmem>>[vector<16xi32>], vector<16xf32>,
      %parallel_loop3A_424 = arith.index_cast %parallel_loop3A_363 : i32 to index
      %parallel_loop3A_425 = arith.constant 128 : index
      %parallel_loop3A_426 = tpu.vector_load %arg9[%parallel_loop3A_424, %parallel_loop3A_425] {strides = array<i32>} : memref<40x512xf32, #tpu.memory_space<vmem>>, vector<16xf32>,
      tpu.vector_store %arg9[%parallel_loop3A_424, %parallel_loop3A_425], %parallel_loop3A_423 {strides = array<i32>} : memref<40x512xf32, #tpu.memory_space<vmem>>, vector<16xf32>,
      %parallel_loop3A_427 = arith.index_cast %parallel_loop3A_363 : i32 to index
      %parallel_loop3A_428 = arith.constant 144 : index
      %parallel_loop3A_429 = tpu.vector_load %arg7[%parallel_loop3A_427, %parallel_loop3A_428] {strides = array<i32>} : memref<40x512xi32, #tpu.memory_space<vmem>>, vector<16xi32>,
      %parallel_loop3A_430 = tpu.vector_load_idx %arg5[%parallel_loop3A_429] : memref<208xf32, #tpu.memory_space<vmem>>[vector<16xi32>], vector<16xf32>,
      %parallel_loop3A_431 = arith.index_cast %parallel_loop3A_363 : i32 to index
      %parallel_loop3A_432 = arith.constant 144 : index
      %parallel_loop3A_433 = tpu.vector_load %arg9[%parallel_loop3A_431, %parallel_loop3A_432] {strides = array<i32>} : memref<40x512xf32, #tpu.memory_space<vmem>>, vector<16xf32>,
      tpu.vector_store %arg9[%parallel_loop3A_431, %parallel_loop3A_432], %parallel_loop3A_430 {strides = array<i32>} : memref<40x512xf32, #tpu.memory_space<vmem>>, vector<16xf32>,
      %parallel_loop3A_434 = arith.index_cast %parallel_loop3A_363 : i32 to index
      %parallel_loop3A_435 = arith.constant 160 : index
      %parallel_loop3A_436 = tpu.vector_load %arg7[%parallel_loop3A_434, %parallel_loop3A_435] {strides = array<i32>} : memref<40x512xi32, #tpu.memory_space<vmem>>, vector<16xi32>,
      %parallel_loop3A_437 = tpu.vector_load_idx %arg5[%parallel_loop3A_436] : memref<208xf32, #tpu.memory_space<vmem>>[vector<16xi32>], vector<16xf32>,
      %parallel_loop3A_438 = arith.index_cast %parallel_loop3A_363 : i32 to index
      %parallel_loop3A_439 = arith.constant 160 : index
      %parallel_loop3A_440 = tpu.vector_load %arg9[%parallel_loop3A_438, %parallel_loop3A_439] {strides = array<i32>} : memref<40x512xf32, #tpu.memory_space<vmem>>, vector<16xf32>,
      tpu.vector_store %arg9[%parallel_loop3A_438, %parallel_loop3A_439], %parallel_loop3A_437 {strides = array<i32>} : memref<40x512xf32, #tpu.memory_space<vmem>>, vector<16xf32>,
      %parallel_loop3A_441 = arith.index_cast %parallel_loop3A_363 : i32 to index
      %parallel_loop3A_442 = arith.constant 176 : index
      %parallel_loop3A_443 = tpu.vector_load %arg7[%parallel_loop3A_441, %parallel_loop3A_442] {strides = array<i32>} : memref<40x512xi32, #tpu.memory_space<vmem>>, vector<16xi32>,
      %parallel_loop3A_444 = tpu.vector_load_idx %arg5[%parallel_loop3A_443] : memref<208xf32, #tpu.memory_space<vmem>>[vector<16xi32>], vector<16xf32>,
      %parallel_loop3A_445 = arith.index_cast %parallel_loop3A_363 : i32 to index
      %parallel_loop3A_446 = arith.constant 176 : index
      %parallel_loop3A_447 = tpu.vector_load %arg9[%parallel_loop3A_445, %parallel_loop3A_446] {strides = array<i32>} : memref<40x512xf32, #tpu.memory_space<vmem>>, vector<16xf32>,
      tpu.vector_store %arg9[%parallel_loop3A_445, %parallel_loop3A_446], %parallel_loop3A_444 {strides = array<i32>} : memref<40x512xf32, #tpu.memory_space<vmem>>, vector<16xf32>,
      %parallel_loop3A_448 = arith.index_cast %parallel_loop3A_363 : i32 to index
      %parallel_loop3A_449 = arith.constant 192 : index
      %parallel_loop3A_450 = tpu.vector_load %arg7[%parallel_loop3A_448, %parallel_loop3A_449] {strides = array<i32>} : memref<40x512xi32, #tpu.memory_space<vmem>>, vector<16xi32>,
      %parallel_loop3A_451 = tpu.vector_load_idx %arg5[%parallel_loop3A_450] : memref<208xf32, #tpu.memory_space<vmem>>[vector<16xi32>], vector<16xf32>,
      %parallel_loop3A_452 = arith.index_cast %parallel_loop3A_363 : i32 to index
      %parallel_loop3A_453 = arith.constant 192 : index
      %parallel_loop3A_454 = tpu.vector_load %arg9[%parallel_loop3A_452, %parallel_loop3A_453] {strides = array<i32>} : memref<40x512xf32, #tpu.memory_space<vmem>>, vector<16xf32>,
      tpu.vector_store %arg9[%parallel_loop3A_452, %parallel_loop3A_453], %parallel_loop3A_451 {strides = array<i32>} : memref<40x512xf32, #tpu.memory_space<vmem>>, vector<16xf32>,
      %parallel_loop3A_455 = arith.index_cast %parallel_loop3A_363 : i32 to index
      %parallel_loop3A_456 = arith.constant 208 : index
      %parallel_loop3A_457 = tpu.vector_load %arg7[%parallel_loop3A_455, %parallel_loop3A_456] {strides = array<i32>} : memref<40x512xi32, #tpu.memory_space<vmem>>, vector<16xi32>,
      %parallel_loop3A_458 = tpu.vector_load_idx %arg5[%parallel_loop3A_457] : memref<208xf32, #tpu.memory_space<vmem>>[vector<16xi32>], vector<16xf32>,
      %parallel_loop3A_459 = arith.index_cast %parallel_loop3A_363 : i32 to index
      %parallel_loop3A_460 = arith.constant 208 : index
      %parallel_loop3A_461 = tpu.vector_load %arg9[%parallel_loop3A_459, %parallel_loop3A_460] {strides = array<i32>} : memref<40x512xf32, #tpu.memory_space<vmem>>, vector<16xf32>,
      tpu.vector_store %arg9[%parallel_loop3A_459, %parallel_loop3A_460], %parallel_loop3A_458 {strides = array<i32>} : memref<40x512xf32, #tpu.memory_space<vmem>>, vector<16xf32>,
      %parallel_loop3A_462 = arith.index_cast %parallel_loop3A_363 : i32 to index
      %parallel_loop3A_463 = arith.constant 224 : index
      %parallel_loop3A_464 = tpu.vector_load %arg7[%parallel_loop3A_462, %parallel_loop3A_463] {strides = array<i32>} : memref<40x512xi32, #tpu.memory_space<vmem>>, vector<16xi32>,
      %parallel_loop3A_465 = tpu.vector_load_idx %arg5[%parallel_loop3A_464] : memref<208xf32, #tpu.memory_space<vmem>>[vector<16xi32>], vector<16xf32>,
      %parallel_loop3A_466 = arith.index_cast %parallel_loop3A_363 : i32 to index
      %parallel_loop3A_467 = arith.constant 224 : index
      %parallel_loop3A_468 = tpu.vector_load %arg9[%parallel_loop3A_466, %parallel_loop3A_467] {strides = array<i32>} : memref<40x512xf32, #tpu.memory_space<vmem>>, vector<16xf32>,
      tpu.vector_store %arg9[%parallel_loop3A_466, %parallel_loop3A_467], %parallel_loop3A_465 {strides = array<i32>} : memref<40x512xf32, #tpu.memory_space<vmem>>, vector<16xf32>,
      %parallel_loop3A_469 = arith.index_cast %parallel_loop3A_363 : i32 to index
      %parallel_loop3A_470 = arith.constant 240 : index
      %parallel_loop3A_471 = tpu.vector_load %arg7[%parallel_loop3A_469, %parallel_loop3A_470] {strides = array<i32>} : memref<40x512xi32, #tpu.memory_space<vmem>>, vector<16xi32>,
      %parallel_loop3A_472 = tpu.vector_load_idx %arg5[%parallel_loop3A_471] : memref<208xf32, #tpu.memory_space<vmem>>[vector<16xi32>], vector<16xf32>,
      %parallel_loop3A_473 = arith.index_cast %parallel_loop3A_363 : i32 to index
      %parallel_loop3A_474 = arith.constant 240 : index
      %parallel_loop3A_475 = tpu.vector_load %arg9[%parallel_loop3A_473, %parallel_loop3A_474] {strides = array<i32>} : memref<40x512xf32, #tpu.memory_space<vmem>>, vector<16xf32>,
      tpu.vector_store %arg9[%parallel_loop3A_473, %parallel_loop3A_474], %parallel_loop3A_472 {strides = array<i32>} : memref<40x512xf32, #tpu.memory_space<vmem>>, vector<16xf32>,
      %parallel_loop3A_476 = arith.index_cast %parallel_loop3A_363 : i32 to index
      %parallel_loop3A_477 = arith.constant 256 : index
      %parallel_loop3A_478 = tpu.vector_load %arg7[%parallel_loop3A_476, %parallel_loop3A_477] {strides = array<i32>} : memref<40x512xi32, #tpu.memory_space<vmem>>, vector<16xi32>,
      %parallel_loop3A_479 = tpu.vector_load_idx %arg5[%parallel_loop3A_478] : memref<208xf32, #tpu.memory_space<vmem>>[vector<16xi32>], vector<16xf32>,
      %parallel_loop3A_480 = arith.index_cast %parallel_loop3A_363 : i32 to index
      %parallel_loop3A_481 = arith.constant 256 : index
      %parallel_loop3A_482 = tpu.vector_load %arg9[%parallel_loop3A_480, %parallel_loop3A_481] {strides = array<i32>} : memref<40x512xf32, #tpu.memory_space<vmem>>, vector<16xf32>,
      tpu.vector_store %arg9[%parallel_loop3A_480, %parallel_loop3A_481], %parallel_loop3A_479 {strides = array<i32>} : memref<40x512xf32, #tpu.memory_space<vmem>>, vector<16xf32>,
      %parallel_loop3A_483 = arith.index_cast %parallel_loop3A_363 : i32 to index
      %parallel_loop3A_484 = arith.constant 272 : index
      %parallel_loop3A_485 = tpu.vector_load %arg7[%parallel_loop3A_483, %parallel_loop3A_484] {strides = array<i32>} : memref<40x512xi32, #tpu.memory_space<vmem>>, vector<16xi32>,
      %parallel_loop3A_486 = tpu.vector_load_idx %arg5[%parallel_loop3A_485] : memref<208xf32, #tpu.memory_space<vmem>>[vector<16xi32>], vector<16xf32>,
      %parallel_loop3A_487 = arith.index_cast %parallel_loop3A_363 : i32 to index
      %parallel_loop3A_488 = arith.constant 272 : index
      %parallel_loop3A_489 = tpu.vector_load %arg9[%parallel_loop3A_487, %parallel_loop3A_488] {strides = array<i32>} : memref<40x512xf32, #tpu.memory_space<vmem>>, vector<16xf32>,
      tpu.vector_store %arg9[%parallel_loop3A_487, %parallel_loop3A_488], %parallel_loop3A_486 {strides = array<i32>} : memref<40x512xf32, #tpu.memory_space<vmem>>, vector<16xf32>,
      %parallel_loop3A_490 = arith.index_cast %parallel_loop3A_363 : i32 to index
      %parallel_loop3A_491 = arith.constant 288 : index
      %parallel_loop3A_492 = tpu.vector_load %arg7[%parallel_loop3A_490, %parallel_loop3A_491] {strides = array<i32>} : memref<40x512xi32, #tpu.memory_space<vmem>>, vector<16xi32>,
      %parallel_loop3A_493 = tpu.vector_load_idx %arg5[%parallel_loop3A_492] : memref<208xf32, #tpu.memory_space<vmem>>[vector<16xi32>], vector<16xf32>,
      %parallel_loop3A_494 = arith.index_cast %parallel_loop3A_363 : i32 to index
      %parallel_loop3A_495 = arith.constant 288 : index
      %parallel_loop3A_496 = tpu.vector_load %arg9[%parallel_loop3A_494, %parallel_loop3A_495] {strides = array<i32>} : memref<40x512xf32, #tpu.memory_space<vmem>>, vector<16xf32>,
      tpu.vector_store %arg9[%parallel_loop3A_494, %parallel_loop3A_495], %parallel_loop3A_493 {strides = array<i32>} : memref<40x512xf32, #tpu.memory_space<vmem>>, vector<16xf32>,
      %parallel_loop3A_497 = arith.index_cast %parallel_loop3A_363 : i32 to index
      %parallel_loop3A_498 = arith.constant 304 : index
      %parallel_loop3A_499 = tpu.vector_load %arg7[%parallel_loop3A_497, %parallel_loop3A_498] {strides = array<i32>} : memref<40x512xi32, #tpu.memory_space<vmem>>, vector<16xi32>,
      %parallel_loop3A_500 = tpu.vector_load_idx %arg5[%parallel_loop3A_499] : memref<208xf32, #tpu.memory_space<vmem>>[vector<16xi32>], vector<16xf32>,
      %parallel_loop3A_501 = arith.index_cast %parallel_loop3A_363 : i32 to index
      %parallel_loop3A_502 = arith.constant 304 : index
      %parallel_loop3A_503 = tpu.vector_load %arg9[%parallel_loop3A_501, %parallel_loop3A_502] {strides = array<i32>} : memref<40x512xf32, #tpu.memory_space<vmem>>, vector<16xf32>,
      tpu.vector_store %arg9[%parallel_loop3A_501, %parallel_loop3A_502], %parallel_loop3A_500 {strides = array<i32>} : memref<40x512xf32, #tpu.memory_space<vmem>>, vector<16xf32>,
      %parallel_loop3A_504 = arith.index_cast %parallel_loop3A_363 : i32 to index
      %parallel_loop3A_505 = arith.constant 320 : index
      %parallel_loop3A_506 = tpu.vector_load %arg7[%parallel_loop3A_504, %parallel_loop3A_505] {strides = array<i32>} : memref<40x512xi32, #tpu.memory_space<vmem>>, vector<16xi32>,
      %parallel_loop3A_507 = tpu.vector_load_idx %arg5[%parallel_loop3A_506] : memref<208xf32, #tpu.memory_space<vmem>>[vector<16xi32>], vector<16xf32>,
      %parallel_loop3A_508 = arith.index_cast %parallel_loop3A_363 : i32 to index
      %parallel_loop3A_509 = arith.constant 320 : index
      %parallel_loop3A_510 = tpu.vector_load %arg9[%parallel_loop3A_508, %parallel_loop3A_509] {strides = array<i32>} : memref<40x512xf32, #tpu.memory_space<vmem>>, vector<16xf32>,
      tpu.vector_store %arg9[%parallel_loop3A_508, %parallel_loop3A_509], %parallel_loop3A_507 {strides = array<i32>} : memref<40x512xf32, #tpu.memory_space<vmem>>, vector<16xf32>,
      %parallel_loop3A_511 = arith.index_cast %parallel_loop3A_363 : i32 to index
      %parallel_loop3A_512 = arith.constant 336 : index
      %parallel_loop3A_513 = tpu.vector_load %arg7[%parallel_loop3A_511, %parallel_loop3A_512] {strides = array<i32>} : memref<40x512xi32, #tpu.memory_space<vmem>>, vector<16xi32>,
      %parallel_loop3A_514 = tpu.vector_load_idx %arg5[%parallel_loop3A_513] : memref<208xf32, #tpu.memory_space<vmem>>[vector<16xi32>], vector<16xf32>,
      %parallel_loop3A_515 = arith.index_cast %parallel_loop3A_363 : i32 to index
      %parallel_loop3A_516 = arith.constant 336 : index
      %parallel_loop3A_517 = tpu.vector_load %arg9[%parallel_loop3A_515, %parallel_loop3A_516] {strides = array<i32>} : memref<40x512xf32, #tpu.memory_space<vmem>>, vector<16xf32>,
      tpu.vector_store %arg9[%parallel_loop3A_515, %parallel_loop3A_516], %parallel_loop3A_514 {strides = array<i32>} : memref<40x512xf32, #tpu.memory_space<vmem>>, vector<16xf32>,
      %parallel_loop3A_518 = arith.index_cast %parallel_loop3A_363 : i32 to index
      %parallel_loop3A_519 = arith.constant 352 : index
      %parallel_loop3A_520 = tpu.vector_load %arg7[%parallel_loop3A_518, %parallel_loop3A_519] {strides = array<i32>} : memref<40x512xi32, #tpu.memory_space<vmem>>, vector<16xi32>,
      %parallel_loop3A_521 = tpu.vector_load_idx %arg5[%parallel_loop3A_520] : memref<208xf32, #tpu.memory_space<vmem>>[vector<16xi32>], vector<16xf32>,
      %parallel_loop3A_522 = arith.index_cast %parallel_loop3A_363 : i32 to index
      %parallel_loop3A_523 = arith.constant 352 : index
      %parallel_loop3A_524 = tpu.vector_load %arg9[%parallel_loop3A_522, %parallel_loop3A_523] {strides = array<i32>} : memref<40x512xf32, #tpu.memory_space<vmem>>, vector<16xf32>,
      tpu.vector_store %arg9[%parallel_loop3A_522, %parallel_loop3A_523], %parallel_loop3A_521 {strides = array<i32>} : memref<40x512xf32, #tpu.memory_space<vmem>>, vector<16xf32>,
      %parallel_loop3A_525 = arith.index_cast %parallel_loop3A_363 : i32 to index
      %parallel_loop3A_526 = arith.constant 368 : index
      %parallel_loop3A_527 = tpu.vector_load %arg7[%parallel_loop3A_525, %parallel_loop3A_526] {strides = array<i32>} : memref<40x512xi32, #tpu.memory_space<vmem>>, vector<16xi32>,
      %parallel_loop3A_528 = tpu.vector_load_idx %arg5[%parallel_loop3A_527] : memref<208xf32, #tpu.memory_space<vmem>>[vector<16xi32>], vector<16xf32>,
      %parallel_loop3A_529 = arith.index_cast %parallel_loop3A_363 : i32 to index
      %parallel_loop3A_530 = arith.constant 368 : index
      %parallel_loop3A_531 = tpu.vector_load %arg9[%parallel_loop3A_529, %parallel_loop3A_530] {strides = array<i32>} : memref<40x512xf32, #tpu.memory_space<vmem>>, vector<16xf32>,
      tpu.vector_store %arg9[%parallel_loop3A_529, %parallel_loop3A_530], %parallel_loop3A_528 {strides = array<i32>} : memref<40x512xf32, #tpu.memory_space<vmem>>, vector<16xf32>,
      %parallel_loop3A_532 = arith.index_cast %parallel_loop3A_363 : i32 to index
      %parallel_loop3A_533 = arith.constant 384 : index
      %parallel_loop3A_534 = tpu.vector_load %arg7[%parallel_loop3A_532, %parallel_loop3A_533] {strides = array<i32>} : memref<40x512xi32, #tpu.memory_space<vmem>>, vector<16xi32>,
      %parallel_loop3A_535 = tpu.vector_load_idx %arg5[%parallel_loop3A_534] : memref<208xf32, #tpu.memory_space<vmem>>[vector<16xi32>], vector<16xf32>,
      %parallel_loop3A_536 = arith.index_cast %parallel_loop3A_363 : i32 to index
      %parallel_loop3A_537 = arith.constant 384 : index
      %parallel_loop3A_538 = tpu.vector_load %arg9[%parallel_loop3A_536, %parallel_loop3A_537] {strides = array<i32>} : memref<40x512xf32, #tpu.memory_space<vmem>>, vector<16xf32>,
      tpu.vector_store %arg9[%parallel_loop3A_536, %parallel_loop3A_537], %parallel_loop3A_535 {strides = array<i32>} : memref<40x512xf32, #tpu.memory_space<vmem>>, vector<16xf32>,
      %parallel_loop3A_539 = arith.index_cast %parallel_loop3A_363 : i32 to index
      %parallel_loop3A_540 = arith.constant 400 : index
      %parallel_loop3A_541 = tpu.vector_load %arg7[%parallel_loop3A_539, %parallel_loop3A_540] {strides = array<i32>} : memref<40x512xi32, #tpu.memory_space<vmem>>, vector<16xi32>,
      %parallel_loop3A_542 = tpu.vector_load_idx %arg5[%parallel_loop3A_541] : memref<208xf32, #tpu.memory_space<vmem>>[vector<16xi32>], vector<16xf32>,
      %parallel_loop3A_543 = arith.index_cast %parallel_loop3A_363 : i32 to index
      %parallel_loop3A_544 = arith.constant 400 : index
      %parallel_loop3A_545 = tpu.vector_load %arg9[%parallel_loop3A_543, %parallel_loop3A_544] {strides = array<i32>} : memref<40x512xf32, #tpu.memory_space<vmem>>, vector<16xf32>,
      tpu.vector_store %arg9[%parallel_loop3A_543, %parallel_loop3A_544], %parallel_loop3A_542 {strides = array<i32>} : memref<40x512xf32, #tpu.memory_space<vmem>>, vector<16xf32>,
      %parallel_loop3A_546 = arith.index_cast %parallel_loop3A_363 : i32 to index
      %parallel_loop3A_547 = arith.constant 416 : index
      %parallel_loop3A_548 = tpu.vector_load %arg7[%parallel_loop3A_546, %parallel_loop3A_547] {strides = array<i32>} : memref<40x512xi32, #tpu.memory_space<vmem>>, vector<16xi32>,
      %parallel_loop3A_549 = tpu.vector_load_idx %arg5[%parallel_loop3A_548] : memref<208xf32, #tpu.memory_space<vmem>>[vector<16xi32>], vector<16xf32>,
      %parallel_loop3A_550 = arith.index_cast %parallel_loop3A_363 : i32 to index
      %parallel_loop3A_551 = arith.constant 416 : index
      %parallel_loop3A_552 = tpu.vector_load %arg9[%parallel_loop3A_550, %parallel_loop3A_551] {strides = array<i32>} : memref<40x512xf32, #tpu.memory_space<vmem>>, vector<16xf32>,
      tpu.vector_store %arg9[%parallel_loop3A_550, %parallel_loop3A_551], %parallel_loop3A_549 {strides = array<i32>} : memref<40x512xf32, #tpu.memory_space<vmem>>, vector<16xf32>,
      %parallel_loop3A_553 = arith.index_cast %parallel_loop3A_363 : i32 to index
      %parallel_loop3A_554 = arith.constant 432 : index
      %parallel_loop3A_555 = tpu.vector_load %arg7[%parallel_loop3A_553, %parallel_loop3A_554] {strides = array<i32>} : memref<40x512xi32, #tpu.memory_space<vmem>>, vector<16xi32>,
      %parallel_loop3A_556 = tpu.vector_load_idx %arg5[%parallel_loop3A_555] : memref<208xf32, #tpu.memory_space<vmem>>[vector<16xi32>], vector<16xf32>,
      %parallel_loop3A_557 = arith.index_cast %parallel_loop3A_363 : i32 to index
      %parallel_loop3A_558 = arith.constant 432 : index
      %parallel_loop3A_559 = tpu.vector_load %arg9[%parallel_loop3A_557, %parallel_loop3A_558] {strides = array<i32>} : memref<40x512xf32, #tpu.memory_space<vmem>>, vector<16xf32>,
      tpu.vector_store %arg9[%parallel_loop3A_557, %parallel_loop3A_558], %parallel_loop3A_556 {strides = array<i32>} : memref<40x512xf32, #tpu.memory_space<vmem>>, vector<16xf32>,
      %parallel_loop3A_560 = arith.index_cast %parallel_loop3A_363 : i32 to index
      %parallel_loop3A_561 = arith.constant 448 : index
      %parallel_loop3A_562 = tpu.vector_load %arg7[%parallel_loop3A_560, %parallel_loop3A_561] {strides = array<i32>} : memref<40x512xi32, #tpu.memory_space<vmem>>, vector<16xi32>,
      %parallel_loop3A_563 = tpu.vector_load_idx %arg5[%parallel_loop3A_562] : memref<208xf32, #tpu.memory_space<vmem>>[vector<16xi32>], vector<16xf32>,
      %parallel_loop3A_564 = arith.index_cast %parallel_loop3A_363 : i32 to index
      %parallel_loop3A_565 = arith.constant 448 : index
      %parallel_loop3A_566 = tpu.vector_load %arg9[%parallel_loop3A_564, %parallel_loop3A_565] {strides = array<i32>} : memref<40x512xf32, #tpu.memory_space<vmem>>, vector<16xf32>,
      tpu.vector_store %arg9[%parallel_loop3A_564, %parallel_loop3A_565], %parallel_loop3A_563 {strides = array<i32>} : memref<40x512xf32, #tpu.memory_space<vmem>>, vector<16xf32>,
      %parallel_loop3A_567 = arith.index_cast %parallel_loop3A_363 : i32 to index
      %parallel_loop3A_568 = arith.constant 464 : index
      %parallel_loop3A_569 = tpu.vector_load %arg7[%parallel_loop3A_567, %parallel_loop3A_568] {strides = array<i32>} : memref<40x512xi32, #tpu.memory_space<vmem>>, vector<16xi32>,
      %parallel_loop3A_570 = tpu.vector_load_idx %arg5[%parallel_loop3A_569] : memref<208xf32, #tpu.memory_space<vmem>>[vector<16xi32>], vector<16xf32>,
      %parallel_loop3A_571 = arith.index_cast %parallel_loop3A_363 : i32 to index
      %parallel_loop3A_572 = arith.constant 464 : index
      %parallel_loop3A_573 = tpu.vector_load %arg9[%parallel_loop3A_571, %parallel_loop3A_572] {strides = array<i32>} : memref<40x512xf32, #tpu.memory_space<vmem>>, vector<16xf32>,
      tpu.vector_store %arg9[%parallel_loop3A_571, %parallel_loop3A_572], %parallel_loop3A_570 {strides = array<i32>} : memref<40x512xf32, #tpu.memory_space<vmem>>, vector<16xf32>,
      %parallel_loop3A_574 = arith.index_cast %parallel_loop3A_363 : i32 to index
      %parallel_loop3A_575 = arith.constant 480 : index
      %parallel_loop3A_576 = tpu.vector_load %arg7[%parallel_loop3A_574, %parallel_loop3A_575] {strides = array<i32>} : memref<40x512xi32, #tpu.memory_space<vmem>>, vector<16xi32>,
      %parallel_loop3A_577 = tpu.vector_load_idx %arg5[%parallel_loop3A_576] : memref<208xf32, #tpu.memory_space<vmem>>[vector<16xi32>], vector<16xf32>,
      %parallel_loop3A_578 = arith.index_cast %parallel_loop3A_363 : i32 to index
      %parallel_loop3A_579 = arith.constant 480 : index
      %parallel_loop3A_580 = tpu.vector_load %arg9[%parallel_loop3A_578, %parallel_loop3A_579] {strides = array<i32>} : memref<40x512xf32, #tpu.memory_space<vmem>>, vector<16xf32>,
      tpu.vector_store %arg9[%parallel_loop3A_578, %parallel_loop3A_579], %parallel_loop3A_577 {strides = array<i32>} : memref<40x512xf32, #tpu.memory_space<vmem>>, vector<16xf32>,
      %parallel_loop3A_581 = arith.index_cast %parallel_loop3A_363 : i32 to index
      %parallel_loop3A_582 = arith.constant 496 : index
      %parallel_loop3A_583 = tpu.vector_load %arg7[%parallel_loop3A_581, %parallel_loop3A_582] {strides = array<i32>} : memref<40x512xi32, #tpu.memory_space<vmem>>, vector<16xi32>,
      %parallel_loop3A_584 = tpu.vector_load_idx %arg5[%parallel_loop3A_583] : memref<208xf32, #tpu.memory_space<vmem>>[vector<16xi32>], vector<16xf32>,
      %parallel_loop3A_585 = arith.index_cast %parallel_loop3A_363 : i32 to index
      %parallel_loop3A_586 = arith.constant 496 : index
      %parallel_loop3A_587 = tpu.vector_load %arg9[%parallel_loop3A_585, %parallel_loop3A_586] {strides = array<i32>} : memref<40x512xf32, #tpu.memory_space<vmem>>, vector<16xf32>,
      tpu.vector_store %arg9[%parallel_loop3A_585, %parallel_loop3A_586], %parallel_loop3A_584 {strides = array<i32>} : memref<40x512xf32, #tpu.memory_space<vmem>>, vector<16xf32>,
    } {sc.loop_unroll_factor = 8 : i64, sc.parallel_access}
    %dma_start3A_296 = arith.constant 0 : i32
    %dma_start3A_297 = arith.constant 80 : i32
    %dma_start3A_298 = tpu.memref_slice %arg4[%dma_start3A_297, %dma_start3A_296, %mul3A_2] : memref<200x1x16384xf32, #tpu.memory_space<hbm>> -> memref<40x1x512xf32, #tpu.memory_space<hbm>>
    %dma_start3A_299 = tpu.memref_squeeze %dma_start3A_298 : memref<40x1x512xf32, #tpu.memory_space<hbm>> -> memref<40x512xf32, #tpu.memory_space<hbm>>
    %dma_start3A_300 = arith.constant 80 : i32
    %dma_start3A_301 = tpu.memref_slice %arg4[%dma_start3A_300, %dma_start3A_296, %mul3A_2] : memref<200x1x16384xf32, #tpu.memory_space<hbm>> -> memref<40x1x512xf32, #tpu.memory_space<hbm>>
    %dma_start3A_302 = tpu.memref_squeeze %dma_start3A_301 : memref<40x1x512xf32, #tpu.memory_space<hbm>> -> memref<40x512xf32, #tpu.memory_space<hbm>>
    tpu.enqueue_dma source(%arg9 : memref<40x512xf32, #tpu.memory_space<vmem>>) target(%dma_start3A_302 : memref<40x512xf32, #tpu.memory_space<hbm>>) target_semaphore(%arg12 : memref<!tpu.dma_semaphore, #tpu.memory_space<semaphore_mem>>)
    %dma_start3A_303 = arith.constant 160 : i32
    %dma_start3A_304 = tpu.memref_slice %arg2[%dma_start3A_303, %mul3A_2] : memref<200x16384xi32, #tpu.memory_space<hbm>> -> memref<40x512xi32, #tpu.memory_space<hbm>>
    %dma_start3A_305 = arith.constant 160 : i32
    %dma_start3A_306 = tpu.memref_slice %arg2[%dma_start3A_305, %mul3A_2] : memref<200x16384xi32, #tpu.memory_space<hbm>> -> memref<40x512xi32, #tpu.memory_space<hbm>>
    tpu.enqueue_dma source(%dma_start3A_306 : memref<40x512xi32, #tpu.memory_space<hbm>>) target(%arg7 : memref<40x512xi32, #tpu.memory_space<vmem>>) target_semaphore(%arg11 : memref<!tpu.dma_semaphore, #tpu.memory_space<semaphore_mem>>)
    %dma_wait3A_307 = arith.constant 120 : i32
    %dma_wait3A_308 = tpu.memref_slice %arg2[%dma_wait3A_307, %mul3A_2] : memref<200x16384xi32, #tpu.memory_space<hbm>> -> memref<40x512xi32, #tpu.memory_space<hbm>>
    %dma_wait3A_309 = arith.constant 120 : i32
    %dma_wait3A_310 = tpu.memref_slice %arg2[%dma_wait3A_309, %mul3A_2] : memref<200x16384xi32, #tpu.memory_space<hbm>> -> memref<40x512xi32, #tpu.memory_space<hbm>>
    tpu.wait_dma2 semaphore(%arg11 : memref<!tpu.dma_semaphore, #tpu.memory_space<semaphore_mem>>) src(%dma_wait3A_310 : memref<40x512xi32, #tpu.memory_space<hbm>>) dst(%arg8 : memref<40x512xi32, #tpu.memory_space<vmem>>)
    %dma_wait3A_311 = arith.constant 0 : i32
    %dma_wait3A_312 = arith.constant 40 : i32
    %dma_wait3A_313 = tpu.memref_slice %arg4[%dma_wait3A_312, %dma_wait3A_311, %mul3A_2] : memref<200x1x16384xf32, #tpu.memory_space<hbm>> -> memref<40x1x512xf32, #tpu.memory_space<hbm>>
    %dma_wait3A_314 = tpu.memref_squeeze %dma_wait3A_313 : memref<40x1x512xf32, #tpu.memory_space<hbm>> -> memref<40x512xf32, #tpu.memory_space<hbm>>
    %dma_wait3A_315 = arith.constant 40 : i32
    %dma_wait3A_316 = tpu.memref_slice %arg4[%dma_wait3A_315, %dma_wait3A_311, %mul3A_2] : memref<200x1x16384xf32, #tpu.memory_space<hbm>> -> memref<40x1x512xf32, #tpu.memory_space<hbm>>
    %dma_wait3A_317 = tpu.memref_squeeze %dma_wait3A_316 : memref<40x1x512xf32, #tpu.memory_space<hbm>> -> memref<40x512xf32, #tpu.memory_space<hbm>>
    tpu.wait_dma2 semaphore(%arg12 : memref<!tpu.dma_semaphore, #tpu.memory_space<semaphore_mem>>) src(%arg10 : memref<40x512xf32, #tpu.memory_space<vmem>>) dst(%dma_wait3A_317 : memref<40x512xf32, #tpu.memory_space<hbm>>)
    %parallel_loop3A_318 = arith.constant 0 : i32
    %parallel_loop3A_319 = arith.constant 40 : i32
    %parallel_loop3A_320 = arith.constant 1 : i32
    scf.for %parallel_loop3A_363 = %parallel_loop3A_318 to %parallel_loop3A_319 step %parallel_loop3A_320  : i32 {
      %parallel_loop3A_364 = arith.index_cast %parallel_loop3A_363 : i32 to index
      %parallel_loop3A_365 = arith.constant 0 : index
      %parallel_loop3A_366 = tpu.vector_load %arg8[%parallel_loop3A_364, %parallel_loop3A_365] {strides = array<i32>} : memref<40x512xi32, #tpu.memory_space<vmem>>, vector<16xi32>,
      %parallel_loop3A_367 = tpu.vector_load_idx %arg5[%parallel_loop3A_366] : memref<208xf32, #tpu.memory_space<vmem>>[vector<16xi32>], vector<16xf32>,
      %parallel_loop3A_368 = arith.index_cast %parallel_loop3A_363 : i32 to index
      %parallel_loop3A_369 = arith.constant 0 : index
      %parallel_loop3A_370 = tpu.vector_load %arg10[%parallel_loop3A_368, %parallel_loop3A_369] {strides = array<i32>} : memref<40x512xf32, #tpu.memory_space<vmem>>, vector<16xf32>,
      tpu.vector_store %arg10[%parallel_loop3A_368, %parallel_loop3A_369], %parallel_loop3A_367 {strides = array<i32>} : memref<40x512xf32, #tpu.memory_space<vmem>>, vector<16xf32>,
      %parallel_loop3A_371 = arith.index_cast %parallel_loop3A_363 : i32 to index
      %parallel_loop3A_372 = arith.constant 16 : index
      %parallel_loop3A_373 = tpu.vector_load %arg8[%parallel_loop3A_371, %parallel_loop3A_372] {strides = array<i32>} : memref<40x512xi32, #tpu.memory_space<vmem>>, vector<16xi32>,
      %parallel_loop3A_374 = tpu.vector_load_idx %arg5[%parallel_loop3A_373] : memref<208xf32, #tpu.memory_space<vmem>>[vector<16xi32>], vector<16xf32>,
      %parallel_loop3A_375 = arith.index_cast %parallel_loop3A_363 : i32 to index
      %parallel_loop3A_376 = arith.constant 16 : index
      %parallel_loop3A_377 = tpu.vector_load %arg10[%parallel_loop3A_375, %parallel_loop3A_376] {strides = array<i32>} : memref<40x512xf32, #tpu.memory_space<vmem>>, vector<16xf32>,
      tpu.vector_store %arg10[%parallel_loop3A_375, %parallel_loop3A_376], %parallel_loop3A_374 {strides = array<i32>} : memref<40x512xf32, #tpu.memory_space<vmem>>, vector<16xf32>,
      %parallel_loop3A_378 = arith.index_cast %parallel_loop3A_363 : i32 to index
      %parallel_loop3A_379 = arith.constant 32 : index
      %parallel_loop3A_380 = tpu.vector_load %arg8[%parallel_loop3A_378, %parallel_loop3A_379] {strides = array<i32>} : memref<40x512xi32, #tpu.memory_space<vmem>>, vector<16xi32>,
      %parallel_loop3A_381 = tpu.vector_load_idx %arg5[%parallel_loop3A_380] : memref<208xf32, #tpu.memory_space<vmem>>[vector<16xi32>], vector<16xf32>,
      %parallel_loop3A_382 = arith.index_cast %parallel_loop3A_363 : i32 to index
      %parallel_loop3A_383 = arith.constant 32 : index
      %parallel_loop3A_384 = tpu.vector_load %arg10[%parallel_loop3A_382, %parallel_loop3A_383] {strides = array<i32>} : memref<40x512xf32, #tpu.memory_space<vmem>>, vector<16xf32>,
      tpu.vector_store %arg10[%parallel_loop3A_382, %parallel_loop3A_383], %parallel_loop3A_381 {strides = array<i32>} : memref<40x512xf32, #tpu.memory_space<vmem>>, vector<16xf32>,
      %parallel_loop3A_385 = arith.index_cast %parallel_loop3A_363 : i32 to index
      %parallel_loop3A_386 = arith.constant 48 : index
      %parallel_loop3A_387 = tpu.vector_load %arg8[%parallel_loop3A_385, %parallel_loop3A_386] {strides = array<i32>} : memref<40x512xi32, #tpu.memory_space<vmem>>, vector<16xi32>,
      %parallel_loop3A_388 = tpu.vector_load_idx %arg5[%parallel_loop3A_387] : memref<208xf32, #tpu.memory_space<vmem>>[vector<16xi32>], vector<16xf32>,
      %parallel_loop3A_389 = arith.index_cast %parallel_loop3A_363 : i32 to index
      %parallel_loop3A_390 = arith.constant 48 : index
      %parallel_loop3A_391 = tpu.vector_load %arg10[%parallel_loop3A_389, %parallel_loop3A_390] {strides = array<i32>} : memref<40x512xf32, #tpu.memory_space<vmem>>, vector<16xf32>,
      tpu.vector_store %arg10[%parallel_loop3A_389, %parallel_loop3A_390], %parallel_loop3A_388 {strides = array<i32>} : memref<40x512xf32, #tpu.memory_space<vmem>>, vector<16xf32>,
      %parallel_loop3A_392 = arith.index_cast %parallel_loop3A_363 : i32 to index
      %parallel_loop3A_393 = arith.constant 64 : index
      %parallel_loop3A_394 = tpu.vector_load %arg8[%parallel_loop3A_392, %parallel_loop3A_393] {strides = array<i32>} : memref<40x512xi32, #tpu.memory_space<vmem>>, vector<16xi32>,
      %parallel_loop3A_395 = tpu.vector_load_idx %arg5[%parallel_loop3A_394] : memref<208xf32, #tpu.memory_space<vmem>>[vector<16xi32>], vector<16xf32>,
      %parallel_loop3A_396 = arith.index_cast %parallel_loop3A_363 : i32 to index
      %parallel_loop3A_397 = arith.constant 64 : index
      %parallel_loop3A_398 = tpu.vector_load %arg10[%parallel_loop3A_396, %parallel_loop3A_397] {strides = array<i32>} : memref<40x512xf32, #tpu.memory_space<vmem>>, vector<16xf32>,
      tpu.vector_store %arg10[%parallel_loop3A_396, %parallel_loop3A_397], %parallel_loop3A_395 {strides = array<i32>} : memref<40x512xf32, #tpu.memory_space<vmem>>, vector<16xf32>,
      %parallel_loop3A_399 = arith.index_cast %parallel_loop3A_363 : i32 to index
      %parallel_loop3A_400 = arith.constant 80 : index
      %parallel_loop3A_401 = tpu.vector_load %arg8[%parallel_loop3A_399, %parallel_loop3A_400] {strides = array<i32>} : memref<40x512xi32, #tpu.memory_space<vmem>>, vector<16xi32>,
      %parallel_loop3A_402 = tpu.vector_load_idx %arg5[%parallel_loop3A_401] : memref<208xf32, #tpu.memory_space<vmem>>[vector<16xi32>], vector<16xf32>,
      %parallel_loop3A_403 = arith.index_cast %parallel_loop3A_363 : i32 to index
      %parallel_loop3A_404 = arith.constant 80 : index
      %parallel_loop3A_405 = tpu.vector_load %arg10[%parallel_loop3A_403, %parallel_loop3A_404] {strides = array<i32>} : memref<40x512xf32, #tpu.memory_space<vmem>>, vector<16xf32>,
      tpu.vector_store %arg10[%parallel_loop3A_403, %parallel_loop3A_404], %parallel_loop3A_402 {strides = array<i32>} : memref<40x512xf32, #tpu.memory_space<vmem>>, vector<16xf32>,
      %parallel_loop3A_406 = arith.index_cast %parallel_loop3A_363 : i32 to index
      %parallel_loop3A_407 = arith.constant 96 : index
      %parallel_loop3A_408 = tpu.vector_load %arg8[%parallel_loop3A_406, %parallel_loop3A_407] {strides = array<i32>} : memref<40x512xi32, #tpu.memory_space<vmem>>, vector<16xi32>,
      %parallel_loop3A_409 = tpu.vector_load_idx %arg5[%parallel_loop3A_408] : memref<208xf32, #tpu.memory_space<vmem>>[vector<16xi32>], vector<16xf32>,
      %parallel_loop3A_410 = arith.index_cast %parallel_loop3A_363 : i32 to index
      %parallel_loop3A_411 = arith.constant 96 : index
      %parallel_loop3A_412 = tpu.vector_load %arg10[%parallel_loop3A_410, %parallel_loop3A_411] {strides = array<i32>} : memref<40x512xf32, #tpu.memory_space<vmem>>, vector<16xf32>,
      tpu.vector_store %arg10[%parallel_loop3A_410, %parallel_loop3A_411], %parallel_loop3A_409 {strides = array<i32>} : memref<40x512xf32, #tpu.memory_space<vmem>>, vector<16xf32>,
      %parallel_loop3A_413 = arith.index_cast %parallel_loop3A_363 : i32 to index
      %parallel_loop3A_414 = arith.constant 112 : index
      %parallel_loop3A_415 = tpu.vector_load %arg8[%parallel_loop3A_413, %parallel_loop3A_414] {strides = array<i32>} : memref<40x512xi32, #tpu.memory_space<vmem>>, vector<16xi32>,
      %parallel_loop3A_416 = tpu.vector_load_idx %arg5[%parallel_loop3A_415] : memref<208xf32, #tpu.memory_space<vmem>>[vector<16xi32>], vector<16xf32>,
      %parallel_loop3A_417 = arith.index_cast %parallel_loop3A_363 : i32 to index
      %parallel_loop3A_418 = arith.constant 112 : index
      %parallel_loop3A_419 = tpu.vector_load %arg10[%parallel_loop3A_417, %parallel_loop3A_418] {strides = array<i32>} : memref<40x512xf32, #tpu.memory_space<vmem>>, vector<16xf32>,
      tpu.vector_store %arg10[%parallel_loop3A_417, %parallel_loop3A_418], %parallel_loop3A_416 {strides = array<i32>} : memref<40x512xf32, #tpu.memory_space<vmem>>, vector<16xf32>,
      %parallel_loop3A_420 = arith.index_cast %parallel_loop3A_363 : i32 to index
      %parallel_loop3A_421 = arith.constant 128 : index
      %parallel_loop3A_422 = tpu.vector_load %arg8[%parallel_loop3A_420, %parallel_loop3A_421] {strides = array<i32>} : memref<40x512xi32, #tpu.memory_space<vmem>>, vector<16xi32>,
      %parallel_loop3A_423 = tpu.vector_load_idx %arg5[%parallel_loop3A_422] : memref<208xf32, #tpu.memory_space<vmem>>[vector<16xi32>], vector<16xf32>,
      %parallel_loop3A_424 = arith.index_cast %parallel_loop3A_363 : i32 to index
      %parallel_loop3A_425 = arith.constant 128 : index
      %parallel_loop3A_426 = tpu.vector_load %arg10[%parallel_loop3A_424, %parallel_loop3A_425] {strides = array<i32>} : memref<40x512xf32, #tpu.memory_space<vmem>>, vector<16xf32>,
      tpu.vector_store %arg10[%parallel_loop3A_424, %parallel_loop3A_425], %parallel_loop3A_423 {strides = array<i32>} : memref<40x512xf32, #tpu.memory_space<vmem>>, vector<16xf32>,
      %parallel_loop3A_427 = arith.index_cast %parallel_loop3A_363 : i32 to index
      %parallel_loop3A_428 = arith.constant 144 : index
      %parallel_loop3A_429 = tpu.vector_load %arg8[%parallel_loop3A_427, %parallel_loop3A_428] {strides = array<i32>} : memref<40x512xi32, #tpu.memory_space<vmem>>, vector<16xi32>,
      %parallel_loop3A_430 = tpu.vector_load_idx %arg5[%parallel_loop3A_429] : memref<208xf32, #tpu.memory_space<vmem>>[vector<16xi32>], vector<16xf32>,
      %parallel_loop3A_431 = arith.index_cast %parallel_loop3A_363 : i32 to index
      %parallel_loop3A_432 = arith.constant 144 : index
      %parallel_loop3A_433 = tpu.vector_load %arg10[%parallel_loop3A_431, %parallel_loop3A_432] {strides = array<i32>} : memref<40x512xf32, #tpu.memory_space<vmem>>, vector<16xf32>,
      tpu.vector_store %arg10[%parallel_loop3A_431, %parallel_loop3A_432], %parallel_loop3A_430 {strides = array<i32>} : memref<40x512xf32, #tpu.memory_space<vmem>>, vector<16xf32>,
      %parallel_loop3A_434 = arith.index_cast %parallel_loop3A_363 : i32 to index
      %parallel_loop3A_435 = arith.constant 160 : index
      %parallel_loop3A_436 = tpu.vector_load %arg8[%parallel_loop3A_434, %parallel_loop3A_435] {strides = array<i32>} : memref<40x512xi32, #tpu.memory_space<vmem>>, vector<16xi32>,
      %parallel_loop3A_437 = tpu.vector_load_idx %arg5[%parallel_loop3A_436] : memref<208xf32, #tpu.memory_space<vmem>>[vector<16xi32>], vector<16xf32>,
      %parallel_loop3A_438 = arith.index_cast %parallel_loop3A_363 : i32 to index
      %parallel_loop3A_439 = arith.constant 160 : index
      %parallel_loop3A_440 = tpu.vector_load %arg10[%parallel_loop3A_438, %parallel_loop3A_439] {strides = array<i32>} : memref<40x512xf32, #tpu.memory_space<vmem>>, vector<16xf32>,
      tpu.vector_store %arg10[%parallel_loop3A_438, %parallel_loop3A_439], %parallel_loop3A_437 {strides = array<i32>} : memref<40x512xf32, #tpu.memory_space<vmem>>, vector<16xf32>,
      %parallel_loop3A_441 = arith.index_cast %parallel_loop3A_363 : i32 to index
      %parallel_loop3A_442 = arith.constant 176 : index
      %parallel_loop3A_443 = tpu.vector_load %arg8[%parallel_loop3A_441, %parallel_loop3A_442] {strides = array<i32>} : memref<40x512xi32, #tpu.memory_space<vmem>>, vector<16xi32>,
      %parallel_loop3A_444 = tpu.vector_load_idx %arg5[%parallel_loop3A_443] : memref<208xf32, #tpu.memory_space<vmem>>[vector<16xi32>], vector<16xf32>,
      %parallel_loop3A_445 = arith.index_cast %parallel_loop3A_363 : i32 to index
      %parallel_loop3A_446 = arith.constant 176 : index
      %parallel_loop3A_447 = tpu.vector_load %arg10[%parallel_loop3A_445, %parallel_loop3A_446] {strides = array<i32>} : memref<40x512xf32, #tpu.memory_space<vmem>>, vector<16xf32>,
      tpu.vector_store %arg10[%parallel_loop3A_445, %parallel_loop3A_446], %parallel_loop3A_444 {strides = array<i32>} : memref<40x512xf32, #tpu.memory_space<vmem>>, vector<16xf32>,
      %parallel_loop3A_448 = arith.index_cast %parallel_loop3A_363 : i32 to index
      %parallel_loop3A_449 = arith.constant 192 : index
      %parallel_loop3A_450 = tpu.vector_load %arg8[%parallel_loop3A_448, %parallel_loop3A_449] {strides = array<i32>} : memref<40x512xi32, #tpu.memory_space<vmem>>, vector<16xi32>,
      %parallel_loop3A_451 = tpu.vector_load_idx %arg5[%parallel_loop3A_450] : memref<208xf32, #tpu.memory_space<vmem>>[vector<16xi32>], vector<16xf32>,
      %parallel_loop3A_452 = arith.index_cast %parallel_loop3A_363 : i32 to index
      %parallel_loop3A_453 = arith.constant 192 : index
      %parallel_loop3A_454 = tpu.vector_load %arg10[%parallel_loop3A_452, %parallel_loop3A_453] {strides = array<i32>} : memref<40x512xf32, #tpu.memory_space<vmem>>, vector<16xf32>,
      tpu.vector_store %arg10[%parallel_loop3A_452, %parallel_loop3A_453], %parallel_loop3A_451 {strides = array<i32>} : memref<40x512xf32, #tpu.memory_space<vmem>>, vector<16xf32>,
      %parallel_loop3A_455 = arith.index_cast %parallel_loop3A_363 : i32 to index
      %parallel_loop3A_456 = arith.constant 208 : index
      %parallel_loop3A_457 = tpu.vector_load %arg8[%parallel_loop3A_455, %parallel_loop3A_456] {strides = array<i32>} : memref<40x512xi32, #tpu.memory_space<vmem>>, vector<16xi32>,
      %parallel_loop3A_458 = tpu.vector_load_idx %arg5[%parallel_loop3A_457] : memref<208xf32, #tpu.memory_space<vmem>>[vector<16xi32>], vector<16xf32>,
      %parallel_loop3A_459 = arith.index_cast %parallel_loop3A_363 : i32 to index
      %parallel_loop3A_460 = arith.constant 208 : index
      %parallel_loop3A_461 = tpu.vector_load %arg10[%parallel_loop3A_459, %parallel_loop3A_460] {strides = array<i32>} : memref<40x512xf32, #tpu.memory_space<vmem>>, vector<16xf32>,
      tpu.vector_store %arg10[%parallel_loop3A_459, %parallel_loop3A_460], %parallel_loop3A_458 {strides = array<i32>} : memref<40x512xf32, #tpu.memory_space<vmem>>, vector<16xf32>,
      %parallel_loop3A_462 = arith.index_cast %parallel_loop3A_363 : i32 to index
      %parallel_loop3A_463 = arith.constant 224 : index
      %parallel_loop3A_464 = tpu.vector_load %arg8[%parallel_loop3A_462, %parallel_loop3A_463] {strides = array<i32>} : memref<40x512xi32, #tpu.memory_space<vmem>>, vector<16xi32>,
      %parallel_loop3A_465 = tpu.vector_load_idx %arg5[%parallel_loop3A_464] : memref<208xf32, #tpu.memory_space<vmem>>[vector<16xi32>], vector<16xf32>,
      %parallel_loop3A_466 = arith.index_cast %parallel_loop3A_363 : i32 to index
      %parallel_loop3A_467 = arith.constant 224 : index
      %parallel_loop3A_468 = tpu.vector_load %arg10[%parallel_loop3A_466, %parallel_loop3A_467] {strides = array<i32>} : memref<40x512xf32, #tpu.memory_space<vmem>>, vector<16xf32>,
      tpu.vector_store %arg10[%parallel_loop3A_466, %parallel_loop3A_467], %parallel_loop3A_465 {strides = array<i32>} : memref<40x512xf32, #tpu.memory_space<vmem>>, vector<16xf32>,
      %parallel_loop3A_469 = arith.index_cast %parallel_loop3A_363 : i32 to index
      %parallel_loop3A_470 = arith.constant 240 : index
      %parallel_loop3A_471 = tpu.vector_load %arg8[%parallel_loop3A_469, %parallel_loop3A_470] {strides = array<i32>} : memref<40x512xi32, #tpu.memory_space<vmem>>, vector<16xi32>,
      %parallel_loop3A_472 = tpu.vector_load_idx %arg5[%parallel_loop3A_471] : memref<208xf32, #tpu.memory_space<vmem>>[vector<16xi32>], vector<16xf32>,
      %parallel_loop3A_473 = arith.index_cast %parallel_loop3A_363 : i32 to index
      %parallel_loop3A_474 = arith.constant 240 : index
      %parallel_loop3A_475 = tpu.vector_load %arg10[%parallel_loop3A_473, %parallel_loop3A_474] {strides = array<i32>} : memref<40x512xf32, #tpu.memory_space<vmem>>, vector<16xf32>,
      tpu.vector_store %arg10[%parallel_loop3A_473, %parallel_loop3A_474], %parallel_loop3A_472 {strides = array<i32>} : memref<40x512xf32, #tpu.memory_space<vmem>>, vector<16xf32>,
      %parallel_loop3A_476 = arith.index_cast %parallel_loop3A_363 : i32 to index
      %parallel_loop3A_477 = arith.constant 256 : index
      %parallel_loop3A_478 = tpu.vector_load %arg8[%parallel_loop3A_476, %parallel_loop3A_477] {strides = array<i32>} : memref<40x512xi32, #tpu.memory_space<vmem>>, vector<16xi32>,
      %parallel_loop3A_479 = tpu.vector_load_idx %arg5[%parallel_loop3A_478] : memref<208xf32, #tpu.memory_space<vmem>>[vector<16xi32>], vector<16xf32>,
      %parallel_loop3A_480 = arith.index_cast %parallel_loop3A_363 : i32 to index
      %parallel_loop3A_481 = arith.constant 256 : index
      %parallel_loop3A_482 = tpu.vector_load %arg10[%parallel_loop3A_480, %parallel_loop3A_481] {strides = array<i32>} : memref<40x512xf32, #tpu.memory_space<vmem>>, vector<16xf32>,
      tpu.vector_store %arg10[%parallel_loop3A_480, %parallel_loop3A_481], %parallel_loop3A_479 {strides = array<i32>} : memref<40x512xf32, #tpu.memory_space<vmem>>, vector<16xf32>,
      %parallel_loop3A_483 = arith.index_cast %parallel_loop3A_363 : i32 to index
      %parallel_loop3A_484 = arith.constant 272 : index
      %parallel_loop3A_485 = tpu.vector_load %arg8[%parallel_loop3A_483, %parallel_loop3A_484] {strides = array<i32>} : memref<40x512xi32, #tpu.memory_space<vmem>>, vector<16xi32>,
      %parallel_loop3A_486 = tpu.vector_load_idx %arg5[%parallel_loop3A_485] : memref<208xf32, #tpu.memory_space<vmem>>[vector<16xi32>], vector<16xf32>,
      %parallel_loop3A_487 = arith.index_cast %parallel_loop3A_363 : i32 to index
      %parallel_loop3A_488 = arith.constant 272 : index
      %parallel_loop3A_489 = tpu.vector_load %arg10[%parallel_loop3A_487, %parallel_loop3A_488] {strides = array<i32>} : memref<40x512xf32, #tpu.memory_space<vmem>>, vector<16xf32>,
      tpu.vector_store %arg10[%parallel_loop3A_487, %parallel_loop3A_488], %parallel_loop3A_486 {strides = array<i32>} : memref<40x512xf32, #tpu.memory_space<vmem>>, vector<16xf32>,
      %parallel_loop3A_490 = arith.index_cast %parallel_loop3A_363 : i32 to index
      %parallel_loop3A_491 = arith.constant 288 : index
      %parallel_loop3A_492 = tpu.vector_load %arg8[%parallel_loop3A_490, %parallel_loop3A_491] {strides = array<i32>} : memref<40x512xi32, #tpu.memory_space<vmem>>, vector<16xi32>,
      %parallel_loop3A_493 = tpu.vector_load_idx %arg5[%parallel_loop3A_492] : memref<208xf32, #tpu.memory_space<vmem>>[vector<16xi32>], vector<16xf32>,
      %parallel_loop3A_494 = arith.index_cast %parallel_loop3A_363 : i32 to index
      %parallel_loop3A_495 = arith.constant 288 : index
      %parallel_loop3A_496 = tpu.vector_load %arg10[%parallel_loop3A_494, %parallel_loop3A_495] {strides = array<i32>} : memref<40x512xf32, #tpu.memory_space<vmem>>, vector<16xf32>,
      tpu.vector_store %arg10[%parallel_loop3A_494, %parallel_loop3A_495], %parallel_loop3A_493 {strides = array<i32>} : memref<40x512xf32, #tpu.memory_space<vmem>>, vector<16xf32>,
      %parallel_loop3A_497 = arith.index_cast %parallel_loop3A_363 : i32 to index
      %parallel_loop3A_498 = arith.constant 304 : index
      %parallel_loop3A_499 = tpu.vector_load %arg8[%parallel_loop3A_497, %parallel_loop3A_498] {strides = array<i32>} : memref<40x512xi32, #tpu.memory_space<vmem>>, vector<16xi32>,
      %parallel_loop3A_500 = tpu.vector_load_idx %arg5[%parallel_loop3A_499] : memref<208xf32, #tpu.memory_space<vmem>>[vector<16xi32>], vector<16xf32>,
      %parallel_loop3A_501 = arith.index_cast %parallel_loop3A_363 : i32 to index
      %parallel_loop3A_502 = arith.constant 304 : index
      %parallel_loop3A_503 = tpu.vector_load %arg10[%parallel_loop3A_501, %parallel_loop3A_502] {strides = array<i32>} : memref<40x512xf32, #tpu.memory_space<vmem>>, vector<16xf32>,
      tpu.vector_store %arg10[%parallel_loop3A_501, %parallel_loop3A_502], %parallel_loop3A_500 {strides = array<i32>} : memref<40x512xf32, #tpu.memory_space<vmem>>, vector<16xf32>,
      %parallel_loop3A_504 = arith.index_cast %parallel_loop3A_363 : i32 to index
      %parallel_loop3A_505 = arith.constant 320 : index
      %parallel_loop3A_506 = tpu.vector_load %arg8[%parallel_loop3A_504, %parallel_loop3A_505] {strides = array<i32>} : memref<40x512xi32, #tpu.memory_space<vmem>>, vector<16xi32>,
      %parallel_loop3A_507 = tpu.vector_load_idx %arg5[%parallel_loop3A_506] : memref<208xf32, #tpu.memory_space<vmem>>[vector<16xi32>], vector<16xf32>,
      %parallel_loop3A_508 = arith.index_cast %parallel_loop3A_363 : i32 to index
      %parallel_loop3A_509 = arith.constant 320 : index
      %parallel_loop3A_510 = tpu.vector_load %arg10[%parallel_loop3A_508, %parallel_loop3A_509] {strides = array<i32>} : memref<40x512xf32, #tpu.memory_space<vmem>>, vector<16xf32>,
      tpu.vector_store %arg10[%parallel_loop3A_508, %parallel_loop3A_509], %parallel_loop3A_507 {strides = array<i32>} : memref<40x512xf32, #tpu.memory_space<vmem>>, vector<16xf32>,
      %parallel_loop3A_511 = arith.index_cast %parallel_loop3A_363 : i32 to index
      %parallel_loop3A_512 = arith.constant 336 : index
      %parallel_loop3A_513 = tpu.vector_load %arg8[%parallel_loop3A_511, %parallel_loop3A_512] {strides = array<i32>} : memref<40x512xi32, #tpu.memory_space<vmem>>, vector<16xi32>,
      %parallel_loop3A_514 = tpu.vector_load_idx %arg5[%parallel_loop3A_513] : memref<208xf32, #tpu.memory_space<vmem>>[vector<16xi32>], vector<16xf32>,
      %parallel_loop3A_515 = arith.index_cast %parallel_loop3A_363 : i32 to index
      %parallel_loop3A_516 = arith.constant 336 : index
      %parallel_loop3A_517 = tpu.vector_load %arg10[%parallel_loop3A_515, %parallel_loop3A_516] {strides = array<i32>} : memref<40x512xf32, #tpu.memory_space<vmem>>, vector<16xf32>,
      tpu.vector_store %arg10[%parallel_loop3A_515, %parallel_loop3A_516], %parallel_loop3A_514 {strides = array<i32>} : memref<40x512xf32, #tpu.memory_space<vmem>>, vector<16xf32>,
      %parallel_loop3A_518 = arith.index_cast %parallel_loop3A_363 : i32 to index
      %parallel_loop3A_519 = arith.constant 352 : index
      %parallel_loop3A_520 = tpu.vector_load %arg8[%parallel_loop3A_518, %parallel_loop3A_519] {strides = array<i32>} : memref<40x512xi32, #tpu.memory_space<vmem>>, vector<16xi32>,
      %parallel_loop3A_521 = tpu.vector_load_idx %arg5[%parallel_loop3A_520] : memref<208xf32, #tpu.memory_space<vmem>>[vector<16xi32>], vector<16xf32>,
      %parallel_loop3A_522 = arith.index_cast %parallel_loop3A_363 : i32 to index
      %parallel_loop3A_523 = arith.constant 352 : index
      %parallel_loop3A_524 = tpu.vector_load %arg10[%parallel_loop3A_522, %parallel_loop3A_523] {strides = array<i32>} : memref<40x512xf32, #tpu.memory_space<vmem>>, vector<16xf32>,
      tpu.vector_store %arg10[%parallel_loop3A_522, %parallel_loop3A_523], %parallel_loop3A_521 {strides = array<i32>} : memref<40x512xf32, #tpu.memory_space<vmem>>, vector<16xf32>,
      %parallel_loop3A_525 = arith.index_cast %parallel_loop3A_363 : i32 to index
      %parallel_loop3A_526 = arith.constant 368 : index
      %parallel_loop3A_527 = tpu.vector_load %arg8[%parallel_loop3A_525, %parallel_loop3A_526] {strides = array<i32>} : memref<40x512xi32, #tpu.memory_space<vmem>>, vector<16xi32>,
      %parallel_loop3A_528 = tpu.vector_load_idx %arg5[%parallel_loop3A_527] : memref<208xf32, #tpu.memory_space<vmem>>[vector<16xi32>], vector<16xf32>,
      %parallel_loop3A_529 = arith.index_cast %parallel_loop3A_363 : i32 to index
      %parallel_loop3A_530 = arith.constant 368 : index
      %parallel_loop3A_531 = tpu.vector_load %arg10[%parallel_loop3A_529, %parallel_loop3A_530] {strides = array<i32>} : memref<40x512xf32, #tpu.memory_space<vmem>>, vector<16xf32>,
      tpu.vector_store %arg10[%parallel_loop3A_529, %parallel_loop3A_530], %parallel_loop3A_528 {strides = array<i32>} : memref<40x512xf32, #tpu.memory_space<vmem>>, vector<16xf32>,
      %parallel_loop3A_532 = arith.index_cast %parallel_loop3A_363 : i32 to index
      %parallel_loop3A_533 = arith.constant 384 : index
      %parallel_loop3A_534 = tpu.vector_load %arg8[%parallel_loop3A_532, %parallel_loop3A_533] {strides = array<i32>} : memref<40x512xi32, #tpu.memory_space<vmem>>, vector<16xi32>,
      %parallel_loop3A_535 = tpu.vector_load_idx %arg5[%parallel_loop3A_534] : memref<208xf32, #tpu.memory_space<vmem>>[vector<16xi32>], vector<16xf32>,
      %parallel_loop3A_536 = arith.index_cast %parallel_loop3A_363 : i32 to index
      %parallel_loop3A_537 = arith.constant 384 : index
      %parallel_loop3A_538 = tpu.vector_load %arg10[%parallel_loop3A_536, %parallel_loop3A_537] {strides = array<i32>} : memref<40x512xf32, #tpu.memory_space<vmem>>, vector<16xf32>,
      tpu.vector_store %arg10[%parallel_loop3A_536, %parallel_loop3A_537], %parallel_loop3A_535 {strides = array<i32>} : memref<40x512xf32, #tpu.memory_space<vmem>>, vector<16xf32>,
      %parallel_loop3A_539 = arith.index_cast %parallel_loop3A_363 : i32 to index
      %parallel_loop3A_540 = arith.constant 400 : index
      %parallel_loop3A_541 = tpu.vector_load %arg8[%parallel_loop3A_539, %parallel_loop3A_540] {strides = array<i32>} : memref<40x512xi32, #tpu.memory_space<vmem>>, vector<16xi32>,
      %parallel_loop3A_542 = tpu.vector_load_idx %arg5[%parallel_loop3A_541] : memref<208xf32, #tpu.memory_space<vmem>>[vector<16xi32>], vector<16xf32>,
      %parallel_loop3A_543 = arith.index_cast %parallel_loop3A_363 : i32 to index
      %parallel_loop3A_544 = arith.constant 400 : index
      %parallel_loop3A_545 = tpu.vector_load %arg10[%parallel_loop3A_543, %parallel_loop3A_544] {strides = array<i32>} : memref<40x512xf32, #tpu.memory_space<vmem>>, vector<16xf32>,
      tpu.vector_store %arg10[%parallel_loop3A_543, %parallel_loop3A_544], %parallel_loop3A_542 {strides = array<i32>} : memref<40x512xf32, #tpu.memory_space<vmem>>, vector<16xf32>,
      %parallel_loop3A_546 = arith.index_cast %parallel_loop3A_363 : i32 to index
      %parallel_loop3A_547 = arith.constant 416 : index
      %parallel_loop3A_548 = tpu.vector_load %arg8[%parallel_loop3A_546, %parallel_loop3A_547] {strides = array<i32>} : memref<40x512xi32, #tpu.memory_space<vmem>>, vector<16xi32>,
      %parallel_loop3A_549 = tpu.vector_load_idx %arg5[%parallel_loop3A_548] : memref<208xf32, #tpu.memory_space<vmem>>[vector<16xi32>], vector<16xf32>,
      %parallel_loop3A_550 = arith.index_cast %parallel_loop3A_363 : i32 to index
      %parallel_loop3A_551 = arith.constant 416 : index
      %parallel_loop3A_552 = tpu.vector_load %arg10[%parallel_loop3A_550, %parallel_loop3A_551] {strides = array<i32>} : memref<40x512xf32, #tpu.memory_space<vmem>>, vector<16xf32>,
      tpu.vector_store %arg10[%parallel_loop3A_550, %parallel_loop3A_551], %parallel_loop3A_549 {strides = array<i32>} : memref<40x512xf32, #tpu.memory_space<vmem>>, vector<16xf32>,
      %parallel_loop3A_553 = arith.index_cast %parallel_loop3A_363 : i32 to index
      %parallel_loop3A_554 = arith.constant 432 : index
      %parallel_loop3A_555 = tpu.vector_load %arg8[%parallel_loop3A_553, %parallel_loop3A_554] {strides = array<i32>} : memref<40x512xi32, #tpu.memory_space<vmem>>, vector<16xi32>,
      %parallel_loop3A_556 = tpu.vector_load_idx %arg5[%parallel_loop3A_555] : memref<208xf32, #tpu.memory_space<vmem>>[vector<16xi32>], vector<16xf32>,
      %parallel_loop3A_557 = arith.index_cast %parallel_loop3A_363 : i32 to index
      %parallel_loop3A_558 = arith.constant 432 : index
      %parallel_loop3A_559 = tpu.vector_load %arg10[%parallel_loop3A_557, %parallel_loop3A_558] {strides = array<i32>} : memref<40x512xf32, #tpu.memory_space<vmem>>, vector<16xf32>,
      tpu.vector_store %arg10[%parallel_loop3A_557, %parallel_loop3A_558], %parallel_loop3A_556 {strides = array<i32>} : memref<40x512xf32, #tpu.memory_space<vmem>>, vector<16xf32>,
      %parallel_loop3A_560 = arith.index_cast %parallel_loop3A_363 : i32 to index
      %parallel_loop3A_561 = arith.constant 448 : index
      %parallel_loop3A_562 = tpu.vector_load %arg8[%parallel_loop3A_560, %parallel_loop3A_561] {strides = array<i32>} : memref<40x512xi32, #tpu.memory_space<vmem>>, vector<16xi32>,
      %parallel_loop3A_563 = tpu.vector_load_idx %arg5[%parallel_loop3A_562] : memref<208xf32, #tpu.memory_space<vmem>>[vector<16xi32>], vector<16xf32>,
      %parallel_loop3A_564 = arith.index_cast %parallel_loop3A_363 : i32 to index
      %parallel_loop3A_565 = arith.constant 448 : index
      %parallel_loop3A_566 = tpu.vector_load %arg10[%parallel_loop3A_564, %parallel_loop3A_565] {strides = array<i32>} : memref<40x512xf32, #tpu.memory_space<vmem>>, vector<16xf32>,
      tpu.vector_store %arg10[%parallel_loop3A_564, %parallel_loop3A_565], %parallel_loop3A_563 {strides = array<i32>} : memref<40x512xf32, #tpu.memory_space<vmem>>, vector<16xf32>,
      %parallel_loop3A_567 = arith.index_cast %parallel_loop3A_363 : i32 to index
      %parallel_loop3A_568 = arith.constant 464 : index
      %parallel_loop3A_569 = tpu.vector_load %arg8[%parallel_loop3A_567, %parallel_loop3A_568] {strides = array<i32>} : memref<40x512xi32, #tpu.memory_space<vmem>>, vector<16xi32>,
      %parallel_loop3A_570 = tpu.vector_load_idx %arg5[%parallel_loop3A_569] : memref<208xf32, #tpu.memory_space<vmem>>[vector<16xi32>], vector<16xf32>,
      %parallel_loop3A_571 = arith.index_cast %parallel_loop3A_363 : i32 to index
      %parallel_loop3A_572 = arith.constant 464 : index
      %parallel_loop3A_573 = tpu.vector_load %arg10[%parallel_loop3A_571, %parallel_loop3A_572] {strides = array<i32>} : memref<40x512xf32, #tpu.memory_space<vmem>>, vector<16xf32>,
      tpu.vector_store %arg10[%parallel_loop3A_571, %parallel_loop3A_572], %parallel_loop3A_570 {strides = array<i32>} : memref<40x512xf32, #tpu.memory_space<vmem>>, vector<16xf32>,
      %parallel_loop3A_574 = arith.index_cast %parallel_loop3A_363 : i32 to index
      %parallel_loop3A_575 = arith.constant 480 : index
      %parallel_loop3A_576 = tpu.vector_load %arg8[%parallel_loop3A_574, %parallel_loop3A_575] {strides = array<i32>} : memref<40x512xi32, #tpu.memory_space<vmem>>, vector<16xi32>,
      %parallel_loop3A_577 = tpu.vector_load_idx %arg5[%parallel_loop3A_576] : memref<208xf32, #tpu.memory_space<vmem>>[vector<16xi32>], vector<16xf32>,
      %parallel_loop3A_578 = arith.index_cast %parallel_loop3A_363 : i32 to index
      %parallel_loop3A_579 = arith.constant 480 : index
      %parallel_loop3A_580 = tpu.vector_load %arg10[%parallel_loop3A_578, %parallel_loop3A_579] {strides = array<i32>} : memref<40x512xf32, #tpu.memory_space<vmem>>, vector<16xf32>,
      tpu.vector_store %arg10[%parallel_loop3A_578, %parallel_loop3A_579], %parallel_loop3A_577 {strides = array<i32>} : memref<40x512xf32, #tpu.memory_space<vmem>>, vector<16xf32>,
      %parallel_loop3A_581 = arith.index_cast %parallel_loop3A_363 : i32 to index
      %parallel_loop3A_582 = arith.constant 496 : index
      %parallel_loop3A_583 = tpu.vector_load %arg8[%parallel_loop3A_581, %parallel_loop3A_582] {strides = array<i32>} : memref<40x512xi32, #tpu.memory_space<vmem>>, vector<16xi32>,
      %parallel_loop3A_584 = tpu.vector_load_idx %arg5[%parallel_loop3A_583] : memref<208xf32, #tpu.memory_space<vmem>>[vector<16xi32>], vector<16xf32>,
      %parallel_loop3A_585 = arith.index_cast %parallel_loop3A_363 : i32 to index
      %parallel_loop3A_586 = arith.constant 496 : index
      %parallel_loop3A_587 = tpu.vector_load %arg10[%parallel_loop3A_585, %parallel_loop3A_586] {strides = array<i32>} : memref<40x512xf32, #tpu.memory_space<vmem>>, vector<16xf32>,
      tpu.vector_store %arg10[%parallel_loop3A_585, %parallel_loop3A_586], %parallel_loop3A_584 {strides = array<i32>} : memref<40x512xf32, #tpu.memory_space<vmem>>, vector<16xf32>,
    } {sc.loop_unroll_factor = 8 : i64, sc.parallel_access}
    %dma_start3A_321 = arith.constant 0 : i32
    %dma_start3A_322 = arith.constant 120 : i32
    %dma_start3A_323 = tpu.memref_slice %arg4[%dma_start3A_322, %dma_start3A_321, %mul3A_2] : memref<200x1x16384xf32, #tpu.memory_space<hbm>> -> memref<40x1x512xf32, #tpu.memory_space<hbm>>
    %dma_start3A_324 = tpu.memref_squeeze %dma_start3A_323 : memref<40x1x512xf32, #tpu.memory_space<hbm>> -> memref<40x512xf32, #tpu.memory_space<hbm>>
    %dma_start3A_325 = arith.constant 120 : i32
    %dma_start3A_326 = tpu.memref_slice %arg4[%dma_start3A_325, %dma_start3A_321, %mul3A_2] : memref<200x1x16384xf32, #tpu.memory_space<hbm>> -> memref<40x1x512xf32, #tpu.memory_space<hbm>>
    %dma_start3A_327 = tpu.memref_squeeze %dma_start3A_326 : memref<40x1x512xf32, #tpu.memory_space<hbm>> -> memref<40x512xf32, #tpu.memory_space<hbm>>
    tpu.enqueue_dma source(%arg10 : memref<40x512xf32, #tpu.memory_space<vmem>>) target(%dma_start3A_327 : memref<40x512xf32, #tpu.memory_space<hbm>>) target_semaphore(%arg12 : memref<!tpu.dma_semaphore, #tpu.memory_space<semaphore_mem>>)
    %dma_wait3A_328 = arith.constant 160 : i32
    %dma_wait3A_329 = tpu.memref_slice %arg2[%dma_wait3A_328, %mul3A_2] : memref<200x16384xi32, #tpu.memory_space<hbm>> -> memref<40x512xi32, #tpu.memory_space<hbm>>
    %dma_wait3A_330 = arith.constant 160 : i32
    %dma_wait3A_331 = tpu.memref_slice %arg2[%dma_wait3A_330, %mul3A_2] : memref<200x16384xi32, #tpu.memory_space<hbm>> -> memref<40x512xi32, #tpu.memory_space<hbm>>
    tpu.wait_dma2 semaphore(%arg11 : memref<!tpu.dma_semaphore, #tpu.memory_space<semaphore_mem>>) src(%dma_wait3A_331 : memref<40x512xi32, #tpu.memory_space<hbm>>) dst(%arg7 : memref<40x512xi32, #tpu.memory_space<vmem>>)
    %dma_wait3A_332 = arith.constant 0 : i32
    %dma_wait3A_333 = arith.constant 80 : i32
    %dma_wait3A_334 = tpu.memref_slice %arg4[%dma_wait3A_333, %dma_wait3A_332, %mul3A_2] : memref<200x1x16384xf32, #tpu.memory_space<hbm>> -> memref<40x1x512xf32, #tpu.memory_space<hbm>>
    %dma_wait3A_335 = tpu.memref_squeeze %dma_wait3A_334 : memref<40x1x512xf32, #tpu.memory_space<hbm>> -> memref<40x512xf32, #tpu.memory_space<hbm>>
    %dma_wait3A_336 = arith.constant 80 : i32
    %dma_wait3A_337 = tpu.memref_slice %arg4[%dma_wait3A_336, %dma_wait3A_332, %mul3A_2] : memref<200x1x16384xf32, #tpu.memory_space<hbm>> -> memref<40x1x512xf32, #tpu.memory_space<hbm>>
    %dma_wait3A_338 = tpu.memref_squeeze %dma_wait3A_337 : memref<40x1x512xf32, #tpu.memory_space<hbm>> -> memref<40x512xf32, #tpu.memory_space<hbm>>
    tpu.wait_dma2 semaphore(%arg12 : memref<!tpu.dma_semaphore, #tpu.memory_space<semaphore_mem>>) src(%arg9 : memref<40x512xf32, #tpu.memory_space<vmem>>) dst(%dma_wait3A_338 : memref<40x512xf32, #tpu.memory_space<hbm>>)
    %parallel_loop3A_339 = arith.constant 0 : i32
    %parallel_loop3A_340 = arith.constant 40 : i32
    %parallel_loop3A_341 = arith.constant 1 : i32
    scf.for %parallel_loop3A_363 = %parallel_loop3A_339 to %parallel_loop3A_340 step %parallel_loop3A_341  : i32 {
      %parallel_loop3A_364 = arith.index_cast %parallel_loop3A_363 : i32 to index
      %parallel_loop3A_365 = arith.constant 0 : index
      %parallel_loop3A_366 = tpu.vector_load %arg7[%parallel_loop3A_364, %parallel_loop3A_365] {strides = array<i32>} : memref<40x512xi32, #tpu.memory_space<vmem>>, vector<16xi32>,
      %parallel_loop3A_367 = tpu.vector_load_idx %arg5[%parallel_loop3A_366] : memref<208xf32, #tpu.memory_space<vmem>>[vector<16xi32>], vector<16xf32>,
      %parallel_loop3A_368 = arith.index_cast %parallel_loop3A_363 : i32 to index
      %parallel_loop3A_369 = arith.constant 0 : index
      %parallel_loop3A_370 = tpu.vector_load %arg9[%parallel_loop3A_368, %parallel_loop3A_369] {strides = array<i32>} : memref<40x512xf32, #tpu.memory_space<vmem>>, vector<16xf32>,
      tpu.vector_store %arg9[%parallel_loop3A_368, %parallel_loop3A_369], %parallel_loop3A_367 {strides = array<i32>} : memref<40x512xf32, #tpu.memory_space<vmem>>, vector<16xf32>,
      %parallel_loop3A_371 = arith.index_cast %parallel_loop3A_363 : i32 to index
      %parallel_loop3A_372 = arith.constant 16 : index
      %parallel_loop3A_373 = tpu.vector_load %arg7[%parallel_loop3A_371, %parallel_loop3A_372] {strides = array<i32>} : memref<40x512xi32, #tpu.memory_space<vmem>>, vector<16xi32>,
      %parallel_loop3A_374 = tpu.vector_load_idx %arg5[%parallel_loop3A_373] : memref<208xf32, #tpu.memory_space<vmem>>[vector<16xi32>], vector<16xf32>,
      %parallel_loop3A_375 = arith.index_cast %parallel_loop3A_363 : i32 to index
      %parallel_loop3A_376 = arith.constant 16 : index
      %parallel_loop3A_377 = tpu.vector_load %arg9[%parallel_loop3A_375, %parallel_loop3A_376] {strides = array<i32>} : memref<40x512xf32, #tpu.memory_space<vmem>>, vector<16xf32>,
      tpu.vector_store %arg9[%parallel_loop3A_375, %parallel_loop3A_376], %parallel_loop3A_374 {strides = array<i32>} : memref<40x512xf32, #tpu.memory_space<vmem>>, vector<16xf32>,
      %parallel_loop3A_378 = arith.index_cast %parallel_loop3A_363 : i32 to index
      %parallel_loop3A_379 = arith.constant 32 : index
      %parallel_loop3A_380 = tpu.vector_load %arg7[%parallel_loop3A_378, %parallel_loop3A_379] {strides = array<i32>} : memref<40x512xi32, #tpu.memory_space<vmem>>, vector<16xi32>,
      %parallel_loop3A_381 = tpu.vector_load_idx %arg5[%parallel_loop3A_380] : memref<208xf32, #tpu.memory_space<vmem>>[vector<16xi32>], vector<16xf32>,
      %parallel_loop3A_382 = arith.index_cast %parallel_loop3A_363 : i32 to index
      %parallel_loop3A_383 = arith.constant 32 : index
      %parallel_loop3A_384 = tpu.vector_load %arg9[%parallel_loop3A_382, %parallel_loop3A_383] {strides = array<i32>} : memref<40x512xf32, #tpu.memory_space<vmem>>, vector<16xf32>,
      tpu.vector_store %arg9[%parallel_loop3A_382, %parallel_loop3A_383], %parallel_loop3A_381 {strides = array<i32>} : memref<40x512xf32, #tpu.memory_space<vmem>>, vector<16xf32>,
      %parallel_loop3A_385 = arith.index_cast %parallel_loop3A_363 : i32 to index
      %parallel_loop3A_386 = arith.constant 48 : index
      %parallel_loop3A_387 = tpu.vector_load %arg7[%parallel_loop3A_385, %parallel_loop3A_386] {strides = array<i32>} : memref<40x512xi32, #tpu.memory_space<vmem>>, vector<16xi32>,
      %parallel_loop3A_388 = tpu.vector_load_idx %arg5[%parallel_loop3A_387] : memref<208xf32, #tpu.memory_space<vmem>>[vector<16xi32>], vector<16xf32>,
      %parallel_loop3A_389 = arith.index_cast %parallel_loop3A_363 : i32 to index
      %parallel_loop3A_390 = arith.constant 48 : index
      %parallel_loop3A_391 = tpu.vector_load %arg9[%parallel_loop3A_389, %parallel_loop3A_390] {strides = array<i32>} : memref<40x512xf32, #tpu.memory_space<vmem>>, vector<16xf32>,
      tpu.vector_store %arg9[%parallel_loop3A_389, %parallel_loop3A_390], %parallel_loop3A_388 {strides = array<i32>} : memref<40x512xf32, #tpu.memory_space<vmem>>, vector<16xf32>,
      %parallel_loop3A_392 = arith.index_cast %parallel_loop3A_363 : i32 to index
      %parallel_loop3A_393 = arith.constant 64 : index
      %parallel_loop3A_394 = tpu.vector_load %arg7[%parallel_loop3A_392, %parallel_loop3A_393] {strides = array<i32>} : memref<40x512xi32, #tpu.memory_space<vmem>>, vector<16xi32>,
      %parallel_loop3A_395 = tpu.vector_load_idx %arg5[%parallel_loop3A_394] : memref<208xf32, #tpu.memory_space<vmem>>[vector<16xi32>], vector<16xf32>,
      %parallel_loop3A_396 = arith.index_cast %parallel_loop3A_363 : i32 to index
      %parallel_loop3A_397 = arith.constant 64 : index
      %parallel_loop3A_398 = tpu.vector_load %arg9[%parallel_loop3A_396, %parallel_loop3A_397] {strides = array<i32>} : memref<40x512xf32, #tpu.memory_space<vmem>>, vector<16xf32>,
      tpu.vector_store %arg9[%parallel_loop3A_396, %parallel_loop3A_397], %parallel_loop3A_395 {strides = array<i32>} : memref<40x512xf32, #tpu.memory_space<vmem>>, vector<16xf32>,
      %parallel_loop3A_399 = arith.index_cast %parallel_loop3A_363 : i32 to index
      %parallel_loop3A_400 = arith.constant 80 : index
      %parallel_loop3A_401 = tpu.vector_load %arg7[%parallel_loop3A_399, %parallel_loop3A_400] {strides = array<i32>} : memref<40x512xi32, #tpu.memory_space<vmem>>, vector<16xi32>,
      %parallel_loop3A_402 = tpu.vector_load_idx %arg5[%parallel_loop3A_401] : memref<208xf32, #tpu.memory_space<vmem>>[vector<16xi32>], vector<16xf32>,
      %parallel_loop3A_403 = arith.index_cast %parallel_loop3A_363 : i32 to index
      %parallel_loop3A_404 = arith.constant 80 : index
      %parallel_loop3A_405 = tpu.vector_load %arg9[%parallel_loop3A_403, %parallel_loop3A_404] {strides = array<i32>} : memref<40x512xf32, #tpu.memory_space<vmem>>, vector<16xf32>,
      tpu.vector_store %arg9[%parallel_loop3A_403, %parallel_loop3A_404], %parallel_loop3A_402 {strides = array<i32>} : memref<40x512xf32, #tpu.memory_space<vmem>>, vector<16xf32>,
      %parallel_loop3A_406 = arith.index_cast %parallel_loop3A_363 : i32 to index
      %parallel_loop3A_407 = arith.constant 96 : index
      %parallel_loop3A_408 = tpu.vector_load %arg7[%parallel_loop3A_406, %parallel_loop3A_407] {strides = array<i32>} : memref<40x512xi32, #tpu.memory_space<vmem>>, vector<16xi32>,
      %parallel_loop3A_409 = tpu.vector_load_idx %arg5[%parallel_loop3A_408] : memref<208xf32, #tpu.memory_space<vmem>>[vector<16xi32>], vector<16xf32>,
      %parallel_loop3A_410 = arith.index_cast %parallel_loop3A_363 : i32 to index
      %parallel_loop3A_411 = arith.constant 96 : index
      %parallel_loop3A_412 = tpu.vector_load %arg9[%parallel_loop3A_410, %parallel_loop3A_411] {strides = array<i32>} : memref<40x512xf32, #tpu.memory_space<vmem>>, vector<16xf32>,
      tpu.vector_store %arg9[%parallel_loop3A_410, %parallel_loop3A_411], %parallel_loop3A_409 {strides = array<i32>} : memref<40x512xf32, #tpu.memory_space<vmem>>, vector<16xf32>,
      %parallel_loop3A_413 = arith.index_cast %parallel_loop3A_363 : i32 to index
      %parallel_loop3A_414 = arith.constant 112 : index
      %parallel_loop3A_415 = tpu.vector_load %arg7[%parallel_loop3A_413, %parallel_loop3A_414] {strides = array<i32>} : memref<40x512xi32, #tpu.memory_space<vmem>>, vector<16xi32>,
      %parallel_loop3A_416 = tpu.vector_load_idx %arg5[%parallel_loop3A_415] : memref<208xf32, #tpu.memory_space<vmem>>[vector<16xi32>], vector<16xf32>,
      %parallel_loop3A_417 = arith.index_cast %parallel_loop3A_363 : i32 to index
      %parallel_loop3A_418 = arith.constant 112 : index
      %parallel_loop3A_419 = tpu.vector_load %arg9[%parallel_loop3A_417, %parallel_loop3A_418] {strides = array<i32>} : memref<40x512xf32, #tpu.memory_space<vmem>>, vector<16xf32>,
      tpu.vector_store %arg9[%parallel_loop3A_417, %parallel_loop3A_418], %parallel_loop3A_416 {strides = array<i32>} : memref<40x512xf32, #tpu.memory_space<vmem>>, vector<16xf32>,
      %parallel_loop3A_420 = arith.index_cast %parallel_loop3A_363 : i32 to index
      %parallel_loop3A_421 = arith.constant 128 : index
      %parallel_loop3A_422 = tpu.vector_load %arg7[%parallel_loop3A_420, %parallel_loop3A_421] {strides = array<i32>} : memref<40x512xi32, #tpu.memory_space<vmem>>, vector<16xi32>,
      %parallel_loop3A_423 = tpu.vector_load_idx %arg5[%parallel_loop3A_422] : memref<208xf32, #tpu.memory_space<vmem>>[vector<16xi32>], vector<16xf32>,
      %parallel_loop3A_424 = arith.index_cast %parallel_loop3A_363 : i32 to index
      %parallel_loop3A_425 = arith.constant 128 : index
      %parallel_loop3A_426 = tpu.vector_load %arg9[%parallel_loop3A_424, %parallel_loop3A_425] {strides = array<i32>} : memref<40x512xf32, #tpu.memory_space<vmem>>, vector<16xf32>,
      tpu.vector_store %arg9[%parallel_loop3A_424, %parallel_loop3A_425], %parallel_loop3A_423 {strides = array<i32>} : memref<40x512xf32, #tpu.memory_space<vmem>>, vector<16xf32>,
      %parallel_loop3A_427 = arith.index_cast %parallel_loop3A_363 : i32 to index
      %parallel_loop3A_428 = arith.constant 144 : index
      %parallel_loop3A_429 = tpu.vector_load %arg7[%parallel_loop3A_427, %parallel_loop3A_428] {strides = array<i32>} : memref<40x512xi32, #tpu.memory_space<vmem>>, vector<16xi32>,
      %parallel_loop3A_430 = tpu.vector_load_idx %arg5[%parallel_loop3A_429] : memref<208xf32, #tpu.memory_space<vmem>>[vector<16xi32>], vector<16xf32>,
      %parallel_loop3A_431 = arith.index_cast %parallel_loop3A_363 : i32 to index
      %parallel_loop3A_432 = arith.constant 144 : index
      %parallel_loop3A_433 = tpu.vector_load %arg9[%parallel_loop3A_431, %parallel_loop3A_432] {strides = array<i32>} : memref<40x512xf32, #tpu.memory_space<vmem>>, vector<16xf32>,
      tpu.vector_store %arg9[%parallel_loop3A_431, %parallel_loop3A_432], %parallel_loop3A_430 {strides = array<i32>} : memref<40x512xf32, #tpu.memory_space<vmem>>, vector<16xf32>,
      %parallel_loop3A_434 = arith.index_cast %parallel_loop3A_363 : i32 to index
      %parallel_loop3A_435 = arith.constant 160 : index
      %parallel_loop3A_436 = tpu.vector_load %arg7[%parallel_loop3A_434, %parallel_loop3A_435] {strides = array<i32>} : memref<40x512xi32, #tpu.memory_space<vmem>>, vector<16xi32>,
      %parallel_loop3A_437 = tpu.vector_load_idx %arg5[%parallel_loop3A_436] : memref<208xf32, #tpu.memory_space<vmem>>[vector<16xi32>], vector<16xf32>,
      %parallel_loop3A_438 = arith.index_cast %parallel_loop3A_363 : i32 to index
      %parallel_loop3A_439 = arith.constant 160 : index
      %parallel_loop3A_440 = tpu.vector_load %arg9[%parallel_loop3A_438, %parallel_loop3A_439] {strides = array<i32>} : memref<40x512xf32, #tpu.memory_space<vmem>>, vector<16xf32>,
      tpu.vector_store %arg9[%parallel_loop3A_438, %parallel_loop3A_439], %parallel_loop3A_437 {strides = array<i32>} : memref<40x512xf32, #tpu.memory_space<vmem>>, vector<16xf32>,
      %parallel_loop3A_441 = arith.index_cast %parallel_loop3A_363 : i32 to index
      %parallel_loop3A_442 = arith.constant 176 : index
      %parallel_loop3A_443 = tpu.vector_load %arg7[%parallel_loop3A_441, %parallel_loop3A_442] {strides = array<i32>} : memref<40x512xi32, #tpu.memory_space<vmem>>, vector<16xi32>,
      %parallel_loop3A_444 = tpu.vector_load_idx %arg5[%parallel_loop3A_443] : memref<208xf32, #tpu.memory_space<vmem>>[vector<16xi32>], vector<16xf32>,
      %parallel_loop3A_445 = arith.index_cast %parallel_loop3A_363 : i32 to index
      %parallel_loop3A_446 = arith.constant 176 : index
      %parallel_loop3A_447 = tpu.vector_load %arg9[%parallel_loop3A_445, %parallel_loop3A_446] {strides = array<i32>} : memref<40x512xf32, #tpu.memory_space<vmem>>, vector<16xf32>,
      tpu.vector_store %arg9[%parallel_loop3A_445, %parallel_loop3A_446], %parallel_loop3A_444 {strides = array<i32>} : memref<40x512xf32, #tpu.memory_space<vmem>>, vector<16xf32>,
      %parallel_loop3A_448 = arith.index_cast %parallel_loop3A_363 : i32 to index
      %parallel_loop3A_449 = arith.constant 192 : index
      %parallel_loop3A_450 = tpu.vector_load %arg7[%parallel_loop3A_448, %parallel_loop3A_449] {strides = array<i32>} : memref<40x512xi32, #tpu.memory_space<vmem>>, vector<16xi32>,
      %parallel_loop3A_451 = tpu.vector_load_idx %arg5[%parallel_loop3A_450] : memref<208xf32, #tpu.memory_space<vmem>>[vector<16xi32>], vector<16xf32>,
      %parallel_loop3A_452 = arith.index_cast %parallel_loop3A_363 : i32 to index
      %parallel_loop3A_453 = arith.constant 192 : index
      %parallel_loop3A_454 = tpu.vector_load %arg9[%parallel_loop3A_452, %parallel_loop3A_453] {strides = array<i32>} : memref<40x512xf32, #tpu.memory_space<vmem>>, vector<16xf32>,
      tpu.vector_store %arg9[%parallel_loop3A_452, %parallel_loop3A_453], %parallel_loop3A_451 {strides = array<i32>} : memref<40x512xf32, #tpu.memory_space<vmem>>, vector<16xf32>,
      %parallel_loop3A_455 = arith.index_cast %parallel_loop3A_363 : i32 to index
      %parallel_loop3A_456 = arith.constant 208 : index
      %parallel_loop3A_457 = tpu.vector_load %arg7[%parallel_loop3A_455, %parallel_loop3A_456] {strides = array<i32>} : memref<40x512xi32, #tpu.memory_space<vmem>>, vector<16xi32>,
      %parallel_loop3A_458 = tpu.vector_load_idx %arg5[%parallel_loop3A_457] : memref<208xf32, #tpu.memory_space<vmem>>[vector<16xi32>], vector<16xf32>,
      %parallel_loop3A_459 = arith.index_cast %parallel_loop3A_363 : i32 to index
      %parallel_loop3A_460 = arith.constant 208 : index
      %parallel_loop3A_461 = tpu.vector_load %arg9[%parallel_loop3A_459, %parallel_loop3A_460] {strides = array<i32>} : memref<40x512xf32, #tpu.memory_space<vmem>>, vector<16xf32>,
      tpu.vector_store %arg9[%parallel_loop3A_459, %parallel_loop3A_460], %parallel_loop3A_458 {strides = array<i32>} : memref<40x512xf32, #tpu.memory_space<vmem>>, vector<16xf32>,
      %parallel_loop3A_462 = arith.index_cast %parallel_loop3A_363 : i32 to index
      %parallel_loop3A_463 = arith.constant 224 : index
      %parallel_loop3A_464 = tpu.vector_load %arg7[%parallel_loop3A_462, %parallel_loop3A_463] {strides = array<i32>} : memref<40x512xi32, #tpu.memory_space<vmem>>, vector<16xi32>,
      %parallel_loop3A_465 = tpu.vector_load_idx %arg5[%parallel_loop3A_464] : memref<208xf32, #tpu.memory_space<vmem>>[vector<16xi32>], vector<16xf32>,
      %parallel_loop3A_466 = arith.index_cast %parallel_loop3A_363 : i32 to index
      %parallel_loop3A_467 = arith.constant 224 : index
      %parallel_loop3A_468 = tpu.vector_load %arg9[%parallel_loop3A_466, %parallel_loop3A_467] {strides = array<i32>} : memref<40x512xf32, #tpu.memory_space<vmem>>, vector<16xf32>,
      tpu.vector_store %arg9[%parallel_loop3A_466, %parallel_loop3A_467], %parallel_loop3A_465 {strides = array<i32>} : memref<40x512xf32, #tpu.memory_space<vmem>>, vector<16xf32>,
      %parallel_loop3A_469 = arith.index_cast %parallel_loop3A_363 : i32 to index
      %parallel_loop3A_470 = arith.constant 240 : index
      %parallel_loop3A_471 = tpu.vector_load %arg7[%parallel_loop3A_469, %parallel_loop3A_470] {strides = array<i32>} : memref<40x512xi32, #tpu.memory_space<vmem>>, vector<16xi32>,
      %parallel_loop3A_472 = tpu.vector_load_idx %arg5[%parallel_loop3A_471] : memref<208xf32, #tpu.memory_space<vmem>>[vector<16xi32>], vector<16xf32>,
      %parallel_loop3A_473 = arith.index_cast %parallel_loop3A_363 : i32 to index
      %parallel_loop3A_474 = arith.constant 240 : index
      %parallel_loop3A_475 = tpu.vector_load %arg9[%parallel_loop3A_473, %parallel_loop3A_474] {strides = array<i32>} : memref<40x512xf32, #tpu.memory_space<vmem>>, vector<16xf32>,
      tpu.vector_store %arg9[%parallel_loop3A_473, %parallel_loop3A_474], %parallel_loop3A_472 {strides = array<i32>} : memref<40x512xf32, #tpu.memory_space<vmem>>, vector<16xf32>,
      %parallel_loop3A_476 = arith.index_cast %parallel_loop3A_363 : i32 to index
      %parallel_loop3A_477 = arith.constant 256 : index
      %parallel_loop3A_478 = tpu.vector_load %arg7[%parallel_loop3A_476, %parallel_loop3A_477] {strides = array<i32>} : memref<40x512xi32, #tpu.memory_space<vmem>>, vector<16xi32>,
      %parallel_loop3A_479 = tpu.vector_load_idx %arg5[%parallel_loop3A_478] : memref<208xf32, #tpu.memory_space<vmem>>[vector<16xi32>], vector<16xf32>,
      %parallel_loop3A_480 = arith.index_cast %parallel_loop3A_363 : i32 to index
      %parallel_loop3A_481 = arith.constant 256 : index
      %parallel_loop3A_482 = tpu.vector_load %arg9[%parallel_loop3A_480, %parallel_loop3A_481] {strides = array<i32>} : memref<40x512xf32, #tpu.memory_space<vmem>>, vector<16xf32>,
      tpu.vector_store %arg9[%parallel_loop3A_480, %parallel_loop3A_481], %parallel_loop3A_479 {strides = array<i32>} : memref<40x512xf32, #tpu.memory_space<vmem>>, vector<16xf32>,
      %parallel_loop3A_483 = arith.index_cast %parallel_loop3A_363 : i32 to index
      %parallel_loop3A_484 = arith.constant 272 : index
      %parallel_loop3A_485 = tpu.vector_load %arg7[%parallel_loop3A_483, %parallel_loop3A_484] {strides = array<i32>} : memref<40x512xi32, #tpu.memory_space<vmem>>, vector<16xi32>,
      %parallel_loop3A_486 = tpu.vector_load_idx %arg5[%parallel_loop3A_485] : memref<208xf32, #tpu.memory_space<vmem>>[vector<16xi32>], vector<16xf32>,
      %parallel_loop3A_487 = arith.index_cast %parallel_loop3A_363 : i32 to index
      %parallel_loop3A_488 = arith.constant 272 : index
      %parallel_loop3A_489 = tpu.vector_load %arg9[%parallel_loop3A_487, %parallel_loop3A_488] {strides = array<i32>} : memref<40x512xf32, #tpu.memory_space<vmem>>, vector<16xf32>,
      tpu.vector_store %arg9[%parallel_loop3A_487, %parallel_loop3A_488], %parallel_loop3A_486 {strides = array<i32>} : memref<40x512xf32, #tpu.memory_space<vmem>>, vector<16xf32>,
      %parallel_loop3A_490 = arith.index_cast %parallel_loop3A_363 : i32 to index
      %parallel_loop3A_491 = arith.constant 288 : index
      %parallel_loop3A_492 = tpu.vector_load %arg7[%parallel_loop3A_490, %parallel_loop3A_491] {strides = array<i32>} : memref<40x512xi32, #tpu.memory_space<vmem>>, vector<16xi32>,
      %parallel_loop3A_493 = tpu.vector_load_idx %arg5[%parallel_loop3A_492] : memref<208xf32, #tpu.memory_space<vmem>>[vector<16xi32>], vector<16xf32>,
      %parallel_loop3A_494 = arith.index_cast %parallel_loop3A_363 : i32 to index
      %parallel_loop3A_495 = arith.constant 288 : index
      %parallel_loop3A_496 = tpu.vector_load %arg9[%parallel_loop3A_494, %parallel_loop3A_495] {strides = array<i32>} : memref<40x512xf32, #tpu.memory_space<vmem>>, vector<16xf32>,
      tpu.vector_store %arg9[%parallel_loop3A_494, %parallel_loop3A_495], %parallel_loop3A_493 {strides = array<i32>} : memref<40x512xf32, #tpu.memory_space<vmem>>, vector<16xf32>,
      %parallel_loop3A_497 = arith.index_cast %parallel_loop3A_363 : i32 to index
      %parallel_loop3A_498 = arith.constant 304 : index
      %parallel_loop3A_499 = tpu.vector_load %arg7[%parallel_loop3A_497, %parallel_loop3A_498] {strides = array<i32>} : memref<40x512xi32, #tpu.memory_space<vmem>>, vector<16xi32>,
      %parallel_loop3A_500 = tpu.vector_load_idx %arg5[%parallel_loop3A_499] : memref<208xf32, #tpu.memory_space<vmem>>[vector<16xi32>], vector<16xf32>,
      %parallel_loop3A_501 = arith.index_cast %parallel_loop3A_363 : i32 to index
      %parallel_loop3A_502 = arith.constant 304 : index
      %parallel_loop3A_503 = tpu.vector_load %arg9[%parallel_loop3A_501, %parallel_loop3A_502] {strides = array<i32>} : memref<40x512xf32, #tpu.memory_space<vmem>>, vector<16xf32>,
      tpu.vector_store %arg9[%parallel_loop3A_501, %parallel_loop3A_502], %parallel_loop3A_500 {strides = array<i32>} : memref<40x512xf32, #tpu.memory_space<vmem>>, vector<16xf32>,
      %parallel_loop3A_504 = arith.index_cast %parallel_loop3A_363 : i32 to index
      %parallel_loop3A_505 = arith.constant 320 : index
      %parallel_loop3A_506 = tpu.vector_load %arg7[%parallel_loop3A_504, %parallel_loop3A_505] {strides = array<i32>} : memref<40x512xi32, #tpu.memory_space<vmem>>, vector<16xi32>,
      %parallel_loop3A_507 = tpu.vector_load_idx %arg5[%parallel_loop3A_506] : memref<208xf32, #tpu.memory_space<vmem>>[vector<16xi32>], vector<16xf32>,
      %parallel_loop3A_508 = arith.index_cast %parallel_loop3A_363 : i32 to index
      %parallel_loop3A_509 = arith.constant 320 : index
      %parallel_loop3A_510 = tpu.vector_load %arg9[%parallel_loop3A_508, %parallel_loop3A_509] {strides = array<i32>} : memref<40x512xf32, #tpu.memory_space<vmem>>, vector<16xf32>,
      tpu.vector_store %arg9[%parallel_loop3A_508, %parallel_loop3A_509], %parallel_loop3A_507 {strides = array<i32>} : memref<40x512xf32, #tpu.memory_space<vmem>>, vector<16xf32>,
      %parallel_loop3A_511 = arith.index_cast %parallel_loop3A_363 : i32 to index
      %parallel_loop3A_512 = arith.constant 336 : index
      %parallel_loop3A_513 = tpu.vector_load %arg7[%parallel_loop3A_511, %parallel_loop3A_512] {strides = array<i32>} : memref<40x512xi32, #tpu.memory_space<vmem>>, vector<16xi32>,
      %parallel_loop3A_514 = tpu.vector_load_idx %arg5[%parallel_loop3A_513] : memref<208xf32, #tpu.memory_space<vmem>>[vector<16xi32>], vector<16xf32>,
      %parallel_loop3A_515 = arith.index_cast %parallel_loop3A_363 : i32 to index
      %parallel_loop3A_516 = arith.constant 336 : index
      %parallel_loop3A_517 = tpu.vector_load %arg9[%parallel_loop3A_515, %parallel_loop3A_516] {strides = array<i32>} : memref<40x512xf32, #tpu.memory_space<vmem>>, vector<16xf32>,
      tpu.vector_store %arg9[%parallel_loop3A_515, %parallel_loop3A_516], %parallel_loop3A_514 {strides = array<i32>} : memref<40x512xf32, #tpu.memory_space<vmem>>, vector<16xf32>,
      %parallel_loop3A_518 = arith.index_cast %parallel_loop3A_363 : i32 to index
      %parallel_loop3A_519 = arith.constant 352 : index
      %parallel_loop3A_520 = tpu.vector_load %arg7[%parallel_loop3A_518, %parallel_loop3A_519] {strides = array<i32>} : memref<40x512xi32, #tpu.memory_space<vmem>>, vector<16xi32>,
      %parallel_loop3A_521 = tpu.vector_load_idx %arg5[%parallel_loop3A_520] : memref<208xf32, #tpu.memory_space<vmem>>[vector<16xi32>], vector<16xf32>,
      %parallel_loop3A_522 = arith.index_cast %parallel_loop3A_363 : i32 to index
      %parallel_loop3A_523 = arith.constant 352 : index
      %parallel_loop3A_524 = tpu.vector_load %arg9[%parallel_loop3A_522, %parallel_loop3A_523] {strides = array<i32>} : memref<40x512xf32, #tpu.memory_space<vmem>>, vector<16xf32>,
      tpu.vector_store %arg9[%parallel_loop3A_522, %parallel_loop3A_523], %parallel_loop3A_521 {strides = array<i32>} : memref<40x512xf32, #tpu.memory_space<vmem>>, vector<16xf32>,
      %parallel_loop3A_525 = arith.index_cast %parallel_loop3A_363 : i32 to index
      %parallel_loop3A_526 = arith.constant 368 : index
      %parallel_loop3A_527 = tpu.vector_load %arg7[%parallel_loop3A_525, %parallel_loop3A_526] {strides = array<i32>} : memref<40x512xi32, #tpu.memory_space<vmem>>, vector<16xi32>,
      %parallel_loop3A_528 = tpu.vector_load_idx %arg5[%parallel_loop3A_527] : memref<208xf32, #tpu.memory_space<vmem>>[vector<16xi32>], vector<16xf32>,
      %parallel_loop3A_529 = arith.index_cast %parallel_loop3A_363 : i32 to index
      %parallel_loop3A_530 = arith.constant 368 : index
      %parallel_loop3A_531 = tpu.vector_load %arg9[%parallel_loop3A_529, %parallel_loop3A_530] {strides = array<i32>} : memref<40x512xf32, #tpu.memory_space<vmem>>, vector<16xf32>,
      tpu.vector_store %arg9[%parallel_loop3A_529, %parallel_loop3A_530], %parallel_loop3A_528 {strides = array<i32>} : memref<40x512xf32, #tpu.memory_space<vmem>>, vector<16xf32>,
      %parallel_loop3A_532 = arith.index_cast %parallel_loop3A_363 : i32 to index
      %parallel_loop3A_533 = arith.constant 384 : index
      %parallel_loop3A_534 = tpu.vector_load %arg7[%parallel_loop3A_532, %parallel_loop3A_533] {strides = array<i32>} : memref<40x512xi32, #tpu.memory_space<vmem>>, vector<16xi32>,
      %parallel_loop3A_535 = tpu.vector_load_idx %arg5[%parallel_loop3A_534] : memref<208xf32, #tpu.memory_space<vmem>>[vector<16xi32>], vector<16xf32>,
      %parallel_loop3A_536 = arith.index_cast %parallel_loop3A_363 : i32 to index
      %parallel_loop3A_537 = arith.constant 384 : index
      %parallel_loop3A_538 = tpu.vector_load %arg9[%parallel_loop3A_536, %parallel_loop3A_537] {strides = array<i32>} : memref<40x512xf32, #tpu.memory_space<vmem>>, vector<16xf32>,
      tpu.vector_store %arg9[%parallel_loop3A_536, %parallel_loop3A_537], %parallel_loop3A_535 {strides = array<i32>} : memref<40x512xf32, #tpu.memory_space<vmem>>, vector<16xf32>,
      %parallel_loop3A_539 = arith.index_cast %parallel_loop3A_363 : i32 to index
      %parallel_loop3A_540 = arith.constant 400 : index
      %parallel_loop3A_541 = tpu.vector_load %arg7[%parallel_loop3A_539, %parallel_loop3A_540] {strides = array<i32>} : memref<40x512xi32, #tpu.memory_space<vmem>>, vector<16xi32>,
      %parallel_loop3A_542 = tpu.vector_load_idx %arg5[%parallel_loop3A_541] : memref<208xf32, #tpu.memory_space<vmem>>[vector<16xi32>], vector<16xf32>,
      %parallel_loop3A_543 = arith.index_cast %parallel_loop3A_363 : i32 to index
      %parallel_loop3A_544 = arith.constant 400 : index
      %parallel_loop3A_545 = tpu.vector_load %arg9[%parallel_loop3A_543, %parallel_loop3A_544] {strides = array<i32>} : memref<40x512xf32, #tpu.memory_space<vmem>>, vector<16xf32>,
      tpu.vector_store %arg9[%parallel_loop3A_543, %parallel_loop3A_544], %parallel_loop3A_542 {strides = array<i32>} : memref<40x512xf32, #tpu.memory_space<vmem>>, vector<16xf32>,
      %parallel_loop3A_546 = arith.index_cast %parallel_loop3A_363 : i32 to index
      %parallel_loop3A_547 = arith.constant 416 : index
      %parallel_loop3A_548 = tpu.vector_load %arg7[%parallel_loop3A_546, %parallel_loop3A_547] {strides = array<i32>} : memref<40x512xi32, #tpu.memory_space<vmem>>, vector<16xi32>,
      %parallel_loop3A_549 = tpu.vector_load_idx %arg5[%parallel_loop3A_548] : memref<208xf32, #tpu.memory_space<vmem>>[vector<16xi32>], vector<16xf32>,
      %parallel_loop3A_550 = arith.index_cast %parallel_loop3A_363 : i32 to index
      %parallel_loop3A_551 = arith.constant 416 : index
      %parallel_loop3A_552 = tpu.vector_load %arg9[%parallel_loop3A_550, %parallel_loop3A_551] {strides = array<i32>} : memref<40x512xf32, #tpu.memory_space<vmem>>, vector<16xf32>,
      tpu.vector_store %arg9[%parallel_loop3A_550, %parallel_loop3A_551], %parallel_loop3A_549 {strides = array<i32>} : memref<40x512xf32, #tpu.memory_space<vmem>>, vector<16xf32>,
      %parallel_loop3A_553 = arith.index_cast %parallel_loop3A_363 : i32 to index
      %parallel_loop3A_554 = arith.constant 432 : index
      %parallel_loop3A_555 = tpu.vector_load %arg7[%parallel_loop3A_553, %parallel_loop3A_554] {strides = array<i32>} : memref<40x512xi32, #tpu.memory_space<vmem>>, vector<16xi32>,
      %parallel_loop3A_556 = tpu.vector_load_idx %arg5[%parallel_loop3A_555] : memref<208xf32, #tpu.memory_space<vmem>>[vector<16xi32>], vector<16xf32>,
      %parallel_loop3A_557 = arith.index_cast %parallel_loop3A_363 : i32 to index
      %parallel_loop3A_558 = arith.constant 432 : index
      %parallel_loop3A_559 = tpu.vector_load %arg9[%parallel_loop3A_557, %parallel_loop3A_558] {strides = array<i32>} : memref<40x512xf32, #tpu.memory_space<vmem>>, vector<16xf32>,
      tpu.vector_store %arg9[%parallel_loop3A_557, %parallel_loop3A_558], %parallel_loop3A_556 {strides = array<i32>} : memref<40x512xf32, #tpu.memory_space<vmem>>, vector<16xf32>,
      %parallel_loop3A_560 = arith.index_cast %parallel_loop3A_363 : i32 to index
      %parallel_loop3A_561 = arith.constant 448 : index
      %parallel_loop3A_562 = tpu.vector_load %arg7[%parallel_loop3A_560, %parallel_loop3A_561] {strides = array<i32>} : memref<40x512xi32, #tpu.memory_space<vmem>>, vector<16xi32>,
      %parallel_loop3A_563 = tpu.vector_load_idx %arg5[%parallel_loop3A_562] : memref<208xf32, #tpu.memory_space<vmem>>[vector<16xi32>], vector<16xf32>,
      %parallel_loop3A_564 = arith.index_cast %parallel_loop3A_363 : i32 to index
      %parallel_loop3A_565 = arith.constant 448 : index
      %parallel_loop3A_566 = tpu.vector_load %arg9[%parallel_loop3A_564, %parallel_loop3A_565] {strides = array<i32>} : memref<40x512xf32, #tpu.memory_space<vmem>>, vector<16xf32>,
      tpu.vector_store %arg9[%parallel_loop3A_564, %parallel_loop3A_565], %parallel_loop3A_563 {strides = array<i32>} : memref<40x512xf32, #tpu.memory_space<vmem>>, vector<16xf32>,
      %parallel_loop3A_567 = arith.index_cast %parallel_loop3A_363 : i32 to index
      %parallel_loop3A_568 = arith.constant 464 : index
      %parallel_loop3A_569 = tpu.vector_load %arg7[%parallel_loop3A_567, %parallel_loop3A_568] {strides = array<i32>} : memref<40x512xi32, #tpu.memory_space<vmem>>, vector<16xi32>,
      %parallel_loop3A_570 = tpu.vector_load_idx %arg5[%parallel_loop3A_569] : memref<208xf32, #tpu.memory_space<vmem>>[vector<16xi32>], vector<16xf32>,
      %parallel_loop3A_571 = arith.index_cast %parallel_loop3A_363 : i32 to index
      %parallel_loop3A_572 = arith.constant 464 : index
      %parallel_loop3A_573 = tpu.vector_load %arg9[%parallel_loop3A_571, %parallel_loop3A_572] {strides = array<i32>} : memref<40x512xf32, #tpu.memory_space<vmem>>, vector<16xf32>,
      tpu.vector_store %arg9[%parallel_loop3A_571, %parallel_loop3A_572], %parallel_loop3A_570 {strides = array<i32>} : memref<40x512xf32, #tpu.memory_space<vmem>>, vector<16xf32>,
      %parallel_loop3A_574 = arith.index_cast %parallel_loop3A_363 : i32 to index
      %parallel_loop3A_575 = arith.constant 480 : index
      %parallel_loop3A_576 = tpu.vector_load %arg7[%parallel_loop3A_574, %parallel_loop3A_575] {strides = array<i32>} : memref<40x512xi32, #tpu.memory_space<vmem>>, vector<16xi32>,
      %parallel_loop3A_577 = tpu.vector_load_idx %arg5[%parallel_loop3A_576] : memref<208xf32, #tpu.memory_space<vmem>>[vector<16xi32>], vector<16xf32>,
      %parallel_loop3A_578 = arith.index_cast %parallel_loop3A_363 : i32 to index
      %parallel_loop3A_579 = arith.constant 480 : index
      %parallel_loop3A_580 = tpu.vector_load %arg9[%parallel_loop3A_578, %parallel_loop3A_579] {strides = array<i32>} : memref<40x512xf32, #tpu.memory_space<vmem>>, vector<16xf32>,
      tpu.vector_store %arg9[%parallel_loop3A_578, %parallel_loop3A_579], %parallel_loop3A_577 {strides = array<i32>} : memref<40x512xf32, #tpu.memory_space<vmem>>, vector<16xf32>,
      %parallel_loop3A_581 = arith.index_cast %parallel_loop3A_363 : i32 to index
      %parallel_loop3A_582 = arith.constant 496 : index
      %parallel_loop3A_583 = tpu.vector_load %arg7[%parallel_loop3A_581, %parallel_loop3A_582] {strides = array<i32>} : memref<40x512xi32, #tpu.memory_space<vmem>>, vector<16xi32>,
      %parallel_loop3A_584 = tpu.vector_load_idx %arg5[%parallel_loop3A_583] : memref<208xf32, #tpu.memory_space<vmem>>[vector<16xi32>], vector<16xf32>,
      %parallel_loop3A_585 = arith.index_cast %parallel_loop3A_363 : i32 to index
      %parallel_loop3A_586 = arith.constant 496 : index
      %parallel_loop3A_587 = tpu.vector_load %arg9[%parallel_loop3A_585, %parallel_loop3A_586] {strides = array<i32>} : memref<40x512xf32, #tpu.memory_space<vmem>>, vector<16xf32>,
      tpu.vector_store %arg9[%parallel_loop3A_585, %parallel_loop3A_586], %parallel_loop3A_584 {strides = array<i32>} : memref<40x512xf32, #tpu.memory_space<vmem>>, vector<16xf32>,
    } {sc.loop_unroll_factor = 8 : i64, sc.parallel_access}
    %dma_start3A_342 = arith.constant 0 : i32
    %dma_start3A_343 = arith.constant 160 : i32
    %dma_start3A_344 = tpu.memref_slice %arg4[%dma_start3A_343, %dma_start3A_342, %mul3A_2] : memref<200x1x16384xf32, #tpu.memory_space<hbm>> -> memref<40x1x512xf32, #tpu.memory_space<hbm>>
    %dma_start3A_345 = tpu.memref_squeeze %dma_start3A_344 : memref<40x1x512xf32, #tpu.memory_space<hbm>> -> memref<40x512xf32, #tpu.memory_space<hbm>>
    %dma_start3A_346 = arith.constant 160 : i32
    %dma_start3A_347 = tpu.memref_slice %arg4[%dma_start3A_346, %dma_start3A_342, %mul3A_2] : memref<200x1x16384xf32, #tpu.memory_space<hbm>> -> memref<40x1x512xf32, #tpu.memory_space<hbm>>
    %dma_start3A_348 = tpu.memref_squeeze %dma_start3A_347 : memref<40x1x512xf32, #tpu.memory_space<hbm>> -> memref<40x512xf32, #tpu.memory_space<hbm>>
    tpu.enqueue_dma source(%arg9 : memref<40x512xf32, #tpu.memory_space<vmem>>) target(%dma_start3A_348 : memref<40x512xf32, #tpu.memory_space<hbm>>) target_semaphore(%arg12 : memref<!tpu.dma_semaphore, #tpu.memory_space<semaphore_mem>>)
    %dma_wait3A_349 = arith.constant 0 : i32
    %dma_wait3A_350 = arith.constant 120 : i32
    %dma_wait3A_351 = tpu.memref_slice %arg4[%dma_wait3A_350, %dma_wait3A_349, %mul3A_2] : memref<200x1x16384xf32, #tpu.memory_space<hbm>> -> memref<40x1x512xf32, #tpu.memory_space<hbm>>
    %dma_wait3A_352 = tpu.memref_squeeze %dma_wait3A_351 : memref<40x1x512xf32, #tpu.memory_space<hbm>> -> memref<40x512xf32, #tpu.memory_space<hbm>>
    %dma_wait3A_353 = arith.constant 120 : i32
    %dma_wait3A_354 = tpu.memref_slice %arg4[%dma_wait3A_353, %dma_wait3A_349, %mul3A_2] : memref<200x1x16384xf32, #tpu.memory_space<hbm>> -> memref<40x1x512xf32, #tpu.memory_space<hbm>>
    %dma_wait3A_355 = tpu.memref_squeeze %dma_wait3A_354 : memref<40x1x512xf32, #tpu.memory_space<hbm>> -> memref<40x512xf32, #tpu.memory_space<hbm>>
    tpu.wait_dma2 semaphore(%arg12 : memref<!tpu.dma_semaphore, #tpu.memory_space<semaphore_mem>>) src(%arg10 : memref<40x512xf32, #tpu.memory_space<vmem>>) dst(%dma_wait3A_355 : memref<40x512xf32, #tpu.memory_space<hbm>>)
    %dma_wait3A_356 = arith.constant 0 : i32
    %dma_wait3A_357 = arith.constant 160 : i32
    %dma_wait3A_358 = tpu.memref_slice %arg4[%dma_wait3A_357, %dma_wait3A_356, %mul3A_2] : memref<200x1x16384xf32, #tpu.memory_space<hbm>> -> memref<40x1x512xf32, #tpu.memory_space<hbm>>
    %dma_wait3A_359 = tpu.memref_squeeze %dma_wait3A_358 : memref<40x1x512xf32, #tpu.memory_space<hbm>> -> memref<40x512xf32, #tpu.memory_space<hbm>>
    %dma_wait3A_360 = arith.constant 160 : i32
    %dma_wait3A_361 = tpu.memref_slice %arg4[%dma_wait3A_360, %dma_wait3A_356, %mul3A_2] : memref<200x1x16384xf32, #tpu.memory_space<hbm>> -> memref<40x1x512xf32, #tpu.memory_space<hbm>>
    %dma_wait3A_362 = tpu.memref_squeeze %dma_wait3A_361 : memref<40x1x512xf32, #tpu.memory_space<hbm>> -> memref<40x512xf32, #tpu.memory_space<hbm>>
    tpu.wait_dma2 semaphore(%arg12 : memref<!tpu.dma_semaphore, #tpu.memory_space<semaphore_mem>>) src(%arg9 : memref<40x512xf32, #tpu.memory_space<vmem>>) dst(%dma_wait3A_362 : memref<40x512xf32, #tpu.memory_space<hbm>>)
    return
  }
}

</mosaic_0001>

<sc_bundles>
// kernel: kernel.3.cloned.1.call-start
scs
__scs_entry_jumppad:
0x0: {  	(pc) =	sbr.rel $0x88, $3  }
0x1: {  	(tag) =	ssettag $0x0;
	lr =	simm.s32 $0x1  }
0x2: {  	[smem:$0x3F9F] =	sst lr;
	_ =	strace $0xD0000000  }
0x3: {  	_ = 	snop  }
0x4: {  	_ = 	snop  }
0x5: {  	_ = 	snop  }
0x6: {  	_ = 	snop  }
0x7: {  	_ = 	snop  }
__scs_overlays_trampoline_lowered:
0x8: {  	[smem:$0x3FAE] =	sst s0  }
0x9: {  	[smem:$0x3FAF] =	sst s1  }
0xa: {  	[smem:$0x3FB0] =	sst s2  }
0xb: {  	[smem:$0x3FB1] =	sst s3  }
0xc: {  	[smem:$0x3FB2] =	sst s4  }
0xd: {  	[smem:$0x3FB3] =	sst s5  }
0xe: {  	[smem:$0x3FB4] =	sst s6  }
0xf: {  	[smem:$0x3FB5] =	sst s7  }
0x10: {  	[smem:$0x3FB6] =	sst s8  }
0x11: {  	[smem:$0x3FB7] =	sst s9;
	s0 =	simm.s32 @!p0 $0x0  }
0x12: {  	s1 =	sld [smem:$0x3F9D];
	s0 =	simm.s32 @p0 $0x1  }
0x13: {  	[smem:$0x3FB8] =	sst s0;
	s0 =	simm.s32 @!p1 $0x0  }
0x14: {  	s2 =	sld [smem:$0x3F9C];
	s0 =	simm.s32 @p1 $0x1  }
0x15: {  	[smem:$0x3FB9] =	sst s0;
	s0 =	simm.s32 @!p2 $0x0  }
0x16: {  	s3 =	sld [smem:$0x3FDB];
	s0 =	simm.s32 @p2 $0x1  }
0x17: {  	s4 =	simm.s32 $0x1BF5;
	[smem:$0x3FBB] =	sst s0  }
0x18: {  	s0 =	sld [smem:$0x3F9E];
	_ =	swait.ge [sflag:s4], $0x0  }
0x19: {  	s7 =	sld [smem:$0x3F9F]  }
0x1a: {  	s8 =	sadd.s32 $0xFFFFE003, lr  }
0x1b: {  	s9 =	sadd.s32 $0xFFFFFEF7, lr;
	s5 =	simm.s32 $0xFFFFFFFF;
	p2 =	slt.u32 s8, $0xFFFFF086  }
0x1c: {  	p1 =	slt.u32 s9, $0xF7A;
	s5 =	simm.s32 @!p2 $0x0  }
0x1d: {  	s5 =	simm.s32 @p1 $0x1;
	p0 =	seq.s32 s7, s2  }
0x1e: {  	s7 =	smul.u32 @!p0 $0xF7A, s2;
	p2 =	seq.s32 @!p0 s5, $0x0  }
0x1f: {  	s9 =	smul.u32 $0xF7A, s1;
	s8 =	simm.s32 @!p0 $0x1BF5;
	p2 =	por !p2, p0  }
0x20: {  	[sflag:s8] =	ssyncset.s32 @!p0 $0xFFFFF086;
	s6 =	sadd.s32 @!p0 s3, s7;
	s7 =	simm.s32 @!p0 $0x108  }
0x21: {  	s3 =	sadd.s32 s3, s9;
	s6 =	sadd.s32 @!p0 $0x88, s6;
	s7 =	simm.s32 @p2 $0x1082  }
0x22: {  	[simem:s7], [sflag:s8] =	dma.local @!p0 [hbm:s6], $0xF7A  }
0x23: {  	s9 =	sor.u32 $0xD0000000, s2;
	s6 =	simm.s32 $0x108;
	_ =	swait.ge @!p0 [sflag:s8], $0x0  }
0x24: {  	s3 =	sadd.s32 $0x88, s3;
	s6 =	simm.s32 @!p1 $0x1082;
	[sflag:s4] =	ssyncset.s32 $0xFFFFF086  }
0x25: {  	[simem:s6], [sflag:s4] =	dma.local [hbm:s3], $0xF7A  }
0x26: {  	[smem:$0x3F9F] =	sst s1;
	(tag) =	ssettag s2;
	_ =	strace s9  }
0x27: {  	s1 =	sld [smem:$0x3FAF]  }
0x28: {  	s2 =	sld [smem:$0x3FB0]  }
0x29: {  	s4 =	sld [smem:$0x3FB2]  }
0x2a: {  	p0 =	seq.s32 s5, $0x0;
	s5 =	sld [smem:$0x3FB3]  }
0x2b: {  	s6 =	sld [smem:$0x3FB4]  }
0x2c: {  	s7 =	sld [smem:$0x3FB5]  }
0x2d: {  	s3 =	simm.s32 $0x108;
	s8 =	sld [smem:$0x3FB6]  }
0x2e: {  	s3 =	simm.s32 @!p0 $0x1082;
	s9 =	sld [smem:$0x3FB7]  }
0x2f: {  	lr =	sadd.s32 s0, s3;
	s0 =	sld [smem:$0x3FAE]  }
0x30: {  	s3 =	sld [smem:$0x3FB1]  }
0x31: {  	[smem:$0x3FBA] =	sst s10  }
0x32: {  	s10 =	sld [smem:$0x3FB8];
	_ =	sdelay $0x3  }
0x33: {  	p0 =	seq.s32 s10, $0x1;
	s10 =	sld [smem:$0x3FBA];
	_ =	sdelay $0x3  }
0x34: {  	[smem:$0x3FBA] =	sst s10  }
0x35: {  	s10 =	sld [smem:$0x3FB9];
	_ =	sdelay $0x3  }
0x36: {  	p1 =	seq.s32 s10, $0x1;
	s10 =	sld [smem:$0x3FBA];
	_ =	sdelay $0x3  }
0x37: {  	[smem:$0x3FBA] =	sst s10  }
0x38: {  	s10 =	sld [smem:$0x3FBB]  }
0x39: {  	_ = 	snop;
	(pc) =	sbr.ind lr, $3  }
0x3a: {  	_ = 	snop  }
0x3b: {  	_ = 	snop  }
0x3c: {  	p2 =	seq.s32 s10, $0x1;
	s10 =	sld [smem:$0x3FBA]  }
0x3d: {  	_ =	shalt  }
0x3e: {  	_ =	shalt  }
0x3f: {  	_ =	shalt  }
0x40: {  	_ =	shalt  }
0x41: {  	_ =	shalt  }
0x42: {  	_ =	shalt  }
0x43: {  	_ =	shalt  }
0x44: {  	_ =	shalt  }
0x45: {  	_ =	shalt  }
0x46: {  	_ =	shalt  }
0x47: {  	_ =	shalt  }
0x48: {  	_ =	shalt  }
0x49: {  	_ =	shalt  }
0x4a: {  	_ =	shalt  }
0x4b: {  	_ =	shalt  }
0x4c: {  	_ =	shalt  }
0x4d: {  	_ =	shalt  }
0x4e: {  	_ =	shalt  }
0x4f: {  	_ =	shalt  }
0x50: {  	_ =	shalt  }
0x51: {  	_ =	shalt  }
0x52: {  	_ =	shalt  }
0x53: {  	_ =	shalt  }
0x54: {  	_ =	shalt  }
0x55: {  	_ =	shalt  }
0x56: {  	_ =	shalt  }
0x57: {  	_ =	shalt  }
0x58: {  	_ =	shalt  }
0x59: {  	_ =	shalt  }
0x5a: {  	_ =	shalt  }
0x5b: {  	_ =	shalt  }
0x5c: {  	_ =	shalt  }
0x5d: {  	_ =	shalt  }
0x5e: {  	_ =	shalt  }
0x5f: {  	_ =	shalt  }
0x60: {  	_ =	shalt  }
0x61: {  	_ =	shalt  }
0x62: {  	_ =	shalt  }
0x63: {  	_ =	shalt  }
0x64: {  	_ =	shalt  }
0x65: {  	_ =	shalt  }
0x66: {  	_ =	shalt  }
0x67: {  	_ =	shalt  }
0x68: {  	_ =	shalt  }
0x69: {  	_ =	shalt  }
0x6a: {  	_ =	shalt  }
0x6b: {  	_ =	shalt  }
0x6c: {  	_ =	shalt  }
0x6d: {  	_ =	shalt  }
0x6e: {  	_ =	shalt  }
0x6f: {  	_ =	shalt  }
0x70: {  	_ =	shalt  }
0x71: {  	_ =	shalt  }
0x72: {  	_ =	shalt  }
0x73: {  	_ =	shalt  }
0x74: {  	_ =	shalt  }
0x75: {  	_ =	shalt  }
0x76: {  	_ =	shalt  }
0x77: {  	_ =	shalt  }
0x78: {  	_ =	shalt  }
0x79: {  	_ =	shalt  }
0x7a: {  	_ =	shalt  }
0x7b: {  	_ =	shalt  }
0x7c: {  	_ =	shalt  }
0x7d: {  	_ =	shalt  }
0x7e: {  	_ =	shalt  }
0x7f: {  	_ =	shalt  }
0x80: {  	_ =	shalt  }
0x81: {  	_ =	shalt  }
0x82: {  	_ =	shalt  }
0x83: {  	_ =	shalt  }
0x84: {  	_ =	shalt  }
0x85: {  	_ =	shalt  }
0x86: {  	_ =	shalt  }
0x87: {  	_ =	shalt  }
.Lfunc_end0:
.L_simem_size_0:
called_computation_lowered:
.L_overlay_start_0:
0x88: {  	s2 =	sld [smem:$0x3FD9]  }
0x89: {  	s3 =	sld [smem:$0x3FFE];
	_ =	sdelay $0x1  }
0x8a: {  	s1 =	srdreg.scid  }
0x8b: {  	s0 =	sand.u32 $0x1, s1  }
0x8c: {  	s18 =	sshll.u32 s0, $0xA;
	s2 =	sadd.s32 s3, s2  }
0x8d: {  	s2 =	sadd.s32 s2, s18  }
0x8e: {  	[smem:$0x3FC6] =	sst s2  }
0x8f: {  	_ = 	snop  }
0x90: {  	s2 =	sld [smem:$0x3FC9]  }
0x91: {  	s19 =	sld [smem:$0x3FC8]  }
0x92: {  	s4 =	sld [smem:$0x3FD0];
	(tm) =	ssettm $0x1  }
0x93: {  	s5 =	sld [smem:$0x3FFB];
	_ =	sdelay $0x3  }
0x94: {  	_ =	strace s5  }
0x95: {  	s5 =	sld [smem:$0x3FFC];
	_ =	sdelay $0x3  }
0x96: {  	_ =	strace s5  }
0x97: {  	s5 =	sld [smem:$0x3FFD];
	_ =	sdelay $0x3  }
0x98: {  	_ =	strace s5  }
0x99: {  	_ =	strace $0x8FFFFFFF  }
0x9a: {  	s20 =	sld [smem:$0x3FDB];
	_ =	sdelay $0x1  }
0x9b: {  	s6 =	simm.s32 $_scs_section_size  }
0x9c: {  	s7 =	simm.s32 $_size__tile_overlayer_lowered;
	s8 =	simm.s32 $_tile_overlayer_lowered  }
0x9d: {  	s23 =	simm.s32 $0x1BFF;
	s22 =	sshll.u32 s8, $0x1;
	s5 =	sadd.s32 s6, s20  }
0x9e: {  	s9 =	simm.s32 $0x0;
	s21 =	sshll.u32 s7, $0x1;
	s7 =	sadd.s32 s22, s5  }
0x9f: {  	[timem:s9], [sflag:s23] =	dma.local [hbm:s7], s21  }
0xa0: {  	_ =	swait.ge [sflag:s23], s21  }
0xa1: {  	s6 =	ssub.s32 $0x0, s21;
	[sflag:s23] =	ssyncset.done $0x0  }
0xa2: {  	[sflag:s23] =	ssyncadd.s32 s6;
	_ =	sdelay $0x1  }
0xa3: {  	s24 =	simm.s32 $0x1B8B  }
0xa4: {  	_ =	swait.ge [sflag:s24], $0x1  }
0xa5: {  	[sflag:s24] =	ssyncset.done $0x0  }
0xa6: {  	s25 =	simm.s32 $0x1B8E;
	[sflag:s24] =	ssyncadd.s32 $0xFFFFFFFF  }
0xa7: {  	s26 =	simm.s32 $execute0_lowered;
	[smem:$0x3FD2] =	sst s25  }
0xa8: {  	s6 =	sshll.u32 s26, $0x1;
	_ =	strace $0x80000046;
	[dreg:$0x1] =	wrdreg $0xFFFFFFFF  }
0xa9: {  	s28 =	simm.s32 $_size_execute0_lowered;
	s5 =	sadd.s32 s5, s6;
	[dreg:$0x0] =	wrdreg $0x0  }
0xaa: {  	s6 =	sshll.u32 s28, $0x1;
	[dreg:$0x2] =	wrdreg s5  }
0xab: {  	[dreg:$0x3] =	wrdreg s6  }
0xac: {  	[dreg:$0x4] =	wrdreg $0xC0  }
0xad: {  	_ =	task [dreg:s9], $0x5FFFF  }
0xae: {  	[dreg:$0x1] =	wrdreg $0xFFFFFFFF  }
0xaf: {  	[dreg:$0x0] =	wrdreg $0x60  }
0xb0: {  	[dreg:$0x2] =	wrdreg s2  }
0xb1: {  	[dreg:$0x3] =	wrdreg s19  }
0xb2: {  	[dreg:$0x4] =	wrdreg s4  }
0xb3: {  	[dreg:$0x5] =	wrdreg $0x9  }
0xb4: {  	_ =	task.clear_ibuf [dreg:s9], $0x6FFFF;
	_ =	strace $0x90000046  }
0xb5: {  	s29 =	simm.s32 $0x9;
	_ =	strace $0x80000048  }
0xb6: {  	_ =	swait.ge [sflag:s29], $0x1  }
0xb7: {  	[sflag:s29] =	ssyncadd.s32 $0xFFFFFFFF  }
0xb8: {  	_ =	strace $0x90000048  }
0xb9: {  	_ =	sfence  }
0xba: {  	s30 =	sld [smem:$0x0];
	_ =	sdelay $0x2  }
0xbb: {  	s31 =	sshll.u32 s1, $0xD;
	s1 =	sshrl.u32 s1, $0x2  }
0xbc: {  	s3 =	sand.u32 $0x4000, s31;
	s1 =	sadd.s32 s1, s30  }
0xbd: {  	s0 =	sor.u32 s3, s0;
	s1 =	sshll.u32 s1, $0x11  }
0xbe: {  	s0 =	sor.u32 s1, s0  }
0xbf: {  	s0 =	sadd.s32 $0x8F2B, s0  }
0xc0: {  	[sflag:s0] =	ssyncadd.remote.s32 $0x1  }
0xc1: {  	_ =	sfence.sel $0xFFFF  }
0xc2: {  	[dreg:$0x0] =	wrdreg $0xFFFFFFFF;
	(pc) =	sbr.abs _section_cstart, $3  }
0xc3: {  	[dreg:$0x1] =	wrdreg $0xFFFFFFFF  }
0xc4: {  	_ =	task.clear_ibuf [dreg:s9], $0x2FFFF;
	_ =	strace $0x9FFFFFFF  }
0xc5: {  	(tm) =	ssettm $0x7FFFFFFF  }
tec
execute0_lowered:
.L_overlay_start_1:
0x0: {  	(tag) =	ssettag $0x1  }
0x1: {  	s0 =	rddreg [dreg:$0x0]  }
0x2: {  	s1 =	rddreg [dreg:$0x2]  }
0x3: {  	s2 =	srdreg.scid;
	s3 =	simm.s32 $0x0;
	s4 =	stileid.u32  }
0x4: {  	s15 =	simm.s32 $0x1000;
	s16 =	simm.s32 $0x20000;
	s18 =	simm.s32 $0x100  }
0x5: {  	s21 =	simm.s32 $0x1;
	s20 =	simm.s32 $0xC600;
	s9 =	simm.s32 $0xD200  }
0x6: {  	s11 =	simm.s32 $0xD600;
	s14 =	simm.s32 $0xDA00;
	s17 =	simm.s32 $0xE600  }
0x7: {  	s19 =	simm.s32 $0xEA00;
	s28 =	simm.s32 $0x0;
	s2 =	sand.u32 $0x1, s2  }
0x8: {  	[smem:$0x7FF] =	sst s3;
	s4 =	sshll.u32 s4, $0xA;
	s5 =	sshll.u32 s2, $0x9  }
0x9: {  	_ =	strace $0x80000047;
	s2 =	ssub.s32 $0x2, s2;
	s4 =	sor.u32 s5, s4  }
0xa: {  	s22 =	sshrl.u32 s2, $0x1;
	s5 =	simm.s32 $0xCA00;
	s7 =	sadd.s32 s0, s4  }
0xb: {  	v0 =	vimm.s32 $0xEDCBA987;
	v1 =	vimm.s32 $0x65432100;
	v7 =	vimm.s32 $0xC2C1C0BF;
	s23 =	sshrl.u32 s4, $0x3;
	s2 =	ssub.s32 s2, s22;
	s22 =	simm.s32 $0x80  }
0xc: {  	v8 =	vimm.s32 $0xC6C5C4C3;
	v0 =	vunpack.c.l.s4.s8 v0;
	v9 =	vunpack.c.0.s8.s32 v7;
	s0 =	simm.s32 $0xBA00;
	s4 =	simm.s32 $0xE200;
	s24 =	sadd.s32 $0x14000, s7  }
0xd: {  	vm0 =	vcmask $0xF00;
	v1 =	vunpack.c.l.s4.s8 v1;
	v11 =	vunpack.c.0.s8.s32 v8;
	s6 =	sadd.s32 s1, s23;
	s25 =	sadd.s32 $0x28000, s7;
	s26 =	sadd.s32 $0x3C000, s7  }
0xe: {  	vm15 =	vcmask $0x1F10;
	v0 =	vunpack.c.0.s8.s32 v0;
	v12 =	vnsel vm0, $0xC7, v9;
	[dreg:$0x4] =	wrdreg s7;
	s29 =	sadd.s32 $0x50000, s7;
	s30 =	smax.u32 s2, $0x1  }
0xf: {  	v4 =	vunpack.c.0.s8.s32 v1;
	v13 =	vsel vm15, v11, v12;
	s23 =	simm.s32 $0x4000;
	s2 =	simm.s32 $0xBE00;
	[dreg:$0x5] =	wrdreg s24  }
0x10: {  	s1 =	simm.s32 $0xC200;
	s7 =	simm.s32 $0xCE00;
	v5 =	vand.u32 $0xF, v0;
	v0 =	vlaneseq.u32;
	v13 =	vand.u32 $0xFF, v13;
	[dreg:$0x6] =	wrdreg s25  }
0x11: {  	s8 =	sadd.s32 $0x14000, s6;
	[dreg:$0x7] =	wrdreg s26;
	s10 =	sadd.s32 $0x28000, s6;
	v1 =	vadd.s32 $0xF, v0;
	v2 =	vadd.s32 $0x1F, v0;
	v3 =	vadd.s32 $0x2F, v0  }
0x12: {  	[dreg:$0x8] =	wrdreg s29;
	s12 =	sadd.s32 $0x3C000, s6;
	s13 =	sadd.s32 $0x50000, s6;
	v4 =	vcombine.low v4, v5;
	v5 =	vadd.s32 $0x3F, v0;
	v6 =	vadd.s32 $0x4F, v0  }
0x13: {  	[dreg:$0x9] =	wrdreg s30;
	s31 =	sadd.s32 $0x10, s6;
	s25 =	simm.s32 $0xDE00;
	v7 =	vadd.s32 $0x5F, v0;
	v8 =	vadd.s32 $0x6F, v0;
	v9 =	vadd.s32 $0x7F, v0  }
0x14: {  	s24 =	simm.s32 $0xEE00;
	v10 =	vadd.s32 $0x8F, v0;
	v11 =	vadd.s32 $0x9F, v0;
	v12 =	vadd.s32 $0xAF, v0;
	s26 =	simm.s32 $0x2;
	[dreg:$0xa] =	wrdreg s31  }
.LBB2_1:
0x15: {  	s29 =	rddreg [dreg:$0x4];
	s30 =	simm.s32 $0x200  }
0x16: {  	[tilespmem:s30], [sflag:$0x1] =	stream.strided.gather [hbm4b:s29+s15], $0x5000, s16, s15, $0x38;
	[tilespmem:$0x14200] =	vst v63  }
0x17: {  	s29 =	rddreg [dreg:$0x1]  }
0x18: {  	[tilespmem:s18], [sflag:$0x3] =	stream.linear.gather [hbm4b:s29+s3], $0x100, $0x38;
	[tilespmem:$0x14200] =	vst v63  }
0x19: {  	s29 =	simm.s32 $0x3  }
0x1a: {  	_ =	swait.ge [sflag:s29], $0x100  }
0x1b: {  	[sflag:s29] =	ssyncset.done $0x0  }
0x1c: {  	[sflag:s29] =	ssyncadd.s32 $0xFFFFFF00  }
0x1d: {  	v14 =	vld.idx.msk [tilespmem:v4+s18+$0x0], $0xffff;
	_ =	sdelay $0x3  }
0x1e: {  	vm0 =	veq.s32 v0, $0x0  }
0x1f: {  	v14 =	vsel vm0, $0x0, v14  }
0x20: {  	[tilespmem:$0x0] =	vst v14  }
0x21: {  	v14 =	vld.idx.msk [tilespmem:v1+s18+$0x0], $0xffff;
	_ =	sdelay $0x4  }
0x22: {  	[tilespmem:$0x10] =	vst v14  }
0x23: {  	v14 =	vld.idx.msk [tilespmem:v2+s18+$0x0], $0xffff;
	_ =	sdelay $0x4  }
0x24: {  	[tilespmem:$0x20] =	vst v14  }
0x25: {  	v14 =	vld.idx.msk [tilespmem:v3+s18+$0x0], $0xffff;
	_ =	sdelay $0x4  }
0x26: {  	[tilespmem:$0x30] =	vst v14  }
0x27: {  	v14 =	vld.idx.msk [tilespmem:v5+s18+$0x0], $0xffff;
	_ =	sdelay $0x4  }
0x28: {  	[tilespmem:$0x40] =	vst v14  }
0x29: {  	v14 =	vld.idx.msk [tilespmem:v6+s18+$0x0], $0xffff;
	_ =	sdelay $0x4  }
0x2a: {  	[tilespmem:$0x50] =	vst v14  }
0x2b: {  	v14 =	vld.idx.msk [tilespmem:v7+s18+$0x0], $0xffff;
	_ =	sdelay $0x4  }
0x2c: {  	[tilespmem:$0x60] =	vst v14  }
0x2d: {  	v14 =	vld.idx.msk [tilespmem:v8+s18+$0x0], $0xffff;
	_ =	sdelay $0x4  }
0x2e: {  	[tilespmem:$0x70] =	vst v14  }
0x2f: {  	v14 =	vld.idx.msk [tilespmem:v9+s18+$0x0], $0xffff;
	_ =	sdelay $0x4  }
0x30: {  	[tilespmem:$0x80] =	vst v14  }
0x31: {  	v14 =	vld.idx.msk [tilespmem:v10+s18+$0x0], $0xffff;
	_ =	sdelay $0x4  }
0x32: {  	[tilespmem:$0x90] =	vst v14  }
0x33: {  	v14 =	vld.idx.msk [tilespmem:v11+s18+$0x0], $0xffff;
	_ =	sdelay $0x4  }
0x34: {  	[tilespmem:$0xA0] =	vst v14  }
0x35: {  	v14 =	vld.idx.msk [tilespmem:v12+s18+$0x0], $0xffff;
	_ =	sdelay $0x4  }
0x36: {  	[tilespmem:$0xB0] =	vst v14  }
0x37: {  	v14 =	vld.idx.msk [tilespmem:v13+s18+$0x0], $0xffff;
	_ =	sdelay $0x4  }
0x38: {  	s31 =	simm.s32 $0x5200;
	s29 =	rddreg [dreg:$0x5];
	[tilespmem:$0xC0] =	vst v14  }
0x39: {  	[tilespmem:s31], [sflag:$0x1] =	stream.strided.gather [hbm4b:s29+s15], $0x5000, s16, s15, $0x38;
	[tilespmem:$0x14200] =	vst v63  }
0x3a: {  	_ =	swait.ge [sflag:s21], $0x5000  }
0x3b: {  	[sflag:s21] =	ssyncset.done $0x0  }
0x3c: {  	s29 =	simm.s32 $0x0;
	[sflag:s21] =	ssyncadd.s32 $0xFFFFB000  }
.LBB2_2:
0x3d: {  	s30 =	sshll.u32 s29, $0x9  }
0x3e: {  	v14 =	vld [tilespmem:s30+$0x200];
	_ =	sdelay $0x2  }
0x3f: {  	v15 =	vld [tilespmem:s30+$0x280];
	_ =	sdelay $0x2  }
0x40: {  	v16 =	vld [tilespmem:s30+$0x210];
	_ =	sdelay $0x1  }
0x41: {  	v14 =	vld.idx.msk [tilespmem:v14+s3+$0x0], $0xffff  }
0x42: {  	v17 =	vld [tilespmem:s30+$0x290];
	_ =	sdelay $0x1  }
0x43: {  	v15 =	vld.idx.msk [tilespmem:v15+s3+$0x0], $0xffff  }
0x44: {  	v18 =	vld [tilespmem:s30+$0x220]  }
0x45: {  	[tilespmem:s30+$0xA200] =	vst v14  }
0x46: {  	v14 =	vld.idx.msk [tilespmem:v16+s3+$0x0], $0xffff  }
0x47: {  	v49 =	vld [tilespmem:s30+$0x2A0]  }
0x48: {  	[tilespmem:s30+$0xA280] =	vst v15  }
0x49: {  	v15 =	vld.idx.msk [tilespmem:v17+s3+$0x0], $0xffff  }
0x4a: {  	v19 =	vld [tilespmem:s30+$0x230]  }
0x4b: {  	[tilespmem:s30+$0xA210] =	vst v14  }
0x4c: {  	v14 =	vld.idx.msk [tilespmem:v18+s3+$0x0], $0xffff  }
0x4d: {  	v50 =	vld [tilespmem:s30+$0x2B0]  }
0x4e: {  	[tilespmem:s30+$0xA290] =	vst v15  }
0x4f: {  	v15 =	vld.idx.msk [tilespmem:v49+s3+$0x0], $0xffff  }
0x50: {  	v51 =	vld [tilespmem:s30+$0x240]  }
0x51: {  	[tilespmem:s30+$0xA220] =	vst v14  }
0x52: {  	v14 =	vld.idx.msk [tilespmem:v19+s3+$0x0], $0xffff  }
0x53: {  	v52 =	vld [tilespmem:s30+$0x2C0]  }
0x54: {  	[tilespmem:s30+$0xA2A0] =	vst v15  }
0x55: {  	v15 =	vld.idx.msk [tilespmem:v50+s3+$0x0], $0xffff  }
0x56: {  	v53 =	vld [tilespmem:s30+$0x250]  }
0x57: {  	[tilespmem:s30+$0xA230] =	vst v14  }
0x58: {  	v14 =	vld.idx.msk [tilespmem:v51+s3+$0x0], $0xffff  }
0x59: {  	v54 =	vld [tilespmem:s30+$0x2D0]  }
0x5a: {  	[tilespmem:s30+$0xA2B0] =	vst v15  }
0x5b: {  	v15 =	vld.idx.msk [tilespmem:v52+s3+$0x0], $0xffff  }
0x5c: {  	v55 =	vld [tilespmem:s30+$0x260]  }
0x5d: {  	[tilespmem:s30+$0xA240] =	vst v14  }
0x5e: {  	v14 =	vld.idx.msk [tilespmem:v53+s3+$0x0], $0xffff  }
0x5f: {  	v56 =	vld [tilespmem:s30+$0x2E0]  }
0x60: {  	[tilespmem:s30+$0xA2C0] =	vst v15  }
0x61: {  	v15 =	vld.idx.msk [tilespmem:v54+s3+$0x0], $0xffff  }
0x62: {  	v57 =	vld [tilespmem:s30+$0x270]  }
0x63: {  	[tilespmem:s30+$0xA250] =	vst v14  }
0x64: {  	v14 =	vld.idx.msk [tilespmem:v55+s3+$0x0], $0xffff  }
0x65: {  	v59 =	vld [tilespmem:s30+$0x2F0]  }
0x66: {  	[tilespmem:s30+$0xA2D0] =	vst v15;
	v15 =	vld [tilespmem:s30+$0x300]  }
0x67: {  	v16 =	vld.idx.msk [tilespmem:v56+s3+$0x0], $0xffff;
	_ =	sdelay $0x1  }
0x68: {  	v58 =	vld [tilespmem:s30+$0x600];
	[tilespmem:s30+$0xA260] =	vst v14  }
0x69: {  	v14 =	vld.idx.msk [tilespmem:v57+s3+$0x0], $0xffff  }
0x6a: {  	v20 =	vld [tilespmem:s30+$0x680]  }
0x6b: {  	v61 =	vld [tilespmem:s30+$0x310];
	[tilespmem:s30+$0xA2E0] =	vst v16  }
0x6c: {  	v18 =	vld.idx.msk [tilespmem:v59+s3+$0x0], $0xffff  }
0x6d: {  	v60 =	vld [tilespmem:s30+$0x610]  }
0x6e: {  	[tilespmem:s30+$0xA270] =	vst v14;
	v14 =	vld.idx.msk [tilespmem:v15+s3+$0x0], $0xffff  }
0x6f: {  	v21 =	vld [tilespmem:s30+$0x690]  }
0x70: {  	v63 =	vld [tilespmem:s30+$0x320]  }
0x71: {  	[tilespmem:s30+$0xA2F0] =	vst v18;
	v15 =	vld.idx.msk [tilespmem:v58+s3+$0x0], $0xffff  }
0x72: {  	v20 =	vld.idx.msk [tilespmem:v20+s3+$0x0], $0xffff  }
0x73: {  	v62 =	vld [tilespmem:s30+$0x620];
	[tilespmem:s30+$0xA300] =	vst v14  }
0x74: {  	v14 =	vld.idx.msk [tilespmem:v61+s3+$0x0], $0xffff  }
0x75: {  	v25 =	vld [tilespmem:s30+$0x6A0]  }
0x76: {  	v26 =	vld [tilespmem:s30+$0x330];
	[tilespmem:s30+$0xA600] =	vst v15  }
0x77: {  	[tilespmem:s30+$0xA680] =	vst v20;
	v15 =	vld.idx.msk [tilespmem:v60+s3+$0x0], $0xffff  }
0x78: {  	v21 =	vld.idx.msk [tilespmem:v21+s3+$0x0], $0xffff  }
0x79: {  	v24 =	vld [tilespmem:s30+$0x630];
	[tilespmem:s30+$0xA310] =	vst v14  }
0x7a: {  	v14 =	vld.idx.msk [tilespmem:v63+s3+$0x0], $0xffff  }
0x7b: {  	v28 =	vld [tilespmem:s30+$0x6B0]  }
0x7c: {  	v29 =	vld [tilespmem:s30+$0x340];
	[tilespmem:s30+$0xA610] =	vst v15  }
0x7d: {  	[tilespmem:s30+$0xA690] =	vst v21;
	v15 =	vld.idx.msk [tilespmem:v62+s3+$0x0], $0xffff  }
0x7e: {  	v19 =	vld.idx.msk [tilespmem:v25+s3+$0x0], $0xffff  }
0x7f: {  	v27 =	vld [tilespmem:s30+$0x640];
	[tilespmem:s30+$0xA320] =	vst v14  }
0x80: {  	v14 =	vld.idx.msk [tilespmem:v26+s3+$0x0], $0xffff  }
0x81: {  	v31 =	vld [tilespmem:s30+$0x6C0]  }
0x82: {  	v32 =	vld [tilespmem:s30+$0x350];
	[tilespmem:s30+$0xA620] =	vst v15  }
0x83: {  	[tilespmem:s30+$0xA6A0] =	vst v19;
	v15 =	vld.idx.msk [tilespmem:v24+s3+$0x0], $0xffff  }
0x84: {  	v18 =	vld.idx.msk [tilespmem:v28+s3+$0x0], $0xffff  }
0x85: {  	v30 =	vld [tilespmem:s30+$0x650];
	[tilespmem:s30+$0xA330] =	vst v14  }
0x86: {  	v14 =	vld.idx.msk [tilespmem:v29+s3+$0x0], $0xffff  }
0x87: {  	v34 =	vld [tilespmem:s30+$0x6D0]  }
0x88: {  	v35 =	vld [tilespmem:s30+$0x360];
	[tilespmem:s30+$0xA630] =	vst v15  }
0x89: {  	[tilespmem:s30+$0xA6B0] =	vst v18;
	v15 =	vld.idx.msk [tilespmem:v27+s3+$0x0], $0xffff  }
0x8a: {  	v20 =	vld.idx.msk [tilespmem:v31+s3+$0x0], $0xffff  }
0x8b: {  	v33 =	vld [tilespmem:s30+$0x660];
	[tilespmem:s30+$0xA340] =	vst v14  }
0x8c: {  	v14 =	vld.idx.msk [tilespmem:v32+s3+$0x0], $0xffff  }
0x8d: {  	v37 =	vld [tilespmem:s30+$0x6E0]  }
0x8e: {  	v38 =	vld [tilespmem:s30+$0x370];
	[tilespmem:s30+$0xA640] =	vst v15  }
0x8f: {  	[tilespmem:s30+$0xA6C0] =	vst v20;
	v15 =	vld.idx.msk [tilespmem:v30+s3+$0x0], $0xffff  }
0x90: {  	v21 =	vld.idx.msk [tilespmem:v34+s3+$0x0], $0xffff  }
0x91: {  	v36 =	vld [tilespmem:s30+$0x670];
	[tilespmem:s30+$0xA350] =	vst v14  }
0x92: {  	v14 =	vld.idx.msk [tilespmem:v35+s3+$0x0], $0xffff  }
0x93: {  	v40 =	vld [tilespmem:s30+$0x6F0]  }
0x94: {  	v41 =	vld [tilespmem:s30+$0x700];
	[tilespmem:s30+$0xA650] =	vst v15  }
0x95: {  	[tilespmem:s30+$0xA6D0] =	vst v21;
	v15 =	vld.idx.msk [tilespmem:v33+s3+$0x0], $0xffff  }
0x96: {  	v19 =	vld.idx.msk [tilespmem:v37+s3+$0x0], $0xffff  }
0x97: {  	v39 =	vld [tilespmem:s30+$0xA00];
	[tilespmem:s30+$0xA360] =	vst v14  }
0x98: {  	v14 =	vld.idx.msk [tilespmem:v38+s3+$0x0], $0xffff  }
0x99: {  	v43 =	vld [tilespmem:s30+$0xA80]  }
0x9a: {  	v44 =	vld [tilespmem:s30+$0x710];
	[tilespmem:s30+$0xA660] =	vst v15  }
0x9b: {  	[tilespmem:s30+$0xA6E0] =	vst v19;
	v15 =	vld.idx.msk [tilespmem:v36+s3+$0x0], $0xffff  }
0x9c: {  	v18 =	vld.idx.msk [tilespmem:v40+s3+$0x0], $0xffff  }
0x9d: {  	v42 =	vld [tilespmem:s30+$0xA10];
	[tilespmem:s30+$0xA370] =	vst v14  }
0x9e: {  	v14 =	vld.idx.msk [tilespmem:v41+s3+$0x0], $0xffff  }
0x9f: {  	v46 =	vld [tilespmem:s30+$0xA90]  }
0xa0: {  	v47 =	vld [tilespmem:s30+$0x720];
	[tilespmem:s30+$0xA670] =	vst v15  }
0xa1: {  	[tilespmem:s30+$0xA6F0] =	vst v18;
	v15 =	vld.idx.msk [tilespmem:v39+s3+$0x0], $0xffff  }
0xa2: {  	v20 =	vld.idx.msk [tilespmem:v43+s3+$0x0], $0xffff  }
0xa3: {  	v45 =	vld [tilespmem:s30+$0xA20];
	[tilespmem:s30+$0xA700] =	vst v14  }
0xa4: {  	v14 =	vld.idx.msk [tilespmem:v44+s3+$0x0], $0xffff  }
0xa5: {  	v49 =	vld [tilespmem:s30+$0xAA0]  }
0xa6: {  	v50 =	vld [tilespmem:s30+$0x730];
	[tilespmem:s30+$0xAA00] =	vst v15  }
0xa7: {  	[tilespmem:s30+$0xAA80] =	vst v20;
	v15 =	vld.idx.msk [tilespmem:v42+s3+$0x0], $0xffff  }
0xa8: {  	v21 =	vld.idx.msk [tilespmem:v46+s3+$0x0], $0xffff  }
0xa9: {  	v48 =	vld [tilespmem:s30+$0xA30];
	[tilespmem:s30+$0xA710] =	vst v14  }
0xaa: {  	v14 =	vld.idx.msk [tilespmem:v47+s3+$0x0], $0xffff  }
0xab: {  	v52 =	vld [tilespmem:s30+$0xAB0]  }
0xac: {  	v53 =	vld [tilespmem:s30+$0x740];
	[tilespmem:s30+$0xAA10] =	vst v15  }
0xad: {  	[tilespmem:s30+$0xAA90] =	vst v21;
	v15 =	vld.idx.msk [tilespmem:v45+s3+$0x0], $0xffff  }
0xae: {  	v19 =	vld.idx.msk [tilespmem:v49+s3+$0x0], $0xffff  }
0xaf: {  	v51 =	vld [tilespmem:s30+$0xA40];
	[tilespmem:s30+$0xA720] =	vst v14  }
0xb0: {  	v14 =	vld.idx.msk [tilespmem:v50+s3+$0x0], $0xffff  }
0xb1: {  	v55 =	vld [tilespmem:s30+$0xAC0]  }
0xb2: {  	v56 =	vld [tilespmem:s30+$0x750];
	[tilespmem:s30+$0xAA20] =	vst v15  }
0xb3: {  	[tilespmem:s30+$0xAAA0] =	vst v19;
	v15 =	vld.idx.msk [tilespmem:v48+s3+$0x0], $0xffff  }
0xb4: {  	v18 =	vld.idx.msk [tilespmem:v52+s3+$0x0], $0xffff  }
0xb5: {  	v54 =	vld [tilespmem:s30+$0xA50];
	[tilespmem:s30+$0xA730] =	vst v14  }
0xb6: {  	v14 =	vld.idx.msk [tilespmem:v53+s3+$0x0], $0xffff  }
0xb7: {  	v59 =	vld [tilespmem:s30+$0x760]  }
0xb8: {  	v58 =	vld [tilespmem:s30+$0xAD0];
	[tilespmem:s30+$0xAA30] =	vst v15  }
0xb9: {  	[tilespmem:s30+$0xAAB0] =	vst v18;
	v15 =	vld.idx.msk [tilespmem:v51+s3+$0x0], $0xffff  }
0xba: {  	v20 =	vld.idx.msk [tilespmem:v55+s3+$0x0], $0xffff  }
0xbb: {  	v57 =	vld [tilespmem:s30+$0xA60];
	[tilespmem:s30+$0xA740] =	vst v14  }
0xbc: {  	v14 =	vld.idx.msk [tilespmem:v56+s3+$0x0], $0xffff  }
0xbd: {  	v61 =	vld [tilespmem:s30+$0xAE0]  }
0xbe: {  	v62 =	vld [tilespmem:s30+$0x770];
	[tilespmem:s30+$0xAA40] =	vst v15  }
0xbf: {  	[tilespmem:s30+$0xAAC0] =	vst v20;
	v15 =	vld.idx.msk [tilespmem:v54+s3+$0x0], $0xffff  }
0xc0: {  	v21 =	vld.idx.msk [tilespmem:v58+s3+$0x0], $0xffff  }
0xc1: {  	v60 =	vld [tilespmem:s30+$0xA70];
	[tilespmem:s30+$0xA750] =	vst v14  }
0xc2: {  	v14 =	vld.idx.msk [tilespmem:v59+s3+$0x0], $0xffff  }
0xc3: {  	v25 =	vld [tilespmem:s30+$0xB00]  }
0xc4: {  	v24 =	vld [tilespmem:s30+$0xAF0];
	[tilespmem:s30+$0xAA50] =	vst v15  }
0xc5: {  	[tilespmem:s30+$0xAAD0] =	vst v21;
	v15 =	vld.idx.msk [tilespmem:v57+s3+$0x0], $0xffff  }
0xc6: {  	v19 =	vld.idx.msk [tilespmem:v61+s3+$0x0], $0xffff  }
0xc7: {  	v63 =	vld [tilespmem:s30+$0xE00];
	[tilespmem:s30+$0xA760] =	vst v14  }
0xc8: {  	v14 =	vld.idx.msk [tilespmem:v62+s3+$0x0], $0xffff  }
0xc9: {  	v28 =	vld [tilespmem:s30+$0xB10]  }
0xca: {  	v27 =	vld [tilespmem:s30+$0xE80];
	[tilespmem:s30+$0xAA60] =	vst v15  }
0xcb: {  	[tilespmem:s30+$0xAAE0] =	vst v19;
	v15 =	vld.idx.msk [tilespmem:v60+s3+$0x0], $0xffff  }
0xcc: {  	v18 =	vld.idx.msk [tilespmem:v24+s3+$0x0], $0xffff  }
0xcd: {  	v26 =	vld [tilespmem:s30+$0xE10];
	[tilespmem:s30+$0xA770] =	vst v14  }
0xce: {  	v14 =	vld.idx.msk [tilespmem:v25+s3+$0x0], $0xffff  }
0xcf: {  	v31 =	vld [tilespmem:s30+$0xB20]  }
0xd0: {  	v30 =	vld [tilespmem:s30+$0xE90];
	[tilespmem:s30+$0xAA70] =	vst v15  }
0xd1: {  	[tilespmem:s30+$0xAAF0] =	vst v18;
	v15 =	vld.idx.msk [tilespmem:v63+s3+$0x0], $0xffff  }
0xd2: {  	v20 =	vld.idx.msk [tilespmem:v27+s3+$0x0], $0xffff  }
0xd3: {  	v29 =	vld [tilespmem:s30+$0xE20];
	[tilespmem:s30+$0xAB00] =	vst v14  }
0xd4: {  	v14 =	vld.idx.msk [tilespmem:v28+s3+$0x0], $0xffff  }
0xd5: {  	v34 =	vld [tilespmem:s30+$0xB30]  }
0xd6: {  	v33 =	vld [tilespmem:s30+$0xEA0];
	[tilespmem:s30+$0xAE00] =	vst v15  }
0xd7: {  	[tilespmem:s30+$0xAE80] =	vst v20;
	v15 =	vld.idx.msk [tilespmem:v26+s3+$0x0], $0xffff  }
0xd8: {  	v21 =	vld.idx.msk [tilespmem:v30+s3+$0x0], $0xffff  }
0xd9: {  	v32 =	vld [tilespmem:s30+$0xE30];
	[tilespmem:s30+$0xAB10] =	vst v14  }
0xda: {  	v14 =	vld.idx.msk [tilespmem:v31+s3+$0x0], $0xffff  }
0xdb: {  	v37 =	vld [tilespmem:s30+$0xB40]  }
0xdc: {  	v36 =	vld [tilespmem:s30+$0xEB0];
	[tilespmem:s30+$0xAE10] =	vst v15  }
0xdd: {  	[tilespmem:s30+$0xAE90] =	vst v21;
	v15 =	vld.idx.msk [tilespmem:v29+s3+$0x0], $0xffff  }
0xde: {  	v19 =	vld.idx.msk [tilespmem:v33+s3+$0x0], $0xffff  }
0xdf: {  	v35 =	vld [tilespmem:s30+$0xE40];
	[tilespmem:s30+$0xAB20] =	vst v14  }
0xe0: {  	v14 =	vld.idx.msk [tilespmem:v34+s3+$0x0], $0xffff  }
0xe1: {  	v40 =	vld [tilespmem:s30+$0xB50]  }
0xe2: {  	v39 =	vld [tilespmem:s30+$0xEC0];
	[tilespmem:s30+$0xAE20] =	vst v15  }
0xe3: {  	[tilespmem:s30+$0xAEA0] =	vst v19;
	v15 =	vld.idx.msk [tilespmem:v32+s3+$0x0], $0xffff  }
0xe4: {  	v18 =	vld.idx.msk [tilespmem:v36+s3+$0x0], $0xffff  }
0xe5: {  	v38 =	vld [tilespmem:s30+$0xE50];
	[tilespmem:s30+$0xAB30] =	vst v14  }
0xe6: {  	v14 =	vld.idx.msk [tilespmem:v37+s3+$0x0], $0xffff  }
0xe7: {  	v43 =	vld [tilespmem:s30+$0xB60]  }
0xe8: {  	v42 =	vld [tilespmem:s30+$0xED0];
	[tilespmem:s30+$0xAE30] =	vst v15  }
0xe9: {  	[tilespmem:s30+$0xAEB0] =	vst v18;
	v15 =	vld.idx.msk [tilespmem:v35+s3+$0x0], $0xffff  }
0xea: {  	v20 =	vld.idx.msk [tilespmem:v39+s3+$0x0], $0xffff  }
0xeb: {  	v41 =	vld [tilespmem:s30+$0xE60];
	[tilespmem:s30+$0xAB40] =	vst v14  }
0xec: {  	v14 =	vld.idx.msk [tilespmem:v40+s3+$0x0], $0xffff  }
0xed: {  	v44 =	vld [tilespmem:s30+$0xEE0]  }
0xee: {  	v45 =	vld [tilespmem:s30+$0xB70];
	[tilespmem:s30+$0xAE40] =	vst v15  }
0xef: {  	[tilespmem:s30+$0xAEC0] =	vst v20;
	v15 =	vld.idx.msk [tilespmem:v38+s3+$0x0], $0xffff  }
0xf0: {  	v20 =	vld.idx.msk [tilespmem:v42+s3+$0x0], $0xffff  }
0xf1: {  	[tilespmem:s30+$0xAB50] =	vst v14  }
0xf2: {  	v14 =	vld.idx.msk [tilespmem:v43+s3+$0x0], $0xffff  }
0xf3: {  	v46 =	vld [tilespmem:s30+$0xEF0]  }
0xf4: {  	v47 =	vld [tilespmem:s30+$0xF00];
	[tilespmem:s30+$0xAE50] =	vst v15  }
0xf5: {  	v15 =	vld [tilespmem:s30+$0xE70];
	[tilespmem:s30+$0xAED0] =	vst v20  }
0xf6: {  	v16 =	vld.idx.msk [tilespmem:v44+s3+$0x0], $0xffff  }
0xf7: {  	v17 =	vld.idx.msk [tilespmem:v41+s3+$0x0], $0xffff;
	[tilespmem:s30+$0xAB60] =	vst v14  }
0xf8: {  	v14 =	vld.idx.msk [tilespmem:v45+s3+$0x0], $0xffff;
	_ =	sdelay $0x2  }
0xf9: {  	v48 =	vld [tilespmem:s30+$0xF10];
	[tilespmem:s30+$0xAEE0] =	vst v16  }
0xfa: {  	[tilespmem:s30+$0xAE60] =	vst v17;
	v49 =	vld.idx.msk [tilespmem:v46+s3+$0x0], $0xffff  }
0xfb: {  	v15 =	vld.idx.msk [tilespmem:v15+s3+$0x0], $0xffff;
	[tilespmem:s30+$0xAB70] =	vst v14  }
0xfc: {  	v14 =	vld.idx.msk [tilespmem:v47+s3+$0x0], $0xffff;
	_ =	sdelay $0x2  }
0xfd: {  	[tilespmem:s30+$0xAEF0] =	vst v49  }
0xfe: {  	[tilespmem:s30+$0xAE70] =	vst v15  }
0xff: {  	[tilespmem:s30+$0xAF00] =	vst v14  }
0x100: {  	v14 =	vld.idx.msk [tilespmem:v48+s3+$0x0], $0xffff  }
0x101: {  	v15 =	vld [tilespmem:s30+$0x380];
	_ =	sdelay $0x4  }
0x102: {  	v16 =	vld [tilespmem:s30+$0x400]  }
0x103: {  	v50 =	vld [tilespmem:s30+$0x390];
	_ =	sdelay $0x1  }
0x104: {  	v15 =	vld.idx.msk [tilespmem:v15+s3+$0x0], $0xffff;
	_ =	sdelay $0x2  }
0x105: {  	v51 =	vld [tilespmem:s30+$0x410]  }
0x106: {  	v52 =	vld [tilespmem:s30+$0x3A0]  }
0x107: {  	[tilespmem:s30+$0xA380] =	vst v15;
	v15 =	vld.idx.msk [tilespmem:v16+s3+$0x0], $0xffff  }
0x108: {  	v53 =	vld.idx.msk [tilespmem:v50+s3+$0x0], $0xffff;
	_ =	sdelay $0x2  }
0x109: {  	v54 =	vld [tilespmem:s30+$0x420]  }
0x10a: {  	v55 =	vld [tilespmem:s30+$0x3B0];
	[tilespmem:s30+$0xA400] =	vst v15  }
0x10b: {  	[tilespmem:s30+$0xA390] =	vst v53;
	v15 =	vld.idx.msk [tilespmem:v51+s3+$0x0], $0xffff  }
0x10c: {  	v16 =	vld.idx.msk [tilespmem:v52+s3+$0x0], $0xffff;
	_ =	sdelay $0x2  }
0x10d: {  	v56 =	vld [tilespmem:s30+$0x430]  }
0x10e: {  	v57 =	vld [tilespmem:s30+$0x3C0];
	[tilespmem:s30+$0xA410] =	vst v15  }
0x10f: {  	[tilespmem:s30+$0xA3A0] =	vst v16;
	v15 =	vld.idx.msk [tilespmem:v54+s3+$0x0], $0xffff  }
0x110: {  	v16 =	vld.idx.msk [tilespmem:v55+s3+$0x0], $0xffff;
	_ =	sdelay $0x2  }
0x111: {  	v58 =	vld [tilespmem:s30+$0x440]  }
0x112: {  	v59 =	vld [tilespmem:s30+$0x3D0];
	[tilespmem:s30+$0xA420] =	vst v15  }
0x113: {  	[tilespmem:s30+$0xA3B0] =	vst v16;
	v15 =	vld.idx.msk [tilespmem:v56+s3+$0x0], $0xffff  }
0x114: {  	v16 =	vld.idx.msk [tilespmem:v57+s3+$0x0], $0xffff;
	_ =	sdelay $0x2  }
0x115: {  	v60 =	vld [tilespmem:s30+$0x450]  }
0x116: {  	v61 =	vld [tilespmem:s30+$0x3E0];
	[tilespmem:s30+$0xA430] =	vst v15  }
0x117: {  	[tilespmem:s30+$0xA3C0] =	vst v16;
	v15 =	vld.idx.msk [tilespmem:v58+s3+$0x0], $0xffff  }
0x118: {  	v16 =	vld.idx.msk [tilespmem:v59+s3+$0x0], $0xffff;
	_ =	sdelay $0x2  }
0x119: {  	v62 =	vld [tilespmem:s30+$0x460]  }
0x11a: {  	v63 =	vld [tilespmem:s30+$0x3F0];
	[tilespmem:s30+$0xA440] =	vst v15  }
0x11b: {  	[tilespmem:s30+$0xA3D0] =	vst v16;
	v15 =	vld.idx.msk [tilespmem:v60+s3+$0x0], $0xffff  }
0x11c: {  	v16 =	vld.idx.msk [tilespmem:v61+s3+$0x0], $0xffff;
	_ =	sdelay $0x2  }
0x11d: {  	v24 =	vld [tilespmem:s30+$0x470]  }
0x11e: {  	v25 =	vld [tilespmem:s30+$0x780];
	[tilespmem:s30+$0xA450] =	vst v15  }
0x11f: {  	[tilespmem:s30+$0xA3E0] =	vst v16;
	v15 =	vld.idx.msk [tilespmem:v62+s3+$0x0], $0xffff  }
0x120: {  	v16 =	vld.idx.msk [tilespmem:v63+s3+$0x0], $0xffff;
	_ =	sdelay $0x2  }
0x121: {  	v26 =	vld [tilespmem:s30+$0x800]  }
0x122: {  	v27 =	vld [tilespmem:s30+$0x790];
	[tilespmem:s30+$0xA460] =	vst v15  }
0x123: {  	[tilespmem:s30+$0xA3F0] =	vst v16;
	v15 =	vld.idx.msk [tilespmem:v24+s3+$0x0], $0xffff  }
0x124: {  	v16 =	vld.idx.msk [tilespmem:v25+s3+$0x0], $0xffff;
	_ =	sdelay $0x2  }
0x125: {  	v28 =	vld [tilespmem:s30+$0x810]  }
0x126: {  	v29 =	vld [tilespmem:s30+$0x7A0];
	[tilespmem:s30+$0xA470] =	vst v15  }
0x127: {  	[tilespmem:s30+$0xA780] =	vst v16;
	v15 =	vld.idx.msk [tilespmem:v26+s3+$0x0], $0xffff  }
0x128: {  	v16 =	vld.idx.msk [tilespmem:v27+s3+$0x0], $0xffff;
	_ =	sdelay $0x2  }
0x129: {  	v30 =	vld [tilespmem:s30+$0x820]  }
0x12a: {  	v31 =	vld [tilespmem:s30+$0x7B0];
	[tilespmem:s30+$0xA800] =	vst v15  }
0x12b: {  	[tilespmem:s30+$0xA790] =	vst v16;
	v15 =	vld.idx.msk [tilespmem:v28+s3+$0x0], $0xffff  }
0x12c: {  	v16 =	vld.idx.msk [tilespmem:v29+s3+$0x0], $0xffff;
	_ =	sdelay $0x2  }
0x12d: {  	v32 =	vld [tilespmem:s30+$0x830]  }
0x12e: {  	v33 =	vld [tilespmem:s30+$0x7C0];
	[tilespmem:s30+$0xA810] =	vst v15  }
0x12f: {  	[tilespmem:s30+$0xA7A0] =	vst v16;
	v15 =	vld.idx.msk [tilespmem:v30+s3+$0x0], $0xffff  }
0x130: {  	v16 =	vld.idx.msk [tilespmem:v31+s3+$0x0], $0xffff;
	_ =	sdelay $0x2  }
0x131: {  	v34 =	vld [tilespmem:s30+$0x840]  }
0x132: {  	v35 =	vld [tilespmem:s30+$0x7D0];
	[tilespmem:s30+$0xA820] =	vst v15  }
0x133: {  	[tilespmem:s30+$0xA7B0] =	vst v16;
	v15 =	vld.idx.msk [tilespmem:v32+s3+$0x0], $0xffff  }
0x134: {  	v16 =	vld.idx.msk [tilespmem:v33+s3+$0x0], $0xffff;
	_ =	sdelay $0x2  }
0x135: {  	v36 =	vld [tilespmem:s30+$0x850]  }
0x136: {  	v37 =	vld [tilespmem:s30+$0x7E0];
	[tilespmem:s30+$0xA830] =	vst v15  }
0x137: {  	[tilespmem:s30+$0xA7C0] =	vst v16;
	v15 =	vld.idx.msk [tilespmem:v34+s3+$0x0], $0xffff  }
0x138: {  	v16 =	vld.idx.msk [tilespmem:v35+s3+$0x0], $0xffff;
	_ =	sdelay $0x2  }
0x139: {  	v38 =	vld [tilespmem:s30+$0x860]  }
0x13a: {  	v39 =	vld [tilespmem:s30+$0x7F0];
	[tilespmem:s30+$0xA840] =	vst v15  }
0x13b: {  	[tilespmem:s30+$0xA7D0] =	vst v16;
	v15 =	vld.idx.msk [tilespmem:v36+s3+$0x0], $0xffff  }
0x13c: {  	v16 =	vld.idx.msk [tilespmem:v37+s3+$0x0], $0xffff;
	_ =	sdelay $0x2  }
0x13d: {  	v40 =	vld [tilespmem:s30+$0x870]  }
0x13e: {  	v41 =	vld [tilespmem:s30+$0xB80];
	[tilespmem:s30+$0xA850] =	vst v15  }
0x13f: {  	[tilespmem:s30+$0xA7E0] =	vst v16;
	v15 =	vld.idx.msk [tilespmem:v38+s3+$0x0], $0xffff  }
0x140: {  	v16 =	vld.idx.msk [tilespmem:v39+s3+$0x0], $0xffff;
	_ =	sdelay $0x2  }
0x141: {  	v42 =	vld [tilespmem:s30+$0xC00]  }
0x142: {  	v43 =	vld [tilespmem:s30+$0xB90];
	[tilespmem:s30+$0xA860] =	vst v15  }
0x143: {  	[tilespmem:s30+$0xA7F0] =	vst v16;
	v15 =	vld.idx.msk [tilespmem:v40+s3+$0x0], $0xffff  }
0x144: {  	v16 =	vld.idx.msk [tilespmem:v41+s3+$0x0], $0xffff;
	_ =	sdelay $0x2  }
0x145: {  	v44 =	vld [tilespmem:s30+$0xC10]  }
0x146: {  	v45 =	vld [tilespmem:s30+$0xBA0];
	[tilespmem:s30+$0xA870] =	vst v15  }
0x147: {  	[tilespmem:s30+$0xAB80] =	vst v16;
	v15 =	vld.idx.msk [tilespmem:v42+s3+$0x0], $0xffff  }
0x148: {  	v16 =	vld.idx.msk [tilespmem:v43+s3+$0x0], $0xffff;
	_ =	sdelay $0x1  }
0x149: {  	v46 =	vld [tilespmem:s30+$0xC20]  }
0x14a: {  	v47 =	vld [tilespmem:s30+$0xBB0]  }
0x14b: {  	v48 =	vld [tilespmem:s30+$0xC30];
	[tilespmem:s30+$0xAC00] =	vst v15  }
0x14c: {  	[tilespmem:s30+$0xAB90] =	vst v16;
	v15 =	vld.idx.msk [tilespmem:v44+s3+$0x0], $0xffff  }
0x14d: {  	v16 =	vld.idx.msk [tilespmem:v45+s3+$0x0], $0xffff  }
0x14e: {  	v49 =	vld [tilespmem:s30+$0xBC0]  }
0x14f: {  	v22 =	vld [tilespmem:s30+$0xFA0]  }
0x150: {  	v23 =	vld [tilespmem:s30+$0x490]  }
0x151: {  	v50 =	vld [tilespmem:s30+$0xC40];
	[tilespmem:s30+$0xAC10] =	vst v15  }
0x152: {  	[tilespmem:s30+$0xABA0] =	vst v16;
	v15 =	vld.idx.msk [tilespmem:v46+s3+$0x0], $0xffff  }
0x153: {  	v16 =	vld.idx.msk [tilespmem:v47+s3+$0x0], $0xffff  }
0x154: {  	v51 =	vld [tilespmem:s30+$0xBD0]  }
0x155: {  	v53 =	vld [tilespmem:s30+$0xBE0]  }
0x156: {  	v52 =	vld [tilespmem:s30+$0xC50]  }
0x157: {  	v54 =	vld [tilespmem:s30+$0xC60];
	[tilespmem:s30+$0xAC20] =	vst v15  }
0x158: {  	[tilespmem:s30+$0xABB0] =	vst v16;
	v15 =	vld.idx.msk [tilespmem:v48+s3+$0x0], $0xffff  }
0x159: {  	v16 =	vld.idx.msk [tilespmem:v49+s3+$0x0], $0xffff  }
0x15a: {  	v55 =	vld [tilespmem:s30+$0xBF0]  }
0x15b: {  	v58 =	vld [tilespmem:s30+$0xF20]  }
0x15c: {  	v56 =	vld [tilespmem:s30+$0xC70]  }
0x15d: {  	v57 =	vld [tilespmem:s30+$0xF80];
	[tilespmem:s30+$0xAC30] =	vst v15  }
0x15e: {  	[tilespmem:s30+$0xABC0] =	vst v16;
	v15 =	vld.idx.msk [tilespmem:v50+s3+$0x0], $0xffff  }
0x15f: {  	v16 =	vld.idx.msk [tilespmem:v51+s3+$0x0], $0xffff  }
0x160: {  	v59 =	vld [tilespmem:s30+$0x1000]  }
0x161: {  	v60 =	vld [tilespmem:s30+$0xF90]  }
0x162: {  	[tilespmem:s30+$0xAF10] =	vst v14;
	v61 =	vld [tilespmem:s30+$0xF30]  }
0x163: {  	v63 =	vld.idx.msk [tilespmem:v58+s3+$0x0], $0xffff;
	[tilespmem:s30+$0xAC40] =	vst v15  }
0x164: {  	[tilespmem:s30+$0xABD0] =	vst v16;
	v15 =	vld.idx.msk [tilespmem:v52+s3+$0x0], $0xffff  }
0x165: {  	v16 =	vld.idx.msk [tilespmem:v53+s3+$0x0], $0xffff  }
0x166: {  	v62 =	vld [tilespmem:s30+$0x1010]  }
0x167: {  	v58 =	vld [tilespmem:s30+$0x880]  }
0x168: {  	v24 =	vld [tilespmem:s30+$0xF40];
	[tilespmem:s30+$0xAF20] =	vst v63  }
0x169: {  	v63 =	vld [tilespmem:s30+$0x980];
	[tilespmem:s30+$0xAC50] =	vst v15  }
0x16a: {  	[tilespmem:s30+$0xABE0] =	vst v16;
	v15 =	vld.idx.msk [tilespmem:v54+s3+$0x0], $0xffff  }
0x16b: {  	v16 =	vld.idx.msk [tilespmem:v55+s3+$0x0], $0xffff  }
0x16c: {  	v25 =	vld [tilespmem:s30+$0x1020]  }
0x16d: {  	v26 =	vld [tilespmem:s30+$0xFB0]  }
0x16e: {  	v27 =	vld [tilespmem:s30+$0xF50]  }
0x16f: {  	v28 =	vld [tilespmem:s30+$0x1030];
	[tilespmem:s30+$0xAC60] =	vst v15  }
0x170: {  	[tilespmem:s30+$0xABF0] =	vst v16;
	v15 =	vld.idx.msk [tilespmem:v56+s3+$0x0], $0xffff  }
0x171: {  	v16 =	vld.idx.msk [tilespmem:v57+s3+$0x0], $0xffff  }
0x172: {  	v29 =	vld [tilespmem:s30+$0xFC0]  }
0x173: {  	v30 =	vld [tilespmem:s30+$0xF60]  }
0x174: {  	v31 =	vld [tilespmem:s30+$0x1040]  }
0x175: {  	v32 =	vld [tilespmem:s30+$0xFD0];
	[tilespmem:s30+$0xAC70] =	vst v15  }
0x176: {  	[tilespmem:s30+$0xAF80] =	vst v16;
	v15 =	vld.idx.msk [tilespmem:v59+s3+$0x0], $0xffff  }
0x177: {  	v14 =	vld.idx.msk [tilespmem:v60+s3+$0x0], $0xffff  }
0x178: {  	v38 =	vld [tilespmem:s30+$0x500]  }
0x179: {  	v39 =	vld [tilespmem:s30+$0x580]  }
0x17a: {  	v33 =	vld [tilespmem:s30+$0x1050]  }
0x17b: {  	v34 =	vld [tilespmem:s30+$0xFE0];
	[tilespmem:s30+$0xB000] =	vst v15  }
0x17c: {  	[tilespmem:s30+$0xAF90] =	vst v14;
	v14 =	vld.idx.msk [tilespmem:v62+s3+$0x0], $0xffff  }
0x17d: {  	v36 =	vld [tilespmem:s30+$0x1060]  }
0x17e: {  	v37 =	vld [tilespmem:s30+$0x480]  }
0x17f: {  	v40 =	vld [tilespmem:s30+$0x4A0]  }
0x180: {  	v19 =	vld.idx.msk [tilespmem:v38+s3+$0x0], $0xffff  }
0x181: {  	v41 =	vld.idx.msk [tilespmem:v39+s3+$0x0], $0xffff;
	[tilespmem:s30+$0xB010] =	vst v14  }
0x182: {  	v14 =	vld.idx.msk [tilespmem:v25+s3+$0x0], $0xffff  }
0x183: {  	v38 =	vld [tilespmem:s30+$0x940]  }
0x184: {  	v39 =	vld [tilespmem:s30+$0x9C0]  }
0x185: {  	v43 =	vld [tilespmem:s30+$0x4B0]  }
0x186: {  	[tilespmem:s30+$0xA580] =	vst v41;
	v16 =	vld.idx.msk [tilespmem:v61+s3+$0x0], $0xffff  }
0x187: {  	v41 =	vld [tilespmem:s30+$0x950];
	[tilespmem:s30+$0xB020] =	vst v14  }
0x188: {  	v14 =	vld.idx.msk [tilespmem:v28+s3+$0x0], $0xffff  }
0x189: {  	v44 =	vld [tilespmem:s30+$0x5A0]  }
0x18a: {  	v45 =	vld [tilespmem:s30+$0x4C0]  }
0x18b: {  	v46 =	vld [tilespmem:s30+$0x530];
	[tilespmem:s30+$0xAF30] =	vst v16  }
0x18c: {  	v16 =	vld.idx.msk [tilespmem:v24+s3+$0x0], $0xffff  }
0x18d: {  	v15 =	vld.idx.msk [tilespmem:v22+s3+$0x0], $0xffff;
	[tilespmem:s30+$0xB030] =	vst v14  }
0x18e: {  	v20 =	vld.idx.msk [tilespmem:v31+s3+$0x0], $0xffff  }
0x18f: {  	v24 =	vld [tilespmem:s30+$0x510]  }
0x190: {  	v25 =	vld [tilespmem:s30+$0x590]  }
0x191: {  	v47 =	vld [tilespmem:s30+$0x5B0]  }
0x192: {  	v49 =	vld [tilespmem:s30+$0x4D0];
	[tilespmem:s30+$0xAFA0] =	vst v15  }
0x193: {  	[tilespmem:s30+$0xB040] =	vst v20;
	v20 =	vld.idx.msk [tilespmem:v37+s3+$0x0], $0xffff  }
0x194: {  	v15 =	vld.idx.msk [tilespmem:v26+s3+$0x0], $0xffff  }
0x195: {  	v26 =	vld [tilespmem:s30+$0x520]  }
0x196: {  	[tilespmem:s30+$0xA500] =	vst v19;
	v50 =	vld [tilespmem:s30+$0x540]  }
0x197: {  	v24 =	vld.idx.msk [tilespmem:v24+s3+$0x0], $0xffff  }
0x198: {  	[tilespmem:s30+$0xA480] =	vst v20;
	v20 =	vld.idx.msk [tilespmem:v25+s3+$0x0], $0xffff  }
0x199: {  	v42 =	vld.idx.msk [tilespmem:v23+s3+$0x0], $0xffff  }
0x19a: {  	v51 =	vld [tilespmem:s30+$0x5C0]  }
0x19b: {  	v52 =	vld [tilespmem:s30+$0x4E0]  }
0x19c: {  	v53 =	vld [tilespmem:s30+$0x550];
	[tilespmem:s30+$0xA510] =	vst v24  }
0x19d: {  	v26 =	vld.idx.msk [tilespmem:v26+s3+$0x0], $0xffff;
	[tilespmem:s30+$0xA590] =	vst v20  }
0x19e: {  	[tilespmem:s30+$0xA490] =	vst v42;
	v19 =	vld.idx.msk [tilespmem:v44+s3+$0x0], $0xffff  }
0x19f: {  	v21 =	vld.idx.msk [tilespmem:v40+s3+$0x0], $0xffff  }
0x1a0: {  	v54 =	vld [tilespmem:s30+$0x5D0]  }
0x1a1: {  	v55 =	vld [tilespmem:s30+$0x4F0]  }
0x1a2: {  	v56 =	vld [tilespmem:s30+$0x560];
	[tilespmem:s30+$0xA520] =	vst v26  }
0x1a3: {  	v25 =	vld.idx.msk [tilespmem:v46+s3+$0x0], $0xffff;
	[tilespmem:s30+$0xA5A0] =	vst v19  }
0x1a4: {  	[tilespmem:s30+$0xA4A0] =	vst v21;
	v19 =	vld.idx.msk [tilespmem:v47+s3+$0x0], $0xffff  }
0x1a5: {  	v48 =	vld.idx.msk [tilespmem:v43+s3+$0x0], $0xffff  }
0x1a6: {  	v57 =	vld [tilespmem:s30+$0x5E0]  }
0x1a7: {  	v59 =	vld [tilespmem:s30+$0x570]  }
0x1a8: {  	v61 =	vld [tilespmem:s30+$0x890];
	[tilespmem:s30+$0xA530] =	vst v25  }
0x1a9: {  	v23 =	vld.idx.msk [tilespmem:v50+s3+$0x0], $0xffff;
	[tilespmem:s30+$0xA5B0] =	vst v19  }
0x1aa: {  	[tilespmem:s30+$0xA4B0] =	vst v48;
	v19 =	vld.idx.msk [tilespmem:v51+s3+$0x0], $0xffff  }
0x1ab: {  	v20 =	vld.idx.msk [tilespmem:v45+s3+$0x0], $0xffff  }
0x1ac: {  	v60 =	vld [tilespmem:s30+$0x5F0];
	[tilespmem:s30+$0xAF40] =	vst v16  }
0x1ad: {  	v16 =	vld.idx.msk [tilespmem:v27+s3+$0x0], $0xffff  }
0x1ae: {  	v62 =	vld [tilespmem:s30+$0x900];
	[tilespmem:s30+$0xA540] =	vst v23  }
0x1af: {  	v24 =	vld.idx.msk [tilespmem:v53+s3+$0x0], $0xffff;
	[tilespmem:s30+$0xA5C0] =	vst v19  }
0x1b0: {  	[tilespmem:s30+$0xA4C0] =	vst v20;
	v19 =	vld.idx.msk [tilespmem:v54+s3+$0x0], $0xffff  }
0x1b1: {  	v20 =	vld.idx.msk [tilespmem:v49+s3+$0x0], $0xffff  }
0x1b2: {  	[tilespmem:s30+$0xAF50] =	vst v16;
	v16 =	vld [tilespmem:s30+$0xFF0]  }
0x1b3: {  	[tilespmem:s30+$0xAFB0] =	vst v15;
	v28 =	vld [tilespmem:s30+$0x8A0]  }
0x1b4: {  	v15 =	vld.idx.msk [tilespmem:v29+s3+$0x0], $0xffff;
	[tilespmem:s30+$0xA550] =	vst v24  }
0x1b5: {  	v26 =	vld.idx.msk [tilespmem:v56+s3+$0x0], $0xffff;
	[tilespmem:s30+$0xA5D0] =	vst v19  }
0x1b6: {  	[tilespmem:s30+$0xA4D0] =	vst v20;
	v19 =	vld.idx.msk [tilespmem:v57+s3+$0x0], $0xffff  }
0x1b7: {  	v20 =	vld.idx.msk [tilespmem:v52+s3+$0x0], $0xffff  }
0x1b8: {  	v29 =	vld [tilespmem:s30+$0x910]  }
0x1b9: {  	v14 =	vld [tilespmem:s30+$0xF70];
	[tilespmem:s30+$0xAFC0] =	vst v15  }
0x1ba: {  	v15 =	vld.idx.msk [tilespmem:v30+s3+$0x0], $0xffff;
	[tilespmem:s30+$0xA560] =	vst v26  }
0x1bb: {  	v25 =	vld.idx.msk [tilespmem:v59+s3+$0x0], $0xffff;
	[tilespmem:s30+$0xA5E0] =	vst v19  }
0x1bc: {  	[tilespmem:s30+$0xA4E0] =	vst v20;
	v19 =	vld.idx.msk [tilespmem:v60+s3+$0x0], $0xffff  }
0x1bd: {  	v20 =	vld.idx.msk [tilespmem:v55+s3+$0x0], $0xffff  }
0x1be: {  	v30 =	vld [tilespmem:s30+$0x990]  }
0x1bf: {  	v31 =	vld [tilespmem:s30+$0x8B0]  }
0x1c0: {  	v35 =	vld.idx.msk [tilespmem:v32+s3+$0x0], $0xffff;
	[tilespmem:s30+$0xA570] =	vst v25  }
0x1c1: {  	v23 =	vld.idx.msk [tilespmem:v62+s3+$0x0], $0xffff;
	[tilespmem:s30+$0xA5F0] =	vst v19  }
0x1c2: {  	[tilespmem:s30+$0xA4F0] =	vst v20;
	v19 =	vld.idx.msk [tilespmem:v63+s3+$0x0], $0xffff  }
0x1c3: {  	v20 =	vld.idx.msk [tilespmem:v58+s3+$0x0], $0xffff  }
0x1c4: {  	v32 =	vld [tilespmem:s30+$0x920]  }
0x1c5: {  	v18 =	vld.idx.msk [tilespmem:v33+s3+$0x0], $0xffff  }
0x1c6: {  	v33 =	vld [tilespmem:s30+$0x9A0];
	[tilespmem:s30+$0xA900] =	vst v23  }
0x1c7: {  	v24 =	vld.idx.msk [tilespmem:v29+s3+$0x0], $0xffff;
	[tilespmem:s30+$0xA980] =	vst v19  }
0x1c8: {  	[tilespmem:s30+$0xA880] =	vst v20;
	v19 =	vld.idx.msk [tilespmem:v30+s3+$0x0], $0xffff  }
0x1c9: {  	[tilespmem:s30+$0xAFD0] =	vst v35;
	v20 =	vld.idx.msk [tilespmem:v61+s3+$0x0], $0xffff  }
0x1ca: {  	v35 =	vld [tilespmem:s30+$0x930];
	[tilespmem:s30+$0xB050] =	vst v18  }
0x1cb: {  	v18 =	vld.idx.msk [tilespmem:v36+s3+$0x0], $0xffff  }
0x1cc: {  	v36 =	vld [tilespmem:s30+$0x9B0];
	[tilespmem:s30+$0xA910] =	vst v24  }
0x1cd: {  	v26 =	vld.idx.msk [tilespmem:v32+s3+$0x0], $0xffff;
	[tilespmem:s30+$0xA990] =	vst v19  }
0x1ce: {  	[tilespmem:s30+$0xA890] =	vst v20;
	v19 =	vld.idx.msk [tilespmem:v33+s3+$0x0], $0xffff  }
0x1cf: {  	v20 =	vld.idx.msk [tilespmem:v28+s3+$0x0], $0xffff  }
0x1d0: {  	v37 =	vld [tilespmem:s30+$0x8D0]  }
0x1d1: {  	v17 =	vld.idx.msk [tilespmem:v34+s3+$0x0], $0xffff  }
0x1d2: {  	v34 =	vld [tilespmem:s30+$0x8C0];
	[tilespmem:s30+$0xA920] =	vst v26  }
0x1d3: {  	v25 =	vld.idx.msk [tilespmem:v35+s3+$0x0], $0xffff;
	[tilespmem:s30+$0xA9A0] =	vst v19  }
0x1d4: {  	[tilespmem:s30+$0xA8A0] =	vst v20;
	v19 =	vld.idx.msk [tilespmem:v36+s3+$0x0], $0xffff  }
0x1d5: {  	[tilespmem:s30+$0xAF60] =	vst v15;
	v20 =	vld.idx.msk [tilespmem:v31+s3+$0x0], $0xffff  }
0x1d6: {  	v14 =	vld.idx.msk [tilespmem:v14+s3+$0x0], $0xffff  }
0x1d7: {  	v46 =	vld [tilespmem:s30+$0xC80]  }
0x1d8: {  	v42 =	vld [tilespmem:s30+$0x9D0];
	[tilespmem:s30+$0xA930] =	vst v25  }
0x1d9: {  	v23 =	vld.idx.msk [tilespmem:v38+s3+$0x0], $0xffff;
	[tilespmem:s30+$0xA9B0] =	vst v19  }
0x1da: {  	[tilespmem:s30+$0xA8B0] =	vst v20;
	v19 =	vld.idx.msk [tilespmem:v39+s3+$0x0], $0xffff  }
0x1db: {  	v20 =	vld.idx.msk [tilespmem:v34+s3+$0x0], $0xffff  }
0x1dc: {  	v44 =	vld [tilespmem:s30+$0x960]  }
0x1dd: {  	v40 =	vld [tilespmem:s30+$0x8E0]  }
0x1de: {  	v45 =	vld [tilespmem:s30+$0x9E0];
	[tilespmem:s30+$0xA940] =	vst v23  }
0x1df: {  	v24 =	vld.idx.msk [tilespmem:v41+s3+$0x0], $0xffff;
	[tilespmem:s30+$0xA9C0] =	vst v19  }
0x1e0: {  	[tilespmem:s30+$0xA8C0] =	vst v20;
	v19 =	vld.idx.msk [tilespmem:v42+s3+$0x0], $0xffff  }
0x1e1: {  	v20 =	vld.idx.msk [tilespmem:v37+s3+$0x0], $0xffff  }
0x1e2: {  	v47 =	vld [tilespmem:s30+$0x970]  }
0x1e3: {  	v43 =	vld [tilespmem:s30+$0x8F0]  }
0x1e4: {  	v48 =	vld [tilespmem:s30+$0x9F0];
	[tilespmem:s30+$0xA950] =	vst v24  }
0x1e5: {  	v26 =	vld.idx.msk [tilespmem:v44+s3+$0x0], $0xffff;
	[tilespmem:s30+$0xA9D0] =	vst v19  }
0x1e6: {  	[tilespmem:s30+$0xA8D0] =	vst v20;
	v19 =	vld.idx.msk [tilespmem:v45+s3+$0x0], $0xffff  }
0x1e7: {  	v20 =	vld.idx.msk [tilespmem:v40+s3+$0x0], $0xffff  }
0x1e8: {  	v50 =	vld [tilespmem:s30+$0xD00]  }
0x1e9: {  	v53 =	vld [tilespmem:s30+$0xD10]  }
0x1ea: {  	v51 =	vld [tilespmem:s30+$0xD80];
	[tilespmem:s30+$0xA960] =	vst v26  }
0x1eb: {  	v25 =	vld.idx.msk [tilespmem:v47+s3+$0x0], $0xffff;
	[tilespmem:s30+$0xA9E0] =	vst v19  }
0x1ec: {  	[tilespmem:s30+$0xA8E0] =	vst v20;
	v19 =	vld.idx.msk [tilespmem:v48+s3+$0x0], $0xffff  }
0x1ed: {  	v20 =	vld.idx.msk [tilespmem:v43+s3+$0x0], $0xffff  }
0x1ee: {  	v56 =	vld [tilespmem:s30+$0xD20]  }
0x1ef: {  	v54 =	vld [tilespmem:s30+$0xD90]  }
0x1f0: {  	v49 =	vld [tilespmem:s30+$0xC90];
	[tilespmem:s30+$0xA970] =	vst v25  }
0x1f1: {  	v23 =	vld.idx.msk [tilespmem:v50+s3+$0x0], $0xffff;
	[tilespmem:s30+$0xA9F0] =	vst v19  }
0x1f2: {  	[tilespmem:s30+$0xA8F0] =	vst v20;
	v19 =	vld.idx.msk [tilespmem:v51+s3+$0x0], $0xffff  }
0x1f3: {  	v20 =	vld.idx.msk [tilespmem:v46+s3+$0x0], $0xffff  }
0x1f4: {  	v59 =	vld [tilespmem:s30+$0xD30]  }
0x1f5: {  	v57 =	vld [tilespmem:s30+$0xDA0]  }
0x1f6: {  	v52 =	vld [tilespmem:s30+$0xCA0];
	[tilespmem:s30+$0xAD00] =	vst v23  }
0x1f7: {  	v24 =	vld.idx.msk [tilespmem:v53+s3+$0x0], $0xffff;
	[tilespmem:s30+$0xAD80] =	vst v19  }
0x1f8: {  	[tilespmem:s30+$0xAC80] =	vst v20;
	v19 =	vld.idx.msk [tilespmem:v54+s3+$0x0], $0xffff  }
0x1f9: {  	v20 =	vld.idx.msk [tilespmem:v49+s3+$0x0], $0xffff  }
0x1fa: {  	v62 =	vld [tilespmem:s30+$0xD40]  }
0x1fb: {  	v60 =	vld [tilespmem:s30+$0xDB0]  }
0x1fc: {  	v55 =	vld [tilespmem:s30+$0xCB0];
	[tilespmem:s30+$0xAD10] =	vst v24  }
0x1fd: {  	v26 =	vld.idx.msk [tilespmem:v56+s3+$0x0], $0xffff;
	[tilespmem:s30+$0xAD90] =	vst v19  }
0x1fe: {  	[tilespmem:s30+$0xAC90] =	vst v20;
	v19 =	vld.idx.msk [tilespmem:v57+s3+$0x0], $0xffff  }
0x1ff: {  	v20 =	vld.idx.msk [tilespmem:v52+s3+$0x0], $0xffff  }
0x200: {  	v29 =	vld [tilespmem:s30+$0xD50]  }
0x201: {  	v63 =	vld [tilespmem:s30+$0xDC0]  }
0x202: {  	v58 =	vld [tilespmem:s30+$0xCC0];
	[tilespmem:s30+$0xAD20] =	vst v26  }
0x203: {  	v25 =	vld.idx.msk [tilespmem:v59+s3+$0x0], $0xffff;
	[tilespmem:s30+$0xADA0] =	vst v19  }
0x204: {  	[tilespmem:s30+$0xACA0] =	vst v20;
	v19 =	vld.idx.msk [tilespmem:v60+s3+$0x0], $0xffff  }
0x205: {  	v20 =	vld.idx.msk [tilespmem:v55+s3+$0x0], $0xffff  }
0x206: {  	v32 =	vld [tilespmem:s30+$0xD60]  }
0x207: {  	v30 =	vld [tilespmem:s30+$0xDD0]  }
0x208: {  	v61 =	vld [tilespmem:s30+$0xCD0];
	[tilespmem:s30+$0xAD30] =	vst v25  }
0x209: {  	v23 =	vld.idx.msk [tilespmem:v62+s3+$0x0], $0xffff;
	[tilespmem:s30+$0xADB0] =	vst v19  }
0x20a: {  	[tilespmem:s30+$0xACB0] =	vst v20;
	v19 =	vld.idx.msk [tilespmem:v63+s3+$0x0], $0xffff  }
0x20b: {  	v20 =	vld.idx.msk [tilespmem:v58+s3+$0x0], $0xffff  }
0x20c: {  	v35 =	vld [tilespmem:s30+$0xD70]  }
0x20d: {  	v33 =	vld [tilespmem:s30+$0xDE0]  }
0x20e: {  	v28 =	vld [tilespmem:s30+$0xCE0];
	[tilespmem:s30+$0xAD40] =	vst v23  }
0x20f: {  	v24 =	vld.idx.msk [tilespmem:v29+s3+$0x0], $0xffff;
	[tilespmem:s30+$0xADC0] =	vst v19  }
0x210: {  	[tilespmem:s30+$0xACC0] =	vst v20;
	v19 =	vld.idx.msk [tilespmem:v30+s3+$0x0], $0xffff  }
0x211: {  	v20 =	vld.idx.msk [tilespmem:v61+s3+$0x0], $0xffff  }
0x212: {  	v38 =	vld [tilespmem:s30+$0x1100]  }
0x213: {  	v36 =	vld [tilespmem:s30+$0xDF0]  }
0x214: {  	v31 =	vld [tilespmem:s30+$0xCF0];
	[tilespmem:s30+$0xAD50] =	vst v24  }
0x215: {  	v26 =	vld.idx.msk [tilespmem:v32+s3+$0x0], $0xffff;
	[tilespmem:s30+$0xADD0] =	vst v19  }
0x216: {  	[tilespmem:s30+$0xACD0] =	vst v20;
	v19 =	vld.idx.msk [tilespmem:v33+s3+$0x0], $0xffff  }
0x217: {  	v20 =	vld.idx.msk [tilespmem:v28+s3+$0x0], $0xffff  }
0x218: {  	v41 =	vld [tilespmem:s30+$0x1110]  }
0x219: {  	v39 =	vld [tilespmem:s30+$0x1180]  }
0x21a: {  	v34 =	vld [tilespmem:s30+$0x1080];
	[tilespmem:s30+$0xAD60] =	vst v26  }
0x21b: {  	v25 =	vld.idx.msk [tilespmem:v35+s3+$0x0], $0xffff;
	[tilespmem:s30+$0xADE0] =	vst v19  }
0x21c: {  	[tilespmem:s30+$0xACE0] =	vst v20;
	v19 =	vld.idx.msk [tilespmem:v36+s3+$0x0], $0xffff  }
0x21d: {  	v20 =	vld.idx.msk [tilespmem:v31+s3+$0x0], $0xffff  }
0x21e: {  	v44 =	vld [tilespmem:s30+$0x1120]  }
0x21f: {  	v42 =	vld [tilespmem:s30+$0x1190]  }
0x220: {  	v37 =	vld [tilespmem:s30+$0x1090];
	[tilespmem:s30+$0xAD70] =	vst v25  }
0x221: {  	v23 =	vld.idx.msk [tilespmem:v38+s3+$0x0], $0xffff;
	[tilespmem:s30+$0xADF0] =	vst v19  }
0x222: {  	[tilespmem:s30+$0xACF0] =	vst v20;
	v19 =	vld.idx.msk [tilespmem:v39+s3+$0x0], $0xffff  }
0x223: {  	v20 =	vld.idx.msk [tilespmem:v34+s3+$0x0], $0xffff  }
0x224: {  	v47 =	vld [tilespmem:s30+$0x1130]  }
0x225: {  	v45 =	vld [tilespmem:s30+$0x11A0]  }
0x226: {  	v40 =	vld [tilespmem:s30+$0x10A0];
	[tilespmem:s30+$0xB100] =	vst v23  }
0x227: {  	v24 =	vld.idx.msk [tilespmem:v41+s3+$0x0], $0xffff;
	[tilespmem:s30+$0xB180] =	vst v19  }
0x228: {  	[tilespmem:s30+$0xB080] =	vst v20;
	v19 =	vld.idx.msk [tilespmem:v42+s3+$0x0], $0xffff  }
0x229: {  	v20 =	vld.idx.msk [tilespmem:v37+s3+$0x0], $0xffff  }
0x22a: {  	v50 =	vld [tilespmem:s30+$0x1140]  }
0x22b: {  	v48 =	vld [tilespmem:s30+$0x11B0]  }
0x22c: {  	v43 =	vld [tilespmem:s30+$0x10B0];
	[tilespmem:s30+$0xB110] =	vst v24  }
0x22d: {  	v26 =	vld.idx.msk [tilespmem:v44+s3+$0x0], $0xffff;
	[tilespmem:s30+$0xB190] =	vst v19  }
0x22e: {  	[tilespmem:s30+$0xB090] =	vst v20;
	v19 =	vld.idx.msk [tilespmem:v45+s3+$0x0], $0xffff  }
0x22f: {  	v20 =	vld.idx.msk [tilespmem:v40+s3+$0x0], $0xffff  }
0x230: {  	v53 =	vld [tilespmem:s30+$0x1150]  }
0x231: {  	v51 =	vld [tilespmem:s30+$0x11C0]  }
0x232: {  	v46 =	vld [tilespmem:s30+$0x10C0];
	[tilespmem:s30+$0xB120] =	vst v26  }
0x233: {  	v25 =	vld.idx.msk [tilespmem:v47+s3+$0x0], $0xffff;
	[tilespmem:s30+$0xB1A0] =	vst v19  }
0x234: {  	[tilespmem:s30+$0xB0A0] =	vst v20;
	v19 =	vld.idx.msk [tilespmem:v48+s3+$0x0], $0xffff  }
0x235: {  	v20 =	vld.idx.msk [tilespmem:v43+s3+$0x0], $0xffff  }
0x236: {  	v56 =	vld [tilespmem:s30+$0x1160]  }
0x237: {  	v54 =	vld [tilespmem:s30+$0x11D0]  }
0x238: {  	v49 =	vld [tilespmem:s30+$0x10D0];
	[tilespmem:s30+$0xB130] =	vst v25  }
0x239: {  	v23 =	vld.idx.msk [tilespmem:v50+s3+$0x0], $0xffff;
	[tilespmem:s30+$0xB1B0] =	vst v19  }
0x23a: {  	[tilespmem:s30+$0xB0B0] =	vst v20;
	v19 =	vld.idx.msk [tilespmem:v51+s3+$0x0], $0xffff  }
0x23b: {  	v20 =	vld.idx.msk [tilespmem:v46+s3+$0x0], $0xffff  }
0x23c: {  	v59 =	vld [tilespmem:s30+$0x1170]  }
0x23d: {  	v57 =	vld [tilespmem:s30+$0x11E0]  }
0x23e: {  	v52 =	vld [tilespmem:s30+$0x10E0];
	[tilespmem:s30+$0xB140] =	vst v23  }
0x23f: {  	v24 =	vld.idx.msk [tilespmem:v53+s3+$0x0], $0xffff;
	[tilespmem:s30+$0xB1C0] =	vst v19  }
0x240: {  	[tilespmem:s30+$0xB0C0] =	vst v20;
	v19 =	vld.idx.msk [tilespmem:v54+s3+$0x0], $0xffff  }
0x241: {  	v20 =	vld.idx.msk [tilespmem:v49+s3+$0x0], $0xffff  }
0x242: {  	v55 =	vld [tilespmem:s30+$0x1070]  }
0x243: {  	v60 =	vld [tilespmem:s30+$0x11F0]  }
0x244: {  	v58 =	vld [tilespmem:s30+$0x10F0];
	[tilespmem:s30+$0xB150] =	vst v24  }
0x245: {  	v61 =	vld.idx.msk [tilespmem:v56+s3+$0x0], $0xffff;
	[tilespmem:s30+$0xB1D0] =	vst v19  }
0x246: {  	[tilespmem:s30+$0xB0D0] =	vst v20;
	v15 =	vld.idx.msk [tilespmem:v57+s3+$0x0], $0xffff  }
0x247: {  	[tilespmem:s30+$0xAFE0] =	vst v17;
	v20 =	vld.idx.msk [tilespmem:v52+s3+$0x0], $0xffff  }
0x248: {  	[tilespmem:s30+$0xAF70] =	vst v14  }
0x249: {  	v16 =	vld.idx.msk [tilespmem:v16+s3+$0x0], $0xffff;
	[tilespmem:s30+$0xB060] =	vst v18  }
0x24a: {  	v62 =	vld.idx.msk [tilespmem:v55+s3+$0x0], $0xffff;
	[tilespmem:s30+$0xB160] =	vst v61  }
0x24b: {  	[tilespmem:s30+$0xB1E0] =	vst v15;
	v15 =	vld.idx.msk [tilespmem:v59+s3+$0x0], $0xffff  }
0x24c: {  	[tilespmem:s30+$0xB0E0] =	vst v20;
	v14 =	vld.idx.msk [tilespmem:v60+s3+$0x0], $0xffff  }
0x24d: {  	p0 =	slt.u32 s29, $0x20;
	v63 =	vld.idx.msk [tilespmem:v58+s3+$0x0], $0xffff  }
.Ltmp0:
0x24e: {  	[tilespmem:s30+$0xAFF0] =	vst v16;
	(pc) =	sbr.rel @p0 .LBB2_2-.Ltmp0, $4  }
0x24f: {  	[tilespmem:s30+$0xB070] =	vst v62  }
0x250: {  	[tilespmem:s30+$0xB170] =	vst v15  }
0x251: {  	[tilespmem:s30+$0xB1F0] =	vst v14  }
0x252: {  	s29 =	sadd.s32 $0x8, s29;
	[tilespmem:s30+$0xB0F0] =	vst v63  }
0x253: {  	s29 =	simm.s32 $0xA200  }
0x254: {  	[hbm4b:s6+s22] =	stream.strided.scatter [tilespmem:s29], [sflag:$0x2], $0x400, s23, s22, $0x38;
	[tilespmem:$0x14200] =	vst v63  }
0x255: {  	s30 =	simm.s32 $0xA600;
	s29 =	rddreg [dreg:$0xa]  }
0x256: {  	[hbm4b:s29+s22] =	stream.strided.scatter [tilespmem:s30], [sflag:$0x2], $0x400, s23, s22, $0x38;
	[tilespmem:$0x14200] =	vst v63  }
0x257: {  	s31 =	simm.s32 $0xAA00;
	s29 =	sadd.s32 $0x20, s6  }
0x258: {  	[hbm4b:s29+s22] =	stream.strided.scatter [tilespmem:s31], [sflag:$0x2], $0x400, s23, s22, $0x38;
	[tilespmem:$0x14200] =	vst v63  }
0x259: {  	s29 =	sadd.s32 $0x30, s6;
	s31 =	simm.s32 $0xAE00  }
0x25a: {  	[hbm4b:s29+s22] =	stream.strided.scatter [tilespmem:s31], [sflag:$0x2], $0x400, s23, s22, $0x38;
	[tilespmem:$0x14200] =	vst v63  }
0x25b: {  	s29 =	sadd.s32 $0x4000, s6;
	s31 =	simm.s32 $0xB200  }
0x25c: {  	[hbm4b:s29+s22] =	stream.strided.scatter [tilespmem:s31], [sflag:$0x2], $0x400, s23, s22, $0x38;
	[tilespmem:$0x14200] =	vst v63  }
0x25d: {  	s29 =	sadd.s32 $0x4010, s6;
	s31 =	simm.s32 $0xB600  }
0x25e: {  	[hbm4b:s29+s22] =	stream.strided.scatter [tilespmem:s31], [sflag:$0x2], $0x400, s23, s22, $0x38;
	[tilespmem:$0x14200] =	vst v63  }
0x25f: {  	s29 =	sadd.s32 $0x4020, s6  }
0x260: {  	[hbm4b:s29+s22] =	stream.strided.scatter [tilespmem:s0], [sflag:$0x2], $0x400, s23, s22, $0x38;
	[tilespmem:$0x14200] =	vst v63  }
0x261: {  	s29 =	sadd.s32 $0x4030, s6  }
0x262: {  	[hbm4b:s29+s22] =	stream.strided.scatter [tilespmem:s2], [sflag:$0x2], $0x400, s23, s22, $0x38;
	[tilespmem:$0x14200] =	vst v63  }
0x263: {  	s29 =	sadd.s32 $0x8000, s6  }
0x264: {  	[hbm4b:s29+s22] =	stream.strided.scatter [tilespmem:s1], [sflag:$0x2], $0x400, s23, s22, $0x38;
	[tilespmem:$0x14200] =	vst v63  }
0x265: {  	s29 =	sadd.s32 $0x8010, s6  }
0x266: {  	[hbm4b:s29+s22] =	stream.strided.scatter [tilespmem:s20], [sflag:$0x2], $0x400, s23, s22, $0x38;
	[tilespmem:$0x14200] =	vst v63  }
0x267: {  	s29 =	sadd.s32 $0x8020, s6  }
0x268: {  	[hbm4b:s29+s22] =	stream.strided.scatter [tilespmem:s5], [sflag:$0x2], $0x400, s23, s22, $0x38;
	[tilespmem:$0x14200] =	vst v63  }
0x269: {  	s29 =	sadd.s32 $0x8030, s6  }
0x26a: {  	[hbm4b:s29+s22] =	stream.strided.scatter [tilespmem:s7], [sflag:$0x2], $0x400, s23, s22, $0x38;
	[tilespmem:$0x14200] =	vst v63  }
0x26b: {  	s29 =	sadd.s32 $0xC000, s6  }
0x26c: {  	[hbm4b:s29+s22] =	stream.strided.scatter [tilespmem:s9], [sflag:$0x2], $0x400, s23, s22, $0x38;
	[tilespmem:$0x14200] =	vst v63  }
0x26d: {  	s29 =	sadd.s32 $0xC010, s6  }
0x26e: {  	[hbm4b:s29+s22] =	stream.strided.scatter [tilespmem:s11], [sflag:$0x2], $0x400, s23, s22, $0x38;
	[tilespmem:$0x14200] =	vst v63  }
0x26f: {  	s29 =	sadd.s32 $0xC020, s6  }
0x270: {  	[hbm4b:s29+s22] =	stream.strided.scatter [tilespmem:s14], [sflag:$0x2], $0x400, s23, s22, $0x38;
	[tilespmem:$0x14200] =	vst v63  }
0x271: {  	s29 =	sadd.s32 $0xC030, s6  }
0x272: {  	[hbm4b:s29+s22] =	stream.strided.scatter [tilespmem:s25], [sflag:$0x2], $0x400, s23, s22, $0x38;
	[tilespmem:$0x14200] =	vst v63  }
0x273: {  	s29 =	sadd.s32 $0x10000, s6  }
0x274: {  	[hbm4b:s29+s22] =	stream.strided.scatter [tilespmem:s4], [sflag:$0x2], $0x400, s23, s22, $0x38;
	[tilespmem:$0x14200] =	vst v63  }
0x275: {  	s31 =	sadd.s32 $0x10, s29  }
0x276: {  	[hbm4b:s31+s22] =	stream.strided.scatter [tilespmem:s17], [sflag:$0x2], $0x400, s23, s22, $0x38;
	[tilespmem:$0x14200] =	vst v63  }
0x277: {  	s31 =	sadd.s32 $0x20, s29  }
0x278: {  	[hbm4b:s31+s22] =	stream.strided.scatter [tilespmem:s19], [sflag:$0x2], $0x400, s23, s22, $0x38;
	[tilespmem:$0x14200] =	vst v63  }
0x279: {  	s29 =	sadd.s32 $0x30, s29  }
0x27a: {  	[hbm4b:s29+s22] =	stream.strided.scatter [tilespmem:s24], [sflag:$0x2], $0x400, s23, s22, $0x38;
	[tilespmem:$0x14200] =	vst v63  }
0x27b: {  	s31 =	simm.s32 $0x200;
	s29 =	rddreg [dreg:$0x6]  }
0x27c: {  	[tilespmem:s31], [sflag:$0x1] =	stream.strided.gather [hbm4b:s29+s15], $0x5000, s16, s15, $0x38;
	[tilespmem:$0x14200] =	vst v63  }
0x27d: {  	_ =	swait.ge [sflag:s21], $0x5000  }
0x27e: {  	[sflag:s21] =	ssyncset.done $0x0  }
0x27f: {  	s29 =	simm.s32 $0x0;
	[sflag:s21] =	ssyncadd.s32 $0xFFFFB000  }
.LBB2_4:
0x280: {  	s30 =	sshll.u32 s29, $0x9  }
0x281: {  	v14 =	vld [tilespmem:s30+$0x5200];
	_ =	sdelay $0x2  }
0x282: {  	v15 =	vld [tilespmem:s30+$0x5280];
	_ =	sdelay $0x2  }
0x283: {  	v16 =	vld [tilespmem:s30+$0x5210];
	_ =	sdelay $0x1  }
0x284: {  	v14 =	vld.idx.msk [tilespmem:v14+s3+$0x0], $0xffff  }
0x285: {  	v17 =	vld [tilespmem:s30+$0x5290];
	_ =	sdelay $0x1  }
0x286: {  	v15 =	vld.idx.msk [tilespmem:v15+s3+$0x0], $0xffff  }
0x287: {  	v18 =	vld [tilespmem:s30+$0x5220]  }
0x288: {  	[tilespmem:s30+$0xF200] =	vst v14  }
0x289: {  	v14 =	vld.idx.msk [tilespmem:v16+s3+$0x0], $0xffff  }
0x28a: {  	v49 =	vld [tilespmem:s30+$0x52A0]  }
0x28b: {  	[tilespmem:s30+$0xF280] =	vst v15  }
0x28c: {  	v15 =	vld.idx.msk [tilespmem:v17+s3+$0x0], $0xffff  }
0x28d: {  	v19 =	vld [tilespmem:s30+$0x5230]  }
0x28e: {  	[tilespmem:s30+$0xF210] =	vst v14  }
0x28f: {  	v14 =	vld.idx.msk [tilespmem:v18+s3+$0x0], $0xffff  }
0x290: {  	v50 =	vld [tilespmem:s30+$0x52B0]  }
0x291: {  	[tilespmem:s30+$0xF290] =	vst v15  }
0x292: {  	v15 =	vld.idx.msk [tilespmem:v49+s3+$0x0], $0xffff  }
0x293: {  	v51 =	vld [tilespmem:s30+$0x5240]  }
0x294: {  	[tilespmem:s30+$0xF220] =	vst v14  }
0x295: {  	v14 =	vld.idx.msk [tilespmem:v19+s3+$0x0], $0xffff  }
0x296: {  	v52 =	vld [tilespmem:s30+$0x52C0]  }
0x297: {  	[tilespmem:s30+$0xF2A0] =	vst v15  }
0x298: {  	v15 =	vld.idx.msk [tilespmem:v50+s3+$0x0], $0xffff  }
0x299: {  	v53 =	vld [tilespmem:s30+$0x5250]  }
0x29a: {  	[tilespmem:s30+$0xF230] =	vst v14  }
0x29b: {  	v14 =	vld.idx.msk [tilespmem:v51+s3+$0x0], $0xffff  }
0x29c: {  	v54 =	vld [tilespmem:s30+$0x52D0]  }
0x29d: {  	[tilespmem:s30+$0xF2B0] =	vst v15  }
0x29e: {  	v15 =	vld.idx.msk [tilespmem:v52+s3+$0x0], $0xffff  }
0x29f: {  	v55 =	vld [tilespmem:s30+$0x5260]  }
0x2a0: {  	[tilespmem:s30+$0xF240] =	vst v14  }
0x2a1: {  	v14 =	vld.idx.msk [tilespmem:v53+s3+$0x0], $0xffff  }
0x2a2: {  	v56 =	vld [tilespmem:s30+$0x52E0]  }
0x2a3: {  	[tilespmem:s30+$0xF2C0] =	vst v15  }
0x2a4: {  	v15 =	vld.idx.msk [tilespmem:v54+s3+$0x0], $0xffff  }
0x2a5: {  	v57 =	vld [tilespmem:s30+$0x5270]  }
0x2a6: {  	[tilespmem:s30+$0xF250] =	vst v14  }
0x2a7: {  	v14 =	vld.idx.msk [tilespmem:v55+s3+$0x0], $0xffff  }
0x2a8: {  	v59 =	vld [tilespmem:s30+$0x52F0]  }
0x2a9: {  	[tilespmem:s30+$0xF2D0] =	vst v15;
	v15 =	vld [tilespmem:s30+$0x5300]  }
0x2aa: {  	v16 =	vld.idx.msk [tilespmem:v56+s3+$0x0], $0xffff;
	_ =	sdelay $0x1  }
0x2ab: {  	v58 =	vld [tilespmem:s30+$0x5600];
	[tilespmem:s30+$0xF260] =	vst v14  }
0x2ac: {  	v14 =	vld.idx.msk [tilespmem:v57+s3+$0x0], $0xffff  }
0x2ad: {  	v20 =	vld [tilespmem:s30+$0x5680]  }
0x2ae: {  	v61 =	vld [tilespmem:s30+$0x5310];
	[tilespmem:s30+$0xF2E0] =	vst v16  }
0x2af: {  	v18 =	vld.idx.msk [tilespmem:v59+s3+$0x0], $0xffff  }
0x2b0: {  	v60 =	vld [tilespmem:s30+$0x5610]  }
0x2b1: {  	[tilespmem:s30+$0xF270] =	vst v14;
	v14 =	vld.idx.msk [tilespmem:v15+s3+$0x0], $0xffff  }
0x2b2: {  	v21 =	vld [tilespmem:s30+$0x5690]  }
0x2b3: {  	v63 =	vld [tilespmem:s30+$0x5320]  }
0x2b4: {  	[tilespmem:s30+$0xF2F0] =	vst v18;
	v15 =	vld.idx.msk [tilespmem:v58+s3+$0x0], $0xffff  }
0x2b5: {  	v20 =	vld.idx.msk [tilespmem:v20+s3+$0x0], $0xffff  }
0x2b6: {  	v62 =	vld [tilespmem:s30+$0x5620];
	[tilespmem:s30+$0xF300] =	vst v14  }
0x2b7: {  	v14 =	vld.idx.msk [tilespmem:v61+s3+$0x0], $0xffff  }
0x2b8: {  	v25 =	vld [tilespmem:s30+$0x56A0]  }
0x2b9: {  	v26 =	vld [tilespmem:s30+$0x5330];
	[tilespmem:s30+$0xF600] =	vst v15  }
0x2ba: {  	[tilespmem:s30+$0xF680] =	vst v20;
	v15 =	vld.idx.msk [tilespmem:v60+s3+$0x0], $0xffff  }
0x2bb: {  	v21 =	vld.idx.msk [tilespmem:v21+s3+$0x0], $0xffff  }
0x2bc: {  	v24 =	vld [tilespmem:s30+$0x5630];
	[tilespmem:s30+$0xF310] =	vst v14  }
0x2bd: {  	v14 =	vld.idx.msk [tilespmem:v63+s3+$0x0], $0xffff  }
0x2be: {  	v28 =	vld [tilespmem:s30+$0x56B0]  }
0x2bf: {  	v29 =	vld [tilespmem:s30+$0x5340];
	[tilespmem:s30+$0xF610] =	vst v15  }
0x2c0: {  	[tilespmem:s30+$0xF690] =	vst v21;
	v15 =	vld.idx.msk [tilespmem:v62+s3+$0x0], $0xffff  }
0x2c1: {  	v19 =	vld.idx.msk [tilespmem:v25+s3+$0x0], $0xffff  }
0x2c2: {  	v27 =	vld [tilespmem:s30+$0x5640];
	[tilespmem:s30+$0xF320] =	vst v14  }
0x2c3: {  	v14 =	vld.idx.msk [tilespmem:v26+s3+$0x0], $0xffff  }
0x2c4: {  	v31 =	vld [tilespmem:s30+$0x56C0]  }
0x2c5: {  	v32 =	vld [tilespmem:s30+$0x5350];
	[tilespmem:s30+$0xF620] =	vst v15  }
0x2c6: {  	[tilespmem:s30+$0xF6A0] =	vst v19;
	v15 =	vld.idx.msk [tilespmem:v24+s3+$0x0], $0xffff  }
0x2c7: {  	v18 =	vld.idx.msk [tilespmem:v28+s3+$0x0], $0xffff  }
0x2c8: {  	v30 =	vld [tilespmem:s30+$0x5650];
	[tilespmem:s30+$0xF330] =	vst v14  }
0x2c9: {  	v14 =	vld.idx.msk [tilespmem:v29+s3+$0x0], $0xffff  }
0x2ca: {  	v34 =	vld [tilespmem:s30+$0x56D0]  }
0x2cb: {  	v35 =	vld [tilespmem:s30+$0x5360];
	[tilespmem:s30+$0xF630] =	vst v15  }
0x2cc: {  	[tilespmem:s30+$0xF6B0] =	vst v18;
	v15 =	vld.idx.msk [tilespmem:v27+s3+$0x0], $0xffff  }
0x2cd: {  	v20 =	vld.idx.msk [tilespmem:v31+s3+$0x0], $0xffff  }
0x2ce: {  	v33 =	vld [tilespmem:s30+$0x5660];
	[tilespmem:s30+$0xF340] =	vst v14  }
0x2cf: {  	v14 =	vld.idx.msk [tilespmem:v32+s3+$0x0], $0xffff  }
0x2d0: {  	v37 =	vld [tilespmem:s30+$0x56E0]  }
0x2d1: {  	v38 =	vld [tilespmem:s30+$0x5370];
	[tilespmem:s30+$0xF640] =	vst v15  }
0x2d2: {  	[tilespmem:s30+$0xF6C0] =	vst v20;
	v15 =	vld.idx.msk [tilespmem:v30+s3+$0x0], $0xffff  }
0x2d3: {  	v21 =	vld.idx.msk [tilespmem:v34+s3+$0x0], $0xffff  }
0x2d4: {  	v36 =	vld [tilespmem:s30+$0x5670];
	[tilespmem:s30+$0xF350] =	vst v14  }
0x2d5: {  	v14 =	vld.idx.msk [tilespmem:v35+s3+$0x0], $0xffff  }
0x2d6: {  	v40 =	vld [tilespmem:s30+$0x56F0]  }
0x2d7: {  	v41 =	vld [tilespmem:s30+$0x5700];
	[tilespmem:s30+$0xF650] =	vst v15  }
0x2d8: {  	[tilespmem:s30+$0xF6D0] =	vst v21;
	v15 =	vld.idx.msk [tilespmem:v33+s3+$0x0], $0xffff  }
0x2d9: {  	v19 =	vld.idx.msk [tilespmem:v37+s3+$0x0], $0xffff  }
0x2da: {  	v39 =	vld [tilespmem:s30+$0x5A00];
	[tilespmem:s30+$0xF360] =	vst v14  }
0x2db: {  	v14 =	vld.idx.msk [tilespmem:v38+s3+$0x0], $0xffff  }
0x2dc: {  	v43 =	vld [tilespmem:s30+$0x5A80]  }
0x2dd: {  	v44 =	vld [tilespmem:s30+$0x5710];
	[tilespmem:s30+$0xF660] =	vst v15  }
0x2de: {  	[tilespmem:s30+$0xF6E0] =	vst v19;
	v15 =	vld.idx.msk [tilespmem:v36+s3+$0x0], $0xffff  }
0x2df: {  	v18 =	vld.idx.msk [tilespmem:v40+s3+$0x0], $0xffff  }
0x2e0: {  	v42 =	vld [tilespmem:s30+$0x5A10];
	[tilespmem:s30+$0xF370] =	vst v14  }
0x2e1: {  	v14 =	vld.idx.msk [tilespmem:v41+s3+$0x0], $0xffff  }
0x2e2: {  	v46 =	vld [tilespmem:s30+$0x5A90]  }
0x2e3: {  	v47 =	vld [tilespmem:s30+$0x5720];
	[tilespmem:s30+$0xF670] =	vst v15  }
0x2e4: {  	[tilespmem:s30+$0xF6F0] =	vst v18;
	v15 =	vld.idx.msk [tilespmem:v39+s3+$0x0], $0xffff  }
0x2e5: {  	v20 =	vld.idx.msk [tilespmem:v43+s3+$0x0], $0xffff  }
0x2e6: {  	v45 =	vld [tilespmem:s30+$0x5A20];
	[tilespmem:s30+$0xF700] =	vst v14  }
0x2e7: {  	v14 =	vld.idx.msk [tilespmem:v44+s3+$0x0], $0xffff  }
0x2e8: {  	v49 =	vld [tilespmem:s30+$0x5AA0]  }
0x2e9: {  	v50 =	vld [tilespmem:s30+$0x5730];
	[tilespmem:s30+$0xFA00] =	vst v15  }
0x2ea: {  	[tilespmem:s30+$0xFA80] =	vst v20;
	v15 =	vld.idx.msk [tilespmem:v42+s3+$0x0], $0xffff  }
0x2eb: {  	v21 =	vld.idx.msk [tilespmem:v46+s3+$0x0], $0xffff  }
0x2ec: {  	v48 =	vld [tilespmem:s30+$0x5A30];
	[tilespmem:s30+$0xF710] =	vst v14  }
0x2ed: {  	v14 =	vld.idx.msk [tilespmem:v47+s3+$0x0], $0xffff  }
0x2ee: {  	v52 =	vld [tilespmem:s30+$0x5AB0]  }
0x2ef: {  	v53 =	vld [tilespmem:s30+$0x5740];
	[tilespmem:s30+$0xFA10] =	vst v15  }
0x2f0: {  	[tilespmem:s30+$0xFA90] =	vst v21;
	v15 =	vld.idx.msk [tilespmem:v45+s3+$0x0], $0xffff  }
0x2f1: {  	v19 =	vld.idx.msk [tilespmem:v49+s3+$0x0], $0xffff  }
0x2f2: {  	v51 =	vld [tilespmem:s30+$0x5A40];
	[tilespmem:s30+$0xF720] =	vst v14  }
0x2f3: {  	v14 =	vld.idx.msk [tilespmem:v50+s3+$0x0], $0xffff  }
0x2f4: {  	v55 =	vld [tilespmem:s30+$0x5AC0]  }
0x2f5: {  	v56 =	vld [tilespmem:s30+$0x5750];
	[tilespmem:s30+$0xFA20] =	vst v15  }
0x2f6: {  	[tilespmem:s30+$0xFAA0] =	vst v19;
	v15 =	vld.idx.msk [tilespmem:v48+s3+$0x0], $0xffff  }
0x2f7: {  	v18 =	vld.idx.msk [tilespmem:v52+s3+$0x0], $0xffff  }
0x2f8: {  	v54 =	vld [tilespmem:s30+$0x5A50];
	[tilespmem:s30+$0xF730] =	vst v14  }
0x2f9: {  	v14 =	vld.idx.msk [tilespmem:v53+s3+$0x0], $0xffff  }
0x2fa: {  	v59 =	vld [tilespmem:s30+$0x5760]  }
0x2fb: {  	v58 =	vld [tilespmem:s30+$0x5AD0];
	[tilespmem:s30+$0xFA30] =	vst v15  }
0x2fc: {  	[tilespmem:s30+$0xFAB0] =	vst v18;
	v15 =	vld.idx.msk [tilespmem:v51+s3+$0x0], $0xffff  }
0x2fd: {  	v20 =	vld.idx.msk [tilespmem:v55+s3+$0x0], $0xffff  }
0x2fe: {  	v57 =	vld [tilespmem:s30+$0x5A60];
	[tilespmem:s30+$0xF740] =	vst v14  }
0x2ff: {  	v14 =	vld.idx.msk [tilespmem:v56+s3+$0x0], $0xffff  }
0x300: {  	v61 =	vld [tilespmem:s30+$0x5AE0]  }
0x301: {  	v62 =	vld [tilespmem:s30+$0x5770];
	[tilespmem:s30+$0xFA40] =	vst v15  }
0x302: {  	[tilespmem:s30+$0xFAC0] =	vst v20;
	v15 =	vld.idx.msk [tilespmem:v54+s3+$0x0], $0xffff  }
0x303: {  	v21 =	vld.idx.msk [tilespmem:v58+s3+$0x0], $0xffff  }
0x304: {  	v60 =	vld [tilespmem:s30+$0x5A70];
	[tilespmem:s30+$0xF750] =	vst v14  }
0x305: {  	v14 =	vld.idx.msk [tilespmem:v59+s3+$0x0], $0xffff  }
0x306: {  	v25 =	vld [tilespmem:s30+$0x5B00]  }
0x307: {  	v24 =	vld [tilespmem:s30+$0x5AF0];
	[tilespmem:s30+$0xFA50] =	vst v15  }
0x308: {  	[tilespmem:s30+$0xFAD0] =	vst v21;
	v15 =	vld.idx.msk [tilespmem:v57+s3+$0x0], $0xffff  }
0x309: {  	v19 =	vld.idx.msk [tilespmem:v61+s3+$0x0], $0xffff  }
0x30a: {  	v63 =	vld [tilespmem:s30+$0x5E00];
	[tilespmem:s30+$0xF760] =	vst v14  }
0x30b: {  	v14 =	vld.idx.msk [tilespmem:v62+s3+$0x0], $0xffff  }
0x30c: {  	v28 =	vld [tilespmem:s30+$0x5B10]  }
0x30d: {  	v27 =	vld [tilespmem:s30+$0x5E80];
	[tilespmem:s30+$0xFA60] =	vst v15  }
0x30e: {  	[tilespmem:s30+$0xFAE0] =	vst v19;
	v15 =	vld.idx.msk [tilespmem:v60+s3+$0x0], $0xffff  }
0x30f: {  	v18 =	vld.idx.msk [tilespmem:v24+s3+$0x0], $0xffff  }
0x310: {  	v26 =	vld [tilespmem:s30+$0x5E10];
	[tilespmem:s30+$0xF770] =	vst v14  }
0x311: {  	v14 =	vld.idx.msk [tilespmem:v25+s3+$0x0], $0xffff  }
0x312: {  	v31 =	vld [tilespmem:s30+$0x5B20]  }
0x313: {  	v30 =	vld [tilespmem:s30+$0x5E90];
	[tilespmem:s30+$0xFA70] =	vst v15  }
0x314: {  	[tilespmem:s30+$0xFAF0] =	vst v18;
	v15 =	vld.idx.msk [tilespmem:v63+s3+$0x0], $0xffff  }
0x315: {  	v20 =	vld.idx.msk [tilespmem:v27+s3+$0x0], $0xffff  }
0x316: {  	v29 =	vld [tilespmem:s30+$0x5E20];
	[tilespmem:s30+$0xFB00] =	vst v14  }
0x317: {  	v14 =	vld.idx.msk [tilespmem:v28+s3+$0x0], $0xffff  }
0x318: {  	v34 =	vld [tilespmem:s30+$0x5B30]  }
0x319: {  	v33 =	vld [tilespmem:s30+$0x5EA0];
	[tilespmem:s30+$0xFE00] =	vst v15  }
0x31a: {  	[tilespmem:s30+$0xFE80] =	vst v20;
	v15 =	vld.idx.msk [tilespmem:v26+s3+$0x0], $0xffff  }
0x31b: {  	v21 =	vld.idx.msk [tilespmem:v30+s3+$0x0], $0xffff  }
0x31c: {  	v32 =	vld [tilespmem:s30+$0x5E30];
	[tilespmem:s30+$0xFB10] =	vst v14  }
0x31d: {  	v14 =	vld.idx.msk [tilespmem:v31+s3+$0x0], $0xffff  }
0x31e: {  	v37 =	vld [tilespmem:s30+$0x5B40]  }
0x31f: {  	v36 =	vld [tilespmem:s30+$0x5EB0];
	[tilespmem:s30+$0xFE10] =	vst v15  }
0x320: {  	[tilespmem:s30+$0xFE90] =	vst v21;
	v15 =	vld.idx.msk [tilespmem:v29+s3+$0x0], $0xffff  }
0x321: {  	v19 =	vld.idx.msk [tilespmem:v33+s3+$0x0], $0xffff  }
0x322: {  	v35 =	vld [tilespmem:s30+$0x5E40];
	[tilespmem:s30+$0xFB20] =	vst v14  }
0x323: {  	v14 =	vld.idx.msk [tilespmem:v34+s3+$0x0], $0xffff  }
0x324: {  	v40 =	vld [tilespmem:s30+$0x5B50]  }
0x325: {  	v39 =	vld [tilespmem:s30+$0x5EC0];
	[tilespmem:s30+$0xFE20] =	vst v15  }
0x326: {  	[tilespmem:s30+$0xFEA0] =	vst v19;
	v15 =	vld.idx.msk [tilespmem:v32+s3+$0x0], $0xffff  }
0x327: {  	v18 =	vld.idx.msk [tilespmem:v36+s3+$0x0], $0xffff  }
0x328: {  	v38 =	vld [tilespmem:s30+$0x5E50];
	[tilespmem:s30+$0xFB30] =	vst v14  }
0x329: {  	v14 =	vld.idx.msk [tilespmem:v37+s3+$0x0], $0xffff  }
0x32a: {  	v43 =	vld [tilespmem:s30+$0x5B60]  }
0x32b: {  	v42 =	vld [tilespmem:s30+$0x5ED0];
	[tilespmem:s30+$0xFE30] =	vst v15  }
0x32c: {  	[tilespmem:s30+$0xFEB0] =	vst v18;
	v15 =	vld.idx.msk [tilespmem:v35+s3+$0x0], $0xffff  }
0x32d: {  	v20 =	vld.idx.msk [tilespmem:v39+s3+$0x0], $0xffff  }
0x32e: {  	v41 =	vld [tilespmem:s30+$0x5E60];
	[tilespmem:s30+$0xFB40] =	vst v14  }
0x32f: {  	v14 =	vld.idx.msk [tilespmem:v40+s3+$0x0], $0xffff  }
0x330: {  	v44 =	vld [tilespmem:s30+$0x5EE0]  }
0x331: {  	v45 =	vld [tilespmem:s30+$0x5B70];
	[tilespmem:s30+$0xFE40] =	vst v15  }
0x332: {  	[tilespmem:s30+$0xFEC0] =	vst v20;
	v15 =	vld.idx.msk [tilespmem:v38+s3+$0x0], $0xffff  }
0x333: {  	v20 =	vld.idx.msk [tilespmem:v42+s3+$0x0], $0xffff  }
0x334: {  	[tilespmem:s30+$0xFB50] =	vst v14  }
0x335: {  	v14 =	vld.idx.msk [tilespmem:v43+s3+$0x0], $0xffff  }
0x336: {  	v46 =	vld [tilespmem:s30+$0x5EF0]  }
0x337: {  	v47 =	vld [tilespmem:s30+$0x5F00];
	[tilespmem:s30+$0xFE50] =	vst v15  }
0x338: {  	v15 =	vld [tilespmem:s30+$0x5E70];
	[tilespmem:s30+$0xFED0] =	vst v20  }
0x339: {  	v16 =	vld.idx.msk [tilespmem:v44+s3+$0x0], $0xffff  }
0x33a: {  	v17 =	vld.idx.msk [tilespmem:v41+s3+$0x0], $0xffff;
	[tilespmem:s30+$0xFB60] =	vst v14  }
0x33b: {  	v14 =	vld.idx.msk [tilespmem:v45+s3+$0x0], $0xffff;
	_ =	sdelay $0x2  }
0x33c: {  	v48 =	vld [tilespmem:s30+$0x5F10];
	[tilespmem:s30+$0xFEE0] =	vst v16  }
0x33d: {  	[tilespmem:s30+$0xFE60] =	vst v17;
	v49 =	vld.idx.msk [tilespmem:v46+s3+$0x0], $0xffff  }
0x33e: {  	v15 =	vld.idx.msk [tilespmem:v15+s3+$0x0], $0xffff;
	[tilespmem:s30+$0xFB70] =	vst v14  }
0x33f: {  	v14 =	vld.idx.msk [tilespmem:v47+s3+$0x0], $0xffff;
	_ =	sdelay $0x2  }
0x340: {  	[tilespmem:s30+$0xFEF0] =	vst v49  }
0x341: {  	[tilespmem:s30+$0xFE70] =	vst v15  }
0x342: {  	[tilespmem:s30+$0xFF00] =	vst v14  }
0x343: {  	v14 =	vld.idx.msk [tilespmem:v48+s3+$0x0], $0xffff  }
0x344: {  	v15 =	vld [tilespmem:s30+$0x5380];
	_ =	sdelay $0x4  }
0x345: {  	v16 =	vld [tilespmem:s30+$0x5400]  }
0x346: {  	v50 =	vld [tilespmem:s30+$0x5390];
	_ =	sdelay $0x1  }
0x347: {  	v15 =	vld.idx.msk [tilespmem:v15+s3+$0x0], $0xffff;
	_ =	sdelay $0x2  }
0x348: {  	v51 =	vld [tilespmem:s30+$0x5410]  }
0x349: {  	v52 =	vld [tilespmem:s30+$0x53A0]  }
0x34a: {  	[tilespmem:s30+$0xF380] =	vst v15;
	v15 =	vld.idx.msk [tilespmem:v16+s3+$0x0], $0xffff  }
0x34b: {  	v53 =	vld.idx.msk [tilespmem:v50+s3+$0x0], $0xffff;
	_ =	sdelay $0x2  }
0x34c: {  	v54 =	vld [tilespmem:s30+$0x5420]  }
0x34d: {  	v55 =	vld [tilespmem:s30+$0x53B0];
	[tilespmem:s30+$0xF400] =	vst v15  }
0x34e: {  	[tilespmem:s30+$0xF390] =	vst v53;
	v15 =	vld.idx.msk [tilespmem:v51+s3+$0x0], $0xffff  }
0x34f: {  	v16 =	vld.idx.msk [tilespmem:v52+s3+$0x0], $0xffff;
	_ =	sdelay $0x2  }
0x350: {  	v56 =	vld [tilespmem:s30+$0x5430]  }
0x351: {  	v57 =	vld [tilespmem:s30+$0x53C0];
	[tilespmem:s30+$0xF410] =	vst v15  }
0x352: {  	[tilespmem:s30+$0xF3A0] =	vst v16;
	v15 =	vld.idx.msk [tilespmem:v54+s3+$0x0], $0xffff  }
0x353: {  	v16 =	vld.idx.msk [tilespmem:v55+s3+$0x0], $0xffff;
	_ =	sdelay $0x2  }
0x354: {  	v58 =	vld [tilespmem:s30+$0x5440]  }
0x355: {  	v59 =	vld [tilespmem:s30+$0x53D0];
	[tilespmem:s30+$0xF420] =	vst v15  }
0x356: {  	[tilespmem:s30+$0xF3B0] =	vst v16;
	v15 =	vld.idx.msk [tilespmem:v56+s3+$0x0], $0xffff  }
0x357: {  	v16 =	vld.idx.msk [tilespmem:v57+s3+$0x0], $0xffff;
	_ =	sdelay $0x2  }
0x358: {  	v60 =	vld [tilespmem:s30+$0x5450]  }
0x359: {  	v61 =	vld [tilespmem:s30+$0x53E0];
	[tilespmem:s30+$0xF430] =	vst v15  }
0x35a: {  	[tilespmem:s30+$0xF3C0] =	vst v16;
	v15 =	vld.idx.msk [tilespmem:v58+s3+$0x0], $0xffff  }
0x35b: {  	v16 =	vld.idx.msk [tilespmem:v59+s3+$0x0], $0xffff;
	_ =	sdelay $0x2  }
0x35c: {  	v62 =	vld [tilespmem:s30+$0x5460]  }
0x35d: {  	v63 =	vld [tilespmem:s30+$0x53F0];
	[tilespmem:s30+$0xF440] =	vst v15  }
0x35e: {  	[tilespmem:s30+$0xF3D0] =	vst v16;
	v15 =	vld.idx.msk [tilespmem:v60+s3+$0x0], $0xffff  }
0x35f: {  	v16 =	vld.idx.msk [tilespmem:v61+s3+$0x0], $0xffff;
	_ =	sdelay $0x2  }
0x360: {  	v24 =	vld [tilespmem:s30+$0x5470]  }
0x361: {  	v25 =	vld [tilespmem:s30+$0x5780];
	[tilespmem:s30+$0xF450] =	vst v15  }
0x362: {  	[tilespmem:s30+$0xF3E0] =	vst v16;
	v15 =	vld.idx.msk [tilespmem:v62+s3+$0x0], $0xffff  }
0x363: {  	v16 =	vld.idx.msk [tilespmem:v63+s3+$0x0], $0xffff;
	_ =	sdelay $0x2  }
0x364: {  	v26 =	vld [tilespmem:s30+$0x5800]  }
0x365: {  	v27 =	vld [tilespmem:s30+$0x5790];
	[tilespmem:s30+$0xF460] =	vst v15  }
0x366: {  	[tilespmem:s30+$0xF3F0] =	vst v16;
	v15 =	vld.idx.msk [tilespmem:v24+s3+$0x0], $0xffff  }
0x367: {  	v16 =	vld.idx.msk [tilespmem:v25+s3+$0x0], $0xffff;
	_ =	sdelay $0x2  }
0x368: {  	v28 =	vld [tilespmem:s30+$0x5810]  }
0x369: {  	v29 =	vld [tilespmem:s30+$0x57A0];
	[tilespmem:s30+$0xF470] =	vst v15  }
0x36a: {  	[tilespmem:s30+$0xF780] =	vst v16;
	v15 =	vld.idx.msk [tilespmem:v26+s3+$0x0], $0xffff  }
0x36b: {  	v16 =	vld.idx.msk [tilespmem:v27+s3+$0x0], $0xffff;
	_ =	sdelay $0x2  }
0x36c: {  	v30 =	vld [tilespmem:s30+$0x5820]  }
0x36d: {  	v31 =	vld [tilespmem:s30+$0x57B0];
	[tilespmem:s30+$0xF800] =	vst v15  }
0x36e: {  	[tilespmem:s30+$0xF790] =	vst v16;
	v15 =	vld.idx.msk [tilespmem:v28+s3+$0x0], $0xffff  }
0x36f: {  	v16 =	vld.idx.msk [tilespmem:v29+s3+$0x0], $0xffff;
	_ =	sdelay $0x2  }
0x370: {  	v32 =	vld [tilespmem:s30+$0x5830]  }
0x371: {  	v33 =	vld [tilespmem:s30+$0x57C0];
	[tilespmem:s30+$0xF810] =	vst v15  }
0x372: {  	[tilespmem:s30+$0xF7A0] =	vst v16;
	v15 =	vld.idx.msk [tilespmem:v30+s3+$0x0], $0xffff  }
0x373: {  	v16 =	vld.idx.msk [tilespmem:v31+s3+$0x0], $0xffff;
	_ =	sdelay $0x2  }
0x374: {  	v34 =	vld [tilespmem:s30+$0x5840]  }
0x375: {  	v35 =	vld [tilespmem:s30+$0x57D0];
	[tilespmem:s30+$0xF820] =	vst v15  }
0x376: {  	[tilespmem:s30+$0xF7B0] =	vst v16;
	v15 =	vld.idx.msk [tilespmem:v32+s3+$0x0], $0xffff  }
0x377: {  	v16 =	vld.idx.msk [tilespmem:v33+s3+$0x0], $0xffff;
	_ =	sdelay $0x2  }
0x378: {  	v36 =	vld [tilespmem:s30+$0x5850]  }
0x379: {  	v37 =	vld [tilespmem:s30+$0x57E0];
	[tilespmem:s30+$0xF830] =	vst v15  }
0x37a: {  	[tilespmem:s30+$0xF7C0] =	vst v16;
	v15 =	vld.idx.msk [tilespmem:v34+s3+$0x0], $0xffff  }
0x37b: {  	v16 =	vld.idx.msk [tilespmem:v35+s3+$0x0], $0xffff;
	_ =	sdelay $0x2  }
0x37c: {  	v38 =	vld [tilespmem:s30+$0x5860]  }
0x37d: {  	v39 =	vld [tilespmem:s30+$0x57F0];
	[tilespmem:s30+$0xF840] =	vst v15  }
0x37e: {  	[tilespmem:s30+$0xF7D0] =	vst v16;
	v15 =	vld.idx.msk [tilespmem:v36+s3+$0x0], $0xffff  }
0x37f: {  	v16 =	vld.idx.msk [tilespmem:v37+s3+$0x0], $0xffff;
	_ =	sdelay $0x2  }
0x380: {  	v40 =	vld [tilespmem:s30+$0x5870]  }
0x381: {  	v41 =	vld [tilespmem:s30+$0x5B80];
	[tilespmem:s30+$0xF850] =	vst v15  }
0x382: {  	[tilespmem:s30+$0xF7E0] =	vst v16;
	v15 =	vld.idx.msk [tilespmem:v38+s3+$0x0], $0xffff  }
0x383: {  	v16 =	vld.idx.msk [tilespmem:v39+s3+$0x0], $0xffff;
	_ =	sdelay $0x2  }
0x384: {  	v42 =	vld [tilespmem:s30+$0x5C00]  }
0x385: {  	v43 =	vld [tilespmem:s30+$0x5B90];
	[tilespmem:s30+$0xF860] =	vst v15  }
0x386: {  	[tilespmem:s30+$0xF7F0] =	vst v16;
	v15 =	vld.idx.msk [tilespmem:v40+s3+$0x0], $0xffff  }
0x387: {  	v16 =	vld.idx.msk [tilespmem:v41+s3+$0x0], $0xffff;
	_ =	sdelay $0x2  }
0x388: {  	v44 =	vld [tilespmem:s30+$0x5C10]  }
0x389: {  	v45 =	vld [tilespmem:s30+$0x5BA0];
	[tilespmem:s30+$0xF870] =	vst v15  }
0x38a: {  	[tilespmem:s30+$0xFB80] =	vst v16;
	v15 =	vld.idx.msk [tilespmem:v42+s3+$0x0], $0xffff  }
0x38b: {  	v16 =	vld.idx.msk [tilespmem:v43+s3+$0x0], $0xffff;
	_ =	sdelay $0x1  }
0x38c: {  	v46 =	vld [tilespmem:s30+$0x5C20]  }
0x38d: {  	v47 =	vld [tilespmem:s30+$0x5BB0]  }
0x38e: {  	v48 =	vld [tilespmem:s30+$0x5C30];
	[tilespmem:s30+$0xFC00] =	vst v15  }
0x38f: {  	[tilespmem:s30+$0xFB90] =	vst v16;
	v15 =	vld.idx.msk [tilespmem:v44+s3+$0x0], $0xffff  }
0x390: {  	v16 =	vld.idx.msk [tilespmem:v45+s3+$0x0], $0xffff  }
0x391: {  	v49 =	vld [tilespmem:s30+$0x5BC0]  }
0x392: {  	v22 =	vld [tilespmem:s30+$0x5FA0]  }
0x393: {  	v23 =	vld [tilespmem:s30+$0x5490]  }
0x394: {  	v50 =	vld [tilespmem:s30+$0x5C40];
	[tilespmem:s30+$0xFC10] =	vst v15  }
0x395: {  	[tilespmem:s30+$0xFBA0] =	vst v16;
	v15 =	vld.idx.msk [tilespmem:v46+s3+$0x0], $0xffff  }
0x396: {  	v16 =	vld.idx.msk [tilespmem:v47+s3+$0x0], $0xffff  }
0x397: {  	v51 =	vld [tilespmem:s30+$0x5BD0]  }
0x398: {  	v53 =	vld [tilespmem:s30+$0x5BE0]  }
0x399: {  	v52 =	vld [tilespmem:s30+$0x5C50]  }
0x39a: {  	v54 =	vld [tilespmem:s30+$0x5C60];
	[tilespmem:s30+$0xFC20] =	vst v15  }
0x39b: {  	[tilespmem:s30+$0xFBB0] =	vst v16;
	v15 =	vld.idx.msk [tilespmem:v48+s3+$0x0], $0xffff  }
0x39c: {  	v16 =	vld.idx.msk [tilespmem:v49+s3+$0x0], $0xffff  }
0x39d: {  	v55 =	vld [tilespmem:s30+$0x5BF0]  }
0x39e: {  	v58 =	vld [tilespmem:s30+$0x5F20]  }
0x39f: {  	v56 =	vld [tilespmem:s30+$0x5C70]  }
0x3a0: {  	v57 =	vld [tilespmem:s30+$0x5F80];
	[tilespmem:s30+$0xFC30] =	vst v15  }
0x3a1: {  	[tilespmem:s30+$0xFBC0] =	vst v16;
	v15 =	vld.idx.msk [tilespmem:v50+s3+$0x0], $0xffff  }
0x3a2: {  	v16 =	vld.idx.msk [tilespmem:v51+s3+$0x0], $0xffff  }
0x3a3: {  	v59 =	vld [tilespmem:s30+$0x6000]  }
0x3a4: {  	v60 =	vld [tilespmem:s30+$0x5F90]  }
0x3a5: {  	[tilespmem:s30+$0xFF10] =	vst v14;
	v61 =	vld [tilespmem:s30+$0x5F30]  }
0x3a6: {  	v63 =	vld.idx.msk [tilespmem:v58+s3+$0x0], $0xffff;
	[tilespmem:s30+$0xFC40] =	vst v15  }
0x3a7: {  	[tilespmem:s30+$0xFBD0] =	vst v16;
	v15 =	vld.idx.msk [tilespmem:v52+s3+$0x0], $0xffff  }
0x3a8: {  	v16 =	vld.idx.msk [tilespmem:v53+s3+$0x0], $0xffff  }
0x3a9: {  	v62 =	vld [tilespmem:s30+$0x6010]  }
0x3aa: {  	v58 =	vld [tilespmem:s30+$0x5880]  }
0x3ab: {  	v24 =	vld [tilespmem:s30+$0x5F40];
	[tilespmem:s30+$0xFF20] =	vst v63  }
0x3ac: {  	v63 =	vld [tilespmem:s30+$0x5980];
	[tilespmem:s30+$0xFC50] =	vst v15  }
0x3ad: {  	[tilespmem:s30+$0xFBE0] =	vst v16;
	v15 =	vld.idx.msk [tilespmem:v54+s3+$0x0], $0xffff  }
0x3ae: {  	v16 =	vld.idx.msk [tilespmem:v55+s3+$0x0], $0xffff  }
0x3af: {  	v25 =	vld [tilespmem:s30+$0x6020]  }
0x3b0: {  	v26 =	vld [tilespmem:s30+$0x5FB0]  }
0x3b1: {  	v27 =	vld [tilespmem:s30+$0x5F50]  }
0x3b2: {  	v28 =	vld [tilespmem:s30+$0x6030];
	[tilespmem:s30+$0xFC60] =	vst v15  }
0x3b3: {  	[tilespmem:s30+$0xFBF0] =	vst v16;
	v15 =	vld.idx.msk [tilespmem:v56+s3+$0x0], $0xffff  }
0x3b4: {  	v16 =	vld.idx.msk [tilespmem:v57+s3+$0x0], $0xffff  }
0x3b5: {  	v29 =	vld [tilespmem:s30+$0x5FC0]  }
0x3b6: {  	v30 =	vld [tilespmem:s30+$0x5F60]  }
0x3b7: {  	v31 =	vld [tilespmem:s30+$0x6040]  }
0x3b8: {  	v32 =	vld [tilespmem:s30+$0x5FD0];
	[tilespmem:s30+$0xFC70] =	vst v15  }
0x3b9: {  	[tilespmem:s30+$0xFF80] =	vst v16;
	v15 =	vld.idx.msk [tilespmem:v59+s3+$0x0], $0xffff  }
0x3ba: {  	v14 =	vld.idx.msk [tilespmem:v60+s3+$0x0], $0xffff  }
0x3bb: {  	v38 =	vld [tilespmem:s30+$0x5500]  }
0x3bc: {  	v39 =	vld [tilespmem:s30+$0x5580]  }
0x3bd: {  	v33 =	vld [tilespmem:s30+$0x6050]  }
0x3be: {  	v34 =	vld [tilespmem:s30+$0x5FE0];
	[tilespmem:s30+$0x10000] =	vst v15  }
0x3bf: {  	[tilespmem:s30+$0xFF90] =	vst v14;
	v14 =	vld.idx.msk [tilespmem:v62+s3+$0x0], $0xffff  }
0x3c0: {  	v36 =	vld [tilespmem:s30+$0x6060]  }
0x3c1: {  	v37 =	vld [tilespmem:s30+$0x5480]  }
0x3c2: {  	v40 =	vld [tilespmem:s30+$0x54A0]  }
0x3c3: {  	v19 =	vld.idx.msk [tilespmem:v38+s3+$0x0], $0xffff  }
0x3c4: {  	v41 =	vld.idx.msk [tilespmem:v39+s3+$0x0], $0xffff;
	[tilespmem:s30+$0x10010] =	vst v14  }
0x3c5: {  	v14 =	vld.idx.msk [tilespmem:v25+s3+$0x0], $0xffff  }
0x3c6: {  	v38 =	vld [tilespmem:s30+$0x5940]  }
0x3c7: {  	v39 =	vld [tilespmem:s30+$0x59C0]  }
0x3c8: {  	v43 =	vld [tilespmem:s30+$0x54B0]  }
0x3c9: {  	[tilespmem:s30+$0xF580] =	vst v41;
	v16 =	vld.idx.msk [tilespmem:v61+s3+$0x0], $0xffff  }
0x3ca: {  	v41 =	vld [tilespmem:s30+$0x5950];
	[tilespmem:s30+$0x10020] =	vst v14  }
0x3cb: {  	v14 =	vld.idx.msk [tilespmem:v28+s3+$0x0], $0xffff  }
0x3cc: {  	v44 =	vld [tilespmem:s30+$0x55A0]  }
0x3cd: {  	v45 =	vld [tilespmem:s30+$0x54C0]  }
0x3ce: {  	v46 =	vld [tilespmem:s30+$0x5530];
	[tilespmem:s30+$0xFF30] =	vst v16  }
0x3cf: {  	v16 =	vld.idx.msk [tilespmem:v24+s3+$0x0], $0xffff  }
0x3d0: {  	v15 =	vld.idx.msk [tilespmem:v22+s3+$0x0], $0xffff;
	[tilespmem:s30+$0x10030] =	vst v14  }
0x3d1: {  	v20 =	vld.idx.msk [tilespmem:v31+s3+$0x0], $0xffff  }
0x3d2: {  	v24 =	vld [tilespmem:s30+$0x5510]  }
0x3d3: {  	v25 =	vld [tilespmem:s30+$0x5590]  }
0x3d4: {  	v47 =	vld [tilespmem:s30+$0x55B0]  }
0x3d5: {  	v49 =	vld [tilespmem:s30+$0x54D0];
	[tilespmem:s30+$0xFFA0] =	vst v15  }
0x3d6: {  	[tilespmem:s30+$0x10040] =	vst v20;
	v20 =	vld.idx.msk [tilespmem:v37+s3+$0x0], $0xffff  }
0x3d7: {  	v15 =	vld.idx.msk [tilespmem:v26+s3+$0x0], $0xffff  }
0x3d8: {  	v26 =	vld [tilespmem:s30+$0x5520]  }
0x3d9: {  	[tilespmem:s30+$0xF500] =	vst v19;
	v50 =	vld [tilespmem:s30+$0x5540]  }
0x3da: {  	v24 =	vld.idx.msk [tilespmem:v24+s3+$0x0], $0xffff  }
0x3db: {  	[tilespmem:s30+$0xF480] =	vst v20;
	v20 =	vld.idx.msk [tilespmem:v25+s3+$0x0], $0xffff  }
0x3dc: {  	v42 =	vld.idx.msk [tilespmem:v23+s3+$0x0], $0xffff  }
0x3dd: {  	v51 =	vld [tilespmem:s30+$0x55C0]  }
0x3de: {  	v52 =	vld [tilespmem:s30+$0x54E0]  }
0x3df: {  	v53 =	vld [tilespmem:s30+$0x5550];
	[tilespmem:s30+$0xF510] =	vst v24  }
0x3e0: {  	v26 =	vld.idx.msk [tilespmem:v26+s3+$0x0], $0xffff;
	[tilespmem:s30+$0xF590] =	vst v20  }
0x3e1: {  	[tilespmem:s30+$0xF490] =	vst v42;
	v19 =	vld.idx.msk [tilespmem:v44+s3+$0x0], $0xffff  }
0x3e2: {  	v21 =	vld.idx.msk [tilespmem:v40+s3+$0x0], $0xffff  }
0x3e3: {  	v54 =	vld [tilespmem:s30+$0x55D0]  }
0x3e4: {  	v55 =	vld [tilespmem:s30+$0x54F0]  }
0x3e5: {  	v56 =	vld [tilespmem:s30+$0x5560];
	[tilespmem:s30+$0xF520] =	vst v26  }
0x3e6: {  	v25 =	vld.idx.msk [tilespmem:v46+s3+$0x0], $0xffff;
	[tilespmem:s30+$0xF5A0] =	vst v19  }
0x3e7: {  	[tilespmem:s30+$0xF4A0] =	vst v21;
	v19 =	vld.idx.msk [tilespmem:v47+s3+$0x0], $0xffff  }
0x3e8: {  	v48 =	vld.idx.msk [tilespmem:v43+s3+$0x0], $0xffff  }
0x3e9: {  	v57 =	vld [tilespmem:s30+$0x55E0]  }
0x3ea: {  	v59 =	vld [tilespmem:s30+$0x5570]  }
0x3eb: {  	v61 =	vld [tilespmem:s30+$0x5890];
	[tilespmem:s30+$0xF530] =	vst v25  }
0x3ec: {  	v23 =	vld.idx.msk [tilespmem:v50+s3+$0x0], $0xffff;
	[tilespmem:s30+$0xF5B0] =	vst v19  }
0x3ed: {  	[tilespmem:s30+$0xF4B0] =	vst v48;
	v19 =	vld.idx.msk [tilespmem:v51+s3+$0x0], $0xffff  }
0x3ee: {  	v20 =	vld.idx.msk [tilespmem:v45+s3+$0x0], $0xffff  }
0x3ef: {  	v60 =	vld [tilespmem:s30+$0x55F0];
	[tilespmem:s30+$0xFF40] =	vst v16  }
0x3f0: {  	v16 =	vld.idx.msk [tilespmem:v27+s3+$0x0], $0xffff  }
0x3f1: {  	v62 =	vld [tilespmem:s30+$0x5900];
	[tilespmem:s30+$0xF540] =	vst v23  }
0x3f2: {  	v24 =	vld.idx.msk [tilespmem:v53+s3+$0x0], $0xffff;
	[tilespmem:s30+$0xF5C0] =	vst v19  }
0x3f3: {  	[tilespmem:s30+$0xF4C0] =	vst v20;
	v19 =	vld.idx.msk [tilespmem:v54+s3+$0x0], $0xffff  }
0x3f4: {  	v20 =	vld.idx.msk [tilespmem:v49+s3+$0x0], $0xffff  }
0x3f5: {  	[tilespmem:s30+$0xFF50] =	vst v16;
	v16 =	vld [tilespmem:s30+$0x5FF0]  }
0x3f6: {  	[tilespmem:s30+$0xFFB0] =	vst v15;
	v28 =	vld [tilespmem:s30+$0x58A0]  }
0x3f7: {  	v15 =	vld.idx.msk [tilespmem:v29+s3+$0x0], $0xffff;
	[tilespmem:s30+$0xF550] =	vst v24  }
0x3f8: {  	v26 =	vld.idx.msk [tilespmem:v56+s3+$0x0], $0xffff;
	[tilespmem:s30+$0xF5D0] =	vst v19  }
0x3f9: {  	[tilespmem:s30+$0xF4D0] =	vst v20;
	v19 =	vld.idx.msk [tilespmem:v57+s3+$0x0], $0xffff  }
0x3fa: {  	v20 =	vld.idx.msk [tilespmem:v52+s3+$0x0], $0xffff  }
0x3fb: {  	v29 =	vld [tilespmem:s30+$0x5910]  }
0x3fc: {  	v14 =	vld [tilespmem:s30+$0x5F70];
	[tilespmem:s30+$0xFFC0] =	vst v15  }
0x3fd: {  	v15 =	vld.idx.msk [tilespmem:v30+s3+$0x0], $0xffff;
	[tilespmem:s30+$0xF560] =	vst v26  }
0x3fe: {  	v25 =	vld.idx.msk [tilespmem:v59+s3+$0x0], $0xffff;
	[tilespmem:s30+$0xF5E0] =	vst v19  }
0x3ff: {  	[tilespmem:s30+$0xF4E0] =	vst v20;
	v19 =	vld.idx.msk [tilespmem:v60+s3+$0x0], $0xffff  }
0x400: {  	v20 =	vld.idx.msk [tilespmem:v55+s3+$0x0], $0xffff  }
0x401: {  	v30 =	vld [tilespmem:s30+$0x5990]  }
0x402: {  	v31 =	vld [tilespmem:s30+$0x58B0]  }
0x403: {  	v35 =	vld.idx.msk [tilespmem:v32+s3+$0x0], $0xffff;
	[tilespmem:s30+$0xF570] =	vst v25  }
0x404: {  	v23 =	vld.idx.msk [tilespmem:v62+s3+$0x0], $0xffff;
	[tilespmem:s30+$0xF5F0] =	vst v19  }
0x405: {  	[tilespmem:s30+$0xF4F0] =	vst v20;
	v19 =	vld.idx.msk [tilespmem:v63+s3+$0x0], $0xffff  }
0x406: {  	v20 =	vld.idx.msk [tilespmem:v58+s3+$0x0], $0xffff  }
0x407: {  	v32 =	vld [tilespmem:s30+$0x5920]  }
0x408: {  	v18 =	vld.idx.msk [tilespmem:v33+s3+$0x0], $0xffff  }
0x409: {  	v33 =	vld [tilespmem:s30+$0x59A0];
	[tilespmem:s30+$0xF900] =	vst v23  }
0x40a: {  	v24 =	vld.idx.msk [tilespmem:v29+s3+$0x0], $0xffff;
	[tilespmem:s30+$0xF980] =	vst v19  }
0x40b: {  	[tilespmem:s30+$0xF880] =	vst v20;
	v19 =	vld.idx.msk [tilespmem:v30+s3+$0x0], $0xffff  }
0x40c: {  	[tilespmem:s30+$0xFFD0] =	vst v35;
	v20 =	vld.idx.msk [tilespmem:v61+s3+$0x0], $0xffff  }
0x40d: {  	v35 =	vld [tilespmem:s30+$0x5930];
	[tilespmem:s30+$0x10050] =	vst v18  }
0x40e: {  	v18 =	vld.idx.msk [tilespmem:v36+s3+$0x0], $0xffff  }
0x40f: {  	v36 =	vld [tilespmem:s30+$0x59B0];
	[tilespmem:s30+$0xF910] =	vst v24  }
0x410: {  	v26 =	vld.idx.msk [tilespmem:v32+s3+$0x0], $0xffff;
	[tilespmem:s30+$0xF990] =	vst v19  }
0x411: {  	[tilespmem:s30+$0xF890] =	vst v20;
	v19 =	vld.idx.msk [tilespmem:v33+s3+$0x0], $0xffff  }
0x412: {  	v20 =	vld.idx.msk [tilespmem:v28+s3+$0x0], $0xffff  }
0x413: {  	v37 =	vld [tilespmem:s30+$0x58D0]  }
0x414: {  	v17 =	vld.idx.msk [tilespmem:v34+s3+$0x0], $0xffff  }
0x415: {  	v34 =	vld [tilespmem:s30+$0x58C0];
	[tilespmem:s30+$0xF920] =	vst v26  }
0x416: {  	v25 =	vld.idx.msk [tilespmem:v35+s3+$0x0], $0xffff;
	[tilespmem:s30+$0xF9A0] =	vst v19  }
0x417: {  	[tilespmem:s30+$0xF8A0] =	vst v20;
	v19 =	vld.idx.msk [tilespmem:v36+s3+$0x0], $0xffff  }
0x418: {  	[tilespmem:s30+$0xFF60] =	vst v15;
	v20 =	vld.idx.msk [tilespmem:v31+s3+$0x0], $0xffff  }
0x419: {  	v14 =	vld.idx.msk [tilespmem:v14+s3+$0x0], $0xffff  }
0x41a: {  	v46 =	vld [tilespmem:s30+$0x5C80]  }
0x41b: {  	v42 =	vld [tilespmem:s30+$0x59D0];
	[tilespmem:s30+$0xF930] =	vst v25  }
0x41c: {  	v23 =	vld.idx.msk [tilespmem:v38+s3+$0x0], $0xffff;
	[tilespmem:s30+$0xF9B0] =	vst v19  }
0x41d: {  	[tilespmem:s30+$0xF8B0] =	vst v20;
	v19 =	vld.idx.msk [tilespmem:v39+s3+$0x0], $0xffff  }
0x41e: {  	v20 =	vld.idx.msk [tilespmem:v34+s3+$0x0], $0xffff  }
0x41f: {  	v44 =	vld [tilespmem:s30+$0x5960]  }
0x420: {  	v40 =	vld [tilespmem:s30+$0x58E0]  }
0x421: {  	v45 =	vld [tilespmem:s30+$0x59E0];
	[tilespmem:s30+$0xF940] =	vst v23  }
0x422: {  	v24 =	vld.idx.msk [tilespmem:v41+s3+$0x0], $0xffff;
	[tilespmem:s30+$0xF9C0] =	vst v19  }
0x423: {  	[tilespmem:s30+$0xF8C0] =	vst v20;
	v19 =	vld.idx.msk [tilespmem:v42+s3+$0x0], $0xffff  }
0x424: {  	v20 =	vld.idx.msk [tilespmem:v37+s3+$0x0], $0xffff  }
0x425: {  	v47 =	vld [tilespmem:s30+$0x5970]  }
0x426: {  	v43 =	vld [tilespmem:s30+$0x58F0]  }
0x427: {  	v48 =	vld [tilespmem:s30+$0x59F0];
	[tilespmem:s30+$0xF950] =	vst v24  }
0x428: {  	v26 =	vld.idx.msk [tilespmem:v44+s3+$0x0], $0xffff;
	[tilespmem:s30+$0xF9D0] =	vst v19  }
0x429: {  	[tilespmem:s30+$0xF8D0] =	vst v20;
	v19 =	vld.idx.msk [tilespmem:v45+s3+$0x0], $0xffff  }
0x42a: {  	v20 =	vld.idx.msk [tilespmem:v40+s3+$0x0], $0xffff  }
0x42b: {  	v50 =	vld [tilespmem:s30+$0x5D00]  }
0x42c: {  	v53 =	vld [tilespmem:s30+$0x5D10]  }
0x42d: {  	v51 =	vld [tilespmem:s30+$0x5D80];
	[tilespmem:s30+$0xF960] =	vst v26  }
0x42e: {  	v25 =	vld.idx.msk [tilespmem:v47+s3+$0x0], $0xffff;
	[tilespmem:s30+$0xF9E0] =	vst v19  }
0x42f: {  	[tilespmem:s30+$0xF8E0] =	vst v20;
	v19 =	vld.idx.msk [tilespmem:v48+s3+$0x0], $0xffff  }
0x430: {  	v20 =	vld.idx.msk [tilespmem:v43+s3+$0x0], $0xffff  }
0x431: {  	v56 =	vld [tilespmem:s30+$0x5D20]  }
0x432: {  	v54 =	vld [tilespmem:s30+$0x5D90]  }
0x433: {  	v49 =	vld [tilespmem:s30+$0x5C90];
	[tilespmem:s30+$0xF970] =	vst v25  }
0x434: {  	v23 =	vld.idx.msk [tilespmem:v50+s3+$0x0], $0xffff;
	[tilespmem:s30+$0xF9F0] =	vst v19  }
0x435: {  	[tilespmem:s30+$0xF8F0] =	vst v20;
	v19 =	vld.idx.msk [tilespmem:v51+s3+$0x0], $0xffff  }
0x436: {  	v20 =	vld.idx.msk [tilespmem:v46+s3+$0x0], $0xffff  }
0x437: {  	v59 =	vld [tilespmem:s30+$0x5D30]  }
0x438: {  	v57 =	vld [tilespmem:s30+$0x5DA0]  }
0x439: {  	v52 =	vld [tilespmem:s30+$0x5CA0];
	[tilespmem:s30+$0xFD00] =	vst v23  }
0x43a: {  	v24 =	vld.idx.msk [tilespmem:v53+s3+$0x0], $0xffff;
	[tilespmem:s30+$0xFD80] =	vst v19  }
0x43b: {  	[tilespmem:s30+$0xFC80] =	vst v20;
	v19 =	vld.idx.msk [tilespmem:v54+s3+$0x0], $0xffff  }
0x43c: {  	v20 =	vld.idx.msk [tilespmem:v49+s3+$0x0], $0xffff  }
0x43d: {  	v62 =	vld [tilespmem:s30+$0x5D40]  }
0x43e: {  	v60 =	vld [tilespmem:s30+$0x5DB0]  }
0x43f: {  	v55 =	vld [tilespmem:s30+$0x5CB0];
	[tilespmem:s30+$0xFD10] =	vst v24  }
0x440: {  	v26 =	vld.idx.msk [tilespmem:v56+s3+$0x0], $0xffff;
	[tilespmem:s30+$0xFD90] =	vst v19  }
0x441: {  	[tilespmem:s30+$0xFC90] =	vst v20;
	v19 =	vld.idx.msk [tilespmem:v57+s3+$0x0], $0xffff  }
0x442: {  	v20 =	vld.idx.msk [tilespmem:v52+s3+$0x0], $0xffff  }
0x443: {  	v29 =	vld [tilespmem:s30+$0x5D50]  }
0x444: {  	v63 =	vld [tilespmem:s30+$0x5DC0]  }
0x445: {  	v58 =	vld [tilespmem:s30+$0x5CC0];
	[tilespmem:s30+$0xFD20] =	vst v26  }
0x446: {  	v25 =	vld.idx.msk [tilespmem:v59+s3+$0x0], $0xffff;
	[tilespmem:s30+$0xFDA0] =	vst v19  }
0x447: {  	[tilespmem:s30+$0xFCA0] =	vst v20;
	v19 =	vld.idx.msk [tilespmem:v60+s3+$0x0], $0xffff  }
0x448: {  	v20 =	vld.idx.msk [tilespmem:v55+s3+$0x0], $0xffff  }
0x449: {  	v32 =	vld [tilespmem:s30+$0x5D60]  }
0x44a: {  	v30 =	vld [tilespmem:s30+$0x5DD0]  }
0x44b: {  	v61 =	vld [tilespmem:s30+$0x5CD0];
	[tilespmem:s30+$0xFD30] =	vst v25  }
0x44c: {  	v23 =	vld.idx.msk [tilespmem:v62+s3+$0x0], $0xffff;
	[tilespmem:s30+$0xFDB0] =	vst v19  }
0x44d: {  	[tilespmem:s30+$0xFCB0] =	vst v20;
	v19 =	vld.idx.msk [tilespmem:v63+s3+$0x0], $0xffff  }
0x44e: {  	v20 =	vld.idx.msk [tilespmem:v58+s3+$0x0], $0xffff  }
0x44f: {  	v35 =	vld [tilespmem:s30+$0x5D70]  }
0x450: {  	v33 =	vld [tilespmem:s30+$0x5DE0]  }
0x451: {  	v28 =	vld [tilespmem:s30+$0x5CE0];
	[tilespmem:s30+$0xFD40] =	vst v23  }
0x452: {  	v24 =	vld.idx.msk [tilespmem:v29+s3+$0x0], $0xffff;
	[tilespmem:s30+$0xFDC0] =	vst v19  }
0x453: {  	[tilespmem:s30+$0xFCC0] =	vst v20;
	v19 =	vld.idx.msk [tilespmem:v30+s3+$0x0], $0xffff  }
0x454: {  	v20 =	vld.idx.msk [tilespmem:v61+s3+$0x0], $0xffff  }
0x455: {  	v38 =	vld [tilespmem:s30+$0x6100]  }
0x456: {  	v36 =	vld [tilespmem:s30+$0x5DF0]  }
0x457: {  	v31 =	vld [tilespmem:s30+$0x5CF0];
	[tilespmem:s30+$0xFD50] =	vst v24  }
0x458: {  	v26 =	vld.idx.msk [tilespmem:v32+s3+$0x0], $0xffff;
	[tilespmem:s30+$0xFDD0] =	vst v19  }
0x459: {  	[tilespmem:s30+$0xFCD0] =	vst v20;
	v19 =	vld.idx.msk [tilespmem:v33+s3+$0x0], $0xffff  }
0x45a: {  	v20 =	vld.idx.msk [tilespmem:v28+s3+$0x0], $0xffff  }
0x45b: {  	v41 =	vld [tilespmem:s30+$0x6110]  }
0x45c: {  	v39 =	vld [tilespmem:s30+$0x6180]  }
0x45d: {  	v34 =	vld [tilespmem:s30+$0x6080];
	[tilespmem:s30+$0xFD60] =	vst v26  }
0x45e: {  	v25 =	vld.idx.msk [tilespmem:v35+s3+$0x0], $0xffff;
	[tilespmem:s30+$0xFDE0] =	vst v19  }
0x45f: {  	[tilespmem:s30+$0xFCE0] =	vst v20;
	v19 =	vld.idx.msk [tilespmem:v36+s3+$0x0], $0xffff  }
0x460: {  	v20 =	vld.idx.msk [tilespmem:v31+s3+$0x0], $0xffff  }
0x461: {  	v44 =	vld [tilespmem:s30+$0x6120]  }
0x462: {  	v42 =	vld [tilespmem:s30+$0x6190]  }
0x463: {  	v37 =	vld [tilespmem:s30+$0x6090];
	[tilespmem:s30+$0xFD70] =	vst v25  }
0x464: {  	v23 =	vld.idx.msk [tilespmem:v38+s3+$0x0], $0xffff;
	[tilespmem:s30+$0xFDF0] =	vst v19  }
0x465: {  	[tilespmem:s30+$0xFCF0] =	vst v20;
	v19 =	vld.idx.msk [tilespmem:v39+s3+$0x0], $0xffff  }
0x466: {  	v20 =	vld.idx.msk [tilespmem:v34+s3+$0x0], $0xffff  }
0x467: {  	v47 =	vld [tilespmem:s30+$0x6130]  }
0x468: {  	v45 =	vld [tilespmem:s30+$0x61A0]  }
0x469: {  	v40 =	vld [tilespmem:s30+$0x60A0];
	[tilespmem:s30+$0x10100] =	vst v23  }
0x46a: {  	v24 =	vld.idx.msk [tilespmem:v41+s3+$0x0], $0xffff;
	[tilespmem:s30+$0x10180] =	vst v19  }
0x46b: {  	[tilespmem:s30+$0x10080] =	vst v20;
	v19 =	vld.idx.msk [tilespmem:v42+s3+$0x0], $0xffff  }
0x46c: {  	v20 =	vld.idx.msk [tilespmem:v37+s3+$0x0], $0xffff  }
0x46d: {  	v50 =	vld [tilespmem:s30+$0x6140]  }
0x46e: {  	v48 =	vld [tilespmem:s30+$0x61B0]  }
0x46f: {  	v43 =	vld [tilespmem:s30+$0x60B0];
	[tilespmem:s30+$0x10110] =	vst v24  }
0x470: {  	v26 =	vld.idx.msk [tilespmem:v44+s3+$0x0], $0xffff;
	[tilespmem:s30+$0x10190] =	vst v19  }
0x471: {  	[tilespmem:s30+$0x10090] =	vst v20;
	v19 =	vld.idx.msk [tilespmem:v45+s3+$0x0], $0xffff  }
0x472: {  	v20 =	vld.idx.msk [tilespmem:v40+s3+$0x0], $0xffff  }
0x473: {  	v53 =	vld [tilespmem:s30+$0x6150]  }
0x474: {  	v51 =	vld [tilespmem:s30+$0x61C0]  }
0x475: {  	v46 =	vld [tilespmem:s30+$0x60C0];
	[tilespmem:s30+$0x10120] =	vst v26  }
0x476: {  	v25 =	vld.idx.msk [tilespmem:v47+s3+$0x0], $0xffff;
	[tilespmem:s30+$0x101A0] =	vst v19  }
0x477: {  	[tilespmem:s30+$0x100A0] =	vst v20;
	v19 =	vld.idx.msk [tilespmem:v48+s3+$0x0], $0xffff  }
0x478: {  	v20 =	vld.idx.msk [tilespmem:v43+s3+$0x0], $0xffff  }
0x479: {  	v56 =	vld [tilespmem:s30+$0x6160]  }
0x47a: {  	v54 =	vld [tilespmem:s30+$0x61D0]  }
0x47b: {  	v49 =	vld [tilespmem:s30+$0x60D0];
	[tilespmem:s30+$0x10130] =	vst v25  }
0x47c: {  	v23 =	vld.idx.msk [tilespmem:v50+s3+$0x0], $0xffff;
	[tilespmem:s30+$0x101B0] =	vst v19  }
0x47d: {  	[tilespmem:s30+$0x100B0] =	vst v20;
	v19 =	vld.idx.msk [tilespmem:v51+s3+$0x0], $0xffff  }
0x47e: {  	v20 =	vld.idx.msk [tilespmem:v46+s3+$0x0], $0xffff  }
0x47f: {  	v59 =	vld [tilespmem:s30+$0x6170]  }
0x480: {  	v57 =	vld [tilespmem:s30+$0x61E0]  }
0x481: {  	v52 =	vld [tilespmem:s30+$0x60E0];
	[tilespmem:s30+$0x10140] =	vst v23  }
0x482: {  	v24 =	vld.idx.msk [tilespmem:v53+s3+$0x0], $0xffff;
	[tilespmem:s30+$0x101C0] =	vst v19  }
0x483: {  	[tilespmem:s30+$0x100C0] =	vst v20;
	v19 =	vld.idx.msk [tilespmem:v54+s3+$0x0], $0xffff  }
0x484: {  	v20 =	vld.idx.msk [tilespmem:v49+s3+$0x0], $0xffff  }
0x485: {  	v55 =	vld [tilespmem:s30+$0x6070]  }
0x486: {  	v60 =	vld [tilespmem:s30+$0x61F0]  }
0x487: {  	v58 =	vld [tilespmem:s30+$0x60F0];
	[tilespmem:s30+$0x10150] =	vst v24  }
0x488: {  	v61 =	vld.idx.msk [tilespmem:v56+s3+$0x0], $0xffff;
	[tilespmem:s30+$0x101D0] =	vst v19  }
0x489: {  	[tilespmem:s30+$0x100D0] =	vst v20;
	v15 =	vld.idx.msk [tilespmem:v57+s3+$0x0], $0xffff  }
0x48a: {  	[tilespmem:s30+$0xFFE0] =	vst v17;
	v20 =	vld.idx.msk [tilespmem:v52+s3+$0x0], $0xffff  }
0x48b: {  	[tilespmem:s30+$0xFF70] =	vst v14  }
0x48c: {  	v16 =	vld.idx.msk [tilespmem:v16+s3+$0x0], $0xffff;
	[tilespmem:s30+$0x10060] =	vst v18  }
0x48d: {  	v62 =	vld.idx.msk [tilespmem:v55+s3+$0x0], $0xffff;
	[tilespmem:s30+$0x10160] =	vst v61  }
0x48e: {  	[tilespmem:s30+$0x101E0] =	vst v15;
	v15 =	vld.idx.msk [tilespmem:v59+s3+$0x0], $0xffff  }
0x48f: {  	[tilespmem:s30+$0x100E0] =	vst v20;
	v14 =	vld.idx.msk [tilespmem:v60+s3+$0x0], $0xffff  }
0x490: {  	p0 =	slt.u32 s29, $0x20;
	v63 =	vld.idx.msk [tilespmem:v58+s3+$0x0], $0xffff  }
.Ltmp1:
0x491: {  	[tilespmem:s30+$0xFFF0] =	vst v16;
	(pc) =	sbr.rel @p0 .LBB2_4-.Ltmp1, $4  }
0x492: {  	[tilespmem:s30+$0x10070] =	vst v62  }
0x493: {  	[tilespmem:s30+$0x10170] =	vst v15  }
0x494: {  	[tilespmem:s30+$0x101F0] =	vst v14  }
0x495: {  	s29 =	sadd.s32 $0x8, s29;
	[tilespmem:s30+$0x100F0] =	vst v63  }
0x496: {  	s29 =	simm.s32 $0xF200  }
0x497: {  	[hbm4b:s8+s22] =	stream.strided.scatter [tilespmem:s29], [sflag:$0x2], $0x400, s23, s22, $0x38;
	[tilespmem:$0x14200] =	vst v63  }
0x498: {  	s30 =	simm.s32 $0xF600;
	s29 =	sadd.s32 $0x10, s8  }
0x499: {  	[hbm4b:s29+s22] =	stream.strided.scatter [tilespmem:s30], [sflag:$0x2], $0x400, s23, s22, $0x38;
	[tilespmem:$0x14200] =	vst v63  }
0x49a: {  	s31 =	simm.s32 $0xFA00;
	s29 =	sadd.s32 $0x20, s8  }
0x49b: {  	[hbm4b:s29+s22] =	stream.strided.scatter [tilespmem:s31], [sflag:$0x2], $0x400, s23, s22, $0x38;
	[tilespmem:$0x14200] =	vst v63  }
0x49c: {  	s29 =	sadd.s32 $0x30, s8;
	s31 =	simm.s32 $0xFE00  }
0x49d: {  	[hbm4b:s29+s22] =	stream.strided.scatter [tilespmem:s31], [sflag:$0x2], $0x400, s23, s22, $0x38;
	[tilespmem:$0x14200] =	vst v63  }
0x49e: {  	s29 =	sadd.s32 $0x4000, s8;
	s31 =	simm.s32 $0x10200  }
0x49f: {  	[hbm4b:s29+s22] =	stream.strided.scatter [tilespmem:s31], [sflag:$0x2], $0x400, s23, s22, $0x38;
	[tilespmem:$0x14200] =	vst v63  }
0x4a0: {  	s29 =	sadd.s32 $0x4010, s8;
	s31 =	simm.s32 $0x10600  }
0x4a1: {  	[hbm4b:s29+s22] =	stream.strided.scatter [tilespmem:s31], [sflag:$0x2], $0x400, s23, s22, $0x38;
	[tilespmem:$0x14200] =	vst v63  }
0x4a2: {  	s29 =	sadd.s32 $0x4020, s8;
	s31 =	simm.s32 $0x10A00  }
0x4a3: {  	[hbm4b:s29+s22] =	stream.strided.scatter [tilespmem:s31], [sflag:$0x2], $0x400, s23, s22, $0x38;
	[tilespmem:$0x14200] =	vst v63  }
0x4a4: {  	s29 =	sadd.s32 $0x4030, s8;
	s31 =	simm.s32 $0x10E00  }
0x4a5: {  	[hbm4b:s29+s22] =	stream.strided.scatter [tilespmem:s31], [sflag:$0x2], $0x400, s23, s22, $0x38;
	[tilespmem:$0x14200] =	vst v63  }
0x4a6: {  	s29 =	sadd.s32 $0x8000, s8;
	s31 =	simm.s32 $0x11200  }
0x4a7: {  	[hbm4b:s29+s22] =	stream.strided.scatter [tilespmem:s31], [sflag:$0x2], $0x400, s23, s22, $0x38;
	[tilespmem:$0x14200] =	vst v63  }
0x4a8: {  	s29 =	sadd.s32 $0x8010, s8;
	s31 =	simm.s32 $0x11600  }
0x4a9: {  	[hbm4b:s29+s22] =	stream.strided.scatter [tilespmem:s31], [sflag:$0x2], $0x400, s23, s22, $0x38;
	[tilespmem:$0x14200] =	vst v63  }
0x4aa: {  	s29 =	sadd.s32 $0x8020, s8;
	s31 =	simm.s32 $0x11A00  }
0x4ab: {  	[hbm4b:s29+s22] =	stream.strided.scatter [tilespmem:s31], [sflag:$0x2], $0x400, s23, s22, $0x38;
	[tilespmem:$0x14200] =	vst v63  }
0x4ac: {  	s29 =	sadd.s32 $0x8030, s8;
	s31 =	simm.s32 $0x11E00  }
0x4ad: {  	[hbm4b:s29+s22] =	stream.strided.scatter [tilespmem:s31], [sflag:$0x2], $0x400, s23, s22, $0x38;
	[tilespmem:$0x14200] =	vst v63  }
0x4ae: {  	s29 =	sadd.s32 $0xC000, s8;
	s31 =	simm.s32 $0x12200  }
0x4af: {  	[hbm4b:s29+s22] =	stream.strided.scatter [tilespmem:s31], [sflag:$0x2], $0x400, s23, s22, $0x38;
	[tilespmem:$0x14200] =	vst v63  }
0x4b0: {  	s29 =	sadd.s32 $0xC010, s8;
	s31 =	simm.s32 $0x12600  }
0x4b1: {  	[hbm4b:s29+s22] =	stream.strided.scatter [tilespmem:s31], [sflag:$0x2], $0x400, s23, s22, $0x38;
	[tilespmem:$0x14200] =	vst v63  }
0x4b2: {  	s29 =	sadd.s32 $0xC020, s8;
	s31 =	simm.s32 $0x12A00  }
0x4b3: {  	[hbm4b:s29+s22] =	stream.strided.scatter [tilespmem:s31], [sflag:$0x2], $0x400, s23, s22, $0x38;
	[tilespmem:$0x14200] =	vst v63  }
0x4b4: {  	s29 =	sadd.s32 $0xC030, s8;
	s31 =	simm.s32 $0x12E00  }
0x4b5: {  	[hbm4b:s29+s22] =	stream.strided.scatter [tilespmem:s31], [sflag:$0x2], $0x400, s23, s22, $0x38;
	[tilespmem:$0x14200] =	vst v63  }
0x4b6: {  	s29 =	sadd.s32 $0x10000, s8;
	s31 =	simm.s32 $0x13200  }
0x4b7: {  	[hbm4b:s29+s22] =	stream.strided.scatter [tilespmem:s31], [sflag:$0x2], $0x400, s23, s22, $0x38;
	[tilespmem:$0x14200] =	vst v63  }
0x4b8: {  	s30 =	sadd.s32 $0x10, s29;
	s31 =	simm.s32 $0x13600  }
0x4b9: {  	[hbm4b:s30+s22] =	stream.strided.scatter [tilespmem:s31], [sflag:$0x2], $0x400, s23, s22, $0x38;
	[tilespmem:$0x14200] =	vst v63  }
0x4ba: {  	s30 =	sadd.s32 $0x20, s29;
	s31 =	simm.s32 $0x13A00  }
0x4bb: {  	[hbm4b:s30+s22] =	stream.strided.scatter [tilespmem:s31], [sflag:$0x2], $0x400, s23, s22, $0x38;
	[tilespmem:$0x14200] =	vst v63  }
0x4bc: {  	s29 =	sadd.s32 $0x30, s29;
	s31 =	simm.s32 $0x13E00  }
0x4bd: {  	[hbm4b:s29+s22] =	stream.strided.scatter [tilespmem:s31], [sflag:$0x2], $0x400, s23, s22, $0x38;
	[tilespmem:$0x14200] =	vst v63  }
0x4be: {  	s29 =	rddreg [dreg:$0x7];
	s31 =	simm.s32 $0x5200  }
0x4bf: {  	[tilespmem:s31], [sflag:$0x1] =	stream.strided.gather [hbm4b:s29+s15], $0x5000, s16, s15, $0x38;
	[tilespmem:$0x14200] =	vst v63  }
0x4c0: {  	_ =	swait.ge [sflag:s21], $0x5000  }
0x4c1: {  	[sflag:s21] =	ssyncset.done $0x0  }
0x4c2: {  	[sflag:s21] =	ssyncadd.s32 $0xFFFFB000  }
0x4c3: {  	_ =	swait.ge [sflag:s26], $0x5000  }
0x4c4: {  	[sflag:s26] =	ssyncset.done $0x0  }
0x4c5: {  	s29 =	simm.s32 $0x0;
	[sflag:s26] =	ssyncadd.s32 $0xFFFFB000  }
.LBB2_6:
0x4c6: {  	s30 =	sshll.u32 s29, $0x9  }
0x4c7: {  	v14 =	vld [tilespmem:s30+$0x200];
	_ =	sdelay $0x2  }
0x4c8: {  	v15 =	vld [tilespmem:s30+$0x280];
	_ =	sdelay $0x2  }
0x4c9: {  	v16 =	vld [tilespmem:s30+$0x210];
	_ =	sdelay $0x1  }
0x4ca: {  	v14 =	vld.idx.msk [tilespmem:v14+s3+$0x0], $0xffff  }
0x4cb: {  	v17 =	vld [tilespmem:s30+$0x290];
	_ =	sdelay $0x1  }
0x4cc: {  	v15 =	vld.idx.msk [tilespmem:v15+s3+$0x0], $0xffff  }
0x4cd: {  	v18 =	vld [tilespmem:s30+$0x220]  }
0x4ce: {  	[tilespmem:s30+$0xA200] =	vst v14  }
0x4cf: {  	v14 =	vld.idx.msk [tilespmem:v16+s3+$0x0], $0xffff  }
0x4d0: {  	v49 =	vld [tilespmem:s30+$0x2A0]  }
0x4d1: {  	[tilespmem:s30+$0xA280] =	vst v15  }
0x4d2: {  	v15 =	vld.idx.msk [tilespmem:v17+s3+$0x0], $0xffff  }
0x4d3: {  	v19 =	vld [tilespmem:s30+$0x230]  }
0x4d4: {  	[tilespmem:s30+$0xA210] =	vst v14  }
0x4d5: {  	v14 =	vld.idx.msk [tilespmem:v18+s3+$0x0], $0xffff  }
0x4d6: {  	v50 =	vld [tilespmem:s30+$0x2B0]  }
0x4d7: {  	[tilespmem:s30+$0xA290] =	vst v15  }
0x4d8: {  	v15 =	vld.idx.msk [tilespmem:v49+s3+$0x0], $0xffff  }
0x4d9: {  	v51 =	vld [tilespmem:s30+$0x240]  }
0x4da: {  	[tilespmem:s30+$0xA220] =	vst v14  }
0x4db: {  	v14 =	vld.idx.msk [tilespmem:v19+s3+$0x0], $0xffff  }
0x4dc: {  	v52 =	vld [tilespmem:s30+$0x2C0]  }
0x4dd: {  	[tilespmem:s30+$0xA2A0] =	vst v15  }
0x4de: {  	v15 =	vld.idx.msk [tilespmem:v50+s3+$0x0], $0xffff  }
0x4df: {  	v53 =	vld [tilespmem:s30+$0x250]  }
0x4e0: {  	[tilespmem:s30+$0xA230] =	vst v14  }
0x4e1: {  	v14 =	vld.idx.msk [tilespmem:v51+s3+$0x0], $0xffff  }
0x4e2: {  	v54 =	vld [tilespmem:s30+$0x2D0]  }
0x4e3: {  	[tilespmem:s30+$0xA2B0] =	vst v15  }
0x4e4: {  	v15 =	vld.idx.msk [tilespmem:v52+s3+$0x0], $0xffff  }
0x4e5: {  	v55 =	vld [tilespmem:s30+$0x260]  }
0x4e6: {  	[tilespmem:s30+$0xA240] =	vst v14  }
0x4e7: {  	v14 =	vld.idx.msk [tilespmem:v53+s3+$0x0], $0xffff  }
0x4e8: {  	v56 =	vld [tilespmem:s30+$0x2E0]  }
0x4e9: {  	[tilespmem:s30+$0xA2C0] =	vst v15  }
0x4ea: {  	v15 =	vld.idx.msk [tilespmem:v54+s3+$0x0], $0xffff  }
0x4eb: {  	v57 =	vld [tilespmem:s30+$0x270]  }
0x4ec: {  	[tilespmem:s30+$0xA250] =	vst v14  }
0x4ed: {  	v14 =	vld.idx.msk [tilespmem:v55+s3+$0x0], $0xffff  }
0x4ee: {  	v59 =	vld [tilespmem:s30+$0x2F0]  }
0x4ef: {  	[tilespmem:s30+$0xA2D0] =	vst v15;
	v15 =	vld [tilespmem:s30+$0x300]  }
0x4f0: {  	v16 =	vld.idx.msk [tilespmem:v56+s3+$0x0], $0xffff;
	_ =	sdelay $0x1  }
0x4f1: {  	v58 =	vld [tilespmem:s30+$0x600];
	[tilespmem:s30+$0xA260] =	vst v14  }
0x4f2: {  	v14 =	vld.idx.msk [tilespmem:v57+s3+$0x0], $0xffff  }
0x4f3: {  	v20 =	vld [tilespmem:s30+$0x680]  }
0x4f4: {  	v61 =	vld [tilespmem:s30+$0x310];
	[tilespmem:s30+$0xA2E0] =	vst v16  }
0x4f5: {  	v18 =	vld.idx.msk [tilespmem:v59+s3+$0x0], $0xffff  }
0x4f6: {  	v60 =	vld [tilespmem:s30+$0x610]  }
0x4f7: {  	[tilespmem:s30+$0xA270] =	vst v14;
	v14 =	vld.idx.msk [tilespmem:v15+s3+$0x0], $0xffff  }
0x4f8: {  	v21 =	vld [tilespmem:s30+$0x690]  }
0x4f9: {  	v63 =	vld [tilespmem:s30+$0x320]  }
0x4fa: {  	[tilespmem:s30+$0xA2F0] =	vst v18;
	v15 =	vld.idx.msk [tilespmem:v58+s3+$0x0], $0xffff  }
0x4fb: {  	v20 =	vld.idx.msk [tilespmem:v20+s3+$0x0], $0xffff  }
0x4fc: {  	v62 =	vld [tilespmem:s30+$0x620];
	[tilespmem:s30+$0xA300] =	vst v14  }
0x4fd: {  	v14 =	vld.idx.msk [tilespmem:v61+s3+$0x0], $0xffff  }
0x4fe: {  	v25 =	vld [tilespmem:s30+$0x6A0]  }
0x4ff: {  	v26 =	vld [tilespmem:s30+$0x330];
	[tilespmem:s30+$0xA600] =	vst v15  }
0x500: {  	[tilespmem:s30+$0xA680] =	vst v20;
	v15 =	vld.idx.msk [tilespmem:v60+s3+$0x0], $0xffff  }
0x501: {  	v21 =	vld.idx.msk [tilespmem:v21+s3+$0x0], $0xffff  }
0x502: {  	v24 =	vld [tilespmem:s30+$0x630];
	[tilespmem:s30+$0xA310] =	vst v14  }
0x503: {  	v14 =	vld.idx.msk [tilespmem:v63+s3+$0x0], $0xffff  }
0x504: {  	v28 =	vld [tilespmem:s30+$0x6B0]  }
0x505: {  	v29 =	vld [tilespmem:s30+$0x340];
	[tilespmem:s30+$0xA610] =	vst v15  }
0x506: {  	[tilespmem:s30+$0xA690] =	vst v21;
	v15 =	vld.idx.msk [tilespmem:v62+s3+$0x0], $0xffff  }
0x507: {  	v19 =	vld.idx.msk [tilespmem:v25+s3+$0x0], $0xffff  }
0x508: {  	v27 =	vld [tilespmem:s30+$0x640];
	[tilespmem:s30+$0xA320] =	vst v14  }
0x509: {  	v14 =	vld.idx.msk [tilespmem:v26+s3+$0x0], $0xffff  }
0x50a: {  	v31 =	vld [tilespmem:s30+$0x6C0]  }
0x50b: {  	v32 =	vld [tilespmem:s30+$0x350];
	[tilespmem:s30+$0xA620] =	vst v15  }
0x50c: {  	[tilespmem:s30+$0xA6A0] =	vst v19;
	v15 =	vld.idx.msk [tilespmem:v24+s3+$0x0], $0xffff  }
0x50d: {  	v18 =	vld.idx.msk [tilespmem:v28+s3+$0x0], $0xffff  }
0x50e: {  	v30 =	vld [tilespmem:s30+$0x650];
	[tilespmem:s30+$0xA330] =	vst v14  }
0x50f: {  	v14 =	vld.idx.msk [tilespmem:v29+s3+$0x0], $0xffff  }
0x510: {  	v34 =	vld [tilespmem:s30+$0x6D0]  }
0x511: {  	v35 =	vld [tilespmem:s30+$0x360];
	[tilespmem:s30+$0xA630] =	vst v15  }
0x512: {  	[tilespmem:s30+$0xA6B0] =	vst v18;
	v15 =	vld.idx.msk [tilespmem:v27+s3+$0x0], $0xffff  }
0x513: {  	v20 =	vld.idx.msk [tilespmem:v31+s3+$0x0], $0xffff  }
0x514: {  	v33 =	vld [tilespmem:s30+$0x660];
	[tilespmem:s30+$0xA340] =	vst v14  }
0x515: {  	v14 =	vld.idx.msk [tilespmem:v32+s3+$0x0], $0xffff  }
0x516: {  	v37 =	vld [tilespmem:s30+$0x6E0]  }
0x517: {  	v38 =	vld [tilespmem:s30+$0x370];
	[tilespmem:s30+$0xA640] =	vst v15  }
0x518: {  	[tilespmem:s30+$0xA6C0] =	vst v20;
	v15 =	vld.idx.msk [tilespmem:v30+s3+$0x0], $0xffff  }
0x519: {  	v21 =	vld.idx.msk [tilespmem:v34+s3+$0x0], $0xffff  }
0x51a: {  	v36 =	vld [tilespmem:s30+$0x670];
	[tilespmem:s30+$0xA350] =	vst v14  }
0x51b: {  	v14 =	vld.idx.msk [tilespmem:v35+s3+$0x0], $0xffff  }
0x51c: {  	v40 =	vld [tilespmem:s30+$0x6F0]  }
0x51d: {  	v41 =	vld [tilespmem:s30+$0x700];
	[tilespmem:s30+$0xA650] =	vst v15  }
0x51e: {  	[tilespmem:s30+$0xA6D0] =	vst v21;
	v15 =	vld.idx.msk [tilespmem:v33+s3+$0x0], $0xffff  }
0x51f: {  	v19 =	vld.idx.msk [tilespmem:v37+s3+$0x0], $0xffff  }
0x520: {  	v39 =	vld [tilespmem:s30+$0xA00];
	[tilespmem:s30+$0xA360] =	vst v14  }
0x521: {  	v14 =	vld.idx.msk [tilespmem:v38+s3+$0x0], $0xffff  }
0x522: {  	v43 =	vld [tilespmem:s30+$0xA80]  }
0x523: {  	v44 =	vld [tilespmem:s30+$0x710];
	[tilespmem:s30+$0xA660] =	vst v15  }
0x524: {  	[tilespmem:s30+$0xA6E0] =	vst v19;
	v15 =	vld.idx.msk [tilespmem:v36+s3+$0x0], $0xffff  }
0x525: {  	v18 =	vld.idx.msk [tilespmem:v40+s3+$0x0], $0xffff  }
0x526: {  	v42 =	vld [tilespmem:s30+$0xA10];
	[tilespmem:s30+$0xA370] =	vst v14  }
0x527: {  	v14 =	vld.idx.msk [tilespmem:v41+s3+$0x0], $0xffff  }
0x528: {  	v46 =	vld [tilespmem:s30+$0xA90]  }
0x529: {  	v47 =	vld [tilespmem:s30+$0x720];
	[tilespmem:s30+$0xA670] =	vst v15  }
0x52a: {  	[tilespmem:s30+$0xA6F0] =	vst v18;
	v15 =	vld.idx.msk [tilespmem:v39+s3+$0x0], $0xffff  }
0x52b: {  	v20 =	vld.idx.msk [tilespmem:v43+s3+$0x0], $0xffff  }
0x52c: {  	v45 =	vld [tilespmem:s30+$0xA20];
	[tilespmem:s30+$0xA700] =	vst v14  }
0x52d: {  	v14 =	vld.idx.msk [tilespmem:v44+s3+$0x0], $0xffff  }
0x52e: {  	v49 =	vld [tilespmem:s30+$0xAA0]  }
0x52f: {  	v50 =	vld [tilespmem:s30+$0x730];
	[tilespmem:s30+$0xAA00] =	vst v15  }
0x530: {  	[tilespmem:s30+$0xAA80] =	vst v20;
	v15 =	vld.idx.msk [tilespmem:v42+s3+$0x0], $0xffff  }
0x531: {  	v21 =	vld.idx.msk [tilespmem:v46+s3+$0x0], $0xffff  }
0x532: {  	v48 =	vld [tilespmem:s30+$0xA30];
	[tilespmem:s30+$0xA710] =	vst v14  }
0x533: {  	v14 =	vld.idx.msk [tilespmem:v47+s3+$0x0], $0xffff  }
0x534: {  	v52 =	vld [tilespmem:s30+$0xAB0]  }
0x535: {  	v53 =	vld [tilespmem:s30+$0x740];
	[tilespmem:s30+$0xAA10] =	vst v15  }
0x536: {  	[tilespmem:s30+$0xAA90] =	vst v21;
	v15 =	vld.idx.msk [tilespmem:v45+s3+$0x0], $0xffff  }
0x537: {  	v19 =	vld.idx.msk [tilespmem:v49+s3+$0x0], $0xffff  }
0x538: {  	v51 =	vld [tilespmem:s30+$0xA40];
	[tilespmem:s30+$0xA720] =	vst v14  }
0x539: {  	v14 =	vld.idx.msk [tilespmem:v50+s3+$0x0], $0xffff  }
0x53a: {  	v55 =	vld [tilespmem:s30+$0xAC0]  }
0x53b: {  	v56 =	vld [tilespmem:s30+$0x750];
	[tilespmem:s30+$0xAA20] =	vst v15  }
0x53c: {  	[tilespmem:s30+$0xAAA0] =	vst v19;
	v15 =	vld.idx.msk [tilespmem:v48+s3+$0x0], $0xffff  }
0x53d: {  	v18 =	vld.idx.msk [tilespmem:v52+s3+$0x0], $0xffff  }
0x53e: {  	v54 =	vld [tilespmem:s30+$0xA50];
	[tilespmem:s30+$0xA730] =	vst v14  }
0x53f: {  	v14 =	vld.idx.msk [tilespmem:v53+s3+$0x0], $0xffff  }
0x540: {  	v59 =	vld [tilespmem:s30+$0x760]  }
0x541: {  	v58 =	vld [tilespmem:s30+$0xAD0];
	[tilespmem:s30+$0xAA30] =	vst v15  }
0x542: {  	[tilespmem:s30+$0xAAB0] =	vst v18;
	v15 =	vld.idx.msk [tilespmem:v51+s3+$0x0], $0xffff  }
0x543: {  	v20 =	vld.idx.msk [tilespmem:v55+s3+$0x0], $0xffff  }
0x544: {  	v57 =	vld [tilespmem:s30+$0xA60];
	[tilespmem:s30+$0xA740] =	vst v14  }
0x545: {  	v14 =	vld.idx.msk [tilespmem:v56+s3+$0x0], $0xffff  }
0x546: {  	v61 =	vld [tilespmem:s30+$0xAE0]  }
0x547: {  	v62 =	vld [tilespmem:s30+$0x770];
	[tilespmem:s30+$0xAA40] =	vst v15  }
0x548: {  	[tilespmem:s30+$0xAAC0] =	vst v20;
	v15 =	vld.idx.msk [tilespmem:v54+s3+$0x0], $0xffff  }
0x549: {  	v21 =	vld.idx.msk [tilespmem:v58+s3+$0x0], $0xffff  }
0x54a: {  	v60 =	vld [tilespmem:s30+$0xA70];
	[tilespmem:s30+$0xA750] =	vst v14  }
0x54b: {  	v14 =	vld.idx.msk [tilespmem:v59+s3+$0x0], $0xffff  }
0x54c: {  	v25 =	vld [tilespmem:s30+$0xB00]  }
0x54d: {  	v24 =	vld [tilespmem:s30+$0xAF0];
	[tilespmem:s30+$0xAA50] =	vst v15  }
0x54e: {  	[tilespmem:s30+$0xAAD0] =	vst v21;
	v15 =	vld.idx.msk [tilespmem:v57+s3+$0x0], $0xffff  }
0x54f: {  	v19 =	vld.idx.msk [tilespmem:v61+s3+$0x0], $0xffff  }
0x550: {  	v63 =	vld [tilespmem:s30+$0xE00];
	[tilespmem:s30+$0xA760] =	vst v14  }
0x551: {  	v14 =	vld.idx.msk [tilespmem:v62+s3+$0x0], $0xffff  }
0x552: {  	v28 =	vld [tilespmem:s30+$0xB10]  }
0x553: {  	v27 =	vld [tilespmem:s30+$0xE80];
	[tilespmem:s30+$0xAA60] =	vst v15  }
0x554: {  	[tilespmem:s30+$0xAAE0] =	vst v19;
	v15 =	vld.idx.msk [tilespmem:v60+s3+$0x0], $0xffff  }
0x555: {  	v18 =	vld.idx.msk [tilespmem:v24+s3+$0x0], $0xffff  }
0x556: {  	v26 =	vld [tilespmem:s30+$0xE10];
	[tilespmem:s30+$0xA770] =	vst v14  }
0x557: {  	v14 =	vld.idx.msk [tilespmem:v25+s3+$0x0], $0xffff  }
0x558: {  	v31 =	vld [tilespmem:s30+$0xB20]  }
0x559: {  	v30 =	vld [tilespmem:s30+$0xE90];
	[tilespmem:s30+$0xAA70] =	vst v15  }
0x55a: {  	[tilespmem:s30+$0xAAF0] =	vst v18;
	v15 =	vld.idx.msk [tilespmem:v63+s3+$0x0], $0xffff  }
0x55b: {  	v20 =	vld.idx.msk [tilespmem:v27+s3+$0x0], $0xffff  }
0x55c: {  	v29 =	vld [tilespmem:s30+$0xE20];
	[tilespmem:s30+$0xAB00] =	vst v14  }
0x55d: {  	v14 =	vld.idx.msk [tilespmem:v28+s3+$0x0], $0xffff  }
0x55e: {  	v34 =	vld [tilespmem:s30+$0xB30]  }
0x55f: {  	v33 =	vld [tilespmem:s30+$0xEA0];
	[tilespmem:s30+$0xAE00] =	vst v15  }
0x560: {  	[tilespmem:s30+$0xAE80] =	vst v20;
	v15 =	vld.idx.msk [tilespmem:v26+s3+$0x0], $0xffff  }
0x561: {  	v21 =	vld.idx.msk [tilespmem:v30+s3+$0x0], $0xffff  }
0x562: {  	v32 =	vld [tilespmem:s30+$0xE30];
	[tilespmem:s30+$0xAB10] =	vst v14  }
0x563: {  	v14 =	vld.idx.msk [tilespmem:v31+s3+$0x0], $0xffff  }
0x564: {  	v37 =	vld [tilespmem:s30+$0xB40]  }
0x565: {  	v36 =	vld [tilespmem:s30+$0xEB0];
	[tilespmem:s30+$0xAE10] =	vst v15  }
0x566: {  	[tilespmem:s30+$0xAE90] =	vst v21;
	v15 =	vld.idx.msk [tilespmem:v29+s3+$0x0], $0xffff  }
0x567: {  	v19 =	vld.idx.msk [tilespmem:v33+s3+$0x0], $0xffff  }
0x568: {  	v35 =	vld [tilespmem:s30+$0xE40];
	[tilespmem:s30+$0xAB20] =	vst v14  }
0x569: {  	v14 =	vld.idx.msk [tilespmem:v34+s3+$0x0], $0xffff  }
0x56a: {  	v40 =	vld [tilespmem:s30+$0xB50]  }
0x56b: {  	v39 =	vld [tilespmem:s30+$0xEC0];
	[tilespmem:s30+$0xAE20] =	vst v15  }
0x56c: {  	[tilespmem:s30+$0xAEA0] =	vst v19;
	v15 =	vld.idx.msk [tilespmem:v32+s3+$0x0], $0xffff  }
0x56d: {  	v18 =	vld.idx.msk [tilespmem:v36+s3+$0x0], $0xffff  }
0x56e: {  	v38 =	vld [tilespmem:s30+$0xE50];
	[tilespmem:s30+$0xAB30] =	vst v14  }
0x56f: {  	v14 =	vld.idx.msk [tilespmem:v37+s3+$0x0], $0xffff  }
0x570: {  	v43 =	vld [tilespmem:s30+$0xB60]  }
0x571: {  	v42 =	vld [tilespmem:s30+$0xED0];
	[tilespmem:s30+$0xAE30] =	vst v15  }
0x572: {  	[tilespmem:s30+$0xAEB0] =	vst v18;
	v15 =	vld.idx.msk [tilespmem:v35+s3+$0x0], $0xffff  }
0x573: {  	v20 =	vld.idx.msk [tilespmem:v39+s3+$0x0], $0xffff  }
0x574: {  	v41 =	vld [tilespmem:s30+$0xE60];
	[tilespmem:s30+$0xAB40] =	vst v14  }
0x575: {  	v14 =	vld.idx.msk [tilespmem:v40+s3+$0x0], $0xffff  }
0x576: {  	v44 =	vld [tilespmem:s30+$0xEE0]  }
0x577: {  	v45 =	vld [tilespmem:s30+$0xB70];
	[tilespmem:s30+$0xAE40] =	vst v15  }
0x578: {  	[tilespmem:s30+$0xAEC0] =	vst v20;
	v15 =	vld.idx.msk [tilespmem:v38+s3+$0x0], $0xffff  }
0x579: {  	v20 =	vld.idx.msk [tilespmem:v42+s3+$0x0], $0xffff  }
0x57a: {  	[tilespmem:s30+$0xAB50] =	vst v14  }
0x57b: {  	v14 =	vld.idx.msk [tilespmem:v43+s3+$0x0], $0xffff  }
0x57c: {  	v46 =	vld [tilespmem:s30+$0xEF0]  }
0x57d: {  	v47 =	vld [tilespmem:s30+$0xF00];
	[tilespmem:s30+$0xAE50] =	vst v15  }
0x57e: {  	v15 =	vld [tilespmem:s30+$0xE70];
	[tilespmem:s30+$0xAED0] =	vst v20  }
0x57f: {  	v16 =	vld.idx.msk [tilespmem:v44+s3+$0x0], $0xffff  }
0x580: {  	v17 =	vld.idx.msk [tilespmem:v41+s3+$0x0], $0xffff;
	[tilespmem:s30+$0xAB60] =	vst v14  }
0x581: {  	v14 =	vld.idx.msk [tilespmem:v45+s3+$0x0], $0xffff;
	_ =	sdelay $0x2  }
0x582: {  	v48 =	vld [tilespmem:s30+$0xF10];
	[tilespmem:s30+$0xAEE0] =	vst v16  }
0x583: {  	[tilespmem:s30+$0xAE60] =	vst v17;
	v49 =	vld.idx.msk [tilespmem:v46+s3+$0x0], $0xffff  }
0x584: {  	v15 =	vld.idx.msk [tilespmem:v15+s3+$0x0], $0xffff;
	[tilespmem:s30+$0xAB70] =	vst v14  }
0x585: {  	v14 =	vld.idx.msk [tilespmem:v47+s3+$0x0], $0xffff;
	_ =	sdelay $0x2  }
0x586: {  	[tilespmem:s30+$0xAEF0] =	vst v49  }
0x587: {  	[tilespmem:s30+$0xAE70] =	vst v15  }
0x588: {  	[tilespmem:s30+$0xAF00] =	vst v14  }
0x589: {  	v14 =	vld.idx.msk [tilespmem:v48+s3+$0x0], $0xffff  }
0x58a: {  	v15 =	vld [tilespmem:s30+$0x380];
	_ =	sdelay $0x4  }
0x58b: {  	v16 =	vld [tilespmem:s30+$0x400]  }
0x58c: {  	v50 =	vld [tilespmem:s30+$0x390];
	_ =	sdelay $0x1  }
0x58d: {  	v15 =	vld.idx.msk [tilespmem:v15+s3+$0x0], $0xffff;
	_ =	sdelay $0x2  }
0x58e: {  	v51 =	vld [tilespmem:s30+$0x410]  }
0x58f: {  	v52 =	vld [tilespmem:s30+$0x3A0]  }
0x590: {  	[tilespmem:s30+$0xA380] =	vst v15;
	v15 =	vld.idx.msk [tilespmem:v16+s3+$0x0], $0xffff  }
0x591: {  	v53 =	vld.idx.msk [tilespmem:v50+s3+$0x0], $0xffff;
	_ =	sdelay $0x2  }
0x592: {  	v54 =	vld [tilespmem:s30+$0x420]  }
0x593: {  	v55 =	vld [tilespmem:s30+$0x3B0];
	[tilespmem:s30+$0xA400] =	vst v15  }
0x594: {  	[tilespmem:s30+$0xA390] =	vst v53;
	v15 =	vld.idx.msk [tilespmem:v51+s3+$0x0], $0xffff  }
0x595: {  	v16 =	vld.idx.msk [tilespmem:v52+s3+$0x0], $0xffff;
	_ =	sdelay $0x2  }
0x596: {  	v56 =	vld [tilespmem:s30+$0x430]  }
0x597: {  	v57 =	vld [tilespmem:s30+$0x3C0];
	[tilespmem:s30+$0xA410] =	vst v15  }
0x598: {  	[tilespmem:s30+$0xA3A0] =	vst v16;
	v15 =	vld.idx.msk [tilespmem:v54+s3+$0x0], $0xffff  }
0x599: {  	v16 =	vld.idx.msk [tilespmem:v55+s3+$0x0], $0xffff;
	_ =	sdelay $0x2  }
0x59a: {  	v58 =	vld [tilespmem:s30+$0x440]  }
0x59b: {  	v59 =	vld [tilespmem:s30+$0x3D0];
	[tilespmem:s30+$0xA420] =	vst v15  }
0x59c: {  	[tilespmem:s30+$0xA3B0] =	vst v16;
	v15 =	vld.idx.msk [tilespmem:v56+s3+$0x0], $0xffff  }
0x59d: {  	v16 =	vld.idx.msk [tilespmem:v57+s3+$0x0], $0xffff;
	_ =	sdelay $0x2  }
0x59e: {  	v60 =	vld [tilespmem:s30+$0x450]  }
0x59f: {  	v61 =	vld [tilespmem:s30+$0x3E0];
	[tilespmem:s30+$0xA430] =	vst v15  }
0x5a0: {  	[tilespmem:s30+$0xA3C0] =	vst v16;
	v15 =	vld.idx.msk [tilespmem:v58+s3+$0x0], $0xffff  }
0x5a1: {  	v16 =	vld.idx.msk [tilespmem:v59+s3+$0x0], $0xffff;
	_ =	sdelay $0x2  }
0x5a2: {  	v62 =	vld [tilespmem:s30+$0x460]  }
0x5a3: {  	v63 =	vld [tilespmem:s30+$0x3F0];
	[tilespmem:s30+$0xA440] =	vst v15  }
0x5a4: {  	[tilespmem:s30+$0xA3D0] =	vst v16;
	v15 =	vld.idx.msk [tilespmem:v60+s3+$0x0], $0xffff  }
0x5a5: {  	v16 =	vld.idx.msk [tilespmem:v61+s3+$0x0], $0xffff;
	_ =	sdelay $0x2  }
0x5a6: {  	v24 =	vld [tilespmem:s30+$0x470]  }
0x5a7: {  	v25 =	vld [tilespmem:s30+$0x780];
	[tilespmem:s30+$0xA450] =	vst v15  }
0x5a8: {  	[tilespmem:s30+$0xA3E0] =	vst v16;
	v15 =	vld.idx.msk [tilespmem:v62+s3+$0x0], $0xffff  }
0x5a9: {  	v16 =	vld.idx.msk [tilespmem:v63+s3+$0x0], $0xffff;
	_ =	sdelay $0x2  }
0x5aa: {  	v26 =	vld [tilespmem:s30+$0x800]  }
0x5ab: {  	v27 =	vld [tilespmem:s30+$0x790];
	[tilespmem:s30+$0xA460] =	vst v15  }
0x5ac: {  	[tilespmem:s30+$0xA3F0] =	vst v16;
	v15 =	vld.idx.msk [tilespmem:v24+s3+$0x0], $0xffff  }
0x5ad: {  	v16 =	vld.idx.msk [tilespmem:v25+s3+$0x0], $0xffff;
	_ =	sdelay $0x2  }
0x5ae: {  	v28 =	vld [tilespmem:s30+$0x810]  }
0x5af: {  	v29 =	vld [tilespmem:s30+$0x7A0];
	[tilespmem:s30+$0xA470] =	vst v15  }
0x5b0: {  	[tilespmem:s30+$0xA780] =	vst v16;
	v15 =	vld.idx.msk [tilespmem:v26+s3+$0x0], $0xffff  }
0x5b1: {  	v16 =	vld.idx.msk [tilespmem:v27+s3+$0x0], $0xffff;
	_ =	sdelay $0x2  }
0x5b2: {  	v30 =	vld [tilespmem:s30+$0x820]  }
0x5b3: {  	v31 =	vld [tilespmem:s30+$0x7B0];
	[tilespmem:s30+$0xA800] =	vst v15  }
0x5b4: {  	[tilespmem:s30+$0xA790] =	vst v16;
	v15 =	vld.idx.msk [tilespmem:v28+s3+$0x0], $0xffff  }
0x5b5: {  	v16 =	vld.idx.msk [tilespmem:v29+s3+$0x0], $0xffff;
	_ =	sdelay $0x2  }
0x5b6: {  	v32 =	vld [tilespmem:s30+$0x830]  }
0x5b7: {  	v33 =	vld [tilespmem:s30+$0x7C0];
	[tilespmem:s30+$0xA810] =	vst v15  }
0x5b8: {  	[tilespmem:s30+$0xA7A0] =	vst v16;
	v15 =	vld.idx.msk [tilespmem:v30+s3+$0x0], $0xffff  }
0x5b9: {  	v16 =	vld.idx.msk [tilespmem:v31+s3+$0x0], $0xffff;
	_ =	sdelay $0x2  }
0x5ba: {  	v34 =	vld [tilespmem:s30+$0x840]  }
0x5bb: {  	v35 =	vld [tilespmem:s30+$0x7D0];
	[tilespmem:s30+$0xA820] =	vst v15  }
0x5bc: {  	[tilespmem:s30+$0xA7B0] =	vst v16;
	v15 =	vld.idx.msk [tilespmem:v32+s3+$0x0], $0xffff  }
0x5bd: {  	v16 =	vld.idx.msk [tilespmem:v33+s3+$0x0], $0xffff;
	_ =	sdelay $0x2  }
0x5be: {  	v36 =	vld [tilespmem:s30+$0x850]  }
0x5bf: {  	v37 =	vld [tilespmem:s30+$0x7E0];
	[tilespmem:s30+$0xA830] =	vst v15  }
0x5c0: {  	[tilespmem:s30+$0xA7C0] =	vst v16;
	v15 =	vld.idx.msk [tilespmem:v34+s3+$0x0], $0xffff  }
0x5c1: {  	v16 =	vld.idx.msk [tilespmem:v35+s3+$0x0], $0xffff;
	_ =	sdelay $0x2  }
0x5c2: {  	v38 =	vld [tilespmem:s30+$0x860]  }
0x5c3: {  	v39 =	vld [tilespmem:s30+$0x7F0];
	[tilespmem:s30+$0xA840] =	vst v15  }
0x5c4: {  	[tilespmem:s30+$0xA7D0] =	vst v16;
	v15 =	vld.idx.msk [tilespmem:v36+s3+$0x0], $0xffff  }
0x5c5: {  	v16 =	vld.idx.msk [tilespmem:v37+s3+$0x0], $0xffff;
	_ =	sdelay $0x2  }
0x5c6: {  	v40 =	vld [tilespmem:s30+$0x870]  }
0x5c7: {  	v41 =	vld [tilespmem:s30+$0xB80];
	[tilespmem:s30+$0xA850] =	vst v15  }
0x5c8: {  	[tilespmem:s30+$0xA7E0] =	vst v16;
	v15 =	vld.idx.msk [tilespmem:v38+s3+$0x0], $0xffff  }
0x5c9: {  	v16 =	vld.idx.msk [tilespmem:v39+s3+$0x0], $0xffff;
	_ =	sdelay $0x2  }
0x5ca: {  	v42 =	vld [tilespmem:s30+$0xC00]  }
0x5cb: {  	v43 =	vld [tilespmem:s30+$0xB90];
	[tilespmem:s30+$0xA860] =	vst v15  }
0x5cc: {  	[tilespmem:s30+$0xA7F0] =	vst v16;
	v15 =	vld.idx.msk [tilespmem:v40+s3+$0x0], $0xffff  }
0x5cd: {  	v16 =	vld.idx.msk [tilespmem:v41+s3+$0x0], $0xffff;
	_ =	sdelay $0x2  }
0x5ce: {  	v44 =	vld [tilespmem:s30+$0xC10]  }
0x5cf: {  	v45 =	vld [tilespmem:s30+$0xBA0];
	[tilespmem:s30+$0xA870] =	vst v15  }
0x5d0: {  	[tilespmem:s30+$0xAB80] =	vst v16;
	v15 =	vld.idx.msk [tilespmem:v42+s3+$0x0], $0xffff  }
0x5d1: {  	v16 =	vld.idx.msk [tilespmem:v43+s3+$0x0], $0xffff;
	_ =	sdelay $0x1  }
0x5d2: {  	v46 =	vld [tilespmem:s30+$0xC20]  }
0x5d3: {  	v47 =	vld [tilespmem:s30+$0xBB0]  }
0x5d4: {  	v48 =	vld [tilespmem:s30+$0xC30];
	[tilespmem:s30+$0xAC00] =	vst v15  }
0x5d5: {  	[tilespmem:s30+$0xAB90] =	vst v16;
	v15 =	vld.idx.msk [tilespmem:v44+s3+$0x0], $0xffff  }
0x5d6: {  	v16 =	vld.idx.msk [tilespmem:v45+s3+$0x0], $0xffff  }
0x5d7: {  	v49 =	vld [tilespmem:s30+$0xBC0]  }
0x5d8: {  	v22 =	vld [tilespmem:s30+$0xFA0]  }
0x5d9: {  	v23 =	vld [tilespmem:s30+$0x490]  }
0x5da: {  	v50 =	vld [tilespmem:s30+$0xC40];
	[tilespmem:s30+$0xAC10] =	vst v15  }
0x5db: {  	[tilespmem:s30+$0xABA0] =	vst v16;
	v15 =	vld.idx.msk [tilespmem:v46+s3+$0x0], $0xffff  }
0x5dc: {  	v16 =	vld.idx.msk [tilespmem:v47+s3+$0x0], $0xffff  }
0x5dd: {  	v51 =	vld [tilespmem:s30+$0xBD0]  }
0x5de: {  	v53 =	vld [tilespmem:s30+$0xBE0]  }
0x5df: {  	v52 =	vld [tilespmem:s30+$0xC50]  }
0x5e0: {  	v54 =	vld [tilespmem:s30+$0xC60];
	[tilespmem:s30+$0xAC20] =	vst v15  }
0x5e1: {  	[tilespmem:s30+$0xABB0] =	vst v16;
	v15 =	vld.idx.msk [tilespmem:v48+s3+$0x0], $0xffff  }
0x5e2: {  	v16 =	vld.idx.msk [tilespmem:v49+s3+$0x0], $0xffff  }
0x5e3: {  	v55 =	vld [tilespmem:s30+$0xBF0]  }
0x5e4: {  	v58 =	vld [tilespmem:s30+$0xF20]  }
0x5e5: {  	v56 =	vld [tilespmem:s30+$0xC70]  }
0x5e6: {  	v57 =	vld [tilespmem:s30+$0xF80];
	[tilespmem:s30+$0xAC30] =	vst v15  }
0x5e7: {  	[tilespmem:s30+$0xABC0] =	vst v16;
	v15 =	vld.idx.msk [tilespmem:v50+s3+$0x0], $0xffff  }
0x5e8: {  	v16 =	vld.idx.msk [tilespmem:v51+s3+$0x0], $0xffff  }
0x5e9: {  	v59 =	vld [tilespmem:s30+$0x1000]  }
0x5ea: {  	v60 =	vld [tilespmem:s30+$0xF90]  }
0x5eb: {  	[tilespmem:s30+$0xAF10] =	vst v14;
	v61 =	vld [tilespmem:s30+$0xF30]  }
0x5ec: {  	v63 =	vld.idx.msk [tilespmem:v58+s3+$0x0], $0xffff;
	[tilespmem:s30+$0xAC40] =	vst v15  }
0x5ed: {  	[tilespmem:s30+$0xABD0] =	vst v16;
	v15 =	vld.idx.msk [tilespmem:v52+s3+$0x0], $0xffff  }
0x5ee: {  	v16 =	vld.idx.msk [tilespmem:v53+s3+$0x0], $0xffff  }
0x5ef: {  	v62 =	vld [tilespmem:s30+$0x1010]  }
0x5f0: {  	v58 =	vld [tilespmem:s30+$0x880]  }
0x5f1: {  	v24 =	vld [tilespmem:s30+$0xF40];
	[tilespmem:s30+$0xAF20] =	vst v63  }
0x5f2: {  	v63 =	vld [tilespmem:s30+$0x980];
	[tilespmem:s30+$0xAC50] =	vst v15  }
0x5f3: {  	[tilespmem:s30+$0xABE0] =	vst v16;
	v15 =	vld.idx.msk [tilespmem:v54+s3+$0x0], $0xffff  }
0x5f4: {  	v16 =	vld.idx.msk [tilespmem:v55+s3+$0x0], $0xffff  }
0x5f5: {  	v25 =	vld [tilespmem:s30+$0x1020]  }
0x5f6: {  	v26 =	vld [tilespmem:s30+$0xFB0]  }
0x5f7: {  	v27 =	vld [tilespmem:s30+$0xF50]  }
0x5f8: {  	v28 =	vld [tilespmem:s30+$0x1030];
	[tilespmem:s30+$0xAC60] =	vst v15  }
0x5f9: {  	[tilespmem:s30+$0xABF0] =	vst v16;
	v15 =	vld.idx.msk [tilespmem:v56+s3+$0x0], $0xffff  }
0x5fa: {  	v16 =	vld.idx.msk [tilespmem:v57+s3+$0x0], $0xffff  }
0x5fb: {  	v29 =	vld [tilespmem:s30+$0xFC0]  }
0x5fc: {  	v30 =	vld [tilespmem:s30+$0xF60]  }
0x5fd: {  	v31 =	vld [tilespmem:s30+$0x1040]  }
0x5fe: {  	v32 =	vld [tilespmem:s30+$0xFD0];
	[tilespmem:s30+$0xAC70] =	vst v15  }
0x5ff: {  	[tilespmem:s30+$0xAF80] =	vst v16;
	v15 =	vld.idx.msk [tilespmem:v59+s3+$0x0], $0xffff  }
0x600: {  	v14 =	vld.idx.msk [tilespmem:v60+s3+$0x0], $0xffff  }
0x601: {  	v38 =	vld [tilespmem:s30+$0x500]  }
0x602: {  	v39 =	vld [tilespmem:s30+$0x580]  }
0x603: {  	v33 =	vld [tilespmem:s30+$0x1050]  }
0x604: {  	v34 =	vld [tilespmem:s30+$0xFE0];
	[tilespmem:s30+$0xB000] =	vst v15  }
0x605: {  	[tilespmem:s30+$0xAF90] =	vst v14;
	v14 =	vld.idx.msk [tilespmem:v62+s3+$0x0], $0xffff  }
0x606: {  	v36 =	vld [tilespmem:s30+$0x1060]  }
0x607: {  	v37 =	vld [tilespmem:s30+$0x480]  }
0x608: {  	v40 =	vld [tilespmem:s30+$0x4A0]  }
0x609: {  	v19 =	vld.idx.msk [tilespmem:v38+s3+$0x0], $0xffff  }
0x60a: {  	v41 =	vld.idx.msk [tilespmem:v39+s3+$0x0], $0xffff;
	[tilespmem:s30+$0xB010] =	vst v14  }
0x60b: {  	v14 =	vld.idx.msk [tilespmem:v25+s3+$0x0], $0xffff  }
0x60c: {  	v38 =	vld [tilespmem:s30+$0x940]  }
0x60d: {  	v39 =	vld [tilespmem:s30+$0x9C0]  }
0x60e: {  	v43 =	vld [tilespmem:s30+$0x4B0]  }
0x60f: {  	[tilespmem:s30+$0xA580] =	vst v41;
	v16 =	vld.idx.msk [tilespmem:v61+s3+$0x0], $0xffff  }
0x610: {  	v41 =	vld [tilespmem:s30+$0x950];
	[tilespmem:s30+$0xB020] =	vst v14  }
0x611: {  	v14 =	vld.idx.msk [tilespmem:v28+s3+$0x0], $0xffff  }
0x612: {  	v44 =	vld [tilespmem:s30+$0x5A0]  }
0x613: {  	v45 =	vld [tilespmem:s30+$0x4C0]  }
0x614: {  	v46 =	vld [tilespmem:s30+$0x530];
	[tilespmem:s30+$0xAF30] =	vst v16  }
0x615: {  	v16 =	vld.idx.msk [tilespmem:v24+s3+$0x0], $0xffff  }
0x616: {  	v15 =	vld.idx.msk [tilespmem:v22+s3+$0x0], $0xffff;
	[tilespmem:s30+$0xB030] =	vst v14  }
0x617: {  	v20 =	vld.idx.msk [tilespmem:v31+s3+$0x0], $0xffff  }
0x618: {  	v24 =	vld [tilespmem:s30+$0x510]  }
0x619: {  	v25 =	vld [tilespmem:s30+$0x590]  }
0x61a: {  	v47 =	vld [tilespmem:s30+$0x5B0]  }
0x61b: {  	v49 =	vld [tilespmem:s30+$0x4D0];
	[tilespmem:s30+$0xAFA0] =	vst v15  }
0x61c: {  	[tilespmem:s30+$0xB040] =	vst v20;
	v20 =	vld.idx.msk [tilespmem:v37+s3+$0x0], $0xffff  }
0x61d: {  	v15 =	vld.idx.msk [tilespmem:v26+s3+$0x0], $0xffff  }
0x61e: {  	v26 =	vld [tilespmem:s30+$0x520]  }
0x61f: {  	[tilespmem:s30+$0xA500] =	vst v19;
	v50 =	vld [tilespmem:s30+$0x540]  }
0x620: {  	v24 =	vld.idx.msk [tilespmem:v24+s3+$0x0], $0xffff  }
0x621: {  	[tilespmem:s30+$0xA480] =	vst v20;
	v20 =	vld.idx.msk [tilespmem:v25+s3+$0x0], $0xffff  }
0x622: {  	v42 =	vld.idx.msk [tilespmem:v23+s3+$0x0], $0xffff  }
0x623: {  	v51 =	vld [tilespmem:s30+$0x5C0]  }
0x624: {  	v52 =	vld [tilespmem:s30+$0x4E0]  }
0x625: {  	v53 =	vld [tilespmem:s30+$0x550];
	[tilespmem:s30+$0xA510] =	vst v24  }
0x626: {  	v26 =	vld.idx.msk [tilespmem:v26+s3+$0x0], $0xffff;
	[tilespmem:s30+$0xA590] =	vst v20  }
0x627: {  	[tilespmem:s30+$0xA490] =	vst v42;
	v19 =	vld.idx.msk [tilespmem:v44+s3+$0x0], $0xffff  }
0x628: {  	v21 =	vld.idx.msk [tilespmem:v40+s3+$0x0], $0xffff  }
0x629: {  	v54 =	vld [tilespmem:s30+$0x5D0]  }
0x62a: {  	v55 =	vld [tilespmem:s30+$0x4F0]  }
0x62b: {  	v56 =	vld [tilespmem:s30+$0x560];
	[tilespmem:s30+$0xA520] =	vst v26  }
0x62c: {  	v25 =	vld.idx.msk [tilespmem:v46+s3+$0x0], $0xffff;
	[tilespmem:s30+$0xA5A0] =	vst v19  }
0x62d: {  	[tilespmem:s30+$0xA4A0] =	vst v21;
	v19 =	vld.idx.msk [tilespmem:v47+s3+$0x0], $0xffff  }
0x62e: {  	v48 =	vld.idx.msk [tilespmem:v43+s3+$0x0], $0xffff  }
0x62f: {  	v57 =	vld [tilespmem:s30+$0x5E0]  }
0x630: {  	v59 =	vld [tilespmem:s30+$0x570]  }
0x631: {  	v61 =	vld [tilespmem:s30+$0x890];
	[tilespmem:s30+$0xA530] =	vst v25  }
0x632: {  	v23 =	vld.idx.msk [tilespmem:v50+s3+$0x0], $0xffff;
	[tilespmem:s30+$0xA5B0] =	vst v19  }
0x633: {  	[tilespmem:s30+$0xA4B0] =	vst v48;
	v19 =	vld.idx.msk [tilespmem:v51+s3+$0x0], $0xffff  }
0x634: {  	v20 =	vld.idx.msk [tilespmem:v45+s3+$0x0], $0xffff  }
0x635: {  	v60 =	vld [tilespmem:s30+$0x5F0];
	[tilespmem:s30+$0xAF40] =	vst v16  }
0x636: {  	v16 =	vld.idx.msk [tilespmem:v27+s3+$0x0], $0xffff  }
0x637: {  	v62 =	vld [tilespmem:s30+$0x900];
	[tilespmem:s30+$0xA540] =	vst v23  }
0x638: {  	v24 =	vld.idx.msk [tilespmem:v53+s3+$0x0], $0xffff;
	[tilespmem:s30+$0xA5C0] =	vst v19  }
0x639: {  	[tilespmem:s30+$0xA4C0] =	vst v20;
	v19 =	vld.idx.msk [tilespmem:v54+s3+$0x0], $0xffff  }
0x63a: {  	v20 =	vld.idx.msk [tilespmem:v49+s3+$0x0], $0xffff  }
0x63b: {  	[tilespmem:s30+$0xAF50] =	vst v16;
	v16 =	vld [tilespmem:s30+$0xFF0]  }
0x63c: {  	[tilespmem:s30+$0xAFB0] =	vst v15;
	v28 =	vld [tilespmem:s30+$0x8A0]  }
0x63d: {  	v15 =	vld.idx.msk [tilespmem:v29+s3+$0x0], $0xffff;
	[tilespmem:s30+$0xA550] =	vst v24  }
0x63e: {  	v26 =	vld.idx.msk [tilespmem:v56+s3+$0x0], $0xffff;
	[tilespmem:s30+$0xA5D0] =	vst v19  }
0x63f: {  	[tilespmem:s30+$0xA4D0] =	vst v20;
	v19 =	vld.idx.msk [tilespmem:v57+s3+$0x0], $0xffff  }
0x640: {  	v20 =	vld.idx.msk [tilespmem:v52+s3+$0x0], $0xffff  }
0x641: {  	v29 =	vld [tilespmem:s30+$0x910]  }
0x642: {  	v14 =	vld [tilespmem:s30+$0xF70];
	[tilespmem:s30+$0xAFC0] =	vst v15  }
0x643: {  	v15 =	vld.idx.msk [tilespmem:v30+s3+$0x0], $0xffff;
	[tilespmem:s30+$0xA560] =	vst v26  }
0x644: {  	v25 =	vld.idx.msk [tilespmem:v59+s3+$0x0], $0xffff;
	[tilespmem:s30+$0xA5E0] =	vst v19  }
0x645: {  	[tilespmem:s30+$0xA4E0] =	vst v20;
	v19 =	vld.idx.msk [tilespmem:v60+s3+$0x0], $0xffff  }
0x646: {  	v20 =	vld.idx.msk [tilespmem:v55+s3+$0x0], $0xffff  }
0x647: {  	v30 =	vld [tilespmem:s30+$0x990]  }
0x648: {  	v31 =	vld [tilespmem:s30+$0x8B0]  }
0x649: {  	v35 =	vld.idx.msk [tilespmem:v32+s3+$0x0], $0xffff;
	[tilespmem:s30+$0xA570] =	vst v25  }
0x64a: {  	v23 =	vld.idx.msk [tilespmem:v62+s3+$0x0], $0xffff;
	[tilespmem:s30+$0xA5F0] =	vst v19  }
0x64b: {  	[tilespmem:s30+$0xA4F0] =	vst v20;
	v19 =	vld.idx.msk [tilespmem:v63+s3+$0x0], $0xffff  }
0x64c: {  	v20 =	vld.idx.msk [tilespmem:v58+s3+$0x0], $0xffff  }
0x64d: {  	v32 =	vld [tilespmem:s30+$0x920]  }
0x64e: {  	v18 =	vld.idx.msk [tilespmem:v33+s3+$0x0], $0xffff  }
0x64f: {  	v33 =	vld [tilespmem:s30+$0x9A0];
	[tilespmem:s30+$0xA900] =	vst v23  }
0x650: {  	v24 =	vld.idx.msk [tilespmem:v29+s3+$0x0], $0xffff;
	[tilespmem:s30+$0xA980] =	vst v19  }
0x651: {  	[tilespmem:s30+$0xA880] =	vst v20;
	v19 =	vld.idx.msk [tilespmem:v30+s3+$0x0], $0xffff  }
0x652: {  	[tilespmem:s30+$0xAFD0] =	vst v35;
	v20 =	vld.idx.msk [tilespmem:v61+s3+$0x0], $0xffff  }
0x653: {  	v35 =	vld [tilespmem:s30+$0x930];
	[tilespmem:s30+$0xB050] =	vst v18  }
0x654: {  	v18 =	vld.idx.msk [tilespmem:v36+s3+$0x0], $0xffff  }
0x655: {  	v36 =	vld [tilespmem:s30+$0x9B0];
	[tilespmem:s30+$0xA910] =	vst v24  }
0x656: {  	v26 =	vld.idx.msk [tilespmem:v32+s3+$0x0], $0xffff;
	[tilespmem:s30+$0xA990] =	vst v19  }
0x657: {  	[tilespmem:s30+$0xA890] =	vst v20;
	v19 =	vld.idx.msk [tilespmem:v33+s3+$0x0], $0xffff  }
0x658: {  	v20 =	vld.idx.msk [tilespmem:v28+s3+$0x0], $0xffff  }
0x659: {  	v37 =	vld [tilespmem:s30+$0x8D0]  }
0x65a: {  	v17 =	vld.idx.msk [tilespmem:v34+s3+$0x0], $0xffff  }
0x65b: {  	v34 =	vld [tilespmem:s30+$0x8C0];
	[tilespmem:s30+$0xA920] =	vst v26  }
0x65c: {  	v25 =	vld.idx.msk [tilespmem:v35+s3+$0x0], $0xffff;
	[tilespmem:s30+$0xA9A0] =	vst v19  }
0x65d: {  	[tilespmem:s30+$0xA8A0] =	vst v20;
	v19 =	vld.idx.msk [tilespmem:v36+s3+$0x0], $0xffff  }
0x65e: {  	[tilespmem:s30+$0xAF60] =	vst v15;
	v20 =	vld.idx.msk [tilespmem:v31+s3+$0x0], $0xffff  }
0x65f: {  	v14 =	vld.idx.msk [tilespmem:v14+s3+$0x0], $0xffff  }
0x660: {  	v46 =	vld [tilespmem:s30+$0xC80]  }
0x661: {  	v42 =	vld [tilespmem:s30+$0x9D0];
	[tilespmem:s30+$0xA930] =	vst v25  }
0x662: {  	v23 =	vld.idx.msk [tilespmem:v38+s3+$0x0], $0xffff;
	[tilespmem:s30+$0xA9B0] =	vst v19  }
0x663: {  	[tilespmem:s30+$0xA8B0] =	vst v20;
	v19 =	vld.idx.msk [tilespmem:v39+s3+$0x0], $0xffff  }
0x664: {  	v20 =	vld.idx.msk [tilespmem:v34+s3+$0x0], $0xffff  }
0x665: {  	v44 =	vld [tilespmem:s30+$0x960]  }
0x666: {  	v40 =	vld [tilespmem:s30+$0x8E0]  }
0x667: {  	v45 =	vld [tilespmem:s30+$0x9E0];
	[tilespmem:s30+$0xA940] =	vst v23  }
0x668: {  	v24 =	vld.idx.msk [tilespmem:v41+s3+$0x0], $0xffff;
	[tilespmem:s30+$0xA9C0] =	vst v19  }
0x669: {  	[tilespmem:s30+$0xA8C0] =	vst v20;
	v19 =	vld.idx.msk [tilespmem:v42+s3+$0x0], $0xffff  }
0x66a: {  	v20 =	vld.idx.msk [tilespmem:v37+s3+$0x0], $0xffff  }
0x66b: {  	v47 =	vld [tilespmem:s30+$0x970]  }
0x66c: {  	v43 =	vld [tilespmem:s30+$0x8F0]  }
0x66d: {  	v48 =	vld [tilespmem:s30+$0x9F0];
	[tilespmem:s30+$0xA950] =	vst v24  }
0x66e: {  	v26 =	vld.idx.msk [tilespmem:v44+s3+$0x0], $0xffff;
	[tilespmem:s30+$0xA9D0] =	vst v19  }
0x66f: {  	[tilespmem:s30+$0xA8D0] =	vst v20;
	v19 =	vld.idx.msk [tilespmem:v45+s3+$0x0], $0xffff  }
0x670: {  	v20 =	vld.idx.msk [tilespmem:v40+s3+$0x0], $0xffff  }
0x671: {  	v50 =	vld [tilespmem:s30+$0xD00]  }
0x672: {  	v53 =	vld [tilespmem:s30+$0xD10]  }
0x673: {  	v51 =	vld [tilespmem:s30+$0xD80];
	[tilespmem:s30+$0xA960] =	vst v26  }
0x674: {  	v25 =	vld.idx.msk [tilespmem:v47+s3+$0x0], $0xffff;
	[tilespmem:s30+$0xA9E0] =	vst v19  }
0x675: {  	[tilespmem:s30+$0xA8E0] =	vst v20;
	v19 =	vld.idx.msk [tilespmem:v48+s3+$0x0], $0xffff  }
0x676: {  	v20 =	vld.idx.msk [tilespmem:v43+s3+$0x0], $0xffff  }
0x677: {  	v56 =	vld [tilespmem:s30+$0xD20]  }
0x678: {  	v54 =	vld [tilespmem:s30+$0xD90]  }
0x679: {  	v49 =	vld [tilespmem:s30+$0xC90];
	[tilespmem:s30+$0xA970] =	vst v25  }
0x67a: {  	v23 =	vld.idx.msk [tilespmem:v50+s3+$0x0], $0xffff;
	[tilespmem:s30+$0xA9F0] =	vst v19  }
0x67b: {  	[tilespmem:s30+$0xA8F0] =	vst v20;
	v19 =	vld.idx.msk [tilespmem:v51+s3+$0x0], $0xffff  }
0x67c: {  	v20 =	vld.idx.msk [tilespmem:v46+s3+$0x0], $0xffff  }
0x67d: {  	v59 =	vld [tilespmem:s30+$0xD30]  }
0x67e: {  	v57 =	vld [tilespmem:s30+$0xDA0]  }
0x67f: {  	v52 =	vld [tilespmem:s30+$0xCA0];
	[tilespmem:s30+$0xAD00] =	vst v23  }
0x680: {  	v24 =	vld.idx.msk [tilespmem:v53+s3+$0x0], $0xffff;
	[tilespmem:s30+$0xAD80] =	vst v19  }
0x681: {  	[tilespmem:s30+$0xAC80] =	vst v20;
	v19 =	vld.idx.msk [tilespmem:v54+s3+$0x0], $0xffff  }
0x682: {  	v20 =	vld.idx.msk [tilespmem:v49+s3+$0x0], $0xffff  }
0x683: {  	v62 =	vld [tilespmem:s30+$0xD40]  }
0x684: {  	v60 =	vld [tilespmem:s30+$0xDB0]  }
0x685: {  	v55 =	vld [tilespmem:s30+$0xCB0];
	[tilespmem:s30+$0xAD10] =	vst v24  }
0x686: {  	v26 =	vld.idx.msk [tilespmem:v56+s3+$0x0], $0xffff;
	[tilespmem:s30+$0xAD90] =	vst v19  }
0x687: {  	[tilespmem:s30+$0xAC90] =	vst v20;
	v19 =	vld.idx.msk [tilespmem:v57+s3+$0x0], $0xffff  }
0x688: {  	v20 =	vld.idx.msk [tilespmem:v52+s3+$0x0], $0xffff  }
0x689: {  	v29 =	vld [tilespmem:s30+$0xD50]  }
0x68a: {  	v63 =	vld [tilespmem:s30+$0xDC0]  }
0x68b: {  	v58 =	vld [tilespmem:s30+$0xCC0];
	[tilespmem:s30+$0xAD20] =	vst v26  }
0x68c: {  	v25 =	vld.idx.msk [tilespmem:v59+s3+$0x0], $0xffff;
	[tilespmem:s30+$0xADA0] =	vst v19  }
0x68d: {  	[tilespmem:s30+$0xACA0] =	vst v20;
	v19 =	vld.idx.msk [tilespmem:v60+s3+$0x0], $0xffff  }
0x68e: {  	v20 =	vld.idx.msk [tilespmem:v55+s3+$0x0], $0xffff  }
0x68f: {  	v32 =	vld [tilespmem:s30+$0xD60]  }
0x690: {  	v30 =	vld [tilespmem:s30+$0xDD0]  }
0x691: {  	v61 =	vld [tilespmem:s30+$0xCD0];
	[tilespmem:s30+$0xAD30] =	vst v25  }
0x692: {  	v23 =	vld.idx.msk [tilespmem:v62+s3+$0x0], $0xffff;
	[tilespmem:s30+$0xADB0] =	vst v19  }
0x693: {  	[tilespmem:s30+$0xACB0] =	vst v20;
	v19 =	vld.idx.msk [tilespmem:v63+s3+$0x0], $0xffff  }
0x694: {  	v20 =	vld.idx.msk [tilespmem:v58+s3+$0x0], $0xffff  }
0x695: {  	v35 =	vld [tilespmem:s30+$0xD70]  }
0x696: {  	v33 =	vld [tilespmem:s30+$0xDE0]  }
0x697: {  	v28 =	vld [tilespmem:s30+$0xCE0];
	[tilespmem:s30+$0xAD40] =	vst v23  }
0x698: {  	v24 =	vld.idx.msk [tilespmem:v29+s3+$0x0], $0xffff;
	[tilespmem:s30+$0xADC0] =	vst v19  }
0x699: {  	[tilespmem:s30+$0xACC0] =	vst v20;
	v19 =	vld.idx.msk [tilespmem:v30+s3+$0x0], $0xffff  }
0x69a: {  	v20 =	vld.idx.msk [tilespmem:v61+s3+$0x0], $0xffff  }
0x69b: {  	v38 =	vld [tilespmem:s30+$0x1100]  }
0x69c: {  	v36 =	vld [tilespmem:s30+$0xDF0]  }
0x69d: {  	v31 =	vld [tilespmem:s30+$0xCF0];
	[tilespmem:s30+$0xAD50] =	vst v24  }
0x69e: {  	v26 =	vld.idx.msk [tilespmem:v32+s3+$0x0], $0xffff;
	[tilespmem:s30+$0xADD0] =	vst v19  }
0x69f: {  	[tilespmem:s30+$0xACD0] =	vst v20;
	v19 =	vld.idx.msk [tilespmem:v33+s3+$0x0], $0xffff  }
0x6a0: {  	v20 =	vld.idx.msk [tilespmem:v28+s3+$0x0], $0xffff  }
0x6a1: {  	v41 =	vld [tilespmem:s30+$0x1110]  }
0x6a2: {  	v39 =	vld [tilespmem:s30+$0x1180]  }
0x6a3: {  	v34 =	vld [tilespmem:s30+$0x1080];
	[tilespmem:s30+$0xAD60] =	vst v26  }
0x6a4: {  	v25 =	vld.idx.msk [tilespmem:v35+s3+$0x0], $0xffff;
	[tilespmem:s30+$0xADE0] =	vst v19  }
0x6a5: {  	[tilespmem:s30+$0xACE0] =	vst v20;
	v19 =	vld.idx.msk [tilespmem:v36+s3+$0x0], $0xffff  }
0x6a6: {  	v20 =	vld.idx.msk [tilespmem:v31+s3+$0x0], $0xffff  }
0x6a7: {  	v44 =	vld [tilespmem:s30+$0x1120]  }
0x6a8: {  	v42 =	vld [tilespmem:s30+$0x1190]  }
0x6a9: {  	v37 =	vld [tilespmem:s30+$0x1090];
	[tilespmem:s30+$0xAD70] =	vst v25  }
0x6aa: {  	v23 =	vld.idx.msk [tilespmem:v38+s3+$0x0], $0xffff;
	[tilespmem:s30+$0xADF0] =	vst v19  }
0x6ab: {  	[tilespmem:s30+$0xACF0] =	vst v20;
	v19 =	vld.idx.msk [tilespmem:v39+s3+$0x0], $0xffff  }
0x6ac: {  	v20 =	vld.idx.msk [tilespmem:v34+s3+$0x0], $0xffff  }
0x6ad: {  	v47 =	vld [tilespmem:s30+$0x1130]  }
0x6ae: {  	v45 =	vld [tilespmem:s30+$0x11A0]  }
0x6af: {  	v40 =	vld [tilespmem:s30+$0x10A0];
	[tilespmem:s30+$0xB100] =	vst v23  }
0x6b0: {  	v24 =	vld.idx.msk [tilespmem:v41+s3+$0x0], $0xffff;
	[tilespmem:s30+$0xB180] =	vst v19  }
0x6b1: {  	[tilespmem:s30+$0xB080] =	vst v20;
	v19 =	vld.idx.msk [tilespmem:v42+s3+$0x0], $0xffff  }
0x6b2: {  	v20 =	vld.idx.msk [tilespmem:v37+s3+$0x0], $0xffff  }
0x6b3: {  	v50 =	vld [tilespmem:s30+$0x1140]  }
0x6b4: {  	v48 =	vld [tilespmem:s30+$0x11B0]  }
0x6b5: {  	v43 =	vld [tilespmem:s30+$0x10B0];
	[tilespmem:s30+$0xB110] =	vst v24  }
0x6b6: {  	v26 =	vld.idx.msk [tilespmem:v44+s3+$0x0], $0xffff;
	[tilespmem:s30+$0xB190] =	vst v19  }
0x6b7: {  	[tilespmem:s30+$0xB090] =	vst v20;
	v19 =	vld.idx.msk [tilespmem:v45+s3+$0x0], $0xffff  }
0x6b8: {  	v20 =	vld.idx.msk [tilespmem:v40+s3+$0x0], $0xffff  }
0x6b9: {  	v53 =	vld [tilespmem:s30+$0x1150]  }
0x6ba: {  	v51 =	vld [tilespmem:s30+$0x11C0]  }
0x6bb: {  	v46 =	vld [tilespmem:s30+$0x10C0];
	[tilespmem:s30+$0xB120] =	vst v26  }
0x6bc: {  	v25 =	vld.idx.msk [tilespmem:v47+s3+$0x0], $0xffff;
	[tilespmem:s30+$0xB1A0] =	vst v19  }
0x6bd: {  	[tilespmem:s30+$0xB0A0] =	vst v20;
	v19 =	vld.idx.msk [tilespmem:v48+s3+$0x0], $0xffff  }
0x6be: {  	v20 =	vld.idx.msk [tilespmem:v43+s3+$0x0], $0xffff  }
0x6bf: {  	v56 =	vld [tilespmem:s30+$0x1160]  }
0x6c0: {  	v54 =	vld [tilespmem:s30+$0x11D0]  }
0x6c1: {  	v49 =	vld [tilespmem:s30+$0x10D0];
	[tilespmem:s30+$0xB130] =	vst v25  }
0x6c2: {  	v23 =	vld.idx.msk [tilespmem:v50+s3+$0x0], $0xffff;
	[tilespmem:s30+$0xB1B0] =	vst v19  }
0x6c3: {  	[tilespmem:s30+$0xB0B0] =	vst v20;
	v19 =	vld.idx.msk [tilespmem:v51+s3+$0x0], $0xffff  }
0x6c4: {  	v20 =	vld.idx.msk [tilespmem:v46+s3+$0x0], $0xffff  }
0x6c5: {  	v59 =	vld [tilespmem:s30+$0x1170]  }
0x6c6: {  	v57 =	vld [tilespmem:s30+$0x11E0]  }
0x6c7: {  	v52 =	vld [tilespmem:s30+$0x10E0];
	[tilespmem:s30+$0xB140] =	vst v23  }
0x6c8: {  	v24 =	vld.idx.msk [tilespmem:v53+s3+$0x0], $0xffff;
	[tilespmem:s30+$0xB1C0] =	vst v19  }
0x6c9: {  	[tilespmem:s30+$0xB0C0] =	vst v20;
	v19 =	vld.idx.msk [tilespmem:v54+s3+$0x0], $0xffff  }
0x6ca: {  	v20 =	vld.idx.msk [tilespmem:v49+s3+$0x0], $0xffff  }
0x6cb: {  	v55 =	vld [tilespmem:s30+$0x1070]  }
0x6cc: {  	v60 =	vld [tilespmem:s30+$0x11F0]  }
0x6cd: {  	v58 =	vld [tilespmem:s30+$0x10F0];
	[tilespmem:s30+$0xB150] =	vst v24  }
0x6ce: {  	v61 =	vld.idx.msk [tilespmem:v56+s3+$0x0], $0xffff;
	[tilespmem:s30+$0xB1D0] =	vst v19  }
0x6cf: {  	[tilespmem:s30+$0xB0D0] =	vst v20;
	v15 =	vld.idx.msk [tilespmem:v57+s3+$0x0], $0xffff  }
0x6d0: {  	[tilespmem:s30+$0xAFE0] =	vst v17;
	v20 =	vld.idx.msk [tilespmem:v52+s3+$0x0], $0xffff  }
0x6d1: {  	[tilespmem:s30+$0xAF70] =	vst v14  }
0x6d2: {  	v16 =	vld.idx.msk [tilespmem:v16+s3+$0x0], $0xffff;
	[tilespmem:s30+$0xB060] =	vst v18  }
0x6d3: {  	v62 =	vld.idx.msk [tilespmem:v55+s3+$0x0], $0xffff;
	[tilespmem:s30+$0xB160] =	vst v61  }
0x6d4: {  	[tilespmem:s30+$0xB1E0] =	vst v15;
	v15 =	vld.idx.msk [tilespmem:v59+s3+$0x0], $0xffff  }
0x6d5: {  	[tilespmem:s30+$0xB0E0] =	vst v20;
	v14 =	vld.idx.msk [tilespmem:v60+s3+$0x0], $0xffff  }
0x6d6: {  	p0 =	slt.u32 s29, $0x20;
	v63 =	vld.idx.msk [tilespmem:v58+s3+$0x0], $0xffff  }
.Ltmp2:
0x6d7: {  	[tilespmem:s30+$0xAFF0] =	vst v16;
	(pc) =	sbr.rel @p0 .LBB2_6-.Ltmp2, $4  }
0x6d8: {  	[tilespmem:s30+$0xB070] =	vst v62  }
0x6d9: {  	[tilespmem:s30+$0xB170] =	vst v15  }
0x6da: {  	[tilespmem:s30+$0xB1F0] =	vst v14  }
0x6db: {  	s29 =	sadd.s32 $0x8, s29;
	[tilespmem:s30+$0xB0F0] =	vst v63  }
0x6dc: {  	s29 =	simm.s32 $0xA200  }
0x6dd: {  	[hbm4b:s10+s22] =	stream.strided.scatter [tilespmem:s29], [sflag:$0x2], $0x400, s23, s22, $0x38;
	[tilespmem:$0x14200] =	vst v63  }
0x6de: {  	s30 =	simm.s32 $0xA600;
	s29 =	sadd.s32 $0x10, s10  }
0x6df: {  	[hbm4b:s29+s22] =	stream.strided.scatter [tilespmem:s30], [sflag:$0x2], $0x400, s23, s22, $0x38;
	[tilespmem:$0x14200] =	vst v63  }
0x6e0: {  	s31 =	simm.s32 $0xAA00;
	s29 =	sadd.s32 $0x20, s10  }
0x6e1: {  	[hbm4b:s29+s22] =	stream.strided.scatter [tilespmem:s31], [sflag:$0x2], $0x400, s23, s22, $0x38;
	[tilespmem:$0x14200] =	vst v63  }
0x6e2: {  	s29 =	sadd.s32 $0x30, s10;
	s31 =	simm.s32 $0xAE00  }
0x6e3: {  	[hbm4b:s29+s22] =	stream.strided.scatter [tilespmem:s31], [sflag:$0x2], $0x400, s23, s22, $0x38;
	[tilespmem:$0x14200] =	vst v63  }
0x6e4: {  	s29 =	sadd.s32 $0x4000, s10;
	s31 =	simm.s32 $0xB200  }
0x6e5: {  	[hbm4b:s29+s22] =	stream.strided.scatter [tilespmem:s31], [sflag:$0x2], $0x400, s23, s22, $0x38;
	[tilespmem:$0x14200] =	vst v63  }
0x6e6: {  	s29 =	sadd.s32 $0x4010, s10;
	s31 =	simm.s32 $0xB600  }
0x6e7: {  	[hbm4b:s29+s22] =	stream.strided.scatter [tilespmem:s31], [sflag:$0x2], $0x400, s23, s22, $0x38;
	[tilespmem:$0x14200] =	vst v63  }
0x6e8: {  	s29 =	sadd.s32 $0x4020, s10  }
0x6e9: {  	[hbm4b:s29+s22] =	stream.strided.scatter [tilespmem:s0], [sflag:$0x2], $0x400, s23, s22, $0x38;
	[tilespmem:$0x14200] =	vst v63  }
0x6ea: {  	s29 =	sadd.s32 $0x4030, s10  }
0x6eb: {  	[hbm4b:s29+s22] =	stream.strided.scatter [tilespmem:s2], [sflag:$0x2], $0x400, s23, s22, $0x38;
	[tilespmem:$0x14200] =	vst v63  }
0x6ec: {  	s29 =	sadd.s32 $0x8000, s10  }
0x6ed: {  	[hbm4b:s29+s22] =	stream.strided.scatter [tilespmem:s1], [sflag:$0x2], $0x400, s23, s22, $0x38;
	[tilespmem:$0x14200] =	vst v63  }
0x6ee: {  	s29 =	sadd.s32 $0x8010, s10  }
0x6ef: {  	[hbm4b:s29+s22] =	stream.strided.scatter [tilespmem:s20], [sflag:$0x2], $0x400, s23, s22, $0x38;
	[tilespmem:$0x14200] =	vst v63  }
0x6f0: {  	s29 =	sadd.s32 $0x8020, s10  }
0x6f1: {  	[hbm4b:s29+s22] =	stream.strided.scatter [tilespmem:s5], [sflag:$0x2], $0x400, s23, s22, $0x38;
	[tilespmem:$0x14200] =	vst v63  }
0x6f2: {  	s29 =	sadd.s32 $0x8030, s10  }
0x6f3: {  	[hbm4b:s29+s22] =	stream.strided.scatter [tilespmem:s7], [sflag:$0x2], $0x400, s23, s22, $0x38;
	[tilespmem:$0x14200] =	vst v63  }
0x6f4: {  	s29 =	sadd.s32 $0xC000, s10  }
0x6f5: {  	[hbm4b:s29+s22] =	stream.strided.scatter [tilespmem:s9], [sflag:$0x2], $0x400, s23, s22, $0x38;
	[tilespmem:$0x14200] =	vst v63  }
0x6f6: {  	s29 =	sadd.s32 $0xC010, s10  }
0x6f7: {  	[hbm4b:s29+s22] =	stream.strided.scatter [tilespmem:s11], [sflag:$0x2], $0x400, s23, s22, $0x38;
	[tilespmem:$0x14200] =	vst v63  }
0x6f8: {  	s29 =	sadd.s32 $0xC020, s10  }
0x6f9: {  	[hbm4b:s29+s22] =	stream.strided.scatter [tilespmem:s14], [sflag:$0x2], $0x400, s23, s22, $0x38;
	[tilespmem:$0x14200] =	vst v63  }
0x6fa: {  	s29 =	sadd.s32 $0xC030, s10  }
0x6fb: {  	[hbm4b:s29+s22] =	stream.strided.scatter [tilespmem:s25], [sflag:$0x2], $0x400, s23, s22, $0x38;
	[tilespmem:$0x14200] =	vst v63  }
0x6fc: {  	s29 =	sadd.s32 $0x10000, s10  }
0x6fd: {  	[hbm4b:s29+s22] =	stream.strided.scatter [tilespmem:s4], [sflag:$0x2], $0x400, s23, s22, $0x38;
	[tilespmem:$0x14200] =	vst v63  }
0x6fe: {  	s31 =	sadd.s32 $0x10, s29  }
0x6ff: {  	[hbm4b:s31+s22] =	stream.strided.scatter [tilespmem:s17], [sflag:$0x2], $0x400, s23, s22, $0x38;
	[tilespmem:$0x14200] =	vst v63  }
0x700: {  	s31 =	sadd.s32 $0x20, s29  }
0x701: {  	[hbm4b:s31+s22] =	stream.strided.scatter [tilespmem:s19], [sflag:$0x2], $0x400, s23, s22, $0x38;
	[tilespmem:$0x14200] =	vst v63  }
0x702: {  	s29 =	sadd.s32 $0x30, s29  }
0x703: {  	[hbm4b:s29+s22] =	stream.strided.scatter [tilespmem:s24], [sflag:$0x2], $0x400, s23, s22, $0x38;
	[tilespmem:$0x14200] =	vst v63  }
0x704: {  	s31 =	simm.s32 $0x200;
	s29 =	rddreg [dreg:$0x8]  }
0x705: {  	[tilespmem:s31], [sflag:$0x1] =	stream.strided.gather [hbm4b:s29+s15], $0x5000, s16, s15, $0x38;
	[tilespmem:$0x14200] =	vst v63  }
0x706: {  	_ =	swait.ge [sflag:s21], $0x5000  }
0x707: {  	[sflag:s21] =	ssyncset.done $0x0  }
0x708: {  	[sflag:s21] =	ssyncadd.s32 $0xFFFFB000  }
0x709: {  	_ =	swait.ge [sflag:s26], $0x5000  }
0x70a: {  	[sflag:s26] =	ssyncset.done $0x0  }
0x70b: {  	s29 =	simm.s32 $0x0;
	[sflag:s26] =	ssyncadd.s32 $0xFFFFB000  }
.LBB2_8:
0x70c: {  	s30 =	sshll.u32 s29, $0x9  }
0x70d: {  	v14 =	vld [tilespmem:s30+$0x5200];
	_ =	sdelay $0x2  }
0x70e: {  	v15 =	vld [tilespmem:s30+$0x5280];
	_ =	sdelay $0x2  }
0x70f: {  	v16 =	vld [tilespmem:s30+$0x5210];
	_ =	sdelay $0x1  }
0x710: {  	v14 =	vld.idx.msk [tilespmem:v14+s3+$0x0], $0xffff  }
0x711: {  	v17 =	vld [tilespmem:s30+$0x5290];
	_ =	sdelay $0x1  }
0x712: {  	v15 =	vld.idx.msk [tilespmem:v15+s3+$0x0], $0xffff  }
0x713: {  	v18 =	vld [tilespmem:s30+$0x5220]  }
0x714: {  	[tilespmem:s30+$0xF200] =	vst v14  }
0x715: {  	v14 =	vld.idx.msk [tilespmem:v16+s3+$0x0], $0xffff  }
0x716: {  	v49 =	vld [tilespmem:s30+$0x52A0]  }
0x717: {  	[tilespmem:s30+$0xF280] =	vst v15  }
0x718: {  	v15 =	vld.idx.msk [tilespmem:v17+s3+$0x0], $0xffff  }
0x719: {  	v19 =	vld [tilespmem:s30+$0x5230]  }
0x71a: {  	[tilespmem:s30+$0xF210] =	vst v14  }
0x71b: {  	v14 =	vld.idx.msk [tilespmem:v18+s3+$0x0], $0xffff  }
0x71c: {  	v50 =	vld [tilespmem:s30+$0x52B0]  }
0x71d: {  	[tilespmem:s30+$0xF290] =	vst v15  }
0x71e: {  	v15 =	vld.idx.msk [tilespmem:v49+s3+$0x0], $0xffff  }
0x71f: {  	v51 =	vld [tilespmem:s30+$0x5240]  }
0x720: {  	[tilespmem:s30+$0xF220] =	vst v14  }
0x721: {  	v14 =	vld.idx.msk [tilespmem:v19+s3+$0x0], $0xffff  }
0x722: {  	v52 =	vld [tilespmem:s30+$0x52C0]  }
0x723: {  	[tilespmem:s30+$0xF2A0] =	vst v15  }
0x724: {  	v15 =	vld.idx.msk [tilespmem:v50+s3+$0x0], $0xffff  }
0x725: {  	v53 =	vld [tilespmem:s30+$0x5250]  }
0x726: {  	[tilespmem:s30+$0xF230] =	vst v14  }
0x727: {  	v14 =	vld.idx.msk [tilespmem:v51+s3+$0x0], $0xffff  }
0x728: {  	v54 =	vld [tilespmem:s30+$0x52D0]  }
0x729: {  	[tilespmem:s30+$0xF2B0] =	vst v15  }
0x72a: {  	v15 =	vld.idx.msk [tilespmem:v52+s3+$0x0], $0xffff  }
0x72b: {  	v55 =	vld [tilespmem:s30+$0x5260]  }
0x72c: {  	[tilespmem:s30+$0xF240] =	vst v14  }
0x72d: {  	v14 =	vld.idx.msk [tilespmem:v53+s3+$0x0], $0xffff  }
0x72e: {  	v56 =	vld [tilespmem:s30+$0x52E0]  }
0x72f: {  	[tilespmem:s30+$0xF2C0] =	vst v15  }
0x730: {  	v15 =	vld.idx.msk [tilespmem:v54+s3+$0x0], $0xffff  }
0x731: {  	v57 =	vld [tilespmem:s30+$0x5270]  }
0x732: {  	[tilespmem:s30+$0xF250] =	vst v14  }
0x733: {  	v14 =	vld.idx.msk [tilespmem:v55+s3+$0x0], $0xffff  }
0x734: {  	v59 =	vld [tilespmem:s30+$0x52F0]  }
0x735: {  	[tilespmem:s30+$0xF2D0] =	vst v15;
	v15 =	vld [tilespmem:s30+$0x5300]  }
0x736: {  	v16 =	vld.idx.msk [tilespmem:v56+s3+$0x0], $0xffff;
	_ =	sdelay $0x1  }
0x737: {  	v58 =	vld [tilespmem:s30+$0x5600];
	[tilespmem:s30+$0xF260] =	vst v14  }
0x738: {  	v14 =	vld.idx.msk [tilespmem:v57+s3+$0x0], $0xffff  }
0x739: {  	v20 =	vld [tilespmem:s30+$0x5680]  }
0x73a: {  	v61 =	vld [tilespmem:s30+$0x5310];
	[tilespmem:s30+$0xF2E0] =	vst v16  }
0x73b: {  	v18 =	vld.idx.msk [tilespmem:v59+s3+$0x0], $0xffff  }
0x73c: {  	v60 =	vld [tilespmem:s30+$0x5610]  }
0x73d: {  	[tilespmem:s30+$0xF270] =	vst v14;
	v14 =	vld.idx.msk [tilespmem:v15+s3+$0x0], $0xffff  }
0x73e: {  	v21 =	vld [tilespmem:s30+$0x5690]  }
0x73f: {  	v63 =	vld [tilespmem:s30+$0x5320]  }
0x740: {  	[tilespmem:s30+$0xF2F0] =	vst v18;
	v15 =	vld.idx.msk [tilespmem:v58+s3+$0x0], $0xffff  }
0x741: {  	v20 =	vld.idx.msk [tilespmem:v20+s3+$0x0], $0xffff  }
0x742: {  	v62 =	vld [tilespmem:s30+$0x5620];
	[tilespmem:s30+$0xF300] =	vst v14  }
0x743: {  	v14 =	vld.idx.msk [tilespmem:v61+s3+$0x0], $0xffff  }
0x744: {  	v25 =	vld [tilespmem:s30+$0x56A0]  }
0x745: {  	v26 =	vld [tilespmem:s30+$0x5330];
	[tilespmem:s30+$0xF600] =	vst v15  }
0x746: {  	[tilespmem:s30+$0xF680] =	vst v20;
	v15 =	vld.idx.msk [tilespmem:v60+s3+$0x0], $0xffff  }
0x747: {  	v21 =	vld.idx.msk [tilespmem:v21+s3+$0x0], $0xffff  }
0x748: {  	v24 =	vld [tilespmem:s30+$0x5630];
	[tilespmem:s30+$0xF310] =	vst v14  }
0x749: {  	v14 =	vld.idx.msk [tilespmem:v63+s3+$0x0], $0xffff  }
0x74a: {  	v28 =	vld [tilespmem:s30+$0x56B0]  }
0x74b: {  	v29 =	vld [tilespmem:s30+$0x5340];
	[tilespmem:s30+$0xF610] =	vst v15  }
0x74c: {  	[tilespmem:s30+$0xF690] =	vst v21;
	v15 =	vld.idx.msk [tilespmem:v62+s3+$0x0], $0xffff  }
0x74d: {  	v19 =	vld.idx.msk [tilespmem:v25+s3+$0x0], $0xffff  }
0x74e: {  	v27 =	vld [tilespmem:s30+$0x5640];
	[tilespmem:s30+$0xF320] =	vst v14  }
0x74f: {  	v14 =	vld.idx.msk [tilespmem:v26+s3+$0x0], $0xffff  }
0x750: {  	v31 =	vld [tilespmem:s30+$0x56C0]  }
0x751: {  	v32 =	vld [tilespmem:s30+$0x5350];
	[tilespmem:s30+$0xF620] =	vst v15  }
0x752: {  	[tilespmem:s30+$0xF6A0] =	vst v19;
	v15 =	vld.idx.msk [tilespmem:v24+s3+$0x0], $0xffff  }
0x753: {  	v18 =	vld.idx.msk [tilespmem:v28+s3+$0x0], $0xffff  }
0x754: {  	v30 =	vld [tilespmem:s30+$0x5650];
	[tilespmem:s30+$0xF330] =	vst v14  }
0x755: {  	v14 =	vld.idx.msk [tilespmem:v29+s3+$0x0], $0xffff  }
0x756: {  	v34 =	vld [tilespmem:s30+$0x56D0]  }
0x757: {  	v35 =	vld [tilespmem:s30+$0x5360];
	[tilespmem:s30+$0xF630] =	vst v15  }
0x758: {  	[tilespmem:s30+$0xF6B0] =	vst v18;
	v15 =	vld.idx.msk [tilespmem:v27+s3+$0x0], $0xffff  }
0x759: {  	v20 =	vld.idx.msk [tilespmem:v31+s3+$0x0], $0xffff  }
0x75a: {  	v33 =	vld [tilespmem:s30+$0x5660];
	[tilespmem:s30+$0xF340] =	vst v14  }
0x75b: {  	v14 =	vld.idx.msk [tilespmem:v32+s3+$0x0], $0xffff  }
0x75c: {  	v37 =	vld [tilespmem:s30+$0x56E0]  }
0x75d: {  	v38 =	vld [tilespmem:s30+$0x5370];
	[tilespmem:s30+$0xF640] =	vst v15  }
0x75e: {  	[tilespmem:s30+$0xF6C0] =	vst v20;
	v15 =	vld.idx.msk [tilespmem:v30+s3+$0x0], $0xffff  }
0x75f: {  	v21 =	vld.idx.msk [tilespmem:v34+s3+$0x0], $0xffff  }
0x760: {  	v36 =	vld [tilespmem:s30+$0x5670];
	[tilespmem:s30+$0xF350] =	vst v14  }
0x761: {  	v14 =	vld.idx.msk [tilespmem:v35+s3+$0x0], $0xffff  }
0x762: {  	v40 =	vld [tilespmem:s30+$0x56F0]  }
0x763: {  	v41 =	vld [tilespmem:s30+$0x5700];
	[tilespmem:s30+$0xF650] =	vst v15  }
0x764: {  	[tilespmem:s30+$0xF6D0] =	vst v21;
	v15 =	vld.idx.msk [tilespmem:v33+s3+$0x0], $0xffff  }
0x765: {  	v19 =	vld.idx.msk [tilespmem:v37+s3+$0x0], $0xffff  }
0x766: {  	v39 =	vld [tilespmem:s30+$0x5A00];
	[tilespmem:s30+$0xF360] =	vst v14  }
0x767: {  	v14 =	vld.idx.msk [tilespmem:v38+s3+$0x0], $0xffff  }
0x768: {  	v43 =	vld [tilespmem:s30+$0x5A80]  }
0x769: {  	v44 =	vld [tilespmem:s30+$0x5710];
	[tilespmem:s30+$0xF660] =	vst v15  }
0x76a: {  	[tilespmem:s30+$0xF6E0] =	vst v19;
	v15 =	vld.idx.msk [tilespmem:v36+s3+$0x0], $0xffff  }
0x76b: {  	v18 =	vld.idx.msk [tilespmem:v40+s3+$0x0], $0xffff  }
0x76c: {  	v42 =	vld [tilespmem:s30+$0x5A10];
	[tilespmem:s30+$0xF370] =	vst v14  }
0x76d: {  	v14 =	vld.idx.msk [tilespmem:v41+s3+$0x0], $0xffff  }
0x76e: {  	v46 =	vld [tilespmem:s30+$0x5A90]  }
0x76f: {  	v47 =	vld [tilespmem:s30+$0x5720];
	[tilespmem:s30+$0xF670] =	vst v15  }
0x770: {  	[tilespmem:s30+$0xF6F0] =	vst v18;
	v15 =	vld.idx.msk [tilespmem:v39+s3+$0x0], $0xffff  }
0x771: {  	v20 =	vld.idx.msk [tilespmem:v43+s3+$0x0], $0xffff  }
0x772: {  	v45 =	vld [tilespmem:s30+$0x5A20];
	[tilespmem:s30+$0xF700] =	vst v14  }
0x773: {  	v14 =	vld.idx.msk [tilespmem:v44+s3+$0x0], $0xffff  }
0x774: {  	v49 =	vld [tilespmem:s30+$0x5AA0]  }
0x775: {  	v50 =	vld [tilespmem:s30+$0x5730];
	[tilespmem:s30+$0xFA00] =	vst v15  }
0x776: {  	[tilespmem:s30+$0xFA80] =	vst v20;
	v15 =	vld.idx.msk [tilespmem:v42+s3+$0x0], $0xffff  }
0x777: {  	v21 =	vld.idx.msk [tilespmem:v46+s3+$0x0], $0xffff  }
0x778: {  	v48 =	vld [tilespmem:s30+$0x5A30];
	[tilespmem:s30+$0xF710] =	vst v14  }
0x779: {  	v14 =	vld.idx.msk [tilespmem:v47+s3+$0x0], $0xffff  }
0x77a: {  	v52 =	vld [tilespmem:s30+$0x5AB0]  }
0x77b: {  	v53 =	vld [tilespmem:s30+$0x5740];
	[tilespmem:s30+$0xFA10] =	vst v15  }
0x77c: {  	[tilespmem:s30+$0xFA90] =	vst v21;
	v15 =	vld.idx.msk [tilespmem:v45+s3+$0x0], $0xffff  }
0x77d: {  	v19 =	vld.idx.msk [tilespmem:v49+s3+$0x0], $0xffff  }
0x77e: {  	v51 =	vld [tilespmem:s30+$0x5A40];
	[tilespmem:s30+$0xF720] =	vst v14  }
0x77f: {  	v14 =	vld.idx.msk [tilespmem:v50+s3+$0x0], $0xffff  }
0x780: {  	v55 =	vld [tilespmem:s30+$0x5AC0]  }
0x781: {  	v56 =	vld [tilespmem:s30+$0x5750];
	[tilespmem:s30+$0xFA20] =	vst v15  }
0x782: {  	[tilespmem:s30+$0xFAA0] =	vst v19;
	v15 =	vld.idx.msk [tilespmem:v48+s3+$0x0], $0xffff  }
0x783: {  	v18 =	vld.idx.msk [tilespmem:v52+s3+$0x0], $0xffff  }
0x784: {  	v54 =	vld [tilespmem:s30+$0x5A50];
	[tilespmem:s30+$0xF730] =	vst v14  }
0x785: {  	v14 =	vld.idx.msk [tilespmem:v53+s3+$0x0], $0xffff  }
0x786: {  	v59 =	vld [tilespmem:s30+$0x5760]  }
0x787: {  	v58 =	vld [tilespmem:s30+$0x5AD0];
	[tilespmem:s30+$0xFA30] =	vst v15  }
0x788: {  	[tilespmem:s30+$0xFAB0] =	vst v18;
	v15 =	vld.idx.msk [tilespmem:v51+s3+$0x0], $0xffff  }
0x789: {  	v20 =	vld.idx.msk [tilespmem:v55+s3+$0x0], $0xffff  }
0x78a: {  	v57 =	vld [tilespmem:s30+$0x5A60];
	[tilespmem:s30+$0xF740] =	vst v14  }
0x78b: {  	v14 =	vld.idx.msk [tilespmem:v56+s3+$0x0], $0xffff  }
0x78c: {  	v61 =	vld [tilespmem:s30+$0x5AE0]  }
0x78d: {  	v62 =	vld [tilespmem:s30+$0x5770];
	[tilespmem:s30+$0xFA40] =	vst v15  }
0x78e: {  	[tilespmem:s30+$0xFAC0] =	vst v20;
	v15 =	vld.idx.msk [tilespmem:v54+s3+$0x0], $0xffff  }
0x78f: {  	v21 =	vld.idx.msk [tilespmem:v58+s3+$0x0], $0xffff  }
0x790: {  	v60 =	vld [tilespmem:s30+$0x5A70];
	[tilespmem:s30+$0xF750] =	vst v14  }
0x791: {  	v14 =	vld.idx.msk [tilespmem:v59+s3+$0x0], $0xffff  }
0x792: {  	v25 =	vld [tilespmem:s30+$0x5B00]  }
0x793: {  	v24 =	vld [tilespmem:s30+$0x5AF0];
	[tilespmem:s30+$0xFA50] =	vst v15  }
0x794: {  	[tilespmem:s30+$0xFAD0] =	vst v21;
	v15 =	vld.idx.msk [tilespmem:v57+s3+$0x0], $0xffff  }
0x795: {  	v19 =	vld.idx.msk [tilespmem:v61+s3+$0x0], $0xffff  }
0x796: {  	v63 =	vld [tilespmem:s30+$0x5E00];
	[tilespmem:s30+$0xF760] =	vst v14  }
0x797: {  	v14 =	vld.idx.msk [tilespmem:v62+s3+$0x0], $0xffff  }
0x798: {  	v28 =	vld [tilespmem:s30+$0x5B10]  }
0x799: {  	v27 =	vld [tilespmem:s30+$0x5E80];
	[tilespmem:s30+$0xFA60] =	vst v15  }
0x79a: {  	[tilespmem:s30+$0xFAE0] =	vst v19;
	v15 =	vld.idx.msk [tilespmem:v60+s3+$0x0], $0xffff  }
0x79b: {  	v18 =	vld.idx.msk [tilespmem:v24+s3+$0x0], $0xffff  }
0x79c: {  	v26 =	vld [tilespmem:s30+$0x5E10];
	[tilespmem:s30+$0xF770] =	vst v14  }
0x79d: {  	v14 =	vld.idx.msk [tilespmem:v25+s3+$0x0], $0xffff  }
0x79e: {  	v31 =	vld [tilespmem:s30+$0x5B20]  }
0x79f: {  	v30 =	vld [tilespmem:s30+$0x5E90];
	[tilespmem:s30+$0xFA70] =	vst v15  }
0x7a0: {  	[tilespmem:s30+$0xFAF0] =	vst v18;
	v15 =	vld.idx.msk [tilespmem:v63+s3+$0x0], $0xffff  }
0x7a1: {  	v20 =	vld.idx.msk [tilespmem:v27+s3+$0x0], $0xffff  }
0x7a2: {  	v29 =	vld [tilespmem:s30+$0x5E20];
	[tilespmem:s30+$0xFB00] =	vst v14  }
0x7a3: {  	v14 =	vld.idx.msk [tilespmem:v28+s3+$0x0], $0xffff  }
0x7a4: {  	v34 =	vld [tilespmem:s30+$0x5B30]  }
0x7a5: {  	v33 =	vld [tilespmem:s30+$0x5EA0];
	[tilespmem:s30+$0xFE00] =	vst v15  }
0x7a6: {  	[tilespmem:s30+$0xFE80] =	vst v20;
	v15 =	vld.idx.msk [tilespmem:v26+s3+$0x0], $0xffff  }
0x7a7: {  	v21 =	vld.idx.msk [tilespmem:v30+s3+$0x0], $0xffff  }
0x7a8: {  	v32 =	vld [tilespmem:s30+$0x5E30];
	[tilespmem:s30+$0xFB10] =	vst v14  }
0x7a9: {  	v14 =	vld.idx.msk [tilespmem:v31+s3+$0x0], $0xffff  }
0x7aa: {  	v37 =	vld [tilespmem:s30+$0x5B40]  }
0x7ab: {  	v36 =	vld [tilespmem:s30+$0x5EB0];
	[tilespmem:s30+$0xFE10] =	vst v15  }
0x7ac: {  	[tilespmem:s30+$0xFE90] =	vst v21;
	v15 =	vld.idx.msk [tilespmem:v29+s3+$0x0], $0xffff  }
0x7ad: {  	v19 =	vld.idx.msk [tilespmem:v33+s3+$0x0], $0xffff  }
0x7ae: {  	v35 =	vld [tilespmem:s30+$0x5E40];
	[tilespmem:s30+$0xFB20] =	vst v14  }
0x7af: {  	v14 =	vld.idx.msk [tilespmem:v34+s3+$0x0], $0xffff  }
0x7b0: {  	v40 =	vld [tilespmem:s30+$0x5B50]  }
0x7b1: {  	v39 =	vld [tilespmem:s30+$0x5EC0];
	[tilespmem:s30+$0xFE20] =	vst v15  }
0x7b2: {  	[tilespmem:s30+$0xFEA0] =	vst v19;
	v15 =	vld.idx.msk [tilespmem:v32+s3+$0x0], $0xffff  }
0x7b3: {  	v18 =	vld.idx.msk [tilespmem:v36+s3+$0x0], $0xffff  }
0x7b4: {  	v38 =	vld [tilespmem:s30+$0x5E50];
	[tilespmem:s30+$0xFB30] =	vst v14  }
0x7b5: {  	v14 =	vld.idx.msk [tilespmem:v37+s3+$0x0], $0xffff  }
0x7b6: {  	v43 =	vld [tilespmem:s30+$0x5B60]  }
0x7b7: {  	v42 =	vld [tilespmem:s30+$0x5ED0];
	[tilespmem:s30+$0xFE30] =	vst v15  }
0x7b8: {  	[tilespmem:s30+$0xFEB0] =	vst v18;
	v15 =	vld.idx.msk [tilespmem:v35+s3+$0x0], $0xffff  }
0x7b9: {  	v20 =	vld.idx.msk [tilespmem:v39+s3+$0x0], $0xffff  }
0x7ba: {  	v41 =	vld [tilespmem:s30+$0x5E60];
	[tilespmem:s30+$0xFB40] =	vst v14  }
0x7bb: {  	v14 =	vld.idx.msk [tilespmem:v40+s3+$0x0], $0xffff  }
0x7bc: {  	v44 =	vld [tilespmem:s30+$0x5EE0]  }
0x7bd: {  	v45 =	vld [tilespmem:s30+$0x5B70];
	[tilespmem:s30+$0xFE40] =	vst v15  }
0x7be: {  	[tilespmem:s30+$0xFEC0] =	vst v20;
	v15 =	vld.idx.msk [tilespmem:v38+s3+$0x0], $0xffff  }
0x7bf: {  	v20 =	vld.idx.msk [tilespmem:v42+s3+$0x0], $0xffff  }
0x7c0: {  	[tilespmem:s30+$0xFB50] =	vst v14  }
0x7c1: {  	v14 =	vld.idx.msk [tilespmem:v43+s3+$0x0], $0xffff  }
0x7c2: {  	v46 =	vld [tilespmem:s30+$0x5EF0]  }
0x7c3: {  	v47 =	vld [tilespmem:s30+$0x5F00];
	[tilespmem:s30+$0xFE50] =	vst v15  }
0x7c4: {  	v15 =	vld [tilespmem:s30+$0x5E70];
	[tilespmem:s30+$0xFED0] =	vst v20  }
0x7c5: {  	v16 =	vld.idx.msk [tilespmem:v44+s3+$0x0], $0xffff  }
0x7c6: {  	v17 =	vld.idx.msk [tilespmem:v41+s3+$0x0], $0xffff;
	[tilespmem:s30+$0xFB60] =	vst v14  }
0x7c7: {  	v14 =	vld.idx.msk [tilespmem:v45+s3+$0x0], $0xffff;
	_ =	sdelay $0x2  }
0x7c8: {  	v48 =	vld [tilespmem:s30+$0x5F10];
	[tilespmem:s30+$0xFEE0] =	vst v16  }
0x7c9: {  	[tilespmem:s30+$0xFE60] =	vst v17;
	v49 =	vld.idx.msk [tilespmem:v46+s3+$0x0], $0xffff  }
0x7ca: {  	v15 =	vld.idx.msk [tilespmem:v15+s3+$0x0], $0xffff;
	[tilespmem:s30+$0xFB70] =	vst v14  }
0x7cb: {  	v14 =	vld.idx.msk [tilespmem:v47+s3+$0x0], $0xffff;
	_ =	sdelay $0x2  }
0x7cc: {  	[tilespmem:s30+$0xFEF0] =	vst v49  }
0x7cd: {  	[tilespmem:s30+$0xFE70] =	vst v15  }
0x7ce: {  	[tilespmem:s30+$0xFF00] =	vst v14  }
0x7cf: {  	v14 =	vld.idx.msk [tilespmem:v48+s3+$0x0], $0xffff  }
0x7d0: {  	v15 =	vld [tilespmem:s30+$0x5380];
	_ =	sdelay $0x4  }
0x7d1: {  	v16 =	vld [tilespmem:s30+$0x5400]  }
0x7d2: {  	v50 =	vld [tilespmem:s30+$0x5390];
	_ =	sdelay $0x1  }
0x7d3: {  	v15 =	vld.idx.msk [tilespmem:v15+s3+$0x0], $0xffff;
	_ =	sdelay $0x2  }
0x7d4: {  	v51 =	vld [tilespmem:s30+$0x5410]  }
0x7d5: {  	v52 =	vld [tilespmem:s30+$0x53A0]  }
0x7d6: {  	[tilespmem:s30+$0xF380] =	vst v15;
	v15 =	vld.idx.msk [tilespmem:v16+s3+$0x0], $0xffff  }
0x7d7: {  	v53 =	vld.idx.msk [tilespmem:v50+s3+$0x0], $0xffff;
	_ =	sdelay $0x2  }
0x7d8: {  	v54 =	vld [tilespmem:s30+$0x5420]  }
0x7d9: {  	v55 =	vld [tilespmem:s30+$0x53B0];
	[tilespmem:s30+$0xF400] =	vst v15  }
0x7da: {  	[tilespmem:s30+$0xF390] =	vst v53;
	v15 =	vld.idx.msk [tilespmem:v51+s3+$0x0], $0xffff  }
0x7db: {  	v16 =	vld.idx.msk [tilespmem:v52+s3+$0x0], $0xffff;
	_ =	sdelay $0x2  }
0x7dc: {  	v56 =	vld [tilespmem:s30+$0x5430]  }
0x7dd: {  	v57 =	vld [tilespmem:s30+$0x53C0];
	[tilespmem:s30+$0xF410] =	vst v15  }
0x7de: {  	[tilespmem:s30+$0xF3A0] =	vst v16;
	v15 =	vld.idx.msk [tilespmem:v54+s3+$0x0], $0xffff  }
0x7df: {  	v16 =	vld.idx.msk [tilespmem:v55+s3+$0x0], $0xffff;
	_ =	sdelay $0x2  }
0x7e0: {  	v58 =	vld [tilespmem:s30+$0x5440]  }
0x7e1: {  	v59 =	vld [tilespmem:s30+$0x53D0];
	[tilespmem:s30+$0xF420] =	vst v15  }
0x7e2: {  	[tilespmem:s30+$0xF3B0] =	vst v16;
	v15 =	vld.idx.msk [tilespmem:v56+s3+$0x0], $0xffff  }
0x7e3: {  	v16 =	vld.idx.msk [tilespmem:v57+s3+$0x0], $0xffff;
	_ =	sdelay $0x2  }
0x7e4: {  	v60 =	vld [tilespmem:s30+$0x5450]  }
0x7e5: {  	v61 =	vld [tilespmem:s30+$0x53E0];
	[tilespmem:s30+$0xF430] =	vst v15  }
0x7e6: {  	[tilespmem:s30+$0xF3C0] =	vst v16;
	v15 =	vld.idx.msk [tilespmem:v58+s3+$0x0], $0xffff  }
0x7e7: {  	v16 =	vld.idx.msk [tilespmem:v59+s3+$0x0], $0xffff;
	_ =	sdelay $0x2  }
0x7e8: {  	v62 =	vld [tilespmem:s30+$0x5460]  }
0x7e9: {  	v63 =	vld [tilespmem:s30+$0x53F0];
	[tilespmem:s30+$0xF440] =	vst v15  }
0x7ea: {  	[tilespmem:s30+$0xF3D0] =	vst v16;
	v15 =	vld.idx.msk [tilespmem:v60+s3+$0x0], $0xffff  }
0x7eb: {  	v16 =	vld.idx.msk [tilespmem:v61+s3+$0x0], $0xffff;
	_ =	sdelay $0x2  }
0x7ec: {  	v24 =	vld [tilespmem:s30+$0x5470]  }
0x7ed: {  	v25 =	vld [tilespmem:s30+$0x5780];
	[tilespmem:s30+$0xF450] =	vst v15  }
0x7ee: {  	[tilespmem:s30+$0xF3E0] =	vst v16;
	v15 =	vld.idx.msk [tilespmem:v62+s3+$0x0], $0xffff  }
0x7ef: {  	v16 =	vld.idx.msk [tilespmem:v63+s3+$0x0], $0xffff;
	_ =	sdelay $0x2  }
0x7f0: {  	v26 =	vld [tilespmem:s30+$0x5800]  }
0x7f1: {  	v27 =	vld [tilespmem:s30+$0x5790];
	[tilespmem:s30+$0xF460] =	vst v15  }
0x7f2: {  	[tilespmem:s30+$0xF3F0] =	vst v16;
	v15 =	vld.idx.msk [tilespmem:v24+s3+$0x0], $0xffff  }
0x7f3: {  	v16 =	vld.idx.msk [tilespmem:v25+s3+$0x0], $0xffff;
	_ =	sdelay $0x2  }
0x7f4: {  	v28 =	vld [tilespmem:s30+$0x5810]  }
0x7f5: {  	v29 =	vld [tilespmem:s30+$0x57A0];
	[tilespmem:s30+$0xF470] =	vst v15  }
0x7f6: {  	[tilespmem:s30+$0xF780] =	vst v16;
	v15 =	vld.idx.msk [tilespmem:v26+s3+$0x0], $0xffff  }
0x7f7: {  	v16 =	vld.idx.msk [tilespmem:v27+s3+$0x0], $0xffff;
	_ =	sdelay $0x2  }
0x7f8: {  	v30 =	vld [tilespmem:s30+$0x5820]  }
0x7f9: {  	v31 =	vld [tilespmem:s30+$0x57B0];
	[tilespmem:s30+$0xF800] =	vst v15  }
0x7fa: {  	[tilespmem:s30+$0xF790] =	vst v16;
	v15 =	vld.idx.msk [tilespmem:v28+s3+$0x0], $0xffff  }
0x7fb: {  	v16 =	vld.idx.msk [tilespmem:v29+s3+$0x0], $0xffff;
	_ =	sdelay $0x2  }
0x7fc: {  	v32 =	vld [tilespmem:s30+$0x5830]  }
0x7fd: {  	v33 =	vld [tilespmem:s30+$0x57C0];
	[tilespmem:s30+$0xF810] =	vst v15  }
0x7fe: {  	[tilespmem:s30+$0xF7A0] =	vst v16;
	v15 =	vld.idx.msk [tilespmem:v30+s3+$0x0], $0xffff  }
0x7ff: {  	v16 =	vld.idx.msk [tilespmem:v31+s3+$0x0], $0xffff;
	_ =	sdelay $0x2  }
0x800: {  	v34 =	vld [tilespmem:s30+$0x5840]  }
0x801: {  	v35 =	vld [tilespmem:s30+$0x57D0];
	[tilespmem:s30+$0xF820] =	vst v15  }
0x802: {  	[tilespmem:s30+$0xF7B0] =	vst v16;
	v15 =	vld.idx.msk [tilespmem:v32+s3+$0x0], $0xffff  }
0x803: {  	v16 =	vld.idx.msk [tilespmem:v33+s3+$0x0], $0xffff;
	_ =	sdelay $0x2  }
0x804: {  	v36 =	vld [tilespmem:s30+$0x5850]  }
0x805: {  	v37 =	vld [tilespmem:s30+$0x57E0];
	[tilespmem:s30+$0xF830] =	vst v15  }
0x806: {  	[tilespmem:s30+$0xF7C0] =	vst v16;
	v15 =	vld.idx.msk [tilespmem:v34+s3+$0x0], $0xffff  }
0x807: {  	v16 =	vld.idx.msk [tilespmem:v35+s3+$0x0], $0xffff;
	_ =	sdelay $0x2  }
0x808: {  	v38 =	vld [tilespmem:s30+$0x5860]  }
0x809: {  	v39 =	vld [tilespmem:s30+$0x57F0];
	[tilespmem:s30+$0xF840] =	vst v15  }
0x80a: {  	[tilespmem:s30+$0xF7D0] =	vst v16;
	v15 =	vld.idx.msk [tilespmem:v36+s3+$0x0], $0xffff  }
0x80b: {  	v16 =	vld.idx.msk [tilespmem:v37+s3+$0x0], $0xffff;
	_ =	sdelay $0x2  }
0x80c: {  	v40 =	vld [tilespmem:s30+$0x5870]  }
0x80d: {  	v41 =	vld [tilespmem:s30+$0x5B80];
	[tilespmem:s30+$0xF850] =	vst v15  }
0x80e: {  	[tilespmem:s30+$0xF7E0] =	vst v16;
	v15 =	vld.idx.msk [tilespmem:v38+s3+$0x0], $0xffff  }
0x80f: {  	v16 =	vld.idx.msk [tilespmem:v39+s3+$0x0], $0xffff;
	_ =	sdelay $0x2  }
0x810: {  	v42 =	vld [tilespmem:s30+$0x5C00]  }
0x811: {  	v43 =	vld [tilespmem:s30+$0x5B90];
	[tilespmem:s30+$0xF860] =	vst v15  }
0x812: {  	[tilespmem:s30+$0xF7F0] =	vst v16;
	v15 =	vld.idx.msk [tilespmem:v40+s3+$0x0], $0xffff  }
0x813: {  	v16 =	vld.idx.msk [tilespmem:v41+s3+$0x0], $0xffff;
	_ =	sdelay $0x2  }
0x814: {  	v44 =	vld [tilespmem:s30+$0x5C10]  }
0x815: {  	v45 =	vld [tilespmem:s30+$0x5BA0];
	[tilespmem:s30+$0xF870] =	vst v15  }
0x816: {  	[tilespmem:s30+$0xFB80] =	vst v16;
	v15 =	vld.idx.msk [tilespmem:v42+s3+$0x0], $0xffff  }
0x817: {  	v16 =	vld.idx.msk [tilespmem:v43+s3+$0x0], $0xffff;
	_ =	sdelay $0x1  }
0x818: {  	v46 =	vld [tilespmem:s30+$0x5C20]  }
0x819: {  	v47 =	vld [tilespmem:s30+$0x5BB0]  }
0x81a: {  	v48 =	vld [tilespmem:s30+$0x5C30];
	[tilespmem:s30+$0xFC00] =	vst v15  }
0x81b: {  	[tilespmem:s30+$0xFB90] =	vst v16;
	v15 =	vld.idx.msk [tilespmem:v44+s3+$0x0], $0xffff  }
0x81c: {  	v16 =	vld.idx.msk [tilespmem:v45+s3+$0x0], $0xffff  }
0x81d: {  	v49 =	vld [tilespmem:s30+$0x5BC0]  }
0x81e: {  	v22 =	vld [tilespmem:s30+$0x5FA0]  }
0x81f: {  	v23 =	vld [tilespmem:s30+$0x5490]  }
0x820: {  	v50 =	vld [tilespmem:s30+$0x5C40];
	[tilespmem:s30+$0xFC10] =	vst v15  }
0x821: {  	[tilespmem:s30+$0xFBA0] =	vst v16;
	v15 =	vld.idx.msk [tilespmem:v46+s3+$0x0], $0xffff  }
0x822: {  	v16 =	vld.idx.msk [tilespmem:v47+s3+$0x0], $0xffff  }
0x823: {  	v51 =	vld [tilespmem:s30+$0x5BD0]  }
0x824: {  	v53 =	vld [tilespmem:s30+$0x5BE0]  }
0x825: {  	v52 =	vld [tilespmem:s30+$0x5C50]  }
0x826: {  	v54 =	vld [tilespmem:s30+$0x5C60];
	[tilespmem:s30+$0xFC20] =	vst v15  }
0x827: {  	[tilespmem:s30+$0xFBB0] =	vst v16;
	v15 =	vld.idx.msk [tilespmem:v48+s3+$0x0], $0xffff  }
0x828: {  	v16 =	vld.idx.msk [tilespmem:v49+s3+$0x0], $0xffff  }
0x829: {  	v55 =	vld [tilespmem:s30+$0x5BF0]  }
0x82a: {  	v58 =	vld [tilespmem:s30+$0x5F20]  }
0x82b: {  	v56 =	vld [tilespmem:s30+$0x5C70]  }
0x82c: {  	v57 =	vld [tilespmem:s30+$0x5F80];
	[tilespmem:s30+$0xFC30] =	vst v15  }
0x82d: {  	[tilespmem:s30+$0xFBC0] =	vst v16;
	v15 =	vld.idx.msk [tilespmem:v50+s3+$0x0], $0xffff  }
0x82e: {  	v16 =	vld.idx.msk [tilespmem:v51+s3+$0x0], $0xffff  }
0x82f: {  	v59 =	vld [tilespmem:s30+$0x6000]  }
0x830: {  	v60 =	vld [tilespmem:s30+$0x5F90]  }
0x831: {  	[tilespmem:s30+$0xFF10] =	vst v14;
	v61 =	vld [tilespmem:s30+$0x5F30]  }
0x832: {  	v63 =	vld.idx.msk [tilespmem:v58+s3+$0x0], $0xffff;
	[tilespmem:s30+$0xFC40] =	vst v15  }
0x833: {  	[tilespmem:s30+$0xFBD0] =	vst v16;
	v15 =	vld.idx.msk [tilespmem:v52+s3+$0x0], $0xffff  }
0x834: {  	v16 =	vld.idx.msk [tilespmem:v53+s3+$0x0], $0xffff  }
0x835: {  	v62 =	vld [tilespmem:s30+$0x6010]  }
0x836: {  	v58 =	vld [tilespmem:s30+$0x5880]  }
0x837: {  	v24 =	vld [tilespmem:s30+$0x5F40];
	[tilespmem:s30+$0xFF20] =	vst v63  }
0x838: {  	v63 =	vld [tilespmem:s30+$0x5980];
	[tilespmem:s30+$0xFC50] =	vst v15  }
0x839: {  	[tilespmem:s30+$0xFBE0] =	vst v16;
	v15 =	vld.idx.msk [tilespmem:v54+s3+$0x0], $0xffff  }
0x83a: {  	v16 =	vld.idx.msk [tilespmem:v55+s3+$0x0], $0xffff  }
0x83b: {  	v25 =	vld [tilespmem:s30+$0x6020]  }
0x83c: {  	v26 =	vld [tilespmem:s30+$0x5FB0]  }
0x83d: {  	v27 =	vld [tilespmem:s30+$0x5F50]  }
0x83e: {  	v28 =	vld [tilespmem:s30+$0x6030];
	[tilespmem:s30+$0xFC60] =	vst v15  }
0x83f: {  	[tilespmem:s30+$0xFBF0] =	vst v16;
	v15 =	vld.idx.msk [tilespmem:v56+s3+$0x0], $0xffff  }
0x840: {  	v16 =	vld.idx.msk [tilespmem:v57+s3+$0x0], $0xffff  }
0x841: {  	v29 =	vld [tilespmem:s30+$0x5FC0]  }
0x842: {  	v30 =	vld [tilespmem:s30+$0x5F60]  }
0x843: {  	v31 =	vld [tilespmem:s30+$0x6040]  }
0x844: {  	v32 =	vld [tilespmem:s30+$0x5FD0];
	[tilespmem:s30+$0xFC70] =	vst v15  }
0x845: {  	[tilespmem:s30+$0xFF80] =	vst v16;
	v15 =	vld.idx.msk [tilespmem:v59+s3+$0x0], $0xffff  }
0x846: {  	v14 =	vld.idx.msk [tilespmem:v60+s3+$0x0], $0xffff  }
0x847: {  	v38 =	vld [tilespmem:s30+$0x5500]  }
0x848: {  	v39 =	vld [tilespmem:s30+$0x5580]  }
0x849: {  	v33 =	vld [tilespmem:s30+$0x6050]  }
0x84a: {  	v34 =	vld [tilespmem:s30+$0x5FE0];
	[tilespmem:s30+$0x10000] =	vst v15  }
0x84b: {  	[tilespmem:s30+$0xFF90] =	vst v14;
	v14 =	vld.idx.msk [tilespmem:v62+s3+$0x0], $0xffff  }
0x84c: {  	v36 =	vld [tilespmem:s30+$0x6060]  }
0x84d: {  	v37 =	vld [tilespmem:s30+$0x5480]  }
0x84e: {  	v40 =	vld [tilespmem:s30+$0x54A0]  }
0x84f: {  	v19 =	vld.idx.msk [tilespmem:v38+s3+$0x0], $0xffff  }
0x850: {  	v41 =	vld.idx.msk [tilespmem:v39+s3+$0x0], $0xffff;
	[tilespmem:s30+$0x10010] =	vst v14  }
0x851: {  	v14 =	vld.idx.msk [tilespmem:v25+s3+$0x0], $0xffff  }
0x852: {  	v38 =	vld [tilespmem:s30+$0x5940]  }
0x853: {  	v39 =	vld [tilespmem:s30+$0x59C0]  }
0x854: {  	v43 =	vld [tilespmem:s30+$0x54B0]  }
0x855: {  	[tilespmem:s30+$0xF580] =	vst v41;
	v16 =	vld.idx.msk [tilespmem:v61+s3+$0x0], $0xffff  }
0x856: {  	v41 =	vld [tilespmem:s30+$0x5950];
	[tilespmem:s30+$0x10020] =	vst v14  }
0x857: {  	v14 =	vld.idx.msk [tilespmem:v28+s3+$0x0], $0xffff  }
0x858: {  	v44 =	vld [tilespmem:s30+$0x55A0]  }
0x859: {  	v45 =	vld [tilespmem:s30+$0x54C0]  }
0x85a: {  	v46 =	vld [tilespmem:s30+$0x5530];
	[tilespmem:s30+$0xFF30] =	vst v16  }
0x85b: {  	v16 =	vld.idx.msk [tilespmem:v24+s3+$0x0], $0xffff  }
0x85c: {  	v15 =	vld.idx.msk [tilespmem:v22+s3+$0x0], $0xffff;
	[tilespmem:s30+$0x10030] =	vst v14  }
0x85d: {  	v20 =	vld.idx.msk [tilespmem:v31+s3+$0x0], $0xffff  }
0x85e: {  	v24 =	vld [tilespmem:s30+$0x5510]  }
0x85f: {  	v25 =	vld [tilespmem:s30+$0x5590]  }
0x860: {  	v47 =	vld [tilespmem:s30+$0x55B0]  }
0x861: {  	v49 =	vld [tilespmem:s30+$0x54D0];
	[tilespmem:s30+$0xFFA0] =	vst v15  }
0x862: {  	[tilespmem:s30+$0x10040] =	vst v20;
	v20 =	vld.idx.msk [tilespmem:v37+s3+$0x0], $0xffff  }
0x863: {  	v15 =	vld.idx.msk [tilespmem:v26+s3+$0x0], $0xffff  }
0x864: {  	v26 =	vld [tilespmem:s30+$0x5520]  }
0x865: {  	[tilespmem:s30+$0xF500] =	vst v19;
	v50 =	vld [tilespmem:s30+$0x5540]  }
0x866: {  	v24 =	vld.idx.msk [tilespmem:v24+s3+$0x0], $0xffff  }
0x867: {  	[tilespmem:s30+$0xF480] =	vst v20;
	v20 =	vld.idx.msk [tilespmem:v25+s3+$0x0], $0xffff  }
0x868: {  	v42 =	vld.idx.msk [tilespmem:v23+s3+$0x0], $0xffff  }
0x869: {  	v51 =	vld [tilespmem:s30+$0x55C0]  }
0x86a: {  	v52 =	vld [tilespmem:s30+$0x54E0]  }
0x86b: {  	v53 =	vld [tilespmem:s30+$0x5550];
	[tilespmem:s30+$0xF510] =	vst v24  }
0x86c: {  	v26 =	vld.idx.msk [tilespmem:v26+s3+$0x0], $0xffff;
	[tilespmem:s30+$0xF590] =	vst v20  }
0x86d: {  	[tilespmem:s30+$0xF490] =	vst v42;
	v19 =	vld.idx.msk [tilespmem:v44+s3+$0x0], $0xffff  }
0x86e: {  	v21 =	vld.idx.msk [tilespmem:v40+s3+$0x0], $0xffff  }
0x86f: {  	v54 =	vld [tilespmem:s30+$0x55D0]  }
0x870: {  	v55 =	vld [tilespmem:s30+$0x54F0]  }
0x871: {  	v56 =	vld [tilespmem:s30+$0x5560];
	[tilespmem:s30+$0xF520] =	vst v26  }
0x872: {  	v25 =	vld.idx.msk [tilespmem:v46+s3+$0x0], $0xffff;
	[tilespmem:s30+$0xF5A0] =	vst v19  }
0x873: {  	[tilespmem:s30+$0xF4A0] =	vst v21;
	v19 =	vld.idx.msk [tilespmem:v47+s3+$0x0], $0xffff  }
0x874: {  	v48 =	vld.idx.msk [tilespmem:v43+s3+$0x0], $0xffff  }
0x875: {  	v57 =	vld [tilespmem:s30+$0x55E0]  }
0x876: {  	v59 =	vld [tilespmem:s30+$0x5570]  }
0x877: {  	v61 =	vld [tilespmem:s30+$0x5890];
	[tilespmem:s30+$0xF530] =	vst v25  }
0x878: {  	v23 =	vld.idx.msk [tilespmem:v50+s3+$0x0], $0xffff;
	[tilespmem:s30+$0xF5B0] =	vst v19  }
0x879: {  	[tilespmem:s30+$0xF4B0] =	vst v48;
	v19 =	vld.idx.msk [tilespmem:v51+s3+$0x0], $0xffff  }
0x87a: {  	v20 =	vld.idx.msk [tilespmem:v45+s3+$0x0], $0xffff  }
0x87b: {  	v60 =	vld [tilespmem:s30+$0x55F0];
	[tilespmem:s30+$0xFF40] =	vst v16  }
0x87c: {  	v16 =	vld.idx.msk [tilespmem:v27+s3+$0x0], $0xffff  }
0x87d: {  	v62 =	vld [tilespmem:s30+$0x5900];
	[tilespmem:s30+$0xF540] =	vst v23  }
0x87e: {  	v24 =	vld.idx.msk [tilespmem:v53+s3+$0x0], $0xffff;
	[tilespmem:s30+$0xF5C0] =	vst v19  }
0x87f: {  	[tilespmem:s30+$0xF4C0] =	vst v20;
	v19 =	vld.idx.msk [tilespmem:v54+s3+$0x0], $0xffff  }
0x880: {  	v20 =	vld.idx.msk [tilespmem:v49+s3+$0x0], $0xffff  }
0x881: {  	[tilespmem:s30+$0xFF50] =	vst v16;
	v16 =	vld [tilespmem:s30+$0x5FF0]  }
0x882: {  	[tilespmem:s30+$0xFFB0] =	vst v15;
	v28 =	vld [tilespmem:s30+$0x58A0]  }
0x883: {  	v15 =	vld.idx.msk [tilespmem:v29+s3+$0x0], $0xffff;
	[tilespmem:s30+$0xF550] =	vst v24  }
0x884: {  	v26 =	vld.idx.msk [tilespmem:v56+s3+$0x0], $0xffff;
	[tilespmem:s30+$0xF5D0] =	vst v19  }
0x885: {  	[tilespmem:s30+$0xF4D0] =	vst v20;
	v19 =	vld.idx.msk [tilespmem:v57+s3+$0x0], $0xffff  }
0x886: {  	v20 =	vld.idx.msk [tilespmem:v52+s3+$0x0], $0xffff  }
0x887: {  	v29 =	vld [tilespmem:s30+$0x5910]  }
0x888: {  	v14 =	vld [tilespmem:s30+$0x5F70];
	[tilespmem:s30+$0xFFC0] =	vst v15  }
0x889: {  	v15 =	vld.idx.msk [tilespmem:v30+s3+$0x0], $0xffff;
	[tilespmem:s30+$0xF560] =	vst v26  }
0x88a: {  	v25 =	vld.idx.msk [tilespmem:v59+s3+$0x0], $0xffff;
	[tilespmem:s30+$0xF5E0] =	vst v19  }
0x88b: {  	[tilespmem:s30+$0xF4E0] =	vst v20;
	v19 =	vld.idx.msk [tilespmem:v60+s3+$0x0], $0xffff  }
0x88c: {  	v20 =	vld.idx.msk [tilespmem:v55+s3+$0x0], $0xffff  }
0x88d: {  	v30 =	vld [tilespmem:s30+$0x5990]  }
0x88e: {  	v31 =	vld [tilespmem:s30+$0x58B0]  }
0x88f: {  	v35 =	vld.idx.msk [tilespmem:v32+s3+$0x0], $0xffff;
	[tilespmem:s30+$0xF570] =	vst v25  }
0x890: {  	v23 =	vld.idx.msk [tilespmem:v62+s3+$0x0], $0xffff;
	[tilespmem:s30+$0xF5F0] =	vst v19  }
0x891: {  	[tilespmem:s30+$0xF4F0] =	vst v20;
	v19 =	vld.idx.msk [tilespmem:v63+s3+$0x0], $0xffff  }
0x892: {  	v20 =	vld.idx.msk [tilespmem:v58+s3+$0x0], $0xffff  }
0x893: {  	v32 =	vld [tilespmem:s30+$0x5920]  }
0x894: {  	v18 =	vld.idx.msk [tilespmem:v33+s3+$0x0], $0xffff  }
0x895: {  	v33 =	vld [tilespmem:s30+$0x59A0];
	[tilespmem:s30+$0xF900] =	vst v23  }
0x896: {  	v24 =	vld.idx.msk [tilespmem:v29+s3+$0x0], $0xffff;
	[tilespmem:s30+$0xF980] =	vst v19  }
0x897: {  	[tilespmem:s30+$0xF880] =	vst v20;
	v19 =	vld.idx.msk [tilespmem:v30+s3+$0x0], $0xffff  }
0x898: {  	[tilespmem:s30+$0xFFD0] =	vst v35;
	v20 =	vld.idx.msk [tilespmem:v61+s3+$0x0], $0xffff  }
0x899: {  	v35 =	vld [tilespmem:s30+$0x5930];
	[tilespmem:s30+$0x10050] =	vst v18  }
0x89a: {  	v18 =	vld.idx.msk [tilespmem:v36+s3+$0x0], $0xffff  }
0x89b: {  	v36 =	vld [tilespmem:s30+$0x59B0];
	[tilespmem:s30+$0xF910] =	vst v24  }
0x89c: {  	v26 =	vld.idx.msk [tilespmem:v32+s3+$0x0], $0xffff;
	[tilespmem:s30+$0xF990] =	vst v19  }
0x89d: {  	[tilespmem:s30+$0xF890] =	vst v20;
	v19 =	vld.idx.msk [tilespmem:v33+s3+$0x0], $0xffff  }
0x89e: {  	v20 =	vld.idx.msk [tilespmem:v28+s3+$0x0], $0xffff  }
0x89f: {  	v37 =	vld [tilespmem:s30+$0x58D0]  }
0x8a0: {  	v17 =	vld.idx.msk [tilespmem:v34+s3+$0x0], $0xffff  }
0x8a1: {  	v34 =	vld [tilespmem:s30+$0x58C0];
	[tilespmem:s30+$0xF920] =	vst v26  }
0x8a2: {  	v25 =	vld.idx.msk [tilespmem:v35+s3+$0x0], $0xffff;
	[tilespmem:s30+$0xF9A0] =	vst v19  }
0x8a3: {  	[tilespmem:s30+$0xF8A0] =	vst v20;
	v19 =	vld.idx.msk [tilespmem:v36+s3+$0x0], $0xffff  }
0x8a4: {  	[tilespmem:s30+$0xFF60] =	vst v15;
	v20 =	vld.idx.msk [tilespmem:v31+s3+$0x0], $0xffff  }
0x8a5: {  	v14 =	vld.idx.msk [tilespmem:v14+s3+$0x0], $0xffff  }
0x8a6: {  	v46 =	vld [tilespmem:s30+$0x5C80]  }
0x8a7: {  	v42 =	vld [tilespmem:s30+$0x59D0];
	[tilespmem:s30+$0xF930] =	vst v25  }
0x8a8: {  	v23 =	vld.idx.msk [tilespmem:v38+s3+$0x0], $0xffff;
	[tilespmem:s30+$0xF9B0] =	vst v19  }
0x8a9: {  	[tilespmem:s30+$0xF8B0] =	vst v20;
	v19 =	vld.idx.msk [tilespmem:v39+s3+$0x0], $0xffff  }
0x8aa: {  	v20 =	vld.idx.msk [tilespmem:v34+s3+$0x0], $0xffff  }
0x8ab: {  	v44 =	vld [tilespmem:s30+$0x5960]  }
0x8ac: {  	v40 =	vld [tilespmem:s30+$0x58E0]  }
0x8ad: {  	v45 =	vld [tilespmem:s30+$0x59E0];
	[tilespmem:s30+$0xF940] =	vst v23  }
0x8ae: {  	v24 =	vld.idx.msk [tilespmem:v41+s3+$0x0], $0xffff;
	[tilespmem:s30+$0xF9C0] =	vst v19  }
0x8af: {  	[tilespmem:s30+$0xF8C0] =	vst v20;
	v19 =	vld.idx.msk [tilespmem:v42+s3+$0x0], $0xffff  }
0x8b0: {  	v20 =	vld.idx.msk [tilespmem:v37+s3+$0x0], $0xffff  }
0x8b1: {  	v47 =	vld [tilespmem:s30+$0x5970]  }
0x8b2: {  	v43 =	vld [tilespmem:s30+$0x58F0]  }
0x8b3: {  	v48 =	vld [tilespmem:s30+$0x59F0];
	[tilespmem:s30+$0xF950] =	vst v24  }
0x8b4: {  	v26 =	vld.idx.msk [tilespmem:v44+s3+$0x0], $0xffff;
	[tilespmem:s30+$0xF9D0] =	vst v19  }
0x8b5: {  	[tilespmem:s30+$0xF8D0] =	vst v20;
	v19 =	vld.idx.msk [tilespmem:v45+s3+$0x0], $0xffff  }
0x8b6: {  	v20 =	vld.idx.msk [tilespmem:v40+s3+$0x0], $0xffff  }
0x8b7: {  	v50 =	vld [tilespmem:s30+$0x5D00]  }
0x8b8: {  	v53 =	vld [tilespmem:s30+$0x5D10]  }
0x8b9: {  	v51 =	vld [tilespmem:s30+$0x5D80];
	[tilespmem:s30+$0xF960] =	vst v26  }
0x8ba: {  	v25 =	vld.idx.msk [tilespmem:v47+s3+$0x0], $0xffff;
	[tilespmem:s30+$0xF9E0] =	vst v19  }
0x8bb: {  	[tilespmem:s30+$0xF8E0] =	vst v20;
	v19 =	vld.idx.msk [tilespmem:v48+s3+$0x0], $0xffff  }
0x8bc: {  	v20 =	vld.idx.msk [tilespmem:v43+s3+$0x0], $0xffff  }
0x8bd: {  	v56 =	vld [tilespmem:s30+$0x5D20]  }
0x8be: {  	v54 =	vld [tilespmem:s30+$0x5D90]  }
0x8bf: {  	v49 =	vld [tilespmem:s30+$0x5C90];
	[tilespmem:s30+$0xF970] =	vst v25  }
0x8c0: {  	v23 =	vld.idx.msk [tilespmem:v50+s3+$0x0], $0xffff;
	[tilespmem:s30+$0xF9F0] =	vst v19  }
0x8c1: {  	[tilespmem:s30+$0xF8F0] =	vst v20;
	v19 =	vld.idx.msk [tilespmem:v51+s3+$0x0], $0xffff  }
0x8c2: {  	v20 =	vld.idx.msk [tilespmem:v46+s3+$0x0], $0xffff  }
0x8c3: {  	v59 =	vld [tilespmem:s30+$0x5D30]  }
0x8c4: {  	v57 =	vld [tilespmem:s30+$0x5DA0]  }
0x8c5: {  	v52 =	vld [tilespmem:s30+$0x5CA0];
	[tilespmem:s30+$0xFD00] =	vst v23  }
0x8c6: {  	v24 =	vld.idx.msk [tilespmem:v53+s3+$0x0], $0xffff;
	[tilespmem:s30+$0xFD80] =	vst v19  }
0x8c7: {  	[tilespmem:s30+$0xFC80] =	vst v20;
	v19 =	vld.idx.msk [tilespmem:v54+s3+$0x0], $0xffff  }
0x8c8: {  	v20 =	vld.idx.msk [tilespmem:v49+s3+$0x0], $0xffff  }
0x8c9: {  	v62 =	vld [tilespmem:s30+$0x5D40]  }
0x8ca: {  	v60 =	vld [tilespmem:s30+$0x5DB0]  }
0x8cb: {  	v55 =	vld [tilespmem:s30+$0x5CB0];
	[tilespmem:s30+$0xFD10] =	vst v24  }
0x8cc: {  	v26 =	vld.idx.msk [tilespmem:v56+s3+$0x0], $0xffff;
	[tilespmem:s30+$0xFD90] =	vst v19  }
0x8cd: {  	[tilespmem:s30+$0xFC90] =	vst v20;
	v19 =	vld.idx.msk [tilespmem:v57+s3+$0x0], $0xffff  }
0x8ce: {  	v20 =	vld.idx.msk [tilespmem:v52+s3+$0x0], $0xffff  }
0x8cf: {  	v29 =	vld [tilespmem:s30+$0x5D50]  }
0x8d0: {  	v63 =	vld [tilespmem:s30+$0x5DC0]  }
0x8d1: {  	v58 =	vld [tilespmem:s30+$0x5CC0];
	[tilespmem:s30+$0xFD20] =	vst v26  }
0x8d2: {  	v25 =	vld.idx.msk [tilespmem:v59+s3+$0x0], $0xffff;
	[tilespmem:s30+$0xFDA0] =	vst v19  }
0x8d3: {  	[tilespmem:s30+$0xFCA0] =	vst v20;
	v19 =	vld.idx.msk [tilespmem:v60+s3+$0x0], $0xffff  }
0x8d4: {  	v20 =	vld.idx.msk [tilespmem:v55+s3+$0x0], $0xffff  }
0x8d5: {  	v32 =	vld [tilespmem:s30+$0x5D60]  }
0x8d6: {  	v30 =	vld [tilespmem:s30+$0x5DD0]  }
0x8d7: {  	v61 =	vld [tilespmem:s30+$0x5CD0];
	[tilespmem:s30+$0xFD30] =	vst v25  }
0x8d8: {  	v23 =	vld.idx.msk [tilespmem:v62+s3+$0x0], $0xffff;
	[tilespmem:s30+$0xFDB0] =	vst v19  }
0x8d9: {  	[tilespmem:s30+$0xFCB0] =	vst v20;
	v19 =	vld.idx.msk [tilespmem:v63+s3+$0x0], $0xffff  }
0x8da: {  	v20 =	vld.idx.msk [tilespmem:v58+s3+$0x0], $0xffff  }
0x8db: {  	v35 =	vld [tilespmem:s30+$0x5D70]  }
0x8dc: {  	v33 =	vld [tilespmem:s30+$0x5DE0]  }
0x8dd: {  	v28 =	vld [tilespmem:s30+$0x5CE0];
	[tilespmem:s30+$0xFD40] =	vst v23  }
0x8de: {  	v24 =	vld.idx.msk [tilespmem:v29+s3+$0x0], $0xffff;
	[tilespmem:s30+$0xFDC0] =	vst v19  }
0x8df: {  	[tilespmem:s30+$0xFCC0] =	vst v20;
	v19 =	vld.idx.msk [tilespmem:v30+s3+$0x0], $0xffff  }
0x8e0: {  	v20 =	vld.idx.msk [tilespmem:v61+s3+$0x0], $0xffff  }
0x8e1: {  	v38 =	vld [tilespmem:s30+$0x6100]  }
0x8e2: {  	v36 =	vld [tilespmem:s30+$0x5DF0]  }
0x8e3: {  	v31 =	vld [tilespmem:s30+$0x5CF0];
	[tilespmem:s30+$0xFD50] =	vst v24  }
0x8e4: {  	v26 =	vld.idx.msk [tilespmem:v32+s3+$0x0], $0xffff;
	[tilespmem:s30+$0xFDD0] =	vst v19  }
0x8e5: {  	[tilespmem:s30+$0xFCD0] =	vst v20;
	v19 =	vld.idx.msk [tilespmem:v33+s3+$0x0], $0xffff  }
0x8e6: {  	v20 =	vld.idx.msk [tilespmem:v28+s3+$0x0], $0xffff  }
0x8e7: {  	v41 =	vld [tilespmem:s30+$0x6110]  }
0x8e8: {  	v39 =	vld [tilespmem:s30+$0x6180]  }
0x8e9: {  	v34 =	vld [tilespmem:s30+$0x6080];
	[tilespmem:s30+$0xFD60] =	vst v26  }
0x8ea: {  	v25 =	vld.idx.msk [tilespmem:v35+s3+$0x0], $0xffff;
	[tilespmem:s30+$0xFDE0] =	vst v19  }
0x8eb: {  	[tilespmem:s30+$0xFCE0] =	vst v20;
	v19 =	vld.idx.msk [tilespmem:v36+s3+$0x0], $0xffff  }
0x8ec: {  	v20 =	vld.idx.msk [tilespmem:v31+s3+$0x0], $0xffff  }
0x8ed: {  	v44 =	vld [tilespmem:s30+$0x6120]  }
0x8ee: {  	v42 =	vld [tilespmem:s30+$0x6190]  }
0x8ef: {  	v37 =	vld [tilespmem:s30+$0x6090];
	[tilespmem:s30+$0xFD70] =	vst v25  }
0x8f0: {  	v23 =	vld.idx.msk [tilespmem:v38+s3+$0x0], $0xffff;
	[tilespmem:s30+$0xFDF0] =	vst v19  }
0x8f1: {  	[tilespmem:s30+$0xFCF0] =	vst v20;
	v19 =	vld.idx.msk [tilespmem:v39+s3+$0x0], $0xffff  }
0x8f2: {  	v20 =	vld.idx.msk [tilespmem:v34+s3+$0x0], $0xffff  }
0x8f3: {  	v47 =	vld [tilespmem:s30+$0x6130]  }
0x8f4: {  	v45 =	vld [tilespmem:s30+$0x61A0]  }
0x8f5: {  	v40 =	vld [tilespmem:s30+$0x60A0];
	[tilespmem:s30+$0x10100] =	vst v23  }
0x8f6: {  	v24 =	vld.idx.msk [tilespmem:v41+s3+$0x0], $0xffff;
	[tilespmem:s30+$0x10180] =	vst v19  }
0x8f7: {  	[tilespmem:s30+$0x10080] =	vst v20;
	v19 =	vld.idx.msk [tilespmem:v42+s3+$0x0], $0xffff  }
0x8f8: {  	v20 =	vld.idx.msk [tilespmem:v37+s3+$0x0], $0xffff  }
0x8f9: {  	v50 =	vld [tilespmem:s30+$0x6140]  }
0x8fa: {  	v48 =	vld [tilespmem:s30+$0x61B0]  }
0x8fb: {  	v43 =	vld [tilespmem:s30+$0x60B0];
	[tilespmem:s30+$0x10110] =	vst v24  }
0x8fc: {  	v26 =	vld.idx.msk [tilespmem:v44+s3+$0x0], $0xffff;
	[tilespmem:s30+$0x10190] =	vst v19  }
0x8fd: {  	[tilespmem:s30+$0x10090] =	vst v20;
	v19 =	vld.idx.msk [tilespmem:v45+s3+$0x0], $0xffff  }
0x8fe: {  	v20 =	vld.idx.msk [tilespmem:v40+s3+$0x0], $0xffff  }
0x8ff: {  	v53 =	vld [tilespmem:s30+$0x6150]  }
0x900: {  	v51 =	vld [tilespmem:s30+$0x61C0]  }
0x901: {  	v46 =	vld [tilespmem:s30+$0x60C0];
	[tilespmem:s30+$0x10120] =	vst v26  }
0x902: {  	v25 =	vld.idx.msk [tilespmem:v47+s3+$0x0], $0xffff;
	[tilespmem:s30+$0x101A0] =	vst v19  }
0x903: {  	[tilespmem:s30+$0x100A0] =	vst v20;
	v19 =	vld.idx.msk [tilespmem:v48+s3+$0x0], $0xffff  }
0x904: {  	v20 =	vld.idx.msk [tilespmem:v43+s3+$0x0], $0xffff  }
0x905: {  	v56 =	vld [tilespmem:s30+$0x6160]  }
0x906: {  	v54 =	vld [tilespmem:s30+$0x61D0]  }
0x907: {  	v49 =	vld [tilespmem:s30+$0x60D0];
	[tilespmem:s30+$0x10130] =	vst v25  }
0x908: {  	v23 =	vld.idx.msk [tilespmem:v50+s3+$0x0], $0xffff;
	[tilespmem:s30+$0x101B0] =	vst v19  }
0x909: {  	[tilespmem:s30+$0x100B0] =	vst v20;
	v19 =	vld.idx.msk [tilespmem:v51+s3+$0x0], $0xffff  }
0x90a: {  	v20 =	vld.idx.msk [tilespmem:v46+s3+$0x0], $0xffff  }
0x90b: {  	v59 =	vld [tilespmem:s30+$0x6170]  }
0x90c: {  	v57 =	vld [tilespmem:s30+$0x61E0]  }
0x90d: {  	v52 =	vld [tilespmem:s30+$0x60E0];
	[tilespmem:s30+$0x10140] =	vst v23  }
0x90e: {  	v24 =	vld.idx.msk [tilespmem:v53+s3+$0x0], $0xffff;
	[tilespmem:s30+$0x101C0] =	vst v19  }
0x90f: {  	[tilespmem:s30+$0x100C0] =	vst v20;
	v19 =	vld.idx.msk [tilespmem:v54+s3+$0x0], $0xffff  }
0x910: {  	v20 =	vld.idx.msk [tilespmem:v49+s3+$0x0], $0xffff  }
0x911: {  	v55 =	vld [tilespmem:s30+$0x6070]  }
0x912: {  	v60 =	vld [tilespmem:s30+$0x61F0]  }
0x913: {  	v58 =	vld [tilespmem:s30+$0x60F0];
	[tilespmem:s30+$0x10150] =	vst v24  }
0x914: {  	v61 =	vld.idx.msk [tilespmem:v56+s3+$0x0], $0xffff;
	[tilespmem:s30+$0x101D0] =	vst v19  }
0x915: {  	[tilespmem:s30+$0x100D0] =	vst v20;
	v15 =	vld.idx.msk [tilespmem:v57+s3+$0x0], $0xffff  }
0x916: {  	[tilespmem:s30+$0xFFE0] =	vst v17;
	v20 =	vld.idx.msk [tilespmem:v52+s3+$0x0], $0xffff  }
0x917: {  	[tilespmem:s30+$0xFF70] =	vst v14  }
0x918: {  	v16 =	vld.idx.msk [tilespmem:v16+s3+$0x0], $0xffff;
	[tilespmem:s30+$0x10060] =	vst v18  }
0x919: {  	v62 =	vld.idx.msk [tilespmem:v55+s3+$0x0], $0xffff;
	[tilespmem:s30+$0x10160] =	vst v61  }
0x91a: {  	[tilespmem:s30+$0x101E0] =	vst v15;
	v15 =	vld.idx.msk [tilespmem:v59+s3+$0x0], $0xffff  }
0x91b: {  	[tilespmem:s30+$0x100E0] =	vst v20;
	v14 =	vld.idx.msk [tilespmem:v60+s3+$0x0], $0xffff  }
0x91c: {  	p0 =	slt.u32 s29, $0x20;
	v63 =	vld.idx.msk [tilespmem:v58+s3+$0x0], $0xffff  }
.Ltmp3:
0x91d: {  	[tilespmem:s30+$0xFFF0] =	vst v16;
	(pc) =	sbr.rel @p0 .LBB2_8-.Ltmp3, $4  }
0x91e: {  	[tilespmem:s30+$0x10070] =	vst v62  }
0x91f: {  	[tilespmem:s30+$0x10170] =	vst v15  }
0x920: {  	[tilespmem:s30+$0x101F0] =	vst v14  }
0x921: {  	s29 =	sadd.s32 $0x8, s29;
	[tilespmem:s30+$0x100F0] =	vst v63  }
0x922: {  	s29 =	simm.s32 $0xF200  }
0x923: {  	[hbm4b:s12+s22] =	stream.strided.scatter [tilespmem:s29], [sflag:$0x2], $0x400, s23, s22, $0x38;
	[tilespmem:$0x14200] =	vst v63  }
0x924: {  	s30 =	simm.s32 $0xF600;
	s29 =	sadd.s32 $0x10, s12  }
0x925: {  	[hbm4b:s29+s22] =	stream.strided.scatter [tilespmem:s30], [sflag:$0x2], $0x400, s23, s22, $0x38;
	[tilespmem:$0x14200] =	vst v63  }
0x926: {  	s31 =	simm.s32 $0xFA00;
	s29 =	sadd.s32 $0x20, s12  }
0x927: {  	[hbm4b:s29+s22] =	stream.strided.scatter [tilespmem:s31], [sflag:$0x2], $0x400, s23, s22, $0x38;
	[tilespmem:$0x14200] =	vst v63  }
0x928: {  	s29 =	sadd.s32 $0x30, s12;
	s31 =	simm.s32 $0xFE00  }
0x929: {  	[hbm4b:s29+s22] =	stream.strided.scatter [tilespmem:s31], [sflag:$0x2], $0x400, s23, s22, $0x38;
	[tilespmem:$0x14200] =	vst v63  }
0x92a: {  	s29 =	sadd.s32 $0x4000, s12;
	s31 =	simm.s32 $0x10200  }
0x92b: {  	[hbm4b:s29+s22] =	stream.strided.scatter [tilespmem:s31], [sflag:$0x2], $0x400, s23, s22, $0x38;
	[tilespmem:$0x14200] =	vst v63  }
0x92c: {  	s29 =	sadd.s32 $0x4010, s12;
	s31 =	simm.s32 $0x10600  }
0x92d: {  	[hbm4b:s29+s22] =	stream.strided.scatter [tilespmem:s31], [sflag:$0x2], $0x400, s23, s22, $0x38;
	[tilespmem:$0x14200] =	vst v63  }
0x92e: {  	s29 =	sadd.s32 $0x4020, s12;
	s31 =	simm.s32 $0x10A00  }
0x92f: {  	[hbm4b:s29+s22] =	stream.strided.scatter [tilespmem:s31], [sflag:$0x2], $0x400, s23, s22, $0x38;
	[tilespmem:$0x14200] =	vst v63  }
0x930: {  	s29 =	sadd.s32 $0x4030, s12;
	s31 =	simm.s32 $0x10E00  }
0x931: {  	[hbm4b:s29+s22] =	stream.strided.scatter [tilespmem:s31], [sflag:$0x2], $0x400, s23, s22, $0x38;
	[tilespmem:$0x14200] =	vst v63  }
0x932: {  	s29 =	sadd.s32 $0x8000, s12;
	s31 =	simm.s32 $0x11200  }
0x933: {  	[hbm4b:s29+s22] =	stream.strided.scatter [tilespmem:s31], [sflag:$0x2], $0x400, s23, s22, $0x38;
	[tilespmem:$0x14200] =	vst v63  }
0x934: {  	s29 =	sadd.s32 $0x8010, s12;
	s31 =	simm.s32 $0x11600  }
0x935: {  	[hbm4b:s29+s22] =	stream.strided.scatter [tilespmem:s31], [sflag:$0x2], $0x400, s23, s22, $0x38;
	[tilespmem:$0x14200] =	vst v63  }
0x936: {  	s29 =	sadd.s32 $0x8020, s12;
	s31 =	simm.s32 $0x11A00  }
0x937: {  	[hbm4b:s29+s22] =	stream.strided.scatter [tilespmem:s31], [sflag:$0x2], $0x400, s23, s22, $0x38;
	[tilespmem:$0x14200] =	vst v63  }
0x938: {  	s29 =	sadd.s32 $0x8030, s12;
	s31 =	simm.s32 $0x11E00  }
0x939: {  	[hbm4b:s29+s22] =	stream.strided.scatter [tilespmem:s31], [sflag:$0x2], $0x400, s23, s22, $0x38;
	[tilespmem:$0x14200] =	vst v63  }
0x93a: {  	s29 =	sadd.s32 $0xC000, s12;
	s31 =	simm.s32 $0x12200  }
0x93b: {  	[hbm4b:s29+s22] =	stream.strided.scatter [tilespmem:s31], [sflag:$0x2], $0x400, s23, s22, $0x38;
	[tilespmem:$0x14200] =	vst v63  }
0x93c: {  	s29 =	sadd.s32 $0xC010, s12;
	s31 =	simm.s32 $0x12600  }
0x93d: {  	[hbm4b:s29+s22] =	stream.strided.scatter [tilespmem:s31], [sflag:$0x2], $0x400, s23, s22, $0x38;
	[tilespmem:$0x14200] =	vst v63  }
0x93e: {  	s29 =	sadd.s32 $0xC020, s12;
	s31 =	simm.s32 $0x12A00  }
0x93f: {  	[hbm4b:s29+s22] =	stream.strided.scatter [tilespmem:s31], [sflag:$0x2], $0x400, s23, s22, $0x38;
	[tilespmem:$0x14200] =	vst v63  }
0x940: {  	s29 =	sadd.s32 $0xC030, s12;
	s31 =	simm.s32 $0x12E00  }
0x941: {  	[hbm4b:s29+s22] =	stream.strided.scatter [tilespmem:s31], [sflag:$0x2], $0x400, s23, s22, $0x38;
	[tilespmem:$0x14200] =	vst v63  }
0x942: {  	s29 =	sadd.s32 $0x10000, s12;
	s31 =	simm.s32 $0x13200  }
0x943: {  	[hbm4b:s29+s22] =	stream.strided.scatter [tilespmem:s31], [sflag:$0x2], $0x400, s23, s22, $0x38;
	[tilespmem:$0x14200] =	vst v63  }
0x944: {  	s30 =	sadd.s32 $0x10, s29;
	s31 =	simm.s32 $0x13600  }
0x945: {  	[hbm4b:s30+s22] =	stream.strided.scatter [tilespmem:s31], [sflag:$0x2], $0x400, s23, s22, $0x38;
	[tilespmem:$0x14200] =	vst v63  }
0x946: {  	s30 =	sadd.s32 $0x20, s29;
	s31 =	simm.s32 $0x13A00  }
0x947: {  	[hbm4b:s30+s22] =	stream.strided.scatter [tilespmem:s31], [sflag:$0x2], $0x400, s23, s22, $0x38;
	[tilespmem:$0x14200] =	vst v63  }
0x948: {  	s29 =	sadd.s32 $0x30, s29;
	s31 =	simm.s32 $0x13E00  }
0x949: {  	[hbm4b:s29+s22] =	stream.strided.scatter [tilespmem:s31], [sflag:$0x2], $0x400, s23, s22, $0x38;
	[tilespmem:$0x14200] =	vst v63  }
0x94a: {  	_ =	swait.ge [sflag:s21], $0x5000  }
0x94b: {  	[sflag:s21] =	ssyncset.done $0x0  }
0x94c: {  	[sflag:s21] =	ssyncadd.s32 $0xFFFFB000  }
0x94d: {  	_ =	swait.ge [sflag:s26], $0x5000  }
0x94e: {  	[sflag:s26] =	ssyncset.done $0x0  }
0x94f: {  	s29 =	simm.s32 $0x0;
	[sflag:s26] =	ssyncadd.s32 $0xFFFFB000  }
.LBB2_10:
0x950: {  	s30 =	sshll.u32 s29, $0x9  }
0x951: {  	v14 =	vld [tilespmem:s30+$0x200];
	_ =	sdelay $0x2  }
0x952: {  	v15 =	vld [tilespmem:s30+$0x280];
	_ =	sdelay $0x2  }
0x953: {  	v16 =	vld [tilespmem:s30+$0x210];
	_ =	sdelay $0x1  }
0x954: {  	v14 =	vld.idx.msk [tilespmem:v14+s3+$0x0], $0xffff  }
0x955: {  	v17 =	vld [tilespmem:s30+$0x290];
	_ =	sdelay $0x1  }
0x956: {  	v15 =	vld.idx.msk [tilespmem:v15+s3+$0x0], $0xffff  }
0x957: {  	v18 =	vld [tilespmem:s30+$0x220]  }
0x958: {  	[tilespmem:s30+$0xA200] =	vst v14  }
0x959: {  	v14 =	vld.idx.msk [tilespmem:v16+s3+$0x0], $0xffff  }
0x95a: {  	v49 =	vld [tilespmem:s30+$0x2A0]  }
0x95b: {  	[tilespmem:s30+$0xA280] =	vst v15  }
0x95c: {  	v15 =	vld.idx.msk [tilespmem:v17+s3+$0x0], $0xffff  }
0x95d: {  	v19 =	vld [tilespmem:s30+$0x230]  }
0x95e: {  	[tilespmem:s30+$0xA210] =	vst v14  }
0x95f: {  	v14 =	vld.idx.msk [tilespmem:v18+s3+$0x0], $0xffff  }
0x960: {  	v50 =	vld [tilespmem:s30+$0x2B0]  }
0x961: {  	[tilespmem:s30+$0xA290] =	vst v15  }
0x962: {  	v15 =	vld.idx.msk [tilespmem:v49+s3+$0x0], $0xffff  }
0x963: {  	v51 =	vld [tilespmem:s30+$0x240]  }
0x964: {  	[tilespmem:s30+$0xA220] =	vst v14  }
0x965: {  	v14 =	vld.idx.msk [tilespmem:v19+s3+$0x0], $0xffff  }
0x966: {  	v52 =	vld [tilespmem:s30+$0x2C0]  }
0x967: {  	[tilespmem:s30+$0xA2A0] =	vst v15  }
0x968: {  	v15 =	vld.idx.msk [tilespmem:v50+s3+$0x0], $0xffff  }
0x969: {  	v53 =	vld [tilespmem:s30+$0x250]  }
0x96a: {  	[tilespmem:s30+$0xA230] =	vst v14  }
0x96b: {  	v14 =	vld.idx.msk [tilespmem:v51+s3+$0x0], $0xffff  }
0x96c: {  	v54 =	vld [tilespmem:s30+$0x2D0]  }
0x96d: {  	[tilespmem:s30+$0xA2B0] =	vst v15  }
0x96e: {  	v15 =	vld.idx.msk [tilespmem:v52+s3+$0x0], $0xffff  }
0x96f: {  	v55 =	vld [tilespmem:s30+$0x260]  }
0x970: {  	[tilespmem:s30+$0xA240] =	vst v14  }
0x971: {  	v14 =	vld.idx.msk [tilespmem:v53+s3+$0x0], $0xffff  }
0x972: {  	v56 =	vld [tilespmem:s30+$0x2E0]  }
0x973: {  	[tilespmem:s30+$0xA2C0] =	vst v15  }
0x974: {  	v15 =	vld.idx.msk [tilespmem:v54+s3+$0x0], $0xffff  }
0x975: {  	v57 =	vld [tilespmem:s30+$0x270]  }
0x976: {  	[tilespmem:s30+$0xA250] =	vst v14  }
0x977: {  	v14 =	vld.idx.msk [tilespmem:v55+s3+$0x0], $0xffff  }
0x978: {  	v59 =	vld [tilespmem:s30+$0x2F0]  }
0x979: {  	[tilespmem:s30+$0xA2D0] =	vst v15;
	v15 =	vld [tilespmem:s30+$0x300]  }
0x97a: {  	v16 =	vld.idx.msk [tilespmem:v56+s3+$0x0], $0xffff;
	_ =	sdelay $0x1  }
0x97b: {  	v58 =	vld [tilespmem:s30+$0x600];
	[tilespmem:s30+$0xA260] =	vst v14  }
0x97c: {  	v14 =	vld.idx.msk [tilespmem:v57+s3+$0x0], $0xffff  }
0x97d: {  	v20 =	vld [tilespmem:s30+$0x680]  }
0x97e: {  	v61 =	vld [tilespmem:s30+$0x310];
	[tilespmem:s30+$0xA2E0] =	vst v16  }
0x97f: {  	v18 =	vld.idx.msk [tilespmem:v59+s3+$0x0], $0xffff  }
0x980: {  	v60 =	vld [tilespmem:s30+$0x610]  }
0x981: {  	[tilespmem:s30+$0xA270] =	vst v14;
	v14 =	vld.idx.msk [tilespmem:v15+s3+$0x0], $0xffff  }
0x982: {  	v21 =	vld [tilespmem:s30+$0x690]  }
0x983: {  	v63 =	vld [tilespmem:s30+$0x320]  }
0x984: {  	[tilespmem:s30+$0xA2F0] =	vst v18;
	v15 =	vld.idx.msk [tilespmem:v58+s3+$0x0], $0xffff  }
0x985: {  	v20 =	vld.idx.msk [tilespmem:v20+s3+$0x0], $0xffff  }
0x986: {  	v62 =	vld [tilespmem:s30+$0x620];
	[tilespmem:s30+$0xA300] =	vst v14  }
0x987: {  	v14 =	vld.idx.msk [tilespmem:v61+s3+$0x0], $0xffff  }
0x988: {  	v25 =	vld [tilespmem:s30+$0x6A0]  }
0x989: {  	v26 =	vld [tilespmem:s30+$0x330];
	[tilespmem:s30+$0xA600] =	vst v15  }
0x98a: {  	[tilespmem:s30+$0xA680] =	vst v20;
	v15 =	vld.idx.msk [tilespmem:v60+s3+$0x0], $0xffff  }
0x98b: {  	v21 =	vld.idx.msk [tilespmem:v21+s3+$0x0], $0xffff  }
0x98c: {  	v24 =	vld [tilespmem:s30+$0x630];
	[tilespmem:s30+$0xA310] =	vst v14  }
0x98d: {  	v14 =	vld.idx.msk [tilespmem:v63+s3+$0x0], $0xffff  }
0x98e: {  	v28 =	vld [tilespmem:s30+$0x6B0]  }
0x98f: {  	v29 =	vld [tilespmem:s30+$0x340];
	[tilespmem:s30+$0xA610] =	vst v15  }
0x990: {  	[tilespmem:s30+$0xA690] =	vst v21;
	v15 =	vld.idx.msk [tilespmem:v62+s3+$0x0], $0xffff  }
0x991: {  	v19 =	vld.idx.msk [tilespmem:v25+s3+$0x0], $0xffff  }
0x992: {  	v27 =	vld [tilespmem:s30+$0x640];
	[tilespmem:s30+$0xA320] =	vst v14  }
0x993: {  	v14 =	vld.idx.msk [tilespmem:v26+s3+$0x0], $0xffff  }
0x994: {  	v31 =	vld [tilespmem:s30+$0x6C0]  }
0x995: {  	v32 =	vld [tilespmem:s30+$0x350];
	[tilespmem:s30+$0xA620] =	vst v15  }
0x996: {  	[tilespmem:s30+$0xA6A0] =	vst v19;
	v15 =	vld.idx.msk [tilespmem:v24+s3+$0x0], $0xffff  }
0x997: {  	v18 =	vld.idx.msk [tilespmem:v28+s3+$0x0], $0xffff  }
0x998: {  	v30 =	vld [tilespmem:s30+$0x650];
	[tilespmem:s30+$0xA330] =	vst v14  }
0x999: {  	v14 =	vld.idx.msk [tilespmem:v29+s3+$0x0], $0xffff  }
0x99a: {  	v34 =	vld [tilespmem:s30+$0x6D0]  }
0x99b: {  	v35 =	vld [tilespmem:s30+$0x360];
	[tilespmem:s30+$0xA630] =	vst v15  }
0x99c: {  	[tilespmem:s30+$0xA6B0] =	vst v18;
	v15 =	vld.idx.msk [tilespmem:v27+s3+$0x0], $0xffff  }
0x99d: {  	v20 =	vld.idx.msk [tilespmem:v31+s3+$0x0], $0xffff  }
0x99e: {  	v33 =	vld [tilespmem:s30+$0x660];
	[tilespmem:s30+$0xA340] =	vst v14  }
0x99f: {  	v14 =	vld.idx.msk [tilespmem:v32+s3+$0x0], $0xffff  }
0x9a0: {  	v37 =	vld [tilespmem:s30+$0x6E0]  }
0x9a1: {  	v38 =	vld [tilespmem:s30+$0x370];
	[tilespmem:s30+$0xA640] =	vst v15  }
0x9a2: {  	[tilespmem:s30+$0xA6C0] =	vst v20;
	v15 =	vld.idx.msk [tilespmem:v30+s3+$0x0], $0xffff  }
0x9a3: {  	v21 =	vld.idx.msk [tilespmem:v34+s3+$0x0], $0xffff  }
0x9a4: {  	v36 =	vld [tilespmem:s30+$0x670];
	[tilespmem:s30+$0xA350] =	vst v14  }
0x9a5: {  	v14 =	vld.idx.msk [tilespmem:v35+s3+$0x0], $0xffff  }
0x9a6: {  	v40 =	vld [tilespmem:s30+$0x6F0]  }
0x9a7: {  	v41 =	vld [tilespmem:s30+$0x700];
	[tilespmem:s30+$0xA650] =	vst v15  }
0x9a8: {  	[tilespmem:s30+$0xA6D0] =	vst v21;
	v15 =	vld.idx.msk [tilespmem:v33+s3+$0x0], $0xffff  }
0x9a9: {  	v19 =	vld.idx.msk [tilespmem:v37+s3+$0x0], $0xffff  }
0x9aa: {  	v39 =	vld [tilespmem:s30+$0xA00];
	[tilespmem:s30+$0xA360] =	vst v14  }
0x9ab: {  	v14 =	vld.idx.msk [tilespmem:v38+s3+$0x0], $0xffff  }
0x9ac: {  	v43 =	vld [tilespmem:s30+$0xA80]  }
0x9ad: {  	v44 =	vld [tilespmem:s30+$0x710];
	[tilespmem:s30+$0xA660] =	vst v15  }
0x9ae: {  	[tilespmem:s30+$0xA6E0] =	vst v19;
	v15 =	vld.idx.msk [tilespmem:v36+s3+$0x0], $0xffff  }
0x9af: {  	v18 =	vld.idx.msk [tilespmem:v40+s3+$0x0], $0xffff  }
0x9b0: {  	v42 =	vld [tilespmem:s30+$0xA10];
	[tilespmem:s30+$0xA370] =	vst v14  }
0x9b1: {  	v14 =	vld.idx.msk [tilespmem:v41+s3+$0x0], $0xffff  }
0x9b2: {  	v46 =	vld [tilespmem:s30+$0xA90]  }
0x9b3: {  	v47 =	vld [tilespmem:s30+$0x720];
	[tilespmem:s30+$0xA670] =	vst v15  }
0x9b4: {  	[tilespmem:s30+$0xA6F0] =	vst v18;
	v15 =	vld.idx.msk [tilespmem:v39+s3+$0x0], $0xffff  }
0x9b5: {  	v20 =	vld.idx.msk [tilespmem:v43+s3+$0x0], $0xffff  }
0x9b6: {  	v45 =	vld [tilespmem:s30+$0xA20];
	[tilespmem:s30+$0xA700] =	vst v14  }
0x9b7: {  	v14 =	vld.idx.msk [tilespmem:v44+s3+$0x0], $0xffff  }
0x9b8: {  	v49 =	vld [tilespmem:s30+$0xAA0]  }
0x9b9: {  	v50 =	vld [tilespmem:s30+$0x730];
	[tilespmem:s30+$0xAA00] =	vst v15  }
0x9ba: {  	[tilespmem:s30+$0xAA80] =	vst v20;
	v15 =	vld.idx.msk [tilespmem:v42+s3+$0x0], $0xffff  }
0x9bb: {  	v21 =	vld.idx.msk [tilespmem:v46+s3+$0x0], $0xffff  }
0x9bc: {  	v48 =	vld [tilespmem:s30+$0xA30];
	[tilespmem:s30+$0xA710] =	vst v14  }
0x9bd: {  	v14 =	vld.idx.msk [tilespmem:v47+s3+$0x0], $0xffff  }
0x9be: {  	v52 =	vld [tilespmem:s30+$0xAB0]  }
0x9bf: {  	v53 =	vld [tilespmem:s30+$0x740];
	[tilespmem:s30+$0xAA10] =	vst v15  }
0x9c0: {  	[tilespmem:s30+$0xAA90] =	vst v21;
	v15 =	vld.idx.msk [tilespmem:v45+s3+$0x0], $0xffff  }
0x9c1: {  	v19 =	vld.idx.msk [tilespmem:v49+s3+$0x0], $0xffff  }
0x9c2: {  	v51 =	vld [tilespmem:s30+$0xA40];
	[tilespmem:s30+$0xA720] =	vst v14  }
0x9c3: {  	v14 =	vld.idx.msk [tilespmem:v50+s3+$0x0], $0xffff  }
0x9c4: {  	v55 =	vld [tilespmem:s30+$0xAC0]  }
0x9c5: {  	v56 =	vld [tilespmem:s30+$0x750];
	[tilespmem:s30+$0xAA20] =	vst v15  }
0x9c6: {  	[tilespmem:s30+$0xAAA0] =	vst v19;
	v15 =	vld.idx.msk [tilespmem:v48+s3+$0x0], $0xffff  }
0x9c7: {  	v18 =	vld.idx.msk [tilespmem:v52+s3+$0x0], $0xffff  }
0x9c8: {  	v54 =	vld [tilespmem:s30+$0xA50];
	[tilespmem:s30+$0xA730] =	vst v14  }
0x9c9: {  	v14 =	vld.idx.msk [tilespmem:v53+s3+$0x0], $0xffff  }
0x9ca: {  	v59 =	vld [tilespmem:s30+$0x760]  }
0x9cb: {  	v58 =	vld [tilespmem:s30+$0xAD0];
	[tilespmem:s30+$0xAA30] =	vst v15  }
0x9cc: {  	[tilespmem:s30+$0xAAB0] =	vst v18;
	v15 =	vld.idx.msk [tilespmem:v51+s3+$0x0], $0xffff  }
0x9cd: {  	v20 =	vld.idx.msk [tilespmem:v55+s3+$0x0], $0xffff  }
0x9ce: {  	v57 =	vld [tilespmem:s30+$0xA60];
	[tilespmem:s30+$0xA740] =	vst v14  }
0x9cf: {  	v14 =	vld.idx.msk [tilespmem:v56+s3+$0x0], $0xffff  }
0x9d0: {  	v61 =	vld [tilespmem:s30+$0xAE0]  }
0x9d1: {  	v62 =	vld [tilespmem:s30+$0x770];
	[tilespmem:s30+$0xAA40] =	vst v15  }
0x9d2: {  	[tilespmem:s30+$0xAAC0] =	vst v20;
	v15 =	vld.idx.msk [tilespmem:v54+s3+$0x0], $0xffff  }
0x9d3: {  	v21 =	vld.idx.msk [tilespmem:v58+s3+$0x0], $0xffff  }
0x9d4: {  	v60 =	vld [tilespmem:s30+$0xA70];
	[tilespmem:s30+$0xA750] =	vst v14  }
0x9d5: {  	v14 =	vld.idx.msk [tilespmem:v59+s3+$0x0], $0xffff  }
0x9d6: {  	v25 =	vld [tilespmem:s30+$0xB00]  }
0x9d7: {  	v24 =	vld [tilespmem:s30+$0xAF0];
	[tilespmem:s30+$0xAA50] =	vst v15  }
0x9d8: {  	[tilespmem:s30+$0xAAD0] =	vst v21;
	v15 =	vld.idx.msk [tilespmem:v57+s3+$0x0], $0xffff  }
0x9d9: {  	v19 =	vld.idx.msk [tilespmem:v61+s3+$0x0], $0xffff  }
0x9da: {  	v63 =	vld [tilespmem:s30+$0xE00];
	[tilespmem:s30+$0xA760] =	vst v14  }
0x9db: {  	v14 =	vld.idx.msk [tilespmem:v62+s3+$0x0], $0xffff  }
0x9dc: {  	v28 =	vld [tilespmem:s30+$0xB10]  }
0x9dd: {  	v27 =	vld [tilespmem:s30+$0xE80];
	[tilespmem:s30+$0xAA60] =	vst v15  }
0x9de: {  	[tilespmem:s30+$0xAAE0] =	vst v19;
	v15 =	vld.idx.msk [tilespmem:v60+s3+$0x0], $0xffff  }
0x9df: {  	v18 =	vld.idx.msk [tilespmem:v24+s3+$0x0], $0xffff  }
0x9e0: {  	v26 =	vld [tilespmem:s30+$0xE10];
	[tilespmem:s30+$0xA770] =	vst v14  }
0x9e1: {  	v14 =	vld.idx.msk [tilespmem:v25+s3+$0x0], $0xffff  }
0x9e2: {  	v31 =	vld [tilespmem:s30+$0xB20]  }
0x9e3: {  	v30 =	vld [tilespmem:s30+$0xE90];
	[tilespmem:s30+$0xAA70] =	vst v15  }
0x9e4: {  	[tilespmem:s30+$0xAAF0] =	vst v18;
	v15 =	vld.idx.msk [tilespmem:v63+s3+$0x0], $0xffff  }
0x9e5: {  	v20 =	vld.idx.msk [tilespmem:v27+s3+$0x0], $0xffff  }
0x9e6: {  	v29 =	vld [tilespmem:s30+$0xE20];
	[tilespmem:s30+$0xAB00] =	vst v14  }
0x9e7: {  	v14 =	vld.idx.msk [tilespmem:v28+s3+$0x0], $0xffff  }
0x9e8: {  	v34 =	vld [tilespmem:s30+$0xB30]  }
0x9e9: {  	v33 =	vld [tilespmem:s30+$0xEA0];
	[tilespmem:s30+$0xAE00] =	vst v15  }
0x9ea: {  	[tilespmem:s30+$0xAE80] =	vst v20;
	v15 =	vld.idx.msk [tilespmem:v26+s3+$0x0], $0xffff  }
0x9eb: {  	v21 =	vld.idx.msk [tilespmem:v30+s3+$0x0], $0xffff  }
0x9ec: {  	v32 =	vld [tilespmem:s30+$0xE30];
	[tilespmem:s30+$0xAB10] =	vst v14  }
0x9ed: {  	v14 =	vld.idx.msk [tilespmem:v31+s3+$0x0], $0xffff  }
0x9ee: {  	v37 =	vld [tilespmem:s30+$0xB40]  }
0x9ef: {  	v36 =	vld [tilespmem:s30+$0xEB0];
	[tilespmem:s30+$0xAE10] =	vst v15  }
0x9f0: {  	[tilespmem:s30+$0xAE90] =	vst v21;
	v15 =	vld.idx.msk [tilespmem:v29+s3+$0x0], $0xffff  }
0x9f1: {  	v19 =	vld.idx.msk [tilespmem:v33+s3+$0x0], $0xffff  }
0x9f2: {  	v35 =	vld [tilespmem:s30+$0xE40];
	[tilespmem:s30+$0xAB20] =	vst v14  }
0x9f3: {  	v14 =	vld.idx.msk [tilespmem:v34+s3+$0x0], $0xffff  }
0x9f4: {  	v40 =	vld [tilespmem:s30+$0xB50]  }
0x9f5: {  	v39 =	vld [tilespmem:s30+$0xEC0];
	[tilespmem:s30+$0xAE20] =	vst v15  }
0x9f6: {  	[tilespmem:s30+$0xAEA0] =	vst v19;
	v15 =	vld.idx.msk [tilespmem:v32+s3+$0x0], $0xffff  }
0x9f7: {  	v18 =	vld.idx.msk [tilespmem:v36+s3+$0x0], $0xffff  }
0x9f8: {  	v38 =	vld [tilespmem:s30+$0xE50];
	[tilespmem:s30+$0xAB30] =	vst v14  }
0x9f9: {  	v14 =	vld.idx.msk [tilespmem:v37+s3+$0x0], $0xffff  }
0x9fa: {  	v43 =	vld [tilespmem:s30+$0xB60]  }
0x9fb: {  	v42 =	vld [tilespmem:s30+$0xED0];
	[tilespmem:s30+$0xAE30] =	vst v15  }
0x9fc: {  	[tilespmem:s30+$0xAEB0] =	vst v18;
	v15 =	vld.idx.msk [tilespmem:v35+s3+$0x0], $0xffff  }
0x9fd: {  	v20 =	vld.idx.msk [tilespmem:v39+s3+$0x0], $0xffff  }
0x9fe: {  	v41 =	vld [tilespmem:s30+$0xE60];
	[tilespmem:s30+$0xAB40] =	vst v14  }
0x9ff: {  	v14 =	vld.idx.msk [tilespmem:v40+s3+$0x0], $0xffff  }
0xa00: {  	v44 =	vld [tilespmem:s30+$0xEE0]  }
0xa01: {  	v45 =	vld [tilespmem:s30+$0xB70];
	[tilespmem:s30+$0xAE40] =	vst v15  }
0xa02: {  	[tilespmem:s30+$0xAEC0] =	vst v20;
	v15 =	vld.idx.msk [tilespmem:v38+s3+$0x0], $0xffff  }
0xa03: {  	v20 =	vld.idx.msk [tilespmem:v42+s3+$0x0], $0xffff  }
0xa04: {  	[tilespmem:s30+$0xAB50] =	vst v14  }
0xa05: {  	v14 =	vld.idx.msk [tilespmem:v43+s3+$0x0], $0xffff  }
0xa06: {  	v46 =	vld [tilespmem:s30+$0xEF0]  }
0xa07: {  	v47 =	vld [tilespmem:s30+$0xF00];
	[tilespmem:s30+$0xAE50] =	vst v15  }
0xa08: {  	v15 =	vld [tilespmem:s30+$0xE70];
	[tilespmem:s30+$0xAED0] =	vst v20  }
0xa09: {  	v16 =	vld.idx.msk [tilespmem:v44+s3+$0x0], $0xffff  }
0xa0a: {  	v17 =	vld.idx.msk [tilespmem:v41+s3+$0x0], $0xffff;
	[tilespmem:s30+$0xAB60] =	vst v14  }
0xa0b: {  	v14 =	vld.idx.msk [tilespmem:v45+s3+$0x0], $0xffff;
	_ =	sdelay $0x2  }
0xa0c: {  	v48 =	vld [tilespmem:s30+$0xF10];
	[tilespmem:s30+$0xAEE0] =	vst v16  }
0xa0d: {  	[tilespmem:s30+$0xAE60] =	vst v17;
	v49 =	vld.idx.msk [tilespmem:v46+s3+$0x0], $0xffff  }
0xa0e: {  	v15 =	vld.idx.msk [tilespmem:v15+s3+$0x0], $0xffff;
	[tilespmem:s30+$0xAB70] =	vst v14  }
0xa0f: {  	v14 =	vld.idx.msk [tilespmem:v47+s3+$0x0], $0xffff;
	_ =	sdelay $0x2  }
0xa10: {  	[tilespmem:s30+$0xAEF0] =	vst v49  }
0xa11: {  	[tilespmem:s30+$0xAE70] =	vst v15  }
0xa12: {  	[tilespmem:s30+$0xAF00] =	vst v14  }
0xa13: {  	v14 =	vld.idx.msk [tilespmem:v48+s3+$0x0], $0xffff  }
0xa14: {  	v15 =	vld [tilespmem:s30+$0x380];
	_ =	sdelay $0x4  }
0xa15: {  	v16 =	vld [tilespmem:s30+$0x400]  }
0xa16: {  	v50 =	vld [tilespmem:s30+$0x390];
	_ =	sdelay $0x1  }
0xa17: {  	v15 =	vld.idx.msk [tilespmem:v15+s3+$0x0], $0xffff;
	_ =	sdelay $0x2  }
0xa18: {  	v51 =	vld [tilespmem:s30+$0x410]  }
0xa19: {  	v52 =	vld [tilespmem:s30+$0x3A0]  }
0xa1a: {  	[tilespmem:s30+$0xA380] =	vst v15;
	v15 =	vld.idx.msk [tilespmem:v16+s3+$0x0], $0xffff  }
0xa1b: {  	v53 =	vld.idx.msk [tilespmem:v50+s3+$0x0], $0xffff;
	_ =	sdelay $0x2  }
0xa1c: {  	v54 =	vld [tilespmem:s30+$0x420]  }
0xa1d: {  	v55 =	vld [tilespmem:s30+$0x3B0];
	[tilespmem:s30+$0xA400] =	vst v15  }
0xa1e: {  	[tilespmem:s30+$0xA390] =	vst v53;
	v15 =	vld.idx.msk [tilespmem:v51+s3+$0x0], $0xffff  }
0xa1f: {  	v16 =	vld.idx.msk [tilespmem:v52+s3+$0x0], $0xffff;
	_ =	sdelay $0x2  }
0xa20: {  	v56 =	vld [tilespmem:s30+$0x430]  }
0xa21: {  	v57 =	vld [tilespmem:s30+$0x3C0];
	[tilespmem:s30+$0xA410] =	vst v15  }
0xa22: {  	[tilespmem:s30+$0xA3A0] =	vst v16;
	v15 =	vld.idx.msk [tilespmem:v54+s3+$0x0], $0xffff  }
0xa23: {  	v16 =	vld.idx.msk [tilespmem:v55+s3+$0x0], $0xffff;
	_ =	sdelay $0x2  }
0xa24: {  	v58 =	vld [tilespmem:s30+$0x440]  }
0xa25: {  	v59 =	vld [tilespmem:s30+$0x3D0];
	[tilespmem:s30+$0xA420] =	vst v15  }
0xa26: {  	[tilespmem:s30+$0xA3B0] =	vst v16;
	v15 =	vld.idx.msk [tilespmem:v56+s3+$0x0], $0xffff  }
0xa27: {  	v16 =	vld.idx.msk [tilespmem:v57+s3+$0x0], $0xffff;
	_ =	sdelay $0x2  }
0xa28: {  	v60 =	vld [tilespmem:s30+$0x450]  }
0xa29: {  	v61 =	vld [tilespmem:s30+$0x3E0];
	[tilespmem:s30+$0xA430] =	vst v15  }
0xa2a: {  	[tilespmem:s30+$0xA3C0] =	vst v16;
	v15 =	vld.idx.msk [tilespmem:v58+s3+$0x0], $0xffff  }
0xa2b: {  	v16 =	vld.idx.msk [tilespmem:v59+s3+$0x0], $0xffff;
	_ =	sdelay $0x2  }
0xa2c: {  	v62 =	vld [tilespmem:s30+$0x460]  }
0xa2d: {  	v63 =	vld [tilespmem:s30+$0x3F0];
	[tilespmem:s30+$0xA440] =	vst v15  }
0xa2e: {  	[tilespmem:s30+$0xA3D0] =	vst v16;
	v15 =	vld.idx.msk [tilespmem:v60+s3+$0x0], $0xffff  }
0xa2f: {  	v16 =	vld.idx.msk [tilespmem:v61+s3+$0x0], $0xffff;
	_ =	sdelay $0x2  }
0xa30: {  	v24 =	vld [tilespmem:s30+$0x470]  }
0xa31: {  	v25 =	vld [tilespmem:s30+$0x780];
	[tilespmem:s30+$0xA450] =	vst v15  }
0xa32: {  	[tilespmem:s30+$0xA3E0] =	vst v16;
	v15 =	vld.idx.msk [tilespmem:v62+s3+$0x0], $0xffff  }
0xa33: {  	v16 =	vld.idx.msk [tilespmem:v63+s3+$0x0], $0xffff;
	_ =	sdelay $0x2  }
0xa34: {  	v26 =	vld [tilespmem:s30+$0x800]  }
0xa35: {  	v27 =	vld [tilespmem:s30+$0x790];
	[tilespmem:s30+$0xA460] =	vst v15  }
0xa36: {  	[tilespmem:s30+$0xA3F0] =	vst v16;
	v15 =	vld.idx.msk [tilespmem:v24+s3+$0x0], $0xffff  }
0xa37: {  	v16 =	vld.idx.msk [tilespmem:v25+s3+$0x0], $0xffff;
	_ =	sdelay $0x2  }
0xa38: {  	v28 =	vld [tilespmem:s30+$0x810]  }
0xa39: {  	v29 =	vld [tilespmem:s30+$0x7A0];
	[tilespmem:s30+$0xA470] =	vst v15  }
0xa3a: {  	[tilespmem:s30+$0xA780] =	vst v16;
	v15 =	vld.idx.msk [tilespmem:v26+s3+$0x0], $0xffff  }
0xa3b: {  	v16 =	vld.idx.msk [tilespmem:v27+s3+$0x0], $0xffff;
	_ =	sdelay $0x2  }
0xa3c: {  	v30 =	vld [tilespmem:s30+$0x820]  }
0xa3d: {  	v31 =	vld [tilespmem:s30+$0x7B0];
	[tilespmem:s30+$0xA800] =	vst v15  }
0xa3e: {  	[tilespmem:s30+$0xA790] =	vst v16;
	v15 =	vld.idx.msk [tilespmem:v28+s3+$0x0], $0xffff  }
0xa3f: {  	v16 =	vld.idx.msk [tilespmem:v29+s3+$0x0], $0xffff;
	_ =	sdelay $0x2  }
0xa40: {  	v32 =	vld [tilespmem:s30+$0x830]  }
0xa41: {  	v33 =	vld [tilespmem:s30+$0x7C0];
	[tilespmem:s30+$0xA810] =	vst v15  }
0xa42: {  	[tilespmem:s30+$0xA7A0] =	vst v16;
	v15 =	vld.idx.msk [tilespmem:v30+s3+$0x0], $0xffff  }
0xa43: {  	v16 =	vld.idx.msk [tilespmem:v31+s3+$0x0], $0xffff;
	_ =	sdelay $0x2  }
0xa44: {  	v34 =	vld [tilespmem:s30+$0x840]  }
0xa45: {  	v35 =	vld [tilespmem:s30+$0x7D0];
	[tilespmem:s30+$0xA820] =	vst v15  }
0xa46: {  	[tilespmem:s30+$0xA7B0] =	vst v16;
	v15 =	vld.idx.msk [tilespmem:v32+s3+$0x0], $0xffff  }
0xa47: {  	v16 =	vld.idx.msk [tilespmem:v33+s3+$0x0], $0xffff;
	_ =	sdelay $0x2  }
0xa48: {  	v36 =	vld [tilespmem:s30+$0x850]  }
0xa49: {  	v37 =	vld [tilespmem:s30+$0x7E0];
	[tilespmem:s30+$0xA830] =	vst v15  }
0xa4a: {  	[tilespmem:s30+$0xA7C0] =	vst v16;
	v15 =	vld.idx.msk [tilespmem:v34+s3+$0x0], $0xffff  }
0xa4b: {  	v16 =	vld.idx.msk [tilespmem:v35+s3+$0x0], $0xffff;
	_ =	sdelay $0x2  }
0xa4c: {  	v38 =	vld [tilespmem:s30+$0x860]  }
0xa4d: {  	v39 =	vld [tilespmem:s30+$0x7F0];
	[tilespmem:s30+$0xA840] =	vst v15  }
0xa4e: {  	[tilespmem:s30+$0xA7D0] =	vst v16;
	v15 =	vld.idx.msk [tilespmem:v36+s3+$0x0], $0xffff  }
0xa4f: {  	v16 =	vld.idx.msk [tilespmem:v37+s3+$0x0], $0xffff;
	_ =	sdelay $0x2  }
0xa50: {  	v40 =	vld [tilespmem:s30+$0x870]  }
0xa51: {  	v41 =	vld [tilespmem:s30+$0xB80];
	[tilespmem:s30+$0xA850] =	vst v15  }
0xa52: {  	[tilespmem:s30+$0xA7E0] =	vst v16;
	v15 =	vld.idx.msk [tilespmem:v38+s3+$0x0], $0xffff  }
0xa53: {  	v16 =	vld.idx.msk [tilespmem:v39+s3+$0x0], $0xffff;
	_ =	sdelay $0x2  }
0xa54: {  	v42 =	vld [tilespmem:s30+$0xC00]  }
0xa55: {  	v43 =	vld [tilespmem:s30+$0xB90];
	[tilespmem:s30+$0xA860] =	vst v15  }
0xa56: {  	[tilespmem:s30+$0xA7F0] =	vst v16;
	v15 =	vld.idx.msk [tilespmem:v40+s3+$0x0], $0xffff  }
0xa57: {  	v16 =	vld.idx.msk [tilespmem:v41+s3+$0x0], $0xffff;
	_ =	sdelay $0x2  }
0xa58: {  	v44 =	vld [tilespmem:s30+$0xC10]  }
0xa59: {  	v45 =	vld [tilespmem:s30+$0xBA0];
	[tilespmem:s30+$0xA870] =	vst v15  }
0xa5a: {  	[tilespmem:s30+$0xAB80] =	vst v16;
	v15 =	vld.idx.msk [tilespmem:v42+s3+$0x0], $0xffff  }
0xa5b: {  	v16 =	vld.idx.msk [tilespmem:v43+s3+$0x0], $0xffff;
	_ =	sdelay $0x1  }
0xa5c: {  	v46 =	vld [tilespmem:s30+$0xC20]  }
0xa5d: {  	v47 =	vld [tilespmem:s30+$0xBB0]  }
0xa5e: {  	v48 =	vld [tilespmem:s30+$0xC30];
	[tilespmem:s30+$0xAC00] =	vst v15  }
0xa5f: {  	[tilespmem:s30+$0xAB90] =	vst v16;
	v15 =	vld.idx.msk [tilespmem:v44+s3+$0x0], $0xffff  }
0xa60: {  	v16 =	vld.idx.msk [tilespmem:v45+s3+$0x0], $0xffff  }
0xa61: {  	v49 =	vld [tilespmem:s30+$0xBC0]  }
0xa62: {  	v22 =	vld [tilespmem:s30+$0xFA0]  }
0xa63: {  	v23 =	vld [tilespmem:s30+$0x490]  }
0xa64: {  	v50 =	vld [tilespmem:s30+$0xC40];
	[tilespmem:s30+$0xAC10] =	vst v15  }
0xa65: {  	[tilespmem:s30+$0xABA0] =	vst v16;
	v15 =	vld.idx.msk [tilespmem:v46+s3+$0x0], $0xffff  }
0xa66: {  	v16 =	vld.idx.msk [tilespmem:v47+s3+$0x0], $0xffff  }
0xa67: {  	v51 =	vld [tilespmem:s30+$0xBD0]  }
0xa68: {  	v53 =	vld [tilespmem:s30+$0xBE0]  }
0xa69: {  	v52 =	vld [tilespmem:s30+$0xC50]  }
0xa6a: {  	v54 =	vld [tilespmem:s30+$0xC60];
	[tilespmem:s30+$0xAC20] =	vst v15  }
0xa6b: {  	[tilespmem:s30+$0xABB0] =	vst v16;
	v15 =	vld.idx.msk [tilespmem:v48+s3+$0x0], $0xffff  }
0xa6c: {  	v16 =	vld.idx.msk [tilespmem:v49+s3+$0x0], $0xffff  }
0xa6d: {  	v55 =	vld [tilespmem:s30+$0xBF0]  }
0xa6e: {  	v58 =	vld [tilespmem:s30+$0xF20]  }
0xa6f: {  	v56 =	vld [tilespmem:s30+$0xC70]  }
0xa70: {  	v57 =	vld [tilespmem:s30+$0xF80];
	[tilespmem:s30+$0xAC30] =	vst v15  }
0xa71: {  	[tilespmem:s30+$0xABC0] =	vst v16;
	v15 =	vld.idx.msk [tilespmem:v50+s3+$0x0], $0xffff  }
0xa72: {  	v16 =	vld.idx.msk [tilespmem:v51+s3+$0x0], $0xffff  }
0xa73: {  	v59 =	vld [tilespmem:s30+$0x1000]  }
0xa74: {  	v60 =	vld [tilespmem:s30+$0xF90]  }
0xa75: {  	[tilespmem:s30+$0xAF10] =	vst v14;
	v61 =	vld [tilespmem:s30+$0xF30]  }
0xa76: {  	v63 =	vld.idx.msk [tilespmem:v58+s3+$0x0], $0xffff;
	[tilespmem:s30+$0xAC40] =	vst v15  }
0xa77: {  	[tilespmem:s30+$0xABD0] =	vst v16;
	v15 =	vld.idx.msk [tilespmem:v52+s3+$0x0], $0xffff  }
0xa78: {  	v16 =	vld.idx.msk [tilespmem:v53+s3+$0x0], $0xffff  }
0xa79: {  	v62 =	vld [tilespmem:s30+$0x1010]  }
0xa7a: {  	v58 =	vld [tilespmem:s30+$0x880]  }
0xa7b: {  	v24 =	vld [tilespmem:s30+$0xF40];
	[tilespmem:s30+$0xAF20] =	vst v63  }
0xa7c: {  	v63 =	vld [tilespmem:s30+$0x980];
	[tilespmem:s30+$0xAC50] =	vst v15  }
0xa7d: {  	[tilespmem:s30+$0xABE0] =	vst v16;
	v15 =	vld.idx.msk [tilespmem:v54+s3+$0x0], $0xffff  }
0xa7e: {  	v16 =	vld.idx.msk [tilespmem:v55+s3+$0x0], $0xffff  }
0xa7f: {  	v25 =	vld [tilespmem:s30+$0x1020]  }
0xa80: {  	v26 =	vld [tilespmem:s30+$0xFB0]  }
0xa81: {  	v27 =	vld [tilespmem:s30+$0xF50]  }
0xa82: {  	v28 =	vld [tilespmem:s30+$0x1030];
	[tilespmem:s30+$0xAC60] =	vst v15  }
0xa83: {  	[tilespmem:s30+$0xABF0] =	vst v16;
	v15 =	vld.idx.msk [tilespmem:v56+s3+$0x0], $0xffff  }
0xa84: {  	v16 =	vld.idx.msk [tilespmem:v57+s3+$0x0], $0xffff  }
0xa85: {  	v29 =	vld [tilespmem:s30+$0xFC0]  }
0xa86: {  	v30 =	vld [tilespmem:s30+$0xF60]  }
0xa87: {  	v31 =	vld [tilespmem:s30+$0x1040]  }
0xa88: {  	v32 =	vld [tilespmem:s30+$0xFD0];
	[tilespmem:s30+$0xAC70] =	vst v15  }
0xa89: {  	[tilespmem:s30+$0xAF80] =	vst v16;
	v15 =	vld.idx.msk [tilespmem:v59+s3+$0x0], $0xffff  }
0xa8a: {  	v14 =	vld.idx.msk [tilespmem:v60+s3+$0x0], $0xffff  }
0xa8b: {  	v38 =	vld [tilespmem:s30+$0x500]  }
0xa8c: {  	v39 =	vld [tilespmem:s30+$0x580]  }
0xa8d: {  	v33 =	vld [tilespmem:s30+$0x1050]  }
0xa8e: {  	v34 =	vld [tilespmem:s30+$0xFE0];
	[tilespmem:s30+$0xB000] =	vst v15  }
0xa8f: {  	[tilespmem:s30+$0xAF90] =	vst v14;
	v14 =	vld.idx.msk [tilespmem:v62+s3+$0x0], $0xffff  }
0xa90: {  	v36 =	vld [tilespmem:s30+$0x1060]  }
0xa91: {  	v37 =	vld [tilespmem:s30+$0x480]  }
0xa92: {  	v40 =	vld [tilespmem:s30+$0x4A0]  }
0xa93: {  	v19 =	vld.idx.msk [tilespmem:v38+s3+$0x0], $0xffff  }
0xa94: {  	v41 =	vld.idx.msk [tilespmem:v39+s3+$0x0], $0xffff;
	[tilespmem:s30+$0xB010] =	vst v14  }
0xa95: {  	v14 =	vld.idx.msk [tilespmem:v25+s3+$0x0], $0xffff  }
0xa96: {  	v38 =	vld [tilespmem:s30+$0x940]  }
0xa97: {  	v39 =	vld [tilespmem:s30+$0x9C0]  }
0xa98: {  	v43 =	vld [tilespmem:s30+$0x4B0]  }
0xa99: {  	[tilespmem:s30+$0xA580] =	vst v41;
	v16 =	vld.idx.msk [tilespmem:v61+s3+$0x0], $0xffff  }
0xa9a: {  	v41 =	vld [tilespmem:s30+$0x950];
	[tilespmem:s30+$0xB020] =	vst v14  }
0xa9b: {  	v14 =	vld.idx.msk [tilespmem:v28+s3+$0x0], $0xffff  }
0xa9c: {  	v44 =	vld [tilespmem:s30+$0x5A0]  }
0xa9d: {  	v45 =	vld [tilespmem:s30+$0x4C0]  }
0xa9e: {  	v46 =	vld [tilespmem:s30+$0x530];
	[tilespmem:s30+$0xAF30] =	vst v16  }
0xa9f: {  	v16 =	vld.idx.msk [tilespmem:v24+s3+$0x0], $0xffff  }
0xaa0: {  	v15 =	vld.idx.msk [tilespmem:v22+s3+$0x0], $0xffff;
	[tilespmem:s30+$0xB030] =	vst v14  }
0xaa1: {  	v20 =	vld.idx.msk [tilespmem:v31+s3+$0x0], $0xffff  }
0xaa2: {  	v24 =	vld [tilespmem:s30+$0x510]  }
0xaa3: {  	v25 =	vld [tilespmem:s30+$0x590]  }
0xaa4: {  	v47 =	vld [tilespmem:s30+$0x5B0]  }
0xaa5: {  	v49 =	vld [tilespmem:s30+$0x4D0];
	[tilespmem:s30+$0xAFA0] =	vst v15  }
0xaa6: {  	[tilespmem:s30+$0xB040] =	vst v20;
	v20 =	vld.idx.msk [tilespmem:v37+s3+$0x0], $0xffff  }
0xaa7: {  	v15 =	vld.idx.msk [tilespmem:v26+s3+$0x0], $0xffff  }
0xaa8: {  	v26 =	vld [tilespmem:s30+$0x520]  }
0xaa9: {  	[tilespmem:s30+$0xA500] =	vst v19;
	v50 =	vld [tilespmem:s30+$0x540]  }
0xaaa: {  	v24 =	vld.idx.msk [tilespmem:v24+s3+$0x0], $0xffff  }
0xaab: {  	[tilespmem:s30+$0xA480] =	vst v20;
	v20 =	vld.idx.msk [tilespmem:v25+s3+$0x0], $0xffff  }
0xaac: {  	v42 =	vld.idx.msk [tilespmem:v23+s3+$0x0], $0xffff  }
0xaad: {  	v51 =	vld [tilespmem:s30+$0x5C0]  }
0xaae: {  	v52 =	vld [tilespmem:s30+$0x4E0]  }
0xaaf: {  	v53 =	vld [tilespmem:s30+$0x550];
	[tilespmem:s30+$0xA510] =	vst v24  }
0xab0: {  	v26 =	vld.idx.msk [tilespmem:v26+s3+$0x0], $0xffff;
	[tilespmem:s30+$0xA590] =	vst v20  }
0xab1: {  	[tilespmem:s30+$0xA490] =	vst v42;
	v19 =	vld.idx.msk [tilespmem:v44+s3+$0x0], $0xffff  }
0xab2: {  	v21 =	vld.idx.msk [tilespmem:v40+s3+$0x0], $0xffff  }
0xab3: {  	v54 =	vld [tilespmem:s30+$0x5D0]  }
0xab4: {  	v55 =	vld [tilespmem:s30+$0x4F0]  }
0xab5: {  	v56 =	vld [tilespmem:s30+$0x560];
	[tilespmem:s30+$0xA520] =	vst v26  }
0xab6: {  	v25 =	vld.idx.msk [tilespmem:v46+s3+$0x0], $0xffff;
	[tilespmem:s30+$0xA5A0] =	vst v19  }
0xab7: {  	[tilespmem:s30+$0xA4A0] =	vst v21;
	v19 =	vld.idx.msk [tilespmem:v47+s3+$0x0], $0xffff  }
0xab8: {  	v48 =	vld.idx.msk [tilespmem:v43+s3+$0x0], $0xffff  }
0xab9: {  	v57 =	vld [tilespmem:s30+$0x5E0]  }
0xaba: {  	v59 =	vld [tilespmem:s30+$0x570]  }
0xabb: {  	v61 =	vld [tilespmem:s30+$0x890];
	[tilespmem:s30+$0xA530] =	vst v25  }
0xabc: {  	v23 =	vld.idx.msk [tilespmem:v50+s3+$0x0], $0xffff;
	[tilespmem:s30+$0xA5B0] =	vst v19  }
0xabd: {  	[tilespmem:s30+$0xA4B0] =	vst v48;
	v19 =	vld.idx.msk [tilespmem:v51+s3+$0x0], $0xffff  }
0xabe: {  	v20 =	vld.idx.msk [tilespmem:v45+s3+$0x0], $0xffff  }
0xabf: {  	v60 =	vld [tilespmem:s30+$0x5F0];
	[tilespmem:s30+$0xAF40] =	vst v16  }
0xac0: {  	v16 =	vld.idx.msk [tilespmem:v27+s3+$0x0], $0xffff  }
0xac1: {  	v62 =	vld [tilespmem:s30+$0x900];
	[tilespmem:s30+$0xA540] =	vst v23  }
0xac2: {  	v24 =	vld.idx.msk [tilespmem:v53+s3+$0x0], $0xffff;
	[tilespmem:s30+$0xA5C0] =	vst v19  }
0xac3: {  	[tilespmem:s30+$0xA4C0] =	vst v20;
	v19 =	vld.idx.msk [tilespmem:v54+s3+$0x0], $0xffff  }
0xac4: {  	v20 =	vld.idx.msk [tilespmem:v49+s3+$0x0], $0xffff  }
0xac5: {  	[tilespmem:s30+$0xAF50] =	vst v16;
	v16 =	vld [tilespmem:s30+$0xFF0]  }
0xac6: {  	[tilespmem:s30+$0xAFB0] =	vst v15;
	v28 =	vld [tilespmem:s30+$0x8A0]  }
0xac7: {  	v15 =	vld.idx.msk [tilespmem:v29+s3+$0x0], $0xffff;
	[tilespmem:s30+$0xA550] =	vst v24  }
0xac8: {  	v26 =	vld.idx.msk [tilespmem:v56+s3+$0x0], $0xffff;
	[tilespmem:s30+$0xA5D0] =	vst v19  }
0xac9: {  	[tilespmem:s30+$0xA4D0] =	vst v20;
	v19 =	vld.idx.msk [tilespmem:v57+s3+$0x0], $0xffff  }
0xaca: {  	v20 =	vld.idx.msk [tilespmem:v52+s3+$0x0], $0xffff  }
0xacb: {  	v29 =	vld [tilespmem:s30+$0x910]  }
0xacc: {  	v14 =	vld [tilespmem:s30+$0xF70];
	[tilespmem:s30+$0xAFC0] =	vst v15  }
0xacd: {  	v15 =	vld.idx.msk [tilespmem:v30+s3+$0x0], $0xffff;
	[tilespmem:s30+$0xA560] =	vst v26  }
0xace: {  	v25 =	vld.idx.msk [tilespmem:v59+s3+$0x0], $0xffff;
	[tilespmem:s30+$0xA5E0] =	vst v19  }
0xacf: {  	[tilespmem:s30+$0xA4E0] =	vst v20;
	v19 =	vld.idx.msk [tilespmem:v60+s3+$0x0], $0xffff  }
0xad0: {  	v20 =	vld.idx.msk [tilespmem:v55+s3+$0x0], $0xffff  }
0xad1: {  	v30 =	vld [tilespmem:s30+$0x990]  }
0xad2: {  	v31 =	vld [tilespmem:s30+$0x8B0]  }
0xad3: {  	v35 =	vld.idx.msk [tilespmem:v32+s3+$0x0], $0xffff;
	[tilespmem:s30+$0xA570] =	vst v25  }
0xad4: {  	v23 =	vld.idx.msk [tilespmem:v62+s3+$0x0], $0xffff;
	[tilespmem:s30+$0xA5F0] =	vst v19  }
0xad5: {  	[tilespmem:s30+$0xA4F0] =	vst v20;
	v19 =	vld.idx.msk [tilespmem:v63+s3+$0x0], $0xffff  }
0xad6: {  	v20 =	vld.idx.msk [tilespmem:v58+s3+$0x0], $0xffff  }
0xad7: {  	v32 =	vld [tilespmem:s30+$0x920]  }
0xad8: {  	v18 =	vld.idx.msk [tilespmem:v33+s3+$0x0], $0xffff  }
0xad9: {  	v33 =	vld [tilespmem:s30+$0x9A0];
	[tilespmem:s30+$0xA900] =	vst v23  }
0xada: {  	v24 =	vld.idx.msk [tilespmem:v29+s3+$0x0], $0xffff;
	[tilespmem:s30+$0xA980] =	vst v19  }
0xadb: {  	[tilespmem:s30+$0xA880] =	vst v20;
	v19 =	vld.idx.msk [tilespmem:v30+s3+$0x0], $0xffff  }
0xadc: {  	[tilespmem:s30+$0xAFD0] =	vst v35;
	v20 =	vld.idx.msk [tilespmem:v61+s3+$0x0], $0xffff  }
0xadd: {  	v35 =	vld [tilespmem:s30+$0x930];
	[tilespmem:s30+$0xB050] =	vst v18  }
0xade: {  	v18 =	vld.idx.msk [tilespmem:v36+s3+$0x0], $0xffff  }
0xadf: {  	v36 =	vld [tilespmem:s30+$0x9B0];
	[tilespmem:s30+$0xA910] =	vst v24  }
0xae0: {  	v26 =	vld.idx.msk [tilespmem:v32+s3+$0x0], $0xffff;
	[tilespmem:s30+$0xA990] =	vst v19  }
0xae1: {  	[tilespmem:s30+$0xA890] =	vst v20;
	v19 =	vld.idx.msk [tilespmem:v33+s3+$0x0], $0xffff  }
0xae2: {  	v20 =	vld.idx.msk [tilespmem:v28+s3+$0x0], $0xffff  }
0xae3: {  	v37 =	vld [tilespmem:s30+$0x8D0]  }
0xae4: {  	v17 =	vld.idx.msk [tilespmem:v34+s3+$0x0], $0xffff  }
0xae5: {  	v34 =	vld [tilespmem:s30+$0x8C0];
	[tilespmem:s30+$0xA920] =	vst v26  }
0xae6: {  	v25 =	vld.idx.msk [tilespmem:v35+s3+$0x0], $0xffff;
	[tilespmem:s30+$0xA9A0] =	vst v19  }
0xae7: {  	[tilespmem:s30+$0xA8A0] =	vst v20;
	v19 =	vld.idx.msk [tilespmem:v36+s3+$0x0], $0xffff  }
0xae8: {  	[tilespmem:s30+$0xAF60] =	vst v15;
	v20 =	vld.idx.msk [tilespmem:v31+s3+$0x0], $0xffff  }
0xae9: {  	v14 =	vld.idx.msk [tilespmem:v14+s3+$0x0], $0xffff  }
0xaea: {  	v46 =	vld [tilespmem:s30+$0xC80]  }
0xaeb: {  	v42 =	vld [tilespmem:s30+$0x9D0];
	[tilespmem:s30+$0xA930] =	vst v25  }
0xaec: {  	v23 =	vld.idx.msk [tilespmem:v38+s3+$0x0], $0xffff;
	[tilespmem:s30+$0xA9B0] =	vst v19  }
0xaed: {  	[tilespmem:s30+$0xA8B0] =	vst v20;
	v19 =	vld.idx.msk [tilespmem:v39+s3+$0x0], $0xffff  }
0xaee: {  	v20 =	vld.idx.msk [tilespmem:v34+s3+$0x0], $0xffff  }
0xaef: {  	v44 =	vld [tilespmem:s30+$0x960]  }
0xaf0: {  	v40 =	vld [tilespmem:s30+$0x8E0]  }
0xaf1: {  	v45 =	vld [tilespmem:s30+$0x9E0];
	[tilespmem:s30+$0xA940] =	vst v23  }
0xaf2: {  	v24 =	vld.idx.msk [tilespmem:v41+s3+$0x0], $0xffff;
	[tilespmem:s30+$0xA9C0] =	vst v19  }
0xaf3: {  	[tilespmem:s30+$0xA8C0] =	vst v20;
	v19 =	vld.idx.msk [tilespmem:v42+s3+$0x0], $0xffff  }
0xaf4: {  	v20 =	vld.idx.msk [tilespmem:v37+s3+$0x0], $0xffff  }
0xaf5: {  	v47 =	vld [tilespmem:s30+$0x970]  }
0xaf6: {  	v43 =	vld [tilespmem:s30+$0x8F0]  }
0xaf7: {  	v48 =	vld [tilespmem:s30+$0x9F0];
	[tilespmem:s30+$0xA950] =	vst v24  }
0xaf8: {  	v26 =	vld.idx.msk [tilespmem:v44+s3+$0x0], $0xffff;
	[tilespmem:s30+$0xA9D0] =	vst v19  }
0xaf9: {  	[tilespmem:s30+$0xA8D0] =	vst v20;
	v19 =	vld.idx.msk [tilespmem:v45+s3+$0x0], $0xffff  }
0xafa: {  	v20 =	vld.idx.msk [tilespmem:v40+s3+$0x0], $0xffff  }
0xafb: {  	v50 =	vld [tilespmem:s30+$0xD00]  }
0xafc: {  	v53 =	vld [tilespmem:s30+$0xD10]  }
0xafd: {  	v51 =	vld [tilespmem:s30+$0xD80];
	[tilespmem:s30+$0xA960] =	vst v26  }
0xafe: {  	v25 =	vld.idx.msk [tilespmem:v47+s3+$0x0], $0xffff;
	[tilespmem:s30+$0xA9E0] =	vst v19  }
0xaff: {  	[tilespmem:s30+$0xA8E0] =	vst v20;
	v19 =	vld.idx.msk [tilespmem:v48+s3+$0x0], $0xffff  }
0xb00: {  	v20 =	vld.idx.msk [tilespmem:v43+s3+$0x0], $0xffff  }
0xb01: {  	v56 =	vld [tilespmem:s30+$0xD20]  }
0xb02: {  	v54 =	vld [tilespmem:s30+$0xD90]  }
0xb03: {  	v49 =	vld [tilespmem:s30+$0xC90];
	[tilespmem:s30+$0xA970] =	vst v25  }
0xb04: {  	v23 =	vld.idx.msk [tilespmem:v50+s3+$0x0], $0xffff;
	[tilespmem:s30+$0xA9F0] =	vst v19  }
0xb05: {  	[tilespmem:s30+$0xA8F0] =	vst v20;
	v19 =	vld.idx.msk [tilespmem:v51+s3+$0x0], $0xffff  }
0xb06: {  	v20 =	vld.idx.msk [tilespmem:v46+s3+$0x0], $0xffff  }
0xb07: {  	v59 =	vld [tilespmem:s30+$0xD30]  }
0xb08: {  	v57 =	vld [tilespmem:s30+$0xDA0]  }
0xb09: {  	v52 =	vld [tilespmem:s30+$0xCA0];
	[tilespmem:s30+$0xAD00] =	vst v23  }
0xb0a: {  	v24 =	vld.idx.msk [tilespmem:v53+s3+$0x0], $0xffff;
	[tilespmem:s30+$0xAD80] =	vst v19  }
0xb0b: {  	[tilespmem:s30+$0xAC80] =	vst v20;
	v19 =	vld.idx.msk [tilespmem:v54+s3+$0x0], $0xffff  }
0xb0c: {  	v20 =	vld.idx.msk [tilespmem:v49+s3+$0x0], $0xffff  }
0xb0d: {  	v62 =	vld [tilespmem:s30+$0xD40]  }
0xb0e: {  	v60 =	vld [tilespmem:s30+$0xDB0]  }
0xb0f: {  	v55 =	vld [tilespmem:s30+$0xCB0];
	[tilespmem:s30+$0xAD10] =	vst v24  }
0xb10: {  	v26 =	vld.idx.msk [tilespmem:v56+s3+$0x0], $0xffff;
	[tilespmem:s30+$0xAD90] =	vst v19  }
0xb11: {  	[tilespmem:s30+$0xAC90] =	vst v20;
	v19 =	vld.idx.msk [tilespmem:v57+s3+$0x0], $0xffff  }
0xb12: {  	v20 =	vld.idx.msk [tilespmem:v52+s3+$0x0], $0xffff  }
0xb13: {  	v29 =	vld [tilespmem:s30+$0xD50]  }
0xb14: {  	v63 =	vld [tilespmem:s30+$0xDC0]  }
0xb15: {  	v58 =	vld [tilespmem:s30+$0xCC0];
	[tilespmem:s30+$0xAD20] =	vst v26  }
0xb16: {  	v25 =	vld.idx.msk [tilespmem:v59+s3+$0x0], $0xffff;
	[tilespmem:s30+$0xADA0] =	vst v19  }
0xb17: {  	[tilespmem:s30+$0xACA0] =	vst v20;
	v19 =	vld.idx.msk [tilespmem:v60+s3+$0x0], $0xffff  }
0xb18: {  	v20 =	vld.idx.msk [tilespmem:v55+s3+$0x0], $0xffff  }
0xb19: {  	v32 =	vld [tilespmem:s30+$0xD60]  }
0xb1a: {  	v30 =	vld [tilespmem:s30+$0xDD0]  }
0xb1b: {  	v61 =	vld [tilespmem:s30+$0xCD0];
	[tilespmem:s30+$0xAD30] =	vst v25  }
0xb1c: {  	v23 =	vld.idx.msk [tilespmem:v62+s3+$0x0], $0xffff;
	[tilespmem:s30+$0xADB0] =	vst v19  }
0xb1d: {  	[tilespmem:s30+$0xACB0] =	vst v20;
	v19 =	vld.idx.msk [tilespmem:v63+s3+$0x0], $0xffff  }
0xb1e: {  	v20 =	vld.idx.msk [tilespmem:v58+s3+$0x0], $0xffff  }
0xb1f: {  	v35 =	vld [tilespmem:s30+$0xD70]  }
0xb20: {  	v33 =	vld [tilespmem:s30+$0xDE0]  }
0xb21: {  	v28 =	vld [tilespmem:s30+$0xCE0];
	[tilespmem:s30+$0xAD40] =	vst v23  }
0xb22: {  	v24 =	vld.idx.msk [tilespmem:v29+s3+$0x0], $0xffff;
	[tilespmem:s30+$0xADC0] =	vst v19  }
0xb23: {  	[tilespmem:s30+$0xACC0] =	vst v20;
	v19 =	vld.idx.msk [tilespmem:v30+s3+$0x0], $0xffff  }
0xb24: {  	v20 =	vld.idx.msk [tilespmem:v61+s3+$0x0], $0xffff  }
0xb25: {  	v38 =	vld [tilespmem:s30+$0x1100]  }
0xb26: {  	v36 =	vld [tilespmem:s30+$0xDF0]  }
0xb27: {  	v31 =	vld [tilespmem:s30+$0xCF0];
	[tilespmem:s30+$0xAD50] =	vst v24  }
0xb28: {  	v26 =	vld.idx.msk [tilespmem:v32+s3+$0x0], $0xffff;
	[tilespmem:s30+$0xADD0] =	vst v19  }
0xb29: {  	[tilespmem:s30+$0xACD0] =	vst v20;
	v19 =	vld.idx.msk [tilespmem:v33+s3+$0x0], $0xffff  }
0xb2a: {  	v20 =	vld.idx.msk [tilespmem:v28+s3+$0x0], $0xffff  }
0xb2b: {  	v41 =	vld [tilespmem:s30+$0x1110]  }
0xb2c: {  	v39 =	vld [tilespmem:s30+$0x1180]  }
0xb2d: {  	v34 =	vld [tilespmem:s30+$0x1080];
	[tilespmem:s30+$0xAD60] =	vst v26  }
0xb2e: {  	v25 =	vld.idx.msk [tilespmem:v35+s3+$0x0], $0xffff;
	[tilespmem:s30+$0xADE0] =	vst v19  }
0xb2f: {  	[tilespmem:s30+$0xACE0] =	vst v20;
	v19 =	vld.idx.msk [tilespmem:v36+s3+$0x0], $0xffff  }
0xb30: {  	v20 =	vld.idx.msk [tilespmem:v31+s3+$0x0], $0xffff  }
0xb31: {  	v44 =	vld [tilespmem:s30+$0x1120]  }
0xb32: {  	v42 =	vld [tilespmem:s30+$0x1190]  }
0xb33: {  	v37 =	vld [tilespmem:s30+$0x1090];
	[tilespmem:s30+$0xAD70] =	vst v25  }
0xb34: {  	v23 =	vld.idx.msk [tilespmem:v38+s3+$0x0], $0xffff;
	[tilespmem:s30+$0xADF0] =	vst v19  }
0xb35: {  	[tilespmem:s30+$0xACF0] =	vst v20;
	v19 =	vld.idx.msk [tilespmem:v39+s3+$0x0], $0xffff  }
0xb36: {  	v20 =	vld.idx.msk [tilespmem:v34+s3+$0x0], $0xffff  }
0xb37: {  	v47 =	vld [tilespmem:s30+$0x1130]  }
0xb38: {  	v45 =	vld [tilespmem:s30+$0x11A0]  }
0xb39: {  	v40 =	vld [tilespmem:s30+$0x10A0];
	[tilespmem:s30+$0xB100] =	vst v23  }
0xb3a: {  	v24 =	vld.idx.msk [tilespmem:v41+s3+$0x0], $0xffff;
	[tilespmem:s30+$0xB180] =	vst v19  }
0xb3b: {  	[tilespmem:s30+$0xB080] =	vst v20;
	v19 =	vld.idx.msk [tilespmem:v42+s3+$0x0], $0xffff  }
0xb3c: {  	v20 =	vld.idx.msk [tilespmem:v37+s3+$0x0], $0xffff  }
0xb3d: {  	v50 =	vld [tilespmem:s30+$0x1140]  }
0xb3e: {  	v48 =	vld [tilespmem:s30+$0x11B0]  }
0xb3f: {  	v43 =	vld [tilespmem:s30+$0x10B0];
	[tilespmem:s30+$0xB110] =	vst v24  }
0xb40: {  	v26 =	vld.idx.msk [tilespmem:v44+s3+$0x0], $0xffff;
	[tilespmem:s30+$0xB190] =	vst v19  }
0xb41: {  	[tilespmem:s30+$0xB090] =	vst v20;
	v19 =	vld.idx.msk [tilespmem:v45+s3+$0x0], $0xffff  }
0xb42: {  	v20 =	vld.idx.msk [tilespmem:v40+s3+$0x0], $0xffff  }
0xb43: {  	v53 =	vld [tilespmem:s30+$0x1150]  }
0xb44: {  	v51 =	vld [tilespmem:s30+$0x11C0]  }
0xb45: {  	v46 =	vld [tilespmem:s30+$0x10C0];
	[tilespmem:s30+$0xB120] =	vst v26  }
0xb46: {  	v25 =	vld.idx.msk [tilespmem:v47+s3+$0x0], $0xffff;
	[tilespmem:s30+$0xB1A0] =	vst v19  }
0xb47: {  	[tilespmem:s30+$0xB0A0] =	vst v20;
	v19 =	vld.idx.msk [tilespmem:v48+s3+$0x0], $0xffff  }
0xb48: {  	v20 =	vld.idx.msk [tilespmem:v43+s3+$0x0], $0xffff  }
0xb49: {  	v56 =	vld [tilespmem:s30+$0x1160]  }
0xb4a: {  	v54 =	vld [tilespmem:s30+$0x11D0]  }
0xb4b: {  	v49 =	vld [tilespmem:s30+$0x10D0];
	[tilespmem:s30+$0xB130] =	vst v25  }
0xb4c: {  	v23 =	vld.idx.msk [tilespmem:v50+s3+$0x0], $0xffff;
	[tilespmem:s30+$0xB1B0] =	vst v19  }
0xb4d: {  	[tilespmem:s30+$0xB0B0] =	vst v20;
	v19 =	vld.idx.msk [tilespmem:v51+s3+$0x0], $0xffff  }
0xb4e: {  	v20 =	vld.idx.msk [tilespmem:v46+s3+$0x0], $0xffff  }
0xb4f: {  	v59 =	vld [tilespmem:s30+$0x1170]  }
0xb50: {  	v57 =	vld [tilespmem:s30+$0x11E0]  }
0xb51: {  	v52 =	vld [tilespmem:s30+$0x10E0];
	[tilespmem:s30+$0xB140] =	vst v23  }
0xb52: {  	v24 =	vld.idx.msk [tilespmem:v53+s3+$0x0], $0xffff;
	[tilespmem:s30+$0xB1C0] =	vst v19  }
0xb53: {  	[tilespmem:s30+$0xB0C0] =	vst v20;
	v19 =	vld.idx.msk [tilespmem:v54+s3+$0x0], $0xffff  }
0xb54: {  	v20 =	vld.idx.msk [tilespmem:v49+s3+$0x0], $0xffff  }
0xb55: {  	v55 =	vld [tilespmem:s30+$0x1070]  }
0xb56: {  	v60 =	vld [tilespmem:s30+$0x11F0]  }
0xb57: {  	v58 =	vld [tilespmem:s30+$0x10F0];
	[tilespmem:s30+$0xB150] =	vst v24  }
0xb58: {  	v61 =	vld.idx.msk [tilespmem:v56+s3+$0x0], $0xffff;
	[tilespmem:s30+$0xB1D0] =	vst v19  }
0xb59: {  	[tilespmem:s30+$0xB0D0] =	vst v20;
	v15 =	vld.idx.msk [tilespmem:v57+s3+$0x0], $0xffff  }
0xb5a: {  	[tilespmem:s30+$0xAFE0] =	vst v17;
	v20 =	vld.idx.msk [tilespmem:v52+s3+$0x0], $0xffff  }
0xb5b: {  	[tilespmem:s30+$0xAF70] =	vst v14  }
0xb5c: {  	v16 =	vld.idx.msk [tilespmem:v16+s3+$0x0], $0xffff;
	[tilespmem:s30+$0xB060] =	vst v18  }
0xb5d: {  	v62 =	vld.idx.msk [tilespmem:v55+s3+$0x0], $0xffff;
	[tilespmem:s30+$0xB160] =	vst v61  }
0xb5e: {  	[tilespmem:s30+$0xB1E0] =	vst v15;
	v15 =	vld.idx.msk [tilespmem:v59+s3+$0x0], $0xffff  }
0xb5f: {  	[tilespmem:s30+$0xB0E0] =	vst v20;
	v14 =	vld.idx.msk [tilespmem:v60+s3+$0x0], $0xffff  }
0xb60: {  	p0 =	slt.u32 s29, $0x20;
	v63 =	vld.idx.msk [tilespmem:v58+s3+$0x0], $0xffff  }
.Ltmp4:
0xb61: {  	[tilespmem:s30+$0xAFF0] =	vst v16;
	(pc) =	sbr.rel @p0 .LBB2_10-.Ltmp4, $4  }
0xb62: {  	[tilespmem:s30+$0xB070] =	vst v62  }
0xb63: {  	[tilespmem:s30+$0xB170] =	vst v15  }
0xb64: {  	[tilespmem:s30+$0xB1F0] =	vst v14  }
0xb65: {  	s29 =	sadd.s32 $0x8, s29;
	[tilespmem:s30+$0xB0F0] =	vst v63  }
0xb66: {  	s29 =	simm.s32 $0xA200  }
0xb67: {  	[hbm4b:s13+s22] =	stream.strided.scatter [tilespmem:s29], [sflag:$0x2], $0x400, s23, s22, $0x38;
	[tilespmem:$0x14200] =	vst v63  }
0xb68: {  	s31 =	sadd.s32 $0x10, s13;
	s30 =	simm.s32 $0xA600  }
0xb69: {  	[hbm4b:s31+s22] =	stream.strided.scatter [tilespmem:s30], [sflag:$0x2], $0x400, s23, s22, $0x38;
	[tilespmem:$0x14200] =	vst v63  }
0xb6a: {  	s29 =	sadd.s32 $0x20, s13;
	s31 =	simm.s32 $0xAA00  }
0xb6b: {  	[hbm4b:s29+s22] =	stream.strided.scatter [tilespmem:s31], [sflag:$0x2], $0x400, s23, s22, $0x38;
	[tilespmem:$0x14200] =	vst v63  }
0xb6c: {  	s29 =	sadd.s32 $0x30, s13;
	s31 =	simm.s32 $0xAE00  }
0xb6d: {  	[hbm4b:s29+s22] =	stream.strided.scatter [tilespmem:s31], [sflag:$0x2], $0x400, s23, s22, $0x38;
	[tilespmem:$0x14200] =	vst v63  }
0xb6e: {  	s29 =	sadd.s32 $0x4000, s13;
	s31 =	simm.s32 $0xB200  }
0xb6f: {  	[hbm4b:s29+s22] =	stream.strided.scatter [tilespmem:s31], [sflag:$0x2], $0x400, s23, s22, $0x38;
	[tilespmem:$0x14200] =	vst v63  }
0xb70: {  	s29 =	sadd.s32 $0x4010, s13;
	s31 =	simm.s32 $0xB600  }
0xb71: {  	[hbm4b:s29+s22] =	stream.strided.scatter [tilespmem:s31], [sflag:$0x2], $0x400, s23, s22, $0x38;
	[tilespmem:$0x14200] =	vst v63  }
0xb72: {  	s31 =	sadd.s32 $0x4020, s13  }
0xb73: {  	[hbm4b:s31+s22] =	stream.strided.scatter [tilespmem:s0], [sflag:$0x2], $0x400, s23, s22, $0x38;
	[tilespmem:$0x14200] =	vst v63  }
0xb74: {  	s30 =	sadd.s32 $0x4030, s13  }
0xb75: {  	[hbm4b:s30+s22] =	stream.strided.scatter [tilespmem:s2], [sflag:$0x2], $0x400, s23, s22, $0x38;
	[tilespmem:$0x14200] =	vst v63  }
0xb76: {  	s31 =	sadd.s32 $0x8000, s13  }
0xb77: {  	[hbm4b:s31+s22] =	stream.strided.scatter [tilespmem:s1], [sflag:$0x2], $0x400, s23, s22, $0x38;
	[tilespmem:$0x14200] =	vst v63  }
0xb78: {  	s30 =	sadd.s32 $0x8010, s13  }
0xb79: {  	[hbm4b:s30+s22] =	stream.strided.scatter [tilespmem:s20], [sflag:$0x2], $0x400, s23, s22, $0x38;
	[tilespmem:$0x14200] =	vst v63  }
0xb7a: {  	s31 =	sadd.s32 $0x8020, s13  }
0xb7b: {  	[hbm4b:s31+s22] =	stream.strided.scatter [tilespmem:s5], [sflag:$0x2], $0x400, s23, s22, $0x38;
	[tilespmem:$0x14200] =	vst v63  }
0xb7c: {  	s30 =	sadd.s32 $0x8030, s13  }
0xb7d: {  	[hbm4b:s30+s22] =	stream.strided.scatter [tilespmem:s7], [sflag:$0x2], $0x400, s23, s22, $0x38;
	[tilespmem:$0x14200] =	vst v63  }
0xb7e: {  	s31 =	sadd.s32 $0xC000, s13  }
0xb7f: {  	[hbm4b:s31+s22] =	stream.strided.scatter [tilespmem:s9], [sflag:$0x2], $0x400, s23, s22, $0x38;
	[tilespmem:$0x14200] =	vst v63  }
0xb80: {  	s30 =	sadd.s32 $0xC010, s13  }
0xb81: {  	[hbm4b:s30+s22] =	stream.strided.scatter [tilespmem:s11], [sflag:$0x2], $0x400, s23, s22, $0x38;
	[tilespmem:$0x14200] =	vst v63  }
0xb82: {  	s31 =	sadd.s32 $0xC020, s13  }
0xb83: {  	[hbm4b:s31+s22] =	stream.strided.scatter [tilespmem:s14], [sflag:$0x2], $0x400, s23, s22, $0x38;
	[tilespmem:$0x14200] =	vst v63  }
0xb84: {  	s30 =	sadd.s32 $0xC030, s13  }
0xb85: {  	[hbm4b:s30+s22] =	stream.strided.scatter [tilespmem:s25], [sflag:$0x2], $0x400, s23, s22, $0x38;
	[tilespmem:$0x14200] =	vst v63  }
0xb86: {  	s29 =	sadd.s32 $0x10000, s13  }
0xb87: {  	[hbm4b:s29+s22] =	stream.strided.scatter [tilespmem:s4], [sflag:$0x2], $0x400, s23, s22, $0x38;
	[tilespmem:$0x14200] =	vst v63  }
0xb88: {  	s31 =	sadd.s32 $0x10, s29  }
0xb89: {  	[hbm4b:s31+s22] =	stream.strided.scatter [tilespmem:s17], [sflag:$0x2], $0x400, s23, s22, $0x38;
	[tilespmem:$0x14200] =	vst v63  }
0xb8a: {  	s31 =	sadd.s32 $0x20, s29  }
0xb8b: {  	[hbm4b:s31+s22] =	stream.strided.scatter [tilespmem:s19], [sflag:$0x2], $0x400, s23, s22, $0x38;
	[tilespmem:$0x14200] =	vst v63  }
0xb8c: {  	s29 =	sadd.s32 $0x30, s29  }
0xb8d: {  	[hbm4b:s29+s22] =	stream.strided.scatter [tilespmem:s24], [sflag:$0x2], $0x400, s23, s22, $0x38;
	[tilespmem:$0x14200] =	vst v63  }
0xb8e: {  	_ =	swait.ge [sflag:s26], $0x5000  }
0xb8f: {  	[sflag:s26] =	ssyncset.done $0x0  }
0xb90: {  	[sflag:s26] =	ssyncadd.s32 $0xFFFFB000  }
0xb91: {  	_ =	swait.ge [sflag:s26], $0x5000  }
0xb92: {  	s28 =	sadd.s32 $0x1, s28;
	s31 =	rddreg [dreg:$0x9]  }
0xb93: {  	p0 =	sne.s32 s28, s31  }
.Ltmp5:
0xb94: {  	_ = 	snop;
	(pc) =	sbr.rel @p0 .LBB2_1-.Ltmp5, $3  }
0xb95: {  	_ =	sdelay $0x1  }
0xb96: {  	[sflag:s26] =	ssyncset.done $0x0  }
0xb97: {  	[sflag:s26] =	ssyncadd.s32 $0xFFFFB000  }
0xb98: {  	_ =	sfence.sel $0x180000  }
0xb99: {  	[bflag:$0x0] =	sbarrier.arrive $0xFFFF  }
0xb9a: {  	_ =	strace $0x90000047  }
0xb9b: {  	s0 =	stileid.u32;
	[bflag:$0x2] =	sbarrier.arrive $0xFFFF  }
0xb9c: {  	p0 =	sne.s32 s0, $0x0;
	s0 =	rddreg [dreg:$0x3]  }
0xb9d: {  	s0 =	sadd.s32 @!p0 $0x100000, s0  }
0xb9e: {  	[sflag:s0] =	ssyncadd.tile.s32 @!p0 $0x1;
	_ =	shalt  }
.Lfunc_end2:
_tile_overlayer_lowered:
.L_overlay_start_2:
0xb9f: {  	(tag) =	ssettag $0x2  }
0xba0: {  	s0 =	rddreg [dreg:$0x0];
	s2 =	stileid.u32  }
0xba1: {  	s1 =	rddreg [dreg:$0x1];
	p0 =	sne.s32 s2, $0x0  }
0xba2: {  	s3 =	rddreg [dreg:$0x2];
	[bflag:$0x3] =	sbarrier.arrive $0xFFFF;
	s2 =	simm.s32 @!p0 $0x1C03  }
0xba3: {  	[timem:s3], [sflag:s2] =	dma.local @!p0 [hbm:s0], s1  }
0xba4: {  	s0 =	simm.s32 @!p0 $0x3  }
0xba5: {  	_ =	swait.ge @!p0 [sflag:s0], s1  }
0xba6: {  	s1 =	ssub.s32 @!p0 $0x0, s1;
	[sflag:s0] =	ssyncset.done @!p0 $0x0  }
0xba7: {  	[sflag:s0] =	ssyncadd.s32 @!p0 s1  }
0xba8: {  	[bflag:$0x3] =	sbarrier.arrive $0xFFFF  }
0xba9: {  	_ =	shalt  }

</sc_bundles>
